<compile_context>
chip_gen: v7x
topology: tpu7x:2x2x1
jax: 0.10.2.dev20260603
libtpu: 0.0.44.dev20260713+nightly
codegen_flags: <defaults>
</compile_context>

<pallas_src>
import functools

import jax
import jax.numpy as jnp
from jax import lax
from jax.experimental import pallas as pl
from jax.experimental.pallas import tpu as pltpu
from jax.experimental.pallas import tpu_sc as plsc

N = 10000
E = 160000
IN_DIM = 128
OUT_DIM = 64

NC = 2
NS = 16
CHUNK = 128
NCHUNKS = E // CHUNK
CPT0 = 40
N_PAD = 10240
ROWS_PER_TILE = N_PAD // NS
STAGE = 320


def _tile_range():
    cid = lax.axis_index("c")
    sid = lax.axis_index("s")
    wid = sid * NC + cid
    nch = (NCHUNKS // 32) + jnp.where(wid >= 30, 1, 0)
    base = (NCHUNKS // 32) * wid + jnp.maximum(wid - 30, 0)
    return cid, sid, base, nch


def _deg_body(edges, zeros_hbm, out_hbm, acc_o, acc_i, stage,
              idx_s, idx_d, ones_v, semi, sem):
    cid, sid, base, nch = _tile_range()
    row0 = sid * ROWS_PER_TILE

    cp_s = pltpu.async_copy(edges.at[0, pl.ds(base, CPT0)], idx_s, semi)
    cp_d = pltpu.async_copy(edges.at[1, pl.ds(base, CPT0)], idx_d, semi)

    for j in range(CHUNK // 16):
        ones_v[pl.ds(j * 16, 16)] = jnp.ones((16,), jnp.float32)

    pltpu.sync_copy(zeros_hbm, stage)
    pltpu.sync_copy(stage, acc_o.at[pl.ds(row0, ROWS_PER_TILE)])
    pltpu.sync_copy(stage, acc_i.at[pl.ds(row0, ROWS_PER_TILE)])
    plsc.subcore_barrier()
    cp_s.wait()
    cp_d.wait()

    def fire(c, carry):
        pltpu.async_copy(ones_v, acc_o.at[idx_s.at[c]], sem, add=True)
        pltpu.async_copy(ones_v, acc_i.at[idx_d.at[c]], sem, add=True)
        return carry

    lax.fori_loop(0, nch, fire, 0)

    def drain(c, carry):
        pltpu.make_async_copy(ones_v, acc_o.at[idx_s.at[c]], sem).wait()
        pltpu.make_async_copy(ones_v, acc_i.at[idx_d.at[c]], sem).wait()
        return carry

    lax.fori_loop(0, nch, drain, 0)
    plsc.subcore_barrier()

    pltpu.sync_copy(acc_o.at[pl.ds(row0, ROWS_PER_TILE)], stage)
    pltpu.sync_copy(stage, out_hbm.at[cid, 0, pl.ds(row0, ROWS_PER_TILE)])
    pltpu.sync_copy(acc_i.at[pl.ds(row0, ROWS_PER_TILE)], stage)
    pltpu.sync_copy(stage, out_hbm.at[cid, 1, pl.ds(row0, ROWS_PER_TILE)])


@functools.cache
def _sc_degrees_kernel():
    return pl.kernel(
        _deg_body,
        out_type=jax.ShapeDtypeStruct((NC, 2, N_PAD), jnp.float32),
        mesh=plsc.VectorSubcoreMesh(core_axis_name="c", subcore_axis_name="s",
                                    num_cores=NC, num_subcores=NS),
        scratch_types=[
            pltpu.VMEM_SHARED((N_PAD,), jnp.float32),
            pltpu.VMEM_SHARED((N_PAD,), jnp.float32),
            pltpu.VMEM((ROWS_PER_TILE,), jnp.float32),
            pltpu.VMEM((CPT0, CHUNK), jnp.int32),
            pltpu.VMEM((CPT0, CHUNK), jnp.int32),
            pltpu.VMEM((CHUNK,), jnp.float32),
            pltpu.SemaphoreType.DMA,
            pltpu.SemaphoreType.DMA,
        ],
        compiler_params=pltpu.CompilerParams(use_tc_tiling_on_sc=False),
    )


def _segsum_body(x_hbm, edges, zeros_hbm, out_hbm, acc, xsp,
                 idx_s, idx_d, rows, semi,
                 semg0, semg1, semg2, semg3, sems0, sems1, sems2, sems3):
    cid, sid, base, nch = _tile_range()
    row0 = sid * ROWS_PER_TILE
    semg = (semg0, semg1, semg2, semg3)
    sems = (sems0, sems1, sems2, sems3)

    cp_s = pltpu.async_copy(edges.at[0, pl.ds(base, CPT0)], idx_s, semi)
    cp_d = pltpu.async_copy(edges.at[1, pl.ds(base, CPT0)], idx_d, semi)

    pltpu.sync_copy(x_hbm.at[pl.ds(row0, ROWS_PER_TILE)],
                    xsp.at[pl.ds(row0, ROWS_PER_TILE)])
    pltpu.sync_copy(zeros_hbm, acc.at[pl.ds(row0, ROWS_PER_TILE)])
    plsc.subcore_barrier()
    cp_s.wait()
    cp_d.wait()

    def gathers(s, j):
        pltpu.async_copy(xsp.at[idx_s.at[s]], rows.at[j], semg[j])

    def wait_gathers(s, j):
        pltpu.make_async_copy(xsp.at[idx_s.at[s]], rows.at[j],
                              semg[j]).wait()

    def scatters(s, j):
        pltpu.async_copy(rows.at[j], acc.at[idx_d.at[s]], sems[j], add=True)

    def wait_scatters(s, j):
        pltpu.make_async_copy(rows.at[j], acc.at[idx_d.at[s]],
                              sems[j]).wait()

    gathers(0, 0)
    gathers(1, 1)

    def step(s, j):
        j2 = (j + 2) % 4
        s2 = s + 2

        @pl.when(s2 < nch)
        def _():
            @pl.when(s >= 2)
            def _():
                wait_scatters(s - 2, j2)
            gathers(s2, j2)

        wait_gathers(s, j)
        scatters(s, j)

    def body(t, carry):
        for j in range(4):
            step(t * 4 + j, j)
        return carry

    lax.fori_loop(0, nch // 4, body, 0)
    tail = (nch // 4) * 4
    for j in range(4):
        @pl.when(tail + j < nch)
        def _():
            step(tail + j, j)
    for j in range(4):
        wait_scatters(0, j)
    plsc.subcore_barrier()

    pltpu.sync_copy(acc.at[pl.ds(row0, ROWS_PER_TILE)],
                    out_hbm.at[cid, pl.ds(row0, ROWS_PER_TILE)])


@functools.cache
def _sc_segsum_kernel():
    return pl.kernel(
        _segsum_body,
        out_type=jax.ShapeDtypeStruct((NC, N_PAD, OUT_DIM), jnp.float32),
        mesh=plsc.VectorSubcoreMesh(core_axis_name="c", subcore_axis_name="s",
                                    num_cores=NC, num_subcores=NS),
        scratch_types=[
            pltpu.VMEM_SHARED((N_PAD, OUT_DIM), jnp.float32),
            pltpu.VMEM_SHARED((N_PAD, OUT_DIM), jnp.float32),
            pltpu.VMEM((CPT0, CHUNK), jnp.int32),
            pltpu.VMEM((CPT0, CHUNK), jnp.int32),
            pltpu.VMEM((4, CHUNK, OUT_DIM), jnp.float32),
            pltpu.SemaphoreType.DMA,
            pltpu.SemaphoreType.DMA,
            pltpu.SemaphoreType.DMA,
            pltpu.SemaphoreType.DMA,
            pltpu.SemaphoreType.DMA,
            pltpu.SemaphoreType.DMA,
            pltpu.SemaphoreType.DMA,
            pltpu.SemaphoreType.DMA,
            pltpu.SemaphoreType.DMA,
        ],
        compiler_params=pltpu.CompilerParams(use_tc_tiling_on_sc=False),
    )


def _norms(d):
    od = d[0, 0] + d[1, 0]
    idg = d[0, 1] + d[1, 1]
    ns = jnp.where(od > 0, lax.rsqrt(jnp.maximum(od, 1.0)), 0.0)
    nd = jnp.where(idg > 0, lax.rsqrt(jnp.maximum(idg, 1.0)), 0.0)
    return ns[:N].reshape(N, 1), nd[:N].reshape(N, 1)


def _mm1_body(h_ref, w1_ref, u_ref):
    u_ref[...] = jnp.dot(h_ref[...], w1_ref[...],
                         preferred_element_type=jnp.float32)


_tc_mm1 = pl.pallas_call(
    _mm1_body,
    out_shape=jax.ShapeDtypeStruct((N, OUT_DIM), jnp.float32),
)


def _scale_body(u_ref, deg_ref, x1_ref):
    ns, _ = _norms(deg_ref[...])
    x1_ref[:N] = u_ref[...] * ns
    x1_ref[N:] = jnp.zeros((N_PAD - N, OUT_DIM), jnp.float32)


_tc_scale = pl.pallas_call(
    _scale_body,
    out_shape=jax.ShapeDtypeStruct((N_PAD, OUT_DIM), jnp.float32),
)


def _z_body(p_ref, deg_ref, b1_ref, z_ref, zn_ref):
    ns, nd = _norms(deg_ref[...])
    p = p_ref[...]
    s = (p[0, :N] + p[1, :N]) * nd + b1_ref[...]
    z = jax.nn.sigmoid(s)
    z_ref[...] = z
    zn_ref[:N] = z * ns
    zn_ref[N:] = jnp.zeros((N_PAD - N, OUT_DIM), jnp.float32)


_tc_z = pl.pallas_call(
    _z_body,
    out_shape=(
        jax.ShapeDtypeStruct((N, OUT_DIM), jnp.float32),
        jax.ShapeDtypeStruct((N_PAD, OUT_DIM), jnp.float32),
    ),
)


def _xhat_body(q_ref, deg_ref, w2_ref, b2_ref, xh_ref):
    _, nd = _norms(deg_ref[...])
    q = q_ref[...]
    a = (q[0, :N] + q[1, :N]) * nd
    s = jnp.dot(a, w2_ref[...], preferred_element_type=jnp.float32) + b2_ref[...]
    xh_ref[...] = jax.nn.sigmoid(s)


_tc_xhat = pl.pallas_call(
    _xhat_body,
    out_shape=jax.ShapeDtypeStruct((N, IN_DIM), jnp.float32),
)


BR = 400
_GR = pl.cdiv(N, BR)


def _struct_body(zr_ref, zc_ref, out_ref):
    s = lax.dot_general(zr_ref[...], zc_ref[...],
                        (((1,), (1,)), ((), ())),
                        preferred_element_type=jnp.float32)
    out_ref[...] = jax.nn.sigmoid(s)


_tc_struct = pl.pallas_call(
    _struct_body,
    grid=(_GR,),
    in_specs=[
        pl.BlockSpec((BR, OUT_DIM), lambda i: (i, 0)),
        pl.BlockSpec((N, OUT_DIM), lambda i: (0, 0)),
    ],
    out_specs=pl.BlockSpec((BR, N), lambda i: (i, 0)),
    out_shape=jax.ShapeDtypeStruct((N, N), jnp.float32),
)


def kernel(h, edge_index, W1, b1, W2, b2):
    edge3 = edge_index.reshape(2, NCHUNKS, CHUNK)
    zeros_1d = jnp.zeros((ROWS_PER_TILE,), jnp.float32)
    zeros_row = jnp.zeros((ROWS_PER_TILE, OUT_DIM), jnp.float32)

    degs = _sc_degrees_kernel()(edge3, zeros_1d)

    u = _tc_mm1(h, W1)
    x1 = _tc_scale(u, degs)
    p = _sc_segsum_kernel()(x1, edge3, zeros_row)
    z, zn = _tc_z(p, degs, b1[None, :])
    q = _sc_segsum_kernel()(zn, edge3, zeros_row)
    x_hat = _tc_xhat(q, degs, W2, b2[None, :])
    struct = _tc_struct(z, z)
    return (struct, x_hat)

# --- scband reference (transcript-rebuilt; emitter-appended) ---
"""Pipeline reference for scband-grl-11802570129905 (READ-ONLY COPY).

The authoritative reference and input builder live on the scoring server;
editing this copy changes nothing except your own understanding.
"""

import jax, jax.numpy as jnp
import numpy as np

N = 10000
E = 160000
IN_DIM = 128
OUT_DIM = 64


def _graph_conv(h, src, dst, W, b, n_nodes):
    # DGL GraphConv with norm='both': D_dst^{-1/2} A D_src^{-1/2} X W + b
    out_deg = jnp.zeros((n_nodes,), jnp.float32).at[src].add(1.0)
    in_deg = jnp.zeros((n_nodes,), jnp.float32).at[dst].add(1.0)
    norm_src = jnp.where(out_deg > 0, 1.0 / jnp.sqrt(jnp.maximum(out_deg, 1.0)), 0.0)
    norm_dst = jnp.where(in_deg > 0, 1.0 / jnp.sqrt(jnp.maximum(in_deg, 1.0)), 0.0)
    m = (h * norm_src[:, None])[src]
    agg = jnp.zeros((n_nodes, h.shape[1]), h.dtype).at[dst].add(m)
    agg = agg * norm_dst[:, None]
    return agg @ W + b


def setup_inputs(seed: int = 0) -> dict:
    key = jax.random.key(seed)
    k1, k2, k3, k4 = jax.random.split(key, 4)
    h = jax.random.normal(k1, (N, IN_DIM), dtype=jnp.float32)
    edge_index = jax.random.randint(k2, (2, E), 0, N, dtype=jnp.int32)
    W1 = jax.random.normal(k3, (IN_DIM, OUT_DIM), dtype=jnp.float32) * (1.0 / np.sqrt(IN_DIM))
    b1 = jnp.zeros((OUT_DIM,), jnp.float32)
    W2 = jax.random.normal(k4, (OUT_DIM, IN_DIM), dtype=jnp.float32) * (1.0 / np.sqrt(OUT_DIM))
    b2 = jnp.zeros((IN_DIM,), jnp.float32)
    return {"h": h, "edge_index": edge_index, "W1": W1, "b1": b1, "W2": W2, "b2": b2}


def reference(h, edge_index, W1, b1, W2, b2):
    src = edge_index[0]
    dst = edge_index[1]
    n = h.shape[0]
    # shared_encoder: single GraphConv(in_dim -> out_dim) with sigmoid activation
    z = jax.nn.sigmoid(_graph_conv(h, src, dst, W1, b1, n))
    # struct_decoder: Reconstruct (z @ z^T) followed by Sigmoid
    struct_reconstructed = jax.nn.sigmoid(z @ z.T)
    # attr_decoder: GraphConv(out_dim -> in_dim) with sigmoid activation
    x_hat = jax.nn.sigmoid(_graph_conv(z, src, dst, W2, b2, n))
    return (struct_reconstructed, x_hat)

if __name__ == "__main__":
    import jax
    _d = setup_inputs()
    print(jax.jit(kernel)(*tuple(_d.values())))

</pallas_src>

<mosaic_0001>
#map = affine_map<(d0, d1) -> (0, 0, 0)>
#map1 = affine_map<(d0, d1) -> (0)>
module attributes {stable_mosaic.version = 14 : i64} {
  func.func @_deg_body(%arg0: i32, %arg1: i32, %arg2: memref<2x1250x128xi32, #tpu.memory_space<hbm>>, %arg3: memref<640xf32, #tpu.memory_space<hbm>>, %arg4: memref<2x2x10240xf32, #tpu.memory_space<hbm>>, %arg5: memref<10240xf32, #tpu.memory_space<vmem_shared>>, %arg6: memref<10240xf32, #tpu.memory_space<vmem_shared>>, %arg7: memref<640xf32, #tpu.memory_space<vmem>>, %arg8: memref<40x128xi32, #tpu.memory_space<vmem>>, %arg9: memref<40x128xi32, #tpu.memory_space<vmem>>, %arg10: memref<128xf32, #tpu.memory_space<vmem>>, %arg11: memref<!tpu.dma_semaphore, #tpu.memory_space<semaphore_mem>>, %arg12: memref<!tpu.dma_semaphore, #tpu.memory_space<semaphore_mem>>) attributes {dimension_semantics = [#tpu.dimension_semantics<core_parallel>, #tpu.dimension_semantics<subcore_parallel>], iteration_bounds = array<i64: 2, 16>, scalar_prefetch = 0 : i64, scratch_operands = 8 : i64, tpu.core_type = #tpu.core_type<sc_vector_subcore>, window_params = [{transform_indices = #map}, {transform_indices = #map1}, {transform_indices = #map}]} {
    %mul3A = arith.constant 2 : i32
    %mul3A_0 = arith.muli %arg1, %mul3A : i32
    %add3A = arith.addi %mul3A_0, %arg0 : i32
    %ge3A = arith.constant 30 : i32
    %ge3A_1 = arith.cmpi sge, %add3A, %ge3A : i32
    %jit3A = arith.constant 1 : i32
    %jit3A_2 = arith.constant 0 : i32
    %select_n3A = arith.select %ge3A_1, %jit3A, %jit3A_2 : i32
    %add3A_3 = arith.constant 39 : i32
    %add3A_4 = arith.addi %add3A_3, %select_n3A : i32
    %mul3A_5 = arith.constant 39 : i32
    %mul3A_6 = arith.muli %mul3A_5, %add3A : i32
    %sub3A = arith.constant 30 : i32
    %sub3A_7 = arith.subi %add3A, %sub3A : i32
    %max3A = arith.constant 0 : i32
    %max3A_8 = arith.maxsi %sub3A_7, %max3A : i32
    %add3A_9 = arith.addi %mul3A_6, %max3A_8 : i32
    %mul3A_10 = arith.constant 640 : i32
    %mul3A_11 = arith.muli %arg1, %mul3A_10 : i32
    %dma_start3A = arith.constant 0 : i32
    %dma_start3A_12 = arith.constant 0 : i32
    %dma_start3A_13 = tpu.memref_slice %arg2[%dma_start3A, %add3A_9, %dma_start3A_12] : memref<2x1250x128xi32, #tpu.memory_space<hbm>> -> memref<1x40x128xi32, #tpu.memory_space<hbm>>
    %dma_start3A_14 = tpu.memref_squeeze %dma_start3A_13 : memref<1x40x128xi32, #tpu.memory_space<hbm>> -> memref<40x128xi32, #tpu.memory_space<hbm>>
    %dma_start3A_15 = arith.constant 0 : i32
    %dma_start3A_16 = tpu.memref_slice %arg2[%dma_start3A, %add3A_9, %dma_start3A_15] : memref<2x1250x128xi32, #tpu.memory_space<hbm>> -> memref<1x40x128xi32, #tpu.memory_space<hbm>>
    %dma_start3A_17 = tpu.memref_squeeze %dma_start3A_16 : memref<1x40x128xi32, #tpu.memory_space<hbm>> -> memref<40x128xi32, #tpu.memory_space<hbm>>
    tpu.enqueue_dma source(%dma_start3A_17 : memref<40x128xi32, #tpu.memory_space<hbm>>) target(%arg8 : memref<40x128xi32, #tpu.memory_space<vmem>>) target_semaphore(%arg11 : memref<!tpu.dma_semaphore, #tpu.memory_space<semaphore_mem>>)
    %dma_start3A_18 = arith.constant 1 : i32
    %dma_start3A_19 = arith.constant 0 : i32
    %dma_start3A_20 = tpu.memref_slice %arg2[%dma_start3A_18, %add3A_9, %dma_start3A_19] : memref<2x1250x128xi32, #tpu.memory_space<hbm>> -> memref<1x40x128xi32, #tpu.memory_space<hbm>>
    %dma_start3A_21 = tpu.memref_squeeze %dma_start3A_20 : memref<1x40x128xi32, #tpu.memory_space<hbm>> -> memref<40x128xi32, #tpu.memory_space<hbm>>
    %dma_start3A_22 = arith.constant 0 : i32
    %dma_start3A_23 = tpu.memref_slice %arg2[%dma_start3A_18, %add3A_9, %dma_start3A_22] : memref<2x1250x128xi32, #tpu.memory_space<hbm>> -> memref<1x40x128xi32, #tpu.memory_space<hbm>>
    %dma_start3A_24 = tpu.memref_squeeze %dma_start3A_23 : memref<1x40x128xi32, #tpu.memory_space<hbm>> -> memref<40x128xi32, #tpu.memory_space<hbm>>
    tpu.enqueue_dma source(%dma_start3A_24 : memref<40x128xi32, #tpu.memory_space<hbm>>) target(%arg9 : memref<40x128xi32, #tpu.memory_space<vmem>>) target_semaphore(%arg11 : memref<!tpu.dma_semaphore, #tpu.memory_space<semaphore_mem>>)
    %broadcast_in_dim3A = arith.constant 1.000000e+00 : f32
    %broadcast_in_dim3A_25 = vector.broadcast %broadcast_in_dim3A : f32 to vector<16xf32>
    %swap3A = arith.constant 0 : index
    %swap3A_26 = tpu.vector_load %arg10[%swap3A] {strides = array<i32>} : memref<128xf32, #tpu.memory_space<vmem>>, vector<16xf32>,
    %swap3A_27 = vector.shape_cast %swap3A_26 : vector<16xf32> to vector<16xf32>
    %swap3A_28 = vector.shape_cast %broadcast_in_dim3A_25 : vector<16xf32> to vector<16xf32>
    tpu.vector_store %arg10[%swap3A], %swap3A_28 {strides = array<i32>} : memref<128xf32, #tpu.memory_space<vmem>>, vector<16xf32>,
    %broadcast_in_dim3A_29 = arith.constant 1.000000e+00 : f32
    %broadcast_in_dim3A_30 = vector.broadcast %broadcast_in_dim3A_29 : f32 to vector<16xf32>
    %swap3A_31 = arith.constant 16 : index
    %swap3A_32 = tpu.vector_load %arg10[%swap3A_31] {strides = array<i32>} : memref<128xf32, #tpu.memory_space<vmem>>, vector<16xf32>,
    %swap3A_33 = vector.shape_cast %swap3A_32 : vector<16xf32> to vector<16xf32>
    %swap3A_34 = vector.shape_cast %broadcast_in_dim3A_30 : vector<16xf32> to vector<16xf32>
    tpu.vector_store %arg10[%swap3A_31], %swap3A_34 {strides = array<i32>} : memref<128xf32, #tpu.memory_space<vmem>>, vector<16xf32>,
    %broadcast_in_dim3A_35 = arith.constant 1.000000e+00 : f32
    %broadcast_in_dim3A_36 = vector.broadcast %broadcast_in_dim3A_35 : f32 to vector<16xf32>
    %swap3A_37 = arith.constant 32 : index
    %swap3A_38 = tpu.vector_load %arg10[%swap3A_37] {strides = array<i32>} : memref<128xf32, #tpu.memory_space<vmem>>, vector<16xf32>,
    %swap3A_39 = vector.shape_cast %swap3A_38 : vector<16xf32> to vector<16xf32>
    %swap3A_40 = vector.shape_cast %broadcast_in_dim3A_36 : vector<16xf32> to vector<16xf32>
    tpu.vector_store %arg10[%swap3A_37], %swap3A_40 {strides = array<i32>} : memref<128xf32, #tpu.memory_space<vmem>>, vector<16xf32>,
    %broadcast_in_dim3A_41 = arith.constant 1.000000e+00 : f32
    %broadcast_in_dim3A_42 = vector.broadcast %broadcast_in_dim3A_41 : f32 to vector<16xf32>
    %swap3A_43 = arith.constant 48 : index
    %swap3A_44 = tpu.vector_load %arg10[%swap3A_43] {strides = array<i32>} : memref<128xf32, #tpu.memory_space<vmem>>, vector<16xf32>,
    %swap3A_45 = vector.shape_cast %swap3A_44 : vector<16xf32> to vector<16xf32>
    %swap3A_46 = vector.shape_cast %broadcast_in_dim3A_42 : vector<16xf32> to vector<16xf32>
    tpu.vector_store %arg10[%swap3A_43], %swap3A_46 {strides = array<i32>} : memref<128xf32, #tpu.memory_space<vmem>>, vector<16xf32>,
    %broadcast_in_dim3A_47 = arith.constant 1.000000e+00 : f32
    %broadcast_in_dim3A_48 = vector.broadcast %broadcast_in_dim3A_47 : f32 to vector<16xf32>
    %swap3A_49 = arith.constant 64 : index
    %swap3A_50 = tpu.vector_load %arg10[%swap3A_49] {strides = array<i32>} : memref<128xf32, #tpu.memory_space<vmem>>, vector<16xf32>,
    %swap3A_51 = vector.shape_cast %swap3A_50 : vector<16xf32> to vector<16xf32>
    %swap3A_52 = vector.shape_cast %broadcast_in_dim3A_48 : vector<16xf32> to vector<16xf32>
    tpu.vector_store %arg10[%swap3A_49], %swap3A_52 {strides = array<i32>} : memref<128xf32, #tpu.memory_space<vmem>>, vector<16xf32>,
    %broadcast_in_dim3A_53 = arith.constant 1.000000e+00 : f32
    %broadcast_in_dim3A_54 = vector.broadcast %broadcast_in_dim3A_53 : f32 to vector<16xf32>
    %swap3A_55 = arith.constant 80 : index
    %swap3A_56 = tpu.vector_load %arg10[%swap3A_55] {strides = array<i32>} : memref<128xf32, #tpu.memory_space<vmem>>, vector<16xf32>,
    %swap3A_57 = vector.shape_cast %swap3A_56 : vector<16xf32> to vector<16xf32>
    %swap3A_58 = vector.shape_cast %broadcast_in_dim3A_54 : vector<16xf32> to vector<16xf32>
    tpu.vector_store %arg10[%swap3A_55], %swap3A_58 {strides = array<i32>} : memref<128xf32, #tpu.memory_space<vmem>>, vector<16xf32>,
    %broadcast_in_dim3A_59 = arith.constant 1.000000e+00 : f32
    %broadcast_in_dim3A_60 = vector.broadcast %broadcast_in_dim3A_59 : f32 to vector<16xf32>
    %swap3A_61 = arith.constant 96 : index
    %swap3A_62 = tpu.vector_load %arg10[%swap3A_61] {strides = array<i32>} : memref<128xf32, #tpu.memory_space<vmem>>, vector<16xf32>,
    %swap3A_63 = vector.shape_cast %swap3A_62 : vector<16xf32> to vector<16xf32>
    %swap3A_64 = vector.shape_cast %broadcast_in_dim3A_60 : vector<16xf32> to vector<16xf32>
    tpu.vector_store %arg10[%swap3A_61], %swap3A_64 {strides = array<i32>} : memref<128xf32, #tpu.memory_space<vmem>>, vector<16xf32>,
    %broadcast_in_dim3A_65 = arith.constant 1.000000e+00 : f32
    %broadcast_in_dim3A_66 = vector.broadcast %broadcast_in_dim3A_65 : f32 to vector<16xf32>
    %swap3A_67 = arith.constant 112 : index
    %swap3A_68 = tpu.vector_load %arg10[%swap3A_67] {strides = array<i32>} : memref<128xf32, #tpu.memory_space<vmem>>, vector<16xf32>,
    %swap3A_69 = vector.shape_cast %swap3A_68 : vector<16xf32> to vector<16xf32>
    %swap3A_70 = vector.shape_cast %broadcast_in_dim3A_66 : vector<16xf32> to vector<16xf32>
    tpu.vector_store %arg10[%swap3A_67], %swap3A_70 {strides = array<i32>} : memref<128xf32, #tpu.memory_space<vmem>>, vector<16xf32>,
    "tpu.region"() ({
      %run_scoped3A_105 = tpu.sem_alloc : memref<!tpu.dma_semaphore, #tpu.memory_space<semaphore_mem>>
      tpu.enqueue_dma source(%arg3 : memref<640xf32, #tpu.memory_space<hbm>>) target(%arg7 : memref<640xf32, #tpu.memory_space<vmem>>) target_semaphore(%run_scoped3A_105 : memref<!tpu.dma_semaphore, #tpu.memory_space<semaphore_mem>>)
      tpu.wait_dma2 semaphore(%run_scoped3A_105 : memref<!tpu.dma_semaphore, #tpu.memory_space<semaphore_mem>>) src(%arg3 : memref<640xf32, #tpu.memory_space<hbm>>) dst(%arg7 : memref<640xf32, #tpu.memory_space<vmem>>)
      tpu.yield
    }) : () -> ()
    "tpu.region"() ({
      %run_scoped3A_105 = tpu.sem_alloc : memref<!tpu.dma_semaphore, #tpu.memory_space<semaphore_mem>>
      %dma_start3A_106 = tpu.memref_slice %arg5[%mul3A_11] : memref<10240xf32, #tpu.memory_space<vmem_shared>> -> memref<640xf32, #tpu.memory_space<vmem_shared>>
      %dma_start3A_107 = tpu.memref_slice %arg5[%mul3A_11] : memref<10240xf32, #tpu.memory_space<vmem_shared>> -> memref<640xf32, #tpu.memory_space<vmem_shared>>
      tpu.enqueue_dma source(%arg7 : memref<640xf32, #tpu.memory_space<vmem>>) target(%dma_start3A_107 : memref<640xf32, #tpu.memory_space<vmem_shared>>) target_semaphore(%run_scoped3A_105 : memref<!tpu.dma_semaphore, #tpu.memory_space<semaphore_mem>>)
      %dma_wait3A_108 = tpu.memref_slice %arg5[%mul3A_11] : memref<10240xf32, #tpu.memory_space<vmem_shared>> -> memref<640xf32, #tpu.memory_space<vmem_shared>>
      %dma_wait3A_109 = tpu.memref_slice %arg5[%mul3A_11] : memref<10240xf32, #tpu.memory_space<vmem_shared>> -> memref<640xf32, #tpu.memory_space<vmem_shared>>
      tpu.wait_dma2 semaphore(%run_scoped3A_105 : memref<!tpu.dma_semaphore, #tpu.memory_space<semaphore_mem>>) src(%arg7 : memref<640xf32, #tpu.memory_space<vmem>>) dst(%dma_wait3A_109 : memref<640xf32, #tpu.memory_space<vmem_shared>>)
      tpu.yield
    }) : () -> ()
    "tpu.region"() ({
      %run_scoped3A_105 = tpu.sem_alloc : memref<!tpu.dma_semaphore, #tpu.memory_space<semaphore_mem>>
      %dma_start3A_106 = tpu.memref_slice %arg6[%mul3A_11] : memref<10240xf32, #tpu.memory_space<vmem_shared>> -> memref<640xf32, #tpu.memory_space<vmem_shared>>
      %dma_start3A_107 = tpu.memref_slice %arg6[%mul3A_11] : memref<10240xf32, #tpu.memory_space<vmem_shared>> -> memref<640xf32, #tpu.memory_space<vmem_shared>>
      tpu.enqueue_dma source(%arg7 : memref<640xf32, #tpu.memory_space<vmem>>) target(%dma_start3A_107 : memref<640xf32, #tpu.memory_space<vmem_shared>>) target_semaphore(%run_scoped3A_105 : memref<!tpu.dma_semaphore, #tpu.memory_space<semaphore_mem>>)
      %dma_wait3A_108 = tpu.memref_slice %arg6[%mul3A_11] : memref<10240xf32, #tpu.memory_space<vmem_shared>> -> memref<640xf32, #tpu.memory_space<vmem_shared>>
      %dma_wait3A_109 = tpu.memref_slice %arg6[%mul3A_11] : memref<10240xf32, #tpu.memory_space<vmem_shared>> -> memref<640xf32, #tpu.memory_space<vmem_shared>>
      tpu.wait_dma2 semaphore(%run_scoped3A_105 : memref<!tpu.dma_semaphore, #tpu.memory_space<semaphore_mem>>) src(%arg7 : memref<640xf32, #tpu.memory_space<vmem>>) dst(%dma_wait3A_109 : memref<640xf32, #tpu.memory_space<vmem_shared>>)
      tpu.yield
    }) : () -> ()
    %barrier3A = arith.constant 0 : index
    tpu.barrier barrier_id(%barrier3A)
    %dma_wait3A = arith.constant 0 : i32
    %dma_wait3A_71 = arith.constant 0 : i32
    %dma_wait3A_72 = tpu.memref_slice %arg2[%dma_wait3A, %add3A_9, %dma_wait3A_71] : memref<2x1250x128xi32, #tpu.memory_space<hbm>> -> memref<1x40x128xi32, #tpu.memory_space<hbm>>
    %dma_wait3A_73 = tpu.memref_squeeze %dma_wait3A_72 : memref<1x40x128xi32, #tpu.memory_space<hbm>> -> memref<40x128xi32, #tpu.memory_space<hbm>>
    %dma_wait3A_74 = arith.constant 0 : i32
    %dma_wait3A_75 = tpu.memref_slice %arg2[%dma_wait3A, %add3A_9, %dma_wait3A_74] : memref<2x1250x128xi32, #tpu.memory_space<hbm>> -> memref<1x40x128xi32, #tpu.memory_space<hbm>>
    %dma_wait3A_76 = tpu.memref_squeeze %dma_wait3A_75 : memref<1x40x128xi32, #tpu.memory_space<hbm>> -> memref<40x128xi32, #tpu.memory_space<hbm>>
    tpu.wait_dma2 semaphore(%arg11 : memref<!tpu.dma_semaphore, #tpu.memory_space<semaphore_mem>>) src(%dma_wait3A_76 : memref<40x128xi32, #tpu.memory_space<hbm>>) dst(%arg8 : memref<40x128xi32, #tpu.memory_space<vmem>>)
    %dma_wait3A_77 = arith.constant 1 : i32
    %dma_wait3A_78 = arith.constant 0 : i32
    %dma_wait3A_79 = tpu.memref_slice %arg2[%dma_wait3A_77, %add3A_9, %dma_wait3A_78] : memref<2x1250x128xi32, #tpu.memory_space<hbm>> -> memref<1x40x128xi32, #tpu.memory_space<hbm>>
    %dma_wait3A_80 = tpu.memref_squeeze %dma_wait3A_79 : memref<1x40x128xi32, #tpu.memory_space<hbm>> -> memref<40x128xi32, #tpu.memory_space<hbm>>
    %dma_wait3A_81 = arith.constant 0 : i32
    %dma_wait3A_82 = tpu.memref_slice %arg2[%dma_wait3A_77, %add3A_9, %dma_wait3A_81] : memref<2x1250x128xi32, #tpu.memory_space<hbm>> -> memref<1x40x128xi32, #tpu.memory_space<hbm>>
    %dma_wait3A_83 = tpu.memref_squeeze %dma_wait3A_82 : memref<1x40x128xi32, #tpu.memory_space<hbm>> -> memref<40x128xi32, #tpu.memory_space<hbm>>
    tpu.wait_dma2 semaphore(%arg11 : memref<!tpu.dma_semaphore, #tpu.memory_space<semaphore_mem>>) src(%dma_wait3A_83 : memref<40x128xi32, #tpu.memory_space<hbm>>) dst(%arg9 : memref<40x128xi32, #tpu.memory_space<vmem>>)
    %while3A = arith.constant 0 : i32
    %while3A_84 = arith.constant 0 : i32
    %while3A_85 = arith.subi %add3A_4, %while3A_84 : i32
    %while3A_86 = arith.addi %while3A_84, %while3A_85 : i32
    %while3A_87 = arith.constant 1 : i32
    %while3A_88 = arith.divsi %while3A_85, %while3A_87 : i32
    %while3A_89 = arith.muli %while3A_88, %while3A_87 : i32
    %while3A_90 = arith.addi %while3A_84, %while3A_89 : i32
    %while3A_91 = arith.constant 1 : i32
    scf.for %while3A_105 = %while3A_84 to %while3A_90 step %while3A_91  : i32 {
      %dma_start3A_106 = arith.constant 0 : i32
      %dma_start3A_107 = tpu.memref_slice %arg8[%while3A_105, %dma_start3A_106] : memref<40x128xi32, #tpu.memory_space<vmem>> -> memref<1x128xi32, #tpu.memory_space<vmem>>
      %dma_start3A_108 = tpu.memref_squeeze %dma_start3A_107 : memref<1x128xi32, #tpu.memory_space<vmem>> -> memref<128xi32, #tpu.memory_space<vmem>>
      %dma_start3A_109 = arith.constant 0 : i32
      %dma_start3A_110 = tpu.memref_slice %arg5[%dma_start3A_109] : memref<10240xf32, #tpu.memory_space<vmem_shared>> -> memref<10240xf32, #tpu.memory_space<vmem_shared>>
      tpu.enqueue_indirect_dma source(%arg10 : memref<128xf32, #tpu.memory_space<vmem>>) target(%dma_start3A_110 : memref<10240xf32, #tpu.memory_space<vmem_shared>>) offsets(%dma_start3A_108 : memref<128xi32, #tpu.memory_space<vmem>>) semaphore(%arg12 : memref<!tpu.dma_semaphore, #tpu.memory_space<semaphore_mem>>) {add = true}
      %dma_start3A_111 = arith.constant 0 : i32
      %dma_start3A_112 = tpu.memref_slice %arg9[%while3A_105, %dma_start3A_111] : memref<40x128xi32, #tpu.memory_space<vmem>> -> memref<1x128xi32, #tpu.memory_space<vmem>>
      %dma_start3A_113 = tpu.memref_squeeze %dma_start3A_112 : memref<1x128xi32, #tpu.memory_space<vmem>> -> memref<128xi32, #tpu.memory_space<vmem>>
      %dma_start3A_114 = arith.constant 0 : i32
      %dma_start3A_115 = tpu.memref_slice %arg6[%dma_start3A_114] : memref<10240xf32, #tpu.memory_space<vmem_shared>> -> memref<10240xf32, #tpu.memory_space<vmem_shared>>
      tpu.enqueue_indirect_dma source(%arg10 : memref<128xf32, #tpu.memory_space<vmem>>) target(%dma_start3A_115 : memref<10240xf32, #tpu.memory_space<vmem_shared>>) offsets(%dma_start3A_113 : memref<128xi32, #tpu.memory_space<vmem>>) semaphore(%arg12 : memref<!tpu.dma_semaphore, #tpu.memory_space<semaphore_mem>>) {add = true}
    }
    %while3A_92 = arith.constant 1 : i32
    scf.for %while3A_105 = %while3A_90 to %while3A_86 step %while3A_92  : i32 {
      %dma_start3A_106 = arith.constant 0 : i32
      %dma_start3A_107 = tpu.memref_slice %arg8[%while3A_105, %dma_start3A_106] : memref<40x128xi32, #tpu.memory_space<vmem>> -> memref<1x128xi32, #tpu.memory_space<vmem>>
      %dma_start3A_108 = tpu.memref_squeeze %dma_start3A_107 : memref<1x128xi32, #tpu.memory_space<vmem>> -> memref<128xi32, #tpu.memory_space<vmem>>
      %dma_start3A_109 = arith.constant 0 : i32
      %dma_start3A_110 = tpu.memref_slice %arg5[%dma_start3A_109] : memref<10240xf32, #tpu.memory_space<vmem_shared>> -> memref<10240xf32, #tpu.memory_space<vmem_shared>>
      tpu.enqueue_indirect_dma source(%arg10 : memref<128xf32, #tpu.memory_space<vmem>>) target(%dma_start3A_110 : memref<10240xf32, #tpu.memory_space<vmem_shared>>) offsets(%dma_start3A_108 : memref<128xi32, #tpu.memory_space<vmem>>) semaphore(%arg12 : memref<!tpu.dma_semaphore, #tpu.memory_space<semaphore_mem>>) {add = true}
      %dma_start3A_111 = arith.constant 0 : i32
      %dma_start3A_112 = tpu.memref_slice %arg9[%while3A_105, %dma_start3A_111] : memref<40x128xi32, #tpu.memory_space<vmem>> -> memref<1x128xi32, #tpu.memory_space<vmem>>
      %dma_start3A_113 = tpu.memref_squeeze %dma_start3A_112 : memref<1x128xi32, #tpu.memory_space<vmem>> -> memref<128xi32, #tpu.memory_space<vmem>>
      %dma_start3A_114 = arith.constant 0 : i32
      %dma_start3A_115 = tpu.memref_slice %arg6[%dma_start3A_114] : memref<10240xf32, #tpu.memory_space<vmem_shared>> -> memref<10240xf32, #tpu.memory_space<vmem_shared>>
      tpu.enqueue_indirect_dma source(%arg10 : memref<128xf32, #tpu.memory_space<vmem>>) target(%dma_start3A_115 : memref<10240xf32, #tpu.memory_space<vmem_shared>>) offsets(%dma_start3A_113 : memref<128xi32, #tpu.memory_space<vmem>>) semaphore(%arg12 : memref<!tpu.dma_semaphore, #tpu.memory_space<semaphore_mem>>) {add = true}
    }
    %while3A_93 = arith.constant 0 : i32
    %while3A_94 = arith.constant 0 : i32
    %while3A_95 = arith.subi %add3A_4, %while3A_94 : i32
    %while3A_96 = arith.addi %while3A_94, %while3A_95 : i32
    %while3A_97 = arith.constant 1 : i32
    %while3A_98 = arith.divsi %while3A_95, %while3A_97 : i32
    %while3A_99 = arith.muli %while3A_98, %while3A_97 : i32
    %while3A_100 = arith.addi %while3A_94, %while3A_99 : i32
    %while3A_101 = arith.constant 1 : i32
    scf.for %while3A_105 = %while3A_94 to %while3A_100 step %while3A_101  : i32 {
      %dma_wait3A_106 = arith.constant 0 : i32
      %dma_wait3A_107 = tpu.memref_slice %arg8[%while3A_105, %dma_wait3A_106] : memref<40x128xi32, #tpu.memory_space<vmem>> -> memref<1x128xi32, #tpu.memory_space<vmem>>
      %dma_wait3A_108 = tpu.memref_squeeze %dma_wait3A_107 : memref<1x128xi32, #tpu.memory_space<vmem>> -> memref<128xi32, #tpu.memory_space<vmem>>
      %dma_wait3A_109 = arith.constant 0 : i32
      %dma_wait3A_110 = tpu.memref_slice %arg5[%dma_wait3A_109] : memref<10240xf32, #tpu.memory_space<vmem_shared>> -> memref<10240xf32, #tpu.memory_space<vmem_shared>>
      tpu.wait_indirect_dma semaphore(%arg12 : memref<!tpu.dma_semaphore, #tpu.memory_space<semaphore_mem>>) src(%arg10 : memref<128xf32, #tpu.memory_space<vmem>>) dst(%dma_wait3A_110 : memref<10240xf32, #tpu.memory_space<vmem_shared>>)
      %dma_wait3A_111 = arith.constant 0 : i32
      %dma_wait3A_112 = tpu.memref_slice %arg9[%while3A_105, %dma_wait3A_111] : memref<40x128xi32, #tpu.memory_space<vmem>> -> memref<1x128xi32, #tpu.memory_space<vmem>>
      %dma_wait3A_113 = tpu.memref_squeeze %dma_wait3A_112 : memref<1x128xi32, #tpu.memory_space<vmem>> -> memref<128xi32, #tpu.memory_space<vmem>>
      %dma_wait3A_114 = arith.constant 0 : i32
      %dma_wait3A_115 = tpu.memref_slice %arg6[%dma_wait3A_114] : memref<10240xf32, #tpu.memory_space<vmem_shared>> -> memref<10240xf32, #tpu.memory_space<vmem_shared>>
      tpu.wait_indirect_dma semaphore(%arg12 : memref<!tpu.dma_semaphore, #tpu.memory_space<semaphore_mem>>) src(%arg10 : memref<128xf32, #tpu.memory_space<vmem>>) dst(%dma_wait3A_115 : memref<10240xf32, #tpu.memory_space<vmem_shared>>)
    }
    %while3A_102 = arith.constant 1 : i32
    scf.for %while3A_105 = %while3A_100 to %while3A_96 step %while3A_102  : i32 {
      %dma_wait3A_106 = arith.constant 0 : i32
      %dma_wait3A_107 = tpu.memref_slice %arg8[%while3A_105, %dma_wait3A_106] : memref<40x128xi32, #tpu.memory_space<vmem>> -> memref<1x128xi32, #tpu.memory_space<vmem>>
      %dma_wait3A_108 = tpu.memref_squeeze %dma_wait3A_107 : memref<1x128xi32, #tpu.memory_space<vmem>> -> memref<128xi32, #tpu.memory_space<vmem>>
      %dma_wait3A_109 = arith.constant 0 : i32
      %dma_wait3A_110 = tpu.memref_slice %arg5[%dma_wait3A_109] : memref<10240xf32, #tpu.memory_space<vmem_shared>> -> memref<10240xf32, #tpu.memory_space<vmem_shared>>
      tpu.wait_indirect_dma semaphore(%arg12 : memref<!tpu.dma_semaphore, #tpu.memory_space<semaphore_mem>>) src(%arg10 : memref<128xf32, #tpu.memory_space<vmem>>) dst(%dma_wait3A_110 : memref<10240xf32, #tpu.memory_space<vmem_shared>>)
      %dma_wait3A_111 = arith.constant 0 : i32
      %dma_wait3A_112 = tpu.memref_slice %arg9[%while3A_105, %dma_wait3A_111] : memref<40x128xi32, #tpu.memory_space<vmem>> -> memref<1x128xi32, #tpu.memory_space<vmem>>
      %dma_wait3A_113 = tpu.memref_squeeze %dma_wait3A_112 : memref<1x128xi32, #tpu.memory_space<vmem>> -> memref<128xi32, #tpu.memory_space<vmem>>
      %dma_wait3A_114 = arith.constant 0 : i32
      %dma_wait3A_115 = tpu.memref_slice %arg6[%dma_wait3A_114] : memref<10240xf32, #tpu.memory_space<vmem_shared>> -> memref<10240xf32, #tpu.memory_space<vmem_shared>>
      tpu.wait_indirect_dma semaphore(%arg12 : memref<!tpu.dma_semaphore, #tpu.memory_space<semaphore_mem>>) src(%arg10 : memref<128xf32, #tpu.memory_space<vmem>>) dst(%dma_wait3A_115 : memref<10240xf32, #tpu.memory_space<vmem_shared>>)
    }
    %barrier3A_103 = arith.constant 0 : index
    tpu.barrier barrier_id(%barrier3A_103)
    "tpu.region"() ({
      %run_scoped3A_105 = tpu.sem_alloc : memref<!tpu.dma_semaphore, #tpu.memory_space<semaphore_mem>>
      %dma_start3A_106 = tpu.memref_slice %arg5[%mul3A_11] : memref<10240xf32, #tpu.memory_space<vmem_shared>> -> memref<640xf32, #tpu.memory_space<vmem_shared>>
      %dma_start3A_107 = tpu.memref_slice %arg5[%mul3A_11] : memref<10240xf32, #tpu.memory_space<vmem_shared>> -> memref<640xf32, #tpu.memory_space<vmem_shared>>
      tpu.enqueue_dma source(%dma_start3A_107 : memref<640xf32, #tpu.memory_space<vmem_shared>>) target(%arg7 : memref<640xf32, #tpu.memory_space<vmem>>) target_semaphore(%run_scoped3A_105 : memref<!tpu.dma_semaphore, #tpu.memory_space<semaphore_mem>>)
      %dma_wait3A_108 = tpu.memref_slice %arg5[%mul3A_11] : memref<10240xf32, #tpu.memory_space<vmem_shared>> -> memref<640xf32, #tpu.memory_space<vmem_shared>>
      %dma_wait3A_109 = tpu.memref_slice %arg5[%mul3A_11] : memref<10240xf32, #tpu.memory_space<vmem_shared>> -> memref<640xf32, #tpu.memory_space<vmem_shared>>
      tpu.wait_dma2 semaphore(%run_scoped3A_105 : memref<!tpu.dma_semaphore, #tpu.memory_space<semaphore_mem>>) src(%dma_wait3A_109 : memref<640xf32, #tpu.memory_space<vmem_shared>>) dst(%arg7 : memref<640xf32, #tpu.memory_space<vmem>>)
      tpu.yield
    }) : () -> ()
    %run_scoped3A = arith.constant 0 : i32
    "tpu.region"() ({
      %run_scoped3A_105 = tpu.sem_alloc : memref<!tpu.dma_semaphore, #tpu.memory_space<semaphore_mem>>
      %dma_start3A_106 = tpu.memref_slice %arg4[%arg0, %run_scoped3A, %mul3A_11] : memref<2x2x10240xf32, #tpu.memory_space<hbm>> -> memref<1x1x640xf32, #tpu.memory_space<hbm>>
      %dma_start3A_107 = tpu.memref_squeeze %dma_start3A_106 : memref<1x1x640xf32, #tpu.memory_space<hbm>> -> memref<640xf32, #tpu.memory_space<hbm>>
      %dma_start3A_108 = tpu.memref_slice %arg4[%arg0, %run_scoped3A, %mul3A_11] : memref<2x2x10240xf32, #tpu.memory_space<hbm>> -> memref<1x1x640xf32, #tpu.memory_space<hbm>>
      %dma_start3A_109 = tpu.memref_squeeze %dma_start3A_108 : memref<1x1x640xf32, #tpu.memory_space<hbm>> -> memref<640xf32, #tpu.memory_space<hbm>>
      tpu.enqueue_dma source(%arg7 : memref<640xf32, #tpu.memory_space<vmem>>) target(%dma_start3A_109 : memref<640xf32, #tpu.memory_space<hbm>>) target_semaphore(%run_scoped3A_105 : memref<!tpu.dma_semaphore, #tpu.memory_space<semaphore_mem>>)
      %dma_wait3A_110 = tpu.memref_slice %arg4[%arg0, %run_scoped3A, %mul3A_11] : memref<2x2x10240xf32, #tpu.memory_space<hbm>> -> memref<1x1x640xf32, #tpu.memory_space<hbm>>
      %dma_wait3A_111 = tpu.memref_squeeze %dma_wait3A_110 : memref<1x1x640xf32, #tpu.memory_space<hbm>> -> memref<640xf32, #tpu.memory_space<hbm>>
      %dma_wait3A_112 = tpu.memref_slice %arg4[%arg0, %run_scoped3A, %mul3A_11] : memref<2x2x10240xf32, #tpu.memory_space<hbm>> -> memref<1x1x640xf32, #tpu.memory_space<hbm>>
      %dma_wait3A_113 = tpu.memref_squeeze %dma_wait3A_112 : memref<1x1x640xf32, #tpu.memory_space<hbm>> -> memref<640xf32, #tpu.memory_space<hbm>>
      tpu.wait_dma2 semaphore(%run_scoped3A_105 : memref<!tpu.dma_semaphore, #tpu.memory_space<semaphore_mem>>) src(%arg7 : memref<640xf32, #tpu.memory_space<vmem>>) dst(%dma_wait3A_113 : memref<640xf32, #tpu.memory_space<hbm>>)
      tpu.yield
    }) : () -> ()
    "tpu.region"() ({
      %run_scoped3A_105 = tpu.sem_alloc : memref<!tpu.dma_semaphore, #tpu.memory_space<semaphore_mem>>
      %dma_start3A_106 = tpu.memref_slice %arg6[%mul3A_11] : memref<10240xf32, #tpu.memory_space<vmem_shared>> -> memref<640xf32, #tpu.memory_space<vmem_shared>>
      %dma_start3A_107 = tpu.memref_slice %arg6[%mul3A_11] : memref<10240xf32, #tpu.memory_space<vmem_shared>> -> memref<640xf32, #tpu.memory_space<vmem_shared>>
      tpu.enqueue_dma source(%dma_start3A_107 : memref<640xf32, #tpu.memory_space<vmem_shared>>) target(%arg7 : memref<640xf32, #tpu.memory_space<vmem>>) target_semaphore(%run_scoped3A_105 : memref<!tpu.dma_semaphore, #tpu.memory_space<semaphore_mem>>)
      %dma_wait3A_108 = tpu.memref_slice %arg6[%mul3A_11] : memref<10240xf32, #tpu.memory_space<vmem_shared>> -> memref<640xf32, #tpu.memory_space<vmem_shared>>
      %dma_wait3A_109 = tpu.memref_slice %arg6[%mul3A_11] : memref<10240xf32, #tpu.memory_space<vmem_shared>> -> memref<640xf32, #tpu.memory_space<vmem_shared>>
      tpu.wait_dma2 semaphore(%run_scoped3A_105 : memref<!tpu.dma_semaphore, #tpu.memory_space<semaphore_mem>>) src(%dma_wait3A_109 : memref<640xf32, #tpu.memory_space<vmem_shared>>) dst(%arg7 : memref<640xf32, #tpu.memory_space<vmem>>)
      tpu.yield
    }) : () -> ()
    %run_scoped3A_104 = arith.constant 1 : i32
    "tpu.region"() ({
      %run_scoped3A_105 = tpu.sem_alloc : memref<!tpu.dma_semaphore, #tpu.memory_space<semaphore_mem>>
      %dma_start3A_106 = tpu.memref_slice %arg4[%arg0, %run_scoped3A_104, %mul3A_11] : memref<2x2x10240xf32, #tpu.memory_space<hbm>> -> memref<1x1x640xf32, #tpu.memory_space<hbm>>
      %dma_start3A_107 = tpu.memref_squeeze %dma_start3A_106 : memref<1x1x640xf32, #tpu.memory_space<hbm>> -> memref<640xf32, #tpu.memory_space<hbm>>
      %dma_start3A_108 = tpu.memref_slice %arg4[%arg0, %run_scoped3A_104, %mul3A_11] : memref<2x2x10240xf32, #tpu.memory_space<hbm>> -> memref<1x1x640xf32, #tpu.memory_space<hbm>>
      %dma_start3A_109 = tpu.memref_squeeze %dma_start3A_108 : memref<1x1x640xf32, #tpu.memory_space<hbm>> -> memref<640xf32, #tpu.memory_space<hbm>>
      tpu.enqueue_dma source(%arg7 : memref<640xf32, #tpu.memory_space<vmem>>) target(%dma_start3A_109 : memref<640xf32, #tpu.memory_space<hbm>>) target_semaphore(%run_scoped3A_105 : memref<!tpu.dma_semaphore, #tpu.memory_space<semaphore_mem>>)
      %dma_wait3A_110 = tpu.memref_slice %arg4[%arg0, %run_scoped3A_104, %mul3A_11] : memref<2x2x10240xf32, #tpu.memory_space<hbm>> -> memref<1x1x640xf32, #tpu.memory_space<hbm>>
      %dma_wait3A_111 = tpu.memref_squeeze %dma_wait3A_110 : memref<1x1x640xf32, #tpu.memory_space<hbm>> -> memref<640xf32, #tpu.memory_space<hbm>>
      %dma_wait3A_112 = tpu.memref_slice %arg4[%arg0, %run_scoped3A_104, %mul3A_11] : memref<2x2x10240xf32, #tpu.memory_space<hbm>> -> memref<1x1x640xf32, #tpu.memory_space<hbm>>
      %dma_wait3A_113 = tpu.memref_squeeze %dma_wait3A_112 : memref<1x1x640xf32, #tpu.memory_space<hbm>> -> memref<640xf32, #tpu.memory_space<hbm>>
      tpu.wait_dma2 semaphore(%run_scoped3A_105 : memref<!tpu.dma_semaphore, #tpu.memory_space<semaphore_mem>>) src(%arg7 : memref<640xf32, #tpu.memory_space<vmem>>) dst(%dma_wait3A_113 : memref<640xf32, #tpu.memory_space<hbm>>)
      tpu.yield
    }) : () -> ()
    return
  }
}

#map = affine_map<(d0, d1) -> (0, 0)>
#map1 = affine_map<(d0, d1) -> (0, 0, 0)>
module attributes {stable_mosaic.version = 14 : i64} {
  func.func @_segsum_body(%arg0: i32, %arg1: i32, %arg2: memref<10240x64xf32, #tpu.memory_space<hbm>>, %arg3: memref<2x1250x128xi32, #tpu.memory_space<hbm>>, %arg4: memref<640x64xf32, #tpu.memory_space<hbm>>, %arg5: memref<2x10240x64xf32, #tpu.memory_space<hbm>>, %arg6: memref<10240x64xf32, #tpu.memory_space<vmem_shared>>, %arg7: memref<10240x64xf32, #tpu.memory_space<vmem_shared>>, %arg8: memref<40x128xi32, #tpu.memory_space<vmem>>, %arg9: memref<40x128xi32, #tpu.memory_space<vmem>>, %arg10: memref<4x128x64xf32, #tpu.memory_space<vmem>>, %arg11: memref<!tpu.dma_semaphore, #tpu.memory_space<semaphore_mem>>, %arg12: memref<!tpu.dma_semaphore, #tpu.memory_space<semaphore_mem>>, %arg13: memref<!tpu.dma_semaphore, #tpu.memory_space<semaphore_mem>>, %arg14: memref<!tpu.dma_semaphore, #tpu.memory_space<semaphore_mem>>, %arg15: memref<!tpu.dma_semaphore, #tpu.memory_space<semaphore_mem>>, %arg16: memref<!tpu.dma_semaphore, #tpu.memory_space<semaphore_mem>>, %arg17: memref<!tpu.dma_semaphore, #tpu.memory_space<semaphore_mem>>, %arg18: memref<!tpu.dma_semaphore, #tpu.memory_space<semaphore_mem>>, %arg19: memref<!tpu.dma_semaphore, #tpu.memory_space<semaphore_mem>>) attributes {dimension_semantics = [#tpu.dimension_semantics<core_parallel>, #tpu.dimension_semantics<subcore_parallel>], iteration_bounds = array<i64: 2, 16>, scalar_prefetch = 0 : i64, scratch_operands = 14 : i64, tpu.core_type = #tpu.core_type<sc_vector_subcore>, window_params = [{transform_indices = #map}, {transform_indices = #map1}, {transform_indices = #map}, {transform_indices = #map1}]} {
    %mul3A = arith.constant 2 : i32
    %mul3A_0 = arith.muli %arg1, %mul3A : i32
    %add3A = arith.addi %mul3A_0, %arg0 : i32
    %ge3A = arith.constant 30 : i32
    %ge3A_1 = arith.cmpi sge, %add3A, %ge3A : i32
    %jit3A = arith.constant 1 : i32
    %jit3A_2 = arith.constant 0 : i32
    %select_n3A = arith.select %ge3A_1, %jit3A, %jit3A_2 : i32
    %add3A_3 = arith.constant 39 : i32
    %add3A_4 = arith.addi %add3A_3, %select_n3A : i32
    %mul3A_5 = arith.constant 39 : i32
    %mul3A_6 = arith.muli %mul3A_5, %add3A : i32
    %sub3A = arith.constant 30 : i32
    %sub3A_7 = arith.subi %add3A, %sub3A : i32
    %max3A = arith.constant 0 : i32
    %max3A_8 = arith.maxsi %sub3A_7, %max3A : i32
    %add3A_9 = arith.addi %mul3A_6, %max3A_8 : i32
    %mul3A_10 = arith.constant 640 : i32
    %mul3A_11 = arith.muli %arg1, %mul3A_10 : i32
    %dma_start3A = arith.constant 0 : i32
    %dma_start3A_12 = arith.constant 0 : i32
    %dma_start3A_13 = tpu.memref_slice %arg3[%dma_start3A, %add3A_9, %dma_start3A_12] : memref<2x1250x128xi32, #tpu.memory_space<hbm>> -> memref<1x40x128xi32, #tpu.memory_space<hbm>>
    %dma_start3A_14 = tpu.memref_squeeze %dma_start3A_13 : memref<1x40x128xi32, #tpu.memory_space<hbm>> -> memref<40x128xi32, #tpu.memory_space<hbm>>
    %dma_start3A_15 = arith.constant 0 : i32
    %dma_start3A_16 = tpu.memref_slice %arg3[%dma_start3A, %add3A_9, %dma_start3A_15] : memref<2x1250x128xi32, #tpu.memory_space<hbm>> -> memref<1x40x128xi32, #tpu.memory_space<hbm>>
    %dma_start3A_17 = tpu.memref_squeeze %dma_start3A_16 : memref<1x40x128xi32, #tpu.memory_space<hbm>> -> memref<40x128xi32, #tpu.memory_space<hbm>>
    tpu.enqueue_dma source(%dma_start3A_17 : memref<40x128xi32, #tpu.memory_space<hbm>>) target(%arg8 : memref<40x128xi32, #tpu.memory_space<vmem>>) target_semaphore(%arg11 : memref<!tpu.dma_semaphore, #tpu.memory_space<semaphore_mem>>)
    %dma_start3A_18 = arith.constant 1 : i32
    %dma_start3A_19 = arith.constant 0 : i32
    %dma_start3A_20 = tpu.memref_slice %arg3[%dma_start3A_18, %add3A_9, %dma_start3A_19] : memref<2x1250x128xi32, #tpu.memory_space<hbm>> -> memref<1x40x128xi32, #tpu.memory_space<hbm>>
    %dma_start3A_21 = tpu.memref_squeeze %dma_start3A_20 : memref<1x40x128xi32, #tpu.memory_space<hbm>> -> memref<40x128xi32, #tpu.memory_space<hbm>>
    %dma_start3A_22 = arith.constant 0 : i32
    %dma_start3A_23 = tpu.memref_slice %arg3[%dma_start3A_18, %add3A_9, %dma_start3A_22] : memref<2x1250x128xi32, #tpu.memory_space<hbm>> -> memref<1x40x128xi32, #tpu.memory_space<hbm>>
    %dma_start3A_24 = tpu.memref_squeeze %dma_start3A_23 : memref<1x40x128xi32, #tpu.memory_space<hbm>> -> memref<40x128xi32, #tpu.memory_space<hbm>>
    tpu.enqueue_dma source(%dma_start3A_24 : memref<40x128xi32, #tpu.memory_space<hbm>>) target(%arg9 : memref<40x128xi32, #tpu.memory_space<vmem>>) target_semaphore(%arg11 : memref<!tpu.dma_semaphore, #tpu.memory_space<semaphore_mem>>)
    "tpu.region"() ({
      %run_scoped3A = tpu.sem_alloc : memref<!tpu.dma_semaphore, #tpu.memory_space<semaphore_mem>>
      %dma_start3A_186 = arith.constant 0 : i32
      %dma_start3A_187 = tpu.memref_slice %arg7[%mul3A_11, %dma_start3A_186] : memref<10240x64xf32, #tpu.memory_space<vmem_shared>> -> memref<640x64xf32, #tpu.memory_space<vmem_shared>>
      %dma_start3A_188 = arith.constant 0 : i32
      %dma_start3A_189 = tpu.memref_slice %arg2[%mul3A_11, %dma_start3A_188] : memref<10240x64xf32, #tpu.memory_space<hbm>> -> memref<640x64xf32, #tpu.memory_space<hbm>>
      tpu.enqueue_dma source(%dma_start3A_189 : memref<640x64xf32, #tpu.memory_space<hbm>>) target(%dma_start3A_187 : memref<640x64xf32, #tpu.memory_space<vmem_shared>>) target_semaphore(%run_scoped3A : memref<!tpu.dma_semaphore, #tpu.memory_space<semaphore_mem>>)
      %dma_wait3A_190 = arith.constant 0 : i32
      %dma_wait3A_191 = tpu.memref_slice %arg7[%mul3A_11, %dma_wait3A_190] : memref<10240x64xf32, #tpu.memory_space<vmem_shared>> -> memref<640x64xf32, #tpu.memory_space<vmem_shared>>
      %dma_wait3A_192 = arith.constant 0 : i32
      %dma_wait3A_193 = tpu.memref_slice %arg2[%mul3A_11, %dma_wait3A_192] : memref<10240x64xf32, #tpu.memory_space<hbm>> -> memref<640x64xf32, #tpu.memory_space<hbm>>
      tpu.wait_dma2 semaphore(%run_scoped3A : memref<!tpu.dma_semaphore, #tpu.memory_space<semaphore_mem>>) src(%dma_wait3A_193 : memref<640x64xf32, #tpu.memory_space<hbm>>) dst(%dma_wait3A_191 : memref<640x64xf32, #tpu.memory_space<vmem_shared>>)
      tpu.yield
    }) : () -> ()
    "tpu.region"() ({
      %run_scoped3A = tpu.sem_alloc : memref<!tpu.dma_semaphore, #tpu.memory_space<semaphore_mem>>
      %dma_start3A_186 = arith.constant 0 : i32
      %dma_start3A_187 = tpu.memref_slice %arg6[%mul3A_11, %dma_start3A_186] : memref<10240x64xf32, #tpu.memory_space<vmem_shared>> -> memref<640x64xf32, #tpu.memory_space<vmem_shared>>
      tpu.enqueue_dma source(%arg4 : memref<640x64xf32, #tpu.memory_space<hbm>>) target(%dma_start3A_187 : memref<640x64xf32, #tpu.memory_space<vmem_shared>>) target_semaphore(%run_scoped3A : memref<!tpu.dma_semaphore, #tpu.memory_space<semaphore_mem>>)
      %dma_wait3A_188 = arith.constant 0 : i32
      %dma_wait3A_189 = tpu.memref_slice %arg6[%mul3A_11, %dma_wait3A_188] : memref<10240x64xf32, #tpu.memory_space<vmem_shared>> -> memref<640x64xf32, #tpu.memory_space<vmem_shared>>
      tpu.wait_dma2 semaphore(%run_scoped3A : memref<!tpu.dma_semaphore, #tpu.memory_space<semaphore_mem>>) src(%arg4 : memref<640x64xf32, #tpu.memory_space<hbm>>) dst(%dma_wait3A_189 : memref<640x64xf32, #tpu.memory_space<vmem_shared>>)
      tpu.yield
    }) : () -> ()
    %barrier3A = arith.constant 0 : index
    tpu.barrier barrier_id(%barrier3A)
    %dma_wait3A = arith.constant 0 : i32
    %dma_wait3A_25 = arith.constant 0 : i32
    %dma_wait3A_26 = tpu.memref_slice %arg3[%dma_wait3A, %add3A_9, %dma_wait3A_25] : memref<2x1250x128xi32, #tpu.memory_space<hbm>> -> memref<1x40x128xi32, #tpu.memory_space<hbm>>
    %dma_wait3A_27 = tpu.memref_squeeze %dma_wait3A_26 : memref<1x40x128xi32, #tpu.memory_space<hbm>> -> memref<40x128xi32, #tpu.memory_space<hbm>>
    %dma_wait3A_28 = arith.constant 0 : i32
    %dma_wait3A_29 = tpu.memref_slice %arg3[%dma_wait3A, %add3A_9, %dma_wait3A_28] : memref<2x1250x128xi32, #tpu.memory_space<hbm>> -> memref<1x40x128xi32, #tpu.memory_space<hbm>>
    %dma_wait3A_30 = tpu.memref_squeeze %dma_wait3A_29 : memref<1x40x128xi32, #tpu.memory_space<hbm>> -> memref<40x128xi32, #tpu.memory_space<hbm>>
    tpu.wait_dma2 semaphore(%arg11 : memref<!tpu.dma_semaphore, #tpu.memory_space<semaphore_mem>>) src(%dma_wait3A_30 : memref<40x128xi32, #tpu.memory_space<hbm>>) dst(%arg8 : memref<40x128xi32, #tpu.memory_space<vmem>>)
    %dma_wait3A_31 = arith.constant 1 : i32
    %dma_wait3A_32 = arith.constant 0 : i32
    %dma_wait3A_33 = tpu.memref_slice %arg3[%dma_wait3A_31, %add3A_9, %dma_wait3A_32] : memref<2x1250x128xi32, #tpu.memory_space<hbm>> -> memref<1x40x128xi32, #tpu.memory_space<hbm>>
    %dma_wait3A_34 = tpu.memref_squeeze %dma_wait3A_33 : memref<1x40x128xi32, #tpu.memory_space<hbm>> -> memref<40x128xi32, #tpu.memory_space<hbm>>
    %dma_wait3A_35 = arith.constant 0 : i32
    %dma_wait3A_36 = tpu.memref_slice %arg3[%dma_wait3A_31, %add3A_9, %dma_wait3A_35] : memref<2x1250x128xi32, #tpu.memory_space<hbm>> -> memref<1x40x128xi32, #tpu.memory_space<hbm>>
    %dma_wait3A_37 = tpu.memref_squeeze %dma_wait3A_36 : memref<1x40x128xi32, #tpu.memory_space<hbm>> -> memref<40x128xi32, #tpu.memory_space<hbm>>
    tpu.wait_dma2 semaphore(%arg11 : memref<!tpu.dma_semaphore, #tpu.memory_space<semaphore_mem>>) src(%dma_wait3A_37 : memref<40x128xi32, #tpu.memory_space<hbm>>) dst(%arg9 : memref<40x128xi32, #tpu.memory_space<vmem>>)
    %dma_start3A_38 = arith.constant 0 : i32
    %dma_start3A_39 = arith.constant 0 : i32
    %dma_start3A_40 = arith.constant 0 : i32
    %dma_start3A_41 = arith.constant 0 : i32
    %dma_start3A_42 = tpu.memref_slice %arg10[%dma_start3A_39, %dma_start3A_40, %dma_start3A_41] : memref<4x128x64xf32, #tpu.memory_space<vmem>> -> memref<1x128x64xf32, #tpu.memory_space<vmem>>
    %dma_start3A_43 = tpu.memref_squeeze %dma_start3A_42 : memref<1x128x64xf32, #tpu.memory_space<vmem>> -> memref<128x64xf32, #tpu.memory_space<vmem>>
    %dma_start3A_44 = arith.constant 0 : i32
    %dma_start3A_45 = tpu.memref_slice %arg8[%dma_start3A_38, %dma_start3A_44] : memref<40x128xi32, #tpu.memory_space<vmem>> -> memref<1x128xi32, #tpu.memory_space<vmem>>
    %dma_start3A_46 = tpu.memref_squeeze %dma_start3A_45 : memref<1x128xi32, #tpu.memory_space<vmem>> -> memref<128xi32, #tpu.memory_space<vmem>>
    %dma_start3A_47 = arith.constant 0 : i32
    %dma_start3A_48 = arith.constant 0 : i32
    %dma_start3A_49 = tpu.memref_slice %arg7[%dma_start3A_47, %dma_start3A_48] : memref<10240x64xf32, #tpu.memory_space<vmem_shared>> -> memref<10240x64xf32, #tpu.memory_space<vmem_shared>>
    tpu.enqueue_indirect_dma source(%dma_start3A_49 : memref<10240x64xf32, #tpu.memory_space<vmem_shared>>) target(%dma_start3A_43 : memref<128x64xf32, #tpu.memory_space<vmem>>) offsets(%dma_start3A_46 : memref<128xi32, #tpu.memory_space<vmem>>) semaphore(%arg12 : memref<!tpu.dma_semaphore, #tpu.memory_space<semaphore_mem>>)
    %dma_start3A_50 = arith.constant 1 : i32
    %dma_start3A_51 = arith.constant 1 : i32
    %dma_start3A_52 = arith.constant 0 : i32
    %dma_start3A_53 = arith.constant 0 : i32
    %dma_start3A_54 = tpu.memref_slice %arg10[%dma_start3A_51, %dma_start3A_52, %dma_start3A_53] : memref<4x128x64xf32, #tpu.memory_space<vmem>> -> memref<1x128x64xf32, #tpu.memory_space<vmem>>
    %dma_start3A_55 = tpu.memref_squeeze %dma_start3A_54 : memref<1x128x64xf32, #tpu.memory_space<vmem>> -> memref<128x64xf32, #tpu.memory_space<vmem>>
    %dma_start3A_56 = arith.constant 0 : i32
    %dma_start3A_57 = tpu.memref_slice %arg8[%dma_start3A_50, %dma_start3A_56] : memref<40x128xi32, #tpu.memory_space<vmem>> -> memref<1x128xi32, #tpu.memory_space<vmem>>
    %dma_start3A_58 = tpu.memref_squeeze %dma_start3A_57 : memref<1x128xi32, #tpu.memory_space<vmem>> -> memref<128xi32, #tpu.memory_space<vmem>>
    %dma_start3A_59 = arith.constant 0 : i32
    %dma_start3A_60 = arith.constant 0 : i32
    %dma_start3A_61 = tpu.memref_slice %arg7[%dma_start3A_59, %dma_start3A_60] : memref<10240x64xf32, #tpu.memory_space<vmem_shared>> -> memref<10240x64xf32, #tpu.memory_space<vmem_shared>>
    tpu.enqueue_indirect_dma source(%dma_start3A_61 : memref<10240x64xf32, #tpu.memory_space<vmem_shared>>) target(%dma_start3A_55 : memref<128x64xf32, #tpu.memory_space<vmem>>) offsets(%dma_start3A_58 : memref<128xi32, #tpu.memory_space<vmem>>) semaphore(%arg13 : memref<!tpu.dma_semaphore, #tpu.memory_space<semaphore_mem>>)
    %jit3A_62 = arith.constant 4 : i32
    %div3A = arith.divsi %add3A_4, %jit3A_62 : i32
    %sign3A = arith.constant 0 : i32
    %sign3A_63 = arith.cmpi sgt, %add3A_4, %sign3A : i32
    %sign3A_64 = arith.extui %sign3A_63 : i1 to i32
    %sign3A_65 = arith.constant 0 : i32
    %sign3A_66 = arith.cmpi slt, %add3A_4, %sign3A_65 : i32
    %sign3A_67 = arith.extui %sign3A_66 : i1 to i32
    %sign3A_68 = arith.subi %sign3A_64, %sign3A_67 : i32
    %sign3A_69 = arith.constant 0 : i32
    %sign3A_70 = arith.cmpi sgt, %jit3A_62, %sign3A_69 : i32
    %sign3A_71 = arith.extui %sign3A_70 : i1 to i32
    %sign3A_72 = arith.constant 0 : i32
    %sign3A_73 = arith.cmpi slt, %jit3A_62, %sign3A_72 : i32
    %sign3A_74 = arith.extui %sign3A_73 : i1 to i32
    %sign3A_75 = arith.subi %sign3A_71, %sign3A_74 : i32
    %ne3A = arith.cmpi ne, %sign3A_68, %sign3A_75 : i32
    %rem3A = arith.remsi %add3A_4, %jit3A_62 : i32
    %ne3A_76 = arith.constant 0 : i32
    %ne3A_77 = arith.cmpi ne, %rem3A, %ne3A_76 : i32
    %and3A = arith.andi %ne3A, %ne3A_77 : i1
    %sub3A_78 = arith.constant 1 : i32
    %sub3A_79 = arith.subi %div3A, %sub3A_78 : i32
    %select_n3A_80 = arith.select %and3A, %sub3A_79, %div3A : i32
    %while3A = arith.constant 0 : i32
    %while3A_81 = arith.constant 0 : i32
    %while3A_82 = arith.subi %select_n3A_80, %while3A_81 : i32
    %while3A_83 = arith.addi %while3A_81, %while3A_82 : i32
    %while3A_84 = arith.constant 1 : i32
    %while3A_85 = arith.divsi %while3A_82, %while3A_84 : i32
    %while3A_86 = arith.muli %while3A_85, %while3A_84 : i32
    %while3A_87 = arith.addi %while3A_81, %while3A_86 : i32
    %while3A_88 = arith.constant 1 : i32
    scf.for %while3A_186 = %while3A_81 to %while3A_87 step %while3A_88  : i32 {
      %mul3A_187 = arith.constant 4 : i32
      %mul3A_188 = arith.muli %while3A_186, %mul3A_187 : i32
      %add3A_189 = arith.constant 0 : i32
      %add3A_190 = arith.addi %mul3A_188, %add3A_189 : i32
      %add3A_191 = arith.constant 2 : i32
      %add3A_192 = arith.addi %add3A_190, %add3A_191 : i32
      %lt3A_193 = arith.cmpi slt, %add3A_192, %add3A_4 : i32
      %convert_element_type3A_194 = arith.extui %lt3A_193 : i1 to i32
      %cond3A_195 = arith.constant 0 : i32
      %cond3A_196 = arith.cmpi ne, %convert_element_type3A_194, %cond3A_195 : i32
      scf.if %cond3A_196 {
        %ge3A_315 = arith.constant 2 : i32
        %ge3A_316 = arith.cmpi sge, %add3A_190, %ge3A_315 : i32
        %convert_element_type3A_317 = arith.extui %ge3A_316 : i1 to i32
        %cond3A_318 = arith.constant 0 : i32
        %cond3A_319 = arith.cmpi ne, %convert_element_type3A_317, %cond3A_318 : i32
        scf.if %cond3A_319 {
          %sub3A_331 = arith.constant 2 : i32
          %sub3A_332 = arith.subi %add3A_190, %sub3A_331 : i32
          %dma_wait3A_333 = arith.constant 2 : i32
          %dma_wait3A_334 = arith.constant 0 : i32
          %dma_wait3A_335 = arith.constant 0 : i32
          %dma_wait3A_336 = tpu.memref_slice %arg10[%dma_wait3A_333, %dma_wait3A_334, %dma_wait3A_335] : memref<4x128x64xf32, #tpu.memory_space<vmem>> -> memref<1x128x64xf32, #tpu.memory_space<vmem>>
          %dma_wait3A_337 = tpu.memref_squeeze %dma_wait3A_336 : memref<1x128x64xf32, #tpu.memory_space<vmem>> -> memref<128x64xf32, #tpu.memory_space<vmem>>
          %dma_wait3A_338 = arith.constant 0 : i32
          %dma_wait3A_339 = tpu.memref_slice %arg9[%sub3A_332, %dma_wait3A_338] : memref<40x128xi32, #tpu.memory_space<vmem>> -> memref<1x128xi32, #tpu.memory_space<vmem>>
          %dma_wait3A_340 = tpu.memref_squeeze %dma_wait3A_339 : memref<1x128xi32, #tpu.memory_space<vmem>> -> memref<128xi32, #tpu.memory_space<vmem>>
          %dma_wait3A_341 = arith.constant 0 : i32
          %dma_wait3A_342 = arith.constant 0 : i32
          %dma_wait3A_343 = tpu.memref_slice %arg6[%dma_wait3A_341, %dma_wait3A_342] : memref<10240x64xf32, #tpu.memory_space<vmem_shared>> -> memref<10240x64xf32, #tpu.memory_space<vmem_shared>>
          tpu.wait_indirect_dma semaphore(%arg18 : memref<!tpu.dma_semaphore, #tpu.memory_space<semaphore_mem>>) src(%dma_wait3A_337 : memref<128x64xf32, #tpu.memory_space<vmem>>) dst(%dma_wait3A_343 : memref<10240x64xf32, #tpu.memory_space<vmem_shared>>)
        } else {
        }
        %dma_start3A_320 = arith.constant 2 : i32
        %dma_start3A_321 = arith.constant 0 : i32
        %dma_start3A_322 = arith.constant 0 : i32
        %dma_start3A_323 = tpu.memref_slice %arg10[%dma_start3A_320, %dma_start3A_321, %dma_start3A_322] : memref<4x128x64xf32, #tpu.memory_space<vmem>> -> memref<1x128x64xf32, #tpu.memory_space<vmem>>
        %dma_start3A_324 = tpu.memref_squeeze %dma_start3A_323 : memref<1x128x64xf32, #tpu.memory_space<vmem>> -> memref<128x64xf32, #tpu.memory_space<vmem>>
        %dma_start3A_325 = arith.constant 0 : i32
        %dma_start3A_326 = tpu.memref_slice %arg8[%add3A_192, %dma_start3A_325] : memref<40x128xi32, #tpu.memory_space<vmem>> -> memref<1x128xi32, #tpu.memory_space<vmem>>
        %dma_start3A_327 = tpu.memref_squeeze %dma_start3A_326 : memref<1x128xi32, #tpu.memory_space<vmem>> -> memref<128xi32, #tpu.memory_space<vmem>>
        %dma_start3A_328 = arith.constant 0 : i32
        %dma_start3A_329 = arith.constant 0 : i32
        %dma_start3A_330 = tpu.memref_slice %arg7[%dma_start3A_328, %dma_start3A_329] : memref<10240x64xf32, #tpu.memory_space<vmem_shared>> -> memref<10240x64xf32, #tpu.memory_space<vmem_shared>>
        tpu.enqueue_indirect_dma source(%dma_start3A_330 : memref<10240x64xf32, #tpu.memory_space<vmem_shared>>) target(%dma_start3A_324 : memref<128x64xf32, #tpu.memory_space<vmem>>) offsets(%dma_start3A_327 : memref<128xi32, #tpu.memory_space<vmem>>) semaphore(%arg14 : memref<!tpu.dma_semaphore, #tpu.memory_space<semaphore_mem>>)
      } else {
      }
      %dma_wait3A_197 = arith.constant 0 : i32
      %dma_wait3A_198 = arith.constant 0 : i32
      %dma_wait3A_199 = arith.constant 0 : i32
      %dma_wait3A_200 = tpu.memref_slice %arg10[%dma_wait3A_197, %dma_wait3A_198, %dma_wait3A_199] : memref<4x128x64xf32, #tpu.memory_space<vmem>> -> memref<1x128x64xf32, #tpu.memory_space<vmem>>
      %dma_wait3A_201 = tpu.memref_squeeze %dma_wait3A_200 : memref<1x128x64xf32, #tpu.memory_space<vmem>> -> memref<128x64xf32, #tpu.memory_space<vmem>>
      %dma_wait3A_202 = arith.constant 0 : i32
      %dma_wait3A_203 = tpu.memref_slice %arg8[%add3A_190, %dma_wait3A_202] : memref<40x128xi32, #tpu.memory_space<vmem>> -> memref<1x128xi32, #tpu.memory_space<vmem>>
      %dma_wait3A_204 = tpu.memref_squeeze %dma_wait3A_203 : memref<1x128xi32, #tpu.memory_space<vmem>> -> memref<128xi32, #tpu.memory_space<vmem>>
      %dma_wait3A_205 = arith.constant 0 : i32
      %dma_wait3A_206 = arith.constant 0 : i32
      %dma_wait3A_207 = tpu.memref_slice %arg7[%dma_wait3A_205, %dma_wait3A_206] : memref<10240x64xf32, #tpu.memory_space<vmem_shared>> -> memref<10240x64xf32, #tpu.memory_space<vmem_shared>>
      tpu.wait_indirect_dma semaphore(%arg12 : memref<!tpu.dma_semaphore, #tpu.memory_space<semaphore_mem>>) src(%dma_wait3A_207 : memref<10240x64xf32, #tpu.memory_space<vmem_shared>>) dst(%dma_wait3A_201 : memref<128x64xf32, #tpu.memory_space<vmem>>)
      %dma_start3A_208 = arith.constant 0 : i32
      %dma_start3A_209 = arith.constant 0 : i32
      %dma_start3A_210 = arith.constant 0 : i32
      %dma_start3A_211 = tpu.memref_slice %arg10[%dma_start3A_208, %dma_start3A_209, %dma_start3A_210] : memref<4x128x64xf32, #tpu.memory_space<vmem>> -> memref<1x128x64xf32, #tpu.memory_space<vmem>>
      %dma_start3A_212 = tpu.memref_squeeze %dma_start3A_211 : memref<1x128x64xf32, #tpu.memory_space<vmem>> -> memref<128x64xf32, #tpu.memory_space<vmem>>
      %dma_start3A_213 = arith.constant 0 : i32
      %dma_start3A_214 = tpu.memref_slice %arg9[%add3A_190, %dma_start3A_213] : memref<40x128xi32, #tpu.memory_space<vmem>> -> memref<1x128xi32, #tpu.memory_space<vmem>>
      %dma_start3A_215 = tpu.memref_squeeze %dma_start3A_214 : memref<1x128xi32, #tpu.memory_space<vmem>> -> memref<128xi32, #tpu.memory_space<vmem>>
      %dma_start3A_216 = arith.constant 0 : i32
      %dma_start3A_217 = arith.constant 0 : i32
      %dma_start3A_218 = tpu.memref_slice %arg6[%dma_start3A_216, %dma_start3A_217] : memref<10240x64xf32, #tpu.memory_space<vmem_shared>> -> memref<10240x64xf32, #tpu.memory_space<vmem_shared>>
      tpu.enqueue_indirect_dma source(%dma_start3A_212 : memref<128x64xf32, #tpu.memory_space<vmem>>) target(%dma_start3A_218 : memref<10240x64xf32, #tpu.memory_space<vmem_shared>>) offsets(%dma_start3A_215 : memref<128xi32, #tpu.memory_space<vmem>>) semaphore(%arg16 : memref<!tpu.dma_semaphore, #tpu.memory_space<semaphore_mem>>) {add = true}
      %mul3A_219 = arith.constant 4 : i32
      %mul3A_220 = arith.muli %while3A_186, %mul3A_219 : i32
      %add3A_221 = arith.constant 1 : i32
      %add3A_222 = arith.addi %mul3A_220, %add3A_221 : i32
      %add3A_223 = arith.constant 2 : i32
      %add3A_224 = arith.addi %add3A_222, %add3A_223 : i32
      %lt3A_225 = arith.cmpi slt, %add3A_224, %add3A_4 : i32
      %convert_element_type3A_226 = arith.extui %lt3A_225 : i1 to i32
      %cond3A_227 = arith.constant 0 : i32
      %cond3A_228 = arith.cmpi ne, %convert_element_type3A_226, %cond3A_227 : i32
      scf.if %cond3A_228 {
        %ge3A_315 = arith.constant 2 : i32
        %ge3A_316 = arith.cmpi sge, %add3A_222, %ge3A_315 : i32
        %convert_element_type3A_317 = arith.extui %ge3A_316 : i1 to i32
        %cond3A_318 = arith.constant 0 : i32
        %cond3A_319 = arith.cmpi ne, %convert_element_type3A_317, %cond3A_318 : i32
        scf.if %cond3A_319 {
          %sub3A_331 = arith.constant 2 : i32
          %sub3A_332 = arith.subi %add3A_222, %sub3A_331 : i32
          %dma_wait3A_333 = arith.constant 3 : i32
          %dma_wait3A_334 = arith.constant 0 : i32
          %dma_wait3A_335 = arith.constant 0 : i32
          %dma_wait3A_336 = tpu.memref_slice %arg10[%dma_wait3A_333, %dma_wait3A_334, %dma_wait3A_335] : memref<4x128x64xf32, #tpu.memory_space<vmem>> -> memref<1x128x64xf32, #tpu.memory_space<vmem>>
          %dma_wait3A_337 = tpu.memref_squeeze %dma_wait3A_336 : memref<1x128x64xf32, #tpu.memory_space<vmem>> -> memref<128x64xf32, #tpu.memory_space<vmem>>
          %dma_wait3A_338 = arith.constant 0 : i32
          %dma_wait3A_339 = tpu.memref_slice %arg9[%sub3A_332, %dma_wait3A_338] : memref<40x128xi32, #tpu.memory_space<vmem>> -> memref<1x128xi32, #tpu.memory_space<vmem>>
          %dma_wait3A_340 = tpu.memref_squeeze %dma_wait3A_339 : memref<1x128xi32, #tpu.memory_space<vmem>> -> memref<128xi32, #tpu.memory_space<vmem>>
          %dma_wait3A_341 = arith.constant 0 : i32
          %dma_wait3A_342 = arith.constant 0 : i32
          %dma_wait3A_343 = tpu.memref_slice %arg6[%dma_wait3A_341, %dma_wait3A_342] : memref<10240x64xf32, #tpu.memory_space<vmem_shared>> -> memref<10240x64xf32, #tpu.memory_space<vmem_shared>>
          tpu.wait_indirect_dma semaphore(%arg19 : memref<!tpu.dma_semaphore, #tpu.memory_space<semaphore_mem>>) src(%dma_wait3A_337 : memref<128x64xf32, #tpu.memory_space<vmem>>) dst(%dma_wait3A_343 : memref<10240x64xf32, #tpu.memory_space<vmem_shared>>)
        } else {
        }
        %dma_start3A_320 = arith.constant 3 : i32
        %dma_start3A_321 = arith.constant 0 : i32
        %dma_start3A_322 = arith.constant 0 : i32
        %dma_start3A_323 = tpu.memref_slice %arg10[%dma_start3A_320, %dma_start3A_321, %dma_start3A_322] : memref<4x128x64xf32, #tpu.memory_space<vmem>> -> memref<1x128x64xf32, #tpu.memory_space<vmem>>
        %dma_start3A_324 = tpu.memref_squeeze %dma_start3A_323 : memref<1x128x64xf32, #tpu.memory_space<vmem>> -> memref<128x64xf32, #tpu.memory_space<vmem>>
        %dma_start3A_325 = arith.constant 0 : i32
        %dma_start3A_326 = tpu.memref_slice %arg8[%add3A_224, %dma_start3A_325] : memref<40x128xi32, #tpu.memory_space<vmem>> -> memref<1x128xi32, #tpu.memory_space<vmem>>
        %dma_start3A_327 = tpu.memref_squeeze %dma_start3A_326 : memref<1x128xi32, #tpu.memory_space<vmem>> -> memref<128xi32, #tpu.memory_space<vmem>>
        %dma_start3A_328 = arith.constant 0 : i32
        %dma_start3A_329 = arith.constant 0 : i32
        %dma_start3A_330 = tpu.memref_slice %arg7[%dma_start3A_328, %dma_start3A_329] : memref<10240x64xf32, #tpu.memory_space<vmem_shared>> -> memref<10240x64xf32, #tpu.memory_space<vmem_shared>>
        tpu.enqueue_indirect_dma source(%dma_start3A_330 : memref<10240x64xf32, #tpu.memory_space<vmem_shared>>) target(%dma_start3A_324 : memref<128x64xf32, #tpu.memory_space<vmem>>) offsets(%dma_start3A_327 : memref<128xi32, #tpu.memory_space<vmem>>) semaphore(%arg15 : memref<!tpu.dma_semaphore, #tpu.memory_space<semaphore_mem>>)
      } else {
      }
      %dma_wait3A_229 = arith.constant 1 : i32
      %dma_wait3A_230 = arith.constant 0 : i32
      %dma_wait3A_231 = arith.constant 0 : i32
      %dma_wait3A_232 = tpu.memref_slice %arg10[%dma_wait3A_229, %dma_wait3A_230, %dma_wait3A_231] : memref<4x128x64xf32, #tpu.memory_space<vmem>> -> memref<1x128x64xf32, #tpu.memory_space<vmem>>
      %dma_wait3A_233 = tpu.memref_squeeze %dma_wait3A_232 : memref<1x128x64xf32, #tpu.memory_space<vmem>> -> memref<128x64xf32, #tpu.memory_space<vmem>>
      %dma_wait3A_234 = arith.constant 0 : i32
      %dma_wait3A_235 = tpu.memref_slice %arg8[%add3A_222, %dma_wait3A_234] : memref<40x128xi32, #tpu.memory_space<vmem>> -> memref<1x128xi32, #tpu.memory_space<vmem>>
      %dma_wait3A_236 = tpu.memref_squeeze %dma_wait3A_235 : memref<1x128xi32, #tpu.memory_space<vmem>> -> memref<128xi32, #tpu.memory_space<vmem>>
      %dma_wait3A_237 = arith.constant 0 : i32
      %dma_wait3A_238 = arith.constant 0 : i32
      %dma_wait3A_239 = tpu.memref_slice %arg7[%dma_wait3A_237, %dma_wait3A_238] : memref<10240x64xf32, #tpu.memory_space<vmem_shared>> -> memref<10240x64xf32, #tpu.memory_space<vmem_shared>>
      tpu.wait_indirect_dma semaphore(%arg13 : memref<!tpu.dma_semaphore, #tpu.memory_space<semaphore_mem>>) src(%dma_wait3A_239 : memref<10240x64xf32, #tpu.memory_space<vmem_shared>>) dst(%dma_wait3A_233 : memref<128x64xf32, #tpu.memory_space<vmem>>)
      %dma_start3A_240 = arith.constant 1 : i32
      %dma_start3A_241 = arith.constant 0 : i32
      %dma_start3A_242 = arith.constant 0 : i32
      %dma_start3A_243 = tpu.memref_slice %arg10[%dma_start3A_240, %dma_start3A_241, %dma_start3A_242] : memref<4x128x64xf32, #tpu.memory_space<vmem>> -> memref<1x128x64xf32, #tpu.memory_space<vmem>>
      %dma_start3A_244 = tpu.memref_squeeze %dma_start3A_243 : memref<1x128x64xf32, #tpu.memory_space<vmem>> -> memref<128x64xf32, #tpu.memory_space<vmem>>
      %dma_start3A_245 = arith.constant 0 : i32
      %dma_start3A_246 = tpu.memref_slice %arg9[%add3A_222, %dma_start3A_245] : memref<40x128xi32, #tpu.memory_space<vmem>> -> memref<1x128xi32, #tpu.memory_space<vmem>>
      %dma_start3A_247 = tpu.memref_squeeze %dma_start3A_246 : memref<1x128xi32, #tpu.memory_space<vmem>> -> memref<128xi32, #tpu.memory_space<vmem>>
      %dma_start3A_248 = arith.constant 0 : i32
      %dma_start3A_249 = arith.constant 0 : i32
      %dma_start3A_250 = tpu.memref_slice %arg6[%dma_start3A_248, %dma_start3A_249] : memref<10240x64xf32, #tpu.memory_space<vmem_shared>> -> memref<10240x64xf32, #tpu.memory_space<vmem_shared>>
      tpu.enqueue_indirect_dma source(%dma_start3A_244 : memref<128x64xf32, #tpu.memory_space<vmem>>) target(%dma_start3A_250 : memref<10240x64xf32, #tpu.memory_space<vmem_shared>>) offsets(%dma_start3A_247 : memref<128xi32, #tpu.memory_space<vmem>>) semaphore(%arg17 : memref<!tpu.dma_semaphore, #tpu.memory_space<semaphore_mem>>) {add = true}
      %mul3A_251 = arith.constant 4 : i32
      %mul3A_252 = arith.muli %while3A_186, %mul3A_251 : i32
      %add3A_253 = arith.constant 2 : i32
      %add3A_254 = arith.addi %mul3A_252, %add3A_253 : i32
      %add3A_255 = arith.constant 2 : i32
      %add3A_256 = arith.addi %add3A_254, %add3A_255 : i32
      %lt3A_257 = arith.cmpi slt, %add3A_256, %add3A_4 : i32
      %convert_element_type3A_258 = arith.extui %lt3A_257 : i1 to i32
      %cond3A_259 = arith.constant 0 : i32
      %cond3A_260 = arith.cmpi ne, %convert_element_type3A_258, %cond3A_259 : i32
      scf.if %cond3A_260 {
        %ge3A_315 = arith.constant 2 : i32
        %ge3A_316 = arith.cmpi sge, %add3A_254, %ge3A_315 : i32
        %convert_element_type3A_317 = arith.extui %ge3A_316 : i1 to i32
        %cond3A_318 = arith.constant 0 : i32
        %cond3A_319 = arith.cmpi ne, %convert_element_type3A_317, %cond3A_318 : i32
        scf.if %cond3A_319 {
          %sub3A_331 = arith.constant 2 : i32
          %sub3A_332 = arith.subi %add3A_254, %sub3A_331 : i32
          %dma_wait3A_333 = arith.constant 0 : i32
          %dma_wait3A_334 = arith.constant 0 : i32
          %dma_wait3A_335 = arith.constant 0 : i32
          %dma_wait3A_336 = tpu.memref_slice %arg10[%dma_wait3A_333, %dma_wait3A_334, %dma_wait3A_335] : memref<4x128x64xf32, #tpu.memory_space<vmem>> -> memref<1x128x64xf32, #tpu.memory_space<vmem>>
          %dma_wait3A_337 = tpu.memref_squeeze %dma_wait3A_336 : memref<1x128x64xf32, #tpu.memory_space<vmem>> -> memref<128x64xf32, #tpu.memory_space<vmem>>
          %dma_wait3A_338 = arith.constant 0 : i32
          %dma_wait3A_339 = tpu.memref_slice %arg9[%sub3A_332, %dma_wait3A_338] : memref<40x128xi32, #tpu.memory_space<vmem>> -> memref<1x128xi32, #tpu.memory_space<vmem>>
          %dma_wait3A_340 = tpu.memref_squeeze %dma_wait3A_339 : memref<1x128xi32, #tpu.memory_space<vmem>> -> memref<128xi32, #tpu.memory_space<vmem>>
          %dma_wait3A_341 = arith.constant 0 : i32
          %dma_wait3A_342 = arith.constant 0 : i32
          %dma_wait3A_343 = tpu.memref_slice %arg6[%dma_wait3A_341, %dma_wait3A_342] : memref<10240x64xf32, #tpu.memory_space<vmem_shared>> -> memref<10240x64xf32, #tpu.memory_space<vmem_shared>>
          tpu.wait_indirect_dma semaphore(%arg16 : memref<!tpu.dma_semaphore, #tpu.memory_space<semaphore_mem>>) src(%dma_wait3A_337 : memref<128x64xf32, #tpu.memory_space<vmem>>) dst(%dma_wait3A_343 : memref<10240x64xf32, #tpu.memory_space<vmem_shared>>)
        } else {
        }
        %dma_start3A_320 = arith.constant 0 : i32
        %dma_start3A_321 = arith.constant 0 : i32
        %dma_start3A_322 = arith.constant 0 : i32
        %dma_start3A_323 = tpu.memref_slice %arg10[%dma_start3A_320, %dma_start3A_321, %dma_start3A_322] : memref<4x128x64xf32, #tpu.memory_space<vmem>> -> memref<1x128x64xf32, #tpu.memory_space<vmem>>
        %dma_start3A_324 = tpu.memref_squeeze %dma_start3A_323 : memref<1x128x64xf32, #tpu.memory_space<vmem>> -> memref<128x64xf32, #tpu.memory_space<vmem>>
        %dma_start3A_325 = arith.constant 0 : i32
        %dma_start3A_326 = tpu.memref_slice %arg8[%add3A_256, %dma_start3A_325] : memref<40x128xi32, #tpu.memory_space<vmem>> -> memref<1x128xi32, #tpu.memory_space<vmem>>
        %dma_start3A_327 = tpu.memref_squeeze %dma_start3A_326 : memref<1x128xi32, #tpu.memory_space<vmem>> -> memref<128xi32, #tpu.memory_space<vmem>>
        %dma_start3A_328 = arith.constant 0 : i32
        %dma_start3A_329 = arith.constant 0 : i32
        %dma_start3A_330 = tpu.memref_slice %arg7[%dma_start3A_328, %dma_start3A_329] : memref<10240x64xf32, #tpu.memory_space<vmem_shared>> -> memref<10240x64xf32, #tpu.memory_space<vmem_shared>>
        tpu.enqueue_indirect_dma source(%dma_start3A_330 : memref<10240x64xf32, #tpu.memory_space<vmem_shared>>) target(%dma_start3A_324 : memref<128x64xf32, #tpu.memory_space<vmem>>) offsets(%dma_start3A_327 : memref<128xi32, #tpu.memory_space<vmem>>) semaphore(%arg12 : memref<!tpu.dma_semaphore, #tpu.memory_space<semaphore_mem>>)
      } else {
      }
      %dma_wait3A_261 = arith.constant 2 : i32
      %dma_wait3A_262 = arith.constant 0 : i32
      %dma_wait3A_263 = arith.constant 0 : i32
      %dma_wait3A_264 = tpu.memref_slice %arg10[%dma_wait3A_261, %dma_wait3A_262, %dma_wait3A_263] : memref<4x128x64xf32, #tpu.memory_space<vmem>> -> memref<1x128x64xf32, #tpu.memory_space<vmem>>
      %dma_wait3A_265 = tpu.memref_squeeze %dma_wait3A_264 : memref<1x128x64xf32, #tpu.memory_space<vmem>> -> memref<128x64xf32, #tpu.memory_space<vmem>>
      %dma_wait3A_266 = arith.constant 0 : i32
      %dma_wait3A_267 = tpu.memref_slice %arg8[%add3A_254, %dma_wait3A_266] : memref<40x128xi32, #tpu.memory_space<vmem>> -> memref<1x128xi32, #tpu.memory_space<vmem>>
      %dma_wait3A_268 = tpu.memref_squeeze %dma_wait3A_267 : memref<1x128xi32, #tpu.memory_space<vmem>> -> memref<128xi32, #tpu.memory_space<vmem>>
      %dma_wait3A_269 = arith.constant 0 : i32
      %dma_wait3A_270 = arith.constant 0 : i32
      %dma_wait3A_271 = tpu.memref_slice %arg7[%dma_wait3A_269, %dma_wait3A_270] : memref<10240x64xf32, #tpu.memory_space<vmem_shared>> -> memref<10240x64xf32, #tpu.memory_space<vmem_shared>>
      tpu.wait_indirect_dma semaphore(%arg14 : memref<!tpu.dma_semaphore, #tpu.memory_space<semaphore_mem>>) src(%dma_wait3A_271 : memref<10240x64xf32, #tpu.memory_space<vmem_shared>>) dst(%dma_wait3A_265 : memref<128x64xf32, #tpu.memory_space<vmem>>)
      %dma_start3A_272 = arith.constant 2 : i32
      %dma_start3A_273 = arith.constant 0 : i32
      %dma_start3A_274 = arith.constant 0 : i32
      %dma_start3A_275 = tpu.memref_slice %arg10[%dma_start3A_272, %dma_start3A_273, %dma_start3A_274] : memref<4x128x64xf32, #tpu.memory_space<vmem>> -> memref<1x128x64xf32, #tpu.memory_space<vmem>>
      %dma_start3A_276 = tpu.memref_squeeze %dma_start3A_275 : memref<1x128x64xf32, #tpu.memory_space<vmem>> -> memref<128x64xf32, #tpu.memory_space<vmem>>
      %dma_start3A_277 = arith.constant 0 : i32
      %dma_start3A_278 = tpu.memref_slice %arg9[%add3A_254, %dma_start3A_277] : memref<40x128xi32, #tpu.memory_space<vmem>> -> memref<1x128xi32, #tpu.memory_space<vmem>>
      %dma_start3A_279 = tpu.memref_squeeze %dma_start3A_278 : memref<1x128xi32, #tpu.memory_space<vmem>> -> memref<128xi32, #tpu.memory_space<vmem>>
      %dma_start3A_280 = arith.constant 0 : i32
      %dma_start3A_281 = arith.constant 0 : i32
      %dma_start3A_282 = tpu.memref_slice %arg6[%dma_start3A_280, %dma_start3A_281] : memref<10240x64xf32, #tpu.memory_space<vmem_shared>> -> memref<10240x64xf32, #tpu.memory_space<vmem_shared>>
      tpu.enqueue_indirect_dma source(%dma_start3A_276 : memref<128x64xf32, #tpu.memory_space<vmem>>) target(%dma_start3A_282 : memref<10240x64xf32, #tpu.memory_space<vmem_shared>>) offsets(%dma_start3A_279 : memref<128xi32, #tpu.memory_space<vmem>>) semaphore(%arg18 : memref<!tpu.dma_semaphore, #tpu.memory_space<semaphore_mem>>) {add = true}
      %mul3A_283 = arith.constant 4 : i32
      %mul3A_284 = arith.muli %while3A_186, %mul3A_283 : i32
      %add3A_285 = arith.constant 3 : i32
      %add3A_286 = arith.addi %mul3A_284, %add3A_285 : i32
      %add3A_287 = arith.constant 2 : i32
      %add3A_288 = arith.addi %add3A_286, %add3A_287 : i32
      %lt3A_289 = arith.cmpi slt, %add3A_288, %add3A_4 : i32
      %convert_element_type3A_290 = arith.extui %lt3A_289 : i1 to i32
      %cond3A_291 = arith.constant 0 : i32
      %cond3A_292 = arith.cmpi ne, %convert_element_type3A_290, %cond3A_291 : i32
      scf.if %cond3A_292 {
        %ge3A_315 = arith.constant 2 : i32
        %ge3A_316 = arith.cmpi sge, %add3A_286, %ge3A_315 : i32
        %convert_element_type3A_317 = arith.extui %ge3A_316 : i1 to i32
        %cond3A_318 = arith.constant 0 : i32
        %cond3A_319 = arith.cmpi ne, %convert_element_type3A_317, %cond3A_318 : i32
        scf.if %cond3A_319 {
          %sub3A_331 = arith.constant 2 : i32
          %sub3A_332 = arith.subi %add3A_286, %sub3A_331 : i32
          %dma_wait3A_333 = arith.constant 1 : i32
          %dma_wait3A_334 = arith.constant 0 : i32
          %dma_wait3A_335 = arith.constant 0 : i32
          %dma_wait3A_336 = tpu.memref_slice %arg10[%dma_wait3A_333, %dma_wait3A_334, %dma_wait3A_335] : memref<4x128x64xf32, #tpu.memory_space<vmem>> -> memref<1x128x64xf32, #tpu.memory_space<vmem>>
          %dma_wait3A_337 = tpu.memref_squeeze %dma_wait3A_336 : memref<1x128x64xf32, #tpu.memory_space<vmem>> -> memref<128x64xf32, #tpu.memory_space<vmem>>
          %dma_wait3A_338 = arith.constant 0 : i32
          %dma_wait3A_339 = tpu.memref_slice %arg9[%sub3A_332, %dma_wait3A_338] : memref<40x128xi32, #tpu.memory_space<vmem>> -> memref<1x128xi32, #tpu.memory_space<vmem>>
          %dma_wait3A_340 = tpu.memref_squeeze %dma_wait3A_339 : memref<1x128xi32, #tpu.memory_space<vmem>> -> memref<128xi32, #tpu.memory_space<vmem>>
          %dma_wait3A_341 = arith.constant 0 : i32
          %dma_wait3A_342 = arith.constant 0 : i32
          %dma_wait3A_343 = tpu.memref_slice %arg6[%dma_wait3A_341, %dma_wait3A_342] : memref<10240x64xf32, #tpu.memory_space<vmem_shared>> -> memref<10240x64xf32, #tpu.memory_space<vmem_shared>>
          tpu.wait_indirect_dma semaphore(%arg17 : memref<!tpu.dma_semaphore, #tpu.memory_space<semaphore_mem>>) src(%dma_wait3A_337 : memref<128x64xf32, #tpu.memory_space<vmem>>) dst(%dma_wait3A_343 : memref<10240x64xf32, #tpu.memory_space<vmem_shared>>)
        } else {
        }
        %dma_start3A_320 = arith.constant 1 : i32
        %dma_start3A_321 = arith.constant 0 : i32
        %dma_start3A_322 = arith.constant 0 : i32
        %dma_start3A_323 = tpu.memref_slice %arg10[%dma_start3A_320, %dma_start3A_321, %dma_start3A_322] : memref<4x128x64xf32, #tpu.memory_space<vmem>> -> memref<1x128x64xf32, #tpu.memory_space<vmem>>
        %dma_start3A_324 = tpu.memref_squeeze %dma_start3A_323 : memref<1x128x64xf32, #tpu.memory_space<vmem>> -> memref<128x64xf32, #tpu.memory_space<vmem>>
        %dma_start3A_325 = arith.constant 0 : i32
        %dma_start3A_326 = tpu.memref_slice %arg8[%add3A_288, %dma_start3A_325] : memref<40x128xi32, #tpu.memory_space<vmem>> -> memref<1x128xi32, #tpu.memory_space<vmem>>
        %dma_start3A_327 = tpu.memref_squeeze %dma_start3A_326 : memref<1x128xi32, #tpu.memory_space<vmem>> -> memref<128xi32, #tpu.memory_space<vmem>>
        %dma_start3A_328 = arith.constant 0 : i32
        %dma_start3A_329 = arith.constant 0 : i32
        %dma_start3A_330 = tpu.memref_slice %arg7[%dma_start3A_328, %dma_start3A_329] : memref<10240x64xf32, #tpu.memory_space<vmem_shared>> -> memref<10240x64xf32, #tpu.memory_space<vmem_shared>>
        tpu.enqueue_indirect_dma source(%dma_start3A_330 : memref<10240x64xf32, #tpu.memory_space<vmem_shared>>) target(%dma_start3A_324 : memref<128x64xf32, #tpu.memory_space<vmem>>) offsets(%dma_start3A_327 : memref<128xi32, #tpu.memory_space<vmem>>) semaphore(%arg13 : memref<!tpu.dma_semaphore, #tpu.memory_space<semaphore_mem>>)
      } else {
      }
      %dma_wait3A_293 = arith.constant 3 : i32
      %dma_wait3A_294 = arith.constant 0 : i32
      %dma_wait3A_295 = arith.constant 0 : i32
      %dma_wait3A_296 = tpu.memref_slice %arg10[%dma_wait3A_293, %dma_wait3A_294, %dma_wait3A_295] : memref<4x128x64xf32, #tpu.memory_space<vmem>> -> memref<1x128x64xf32, #tpu.memory_space<vmem>>
      %dma_wait3A_297 = tpu.memref_squeeze %dma_wait3A_296 : memref<1x128x64xf32, #tpu.memory_space<vmem>> -> memref<128x64xf32, #tpu.memory_space<vmem>>
      %dma_wait3A_298 = arith.constant 0 : i32
      %dma_wait3A_299 = tpu.memref_slice %arg8[%add3A_286, %dma_wait3A_298] : memref<40x128xi32, #tpu.memory_space<vmem>> -> memref<1x128xi32, #tpu.memory_space<vmem>>
      %dma_wait3A_300 = tpu.memref_squeeze %dma_wait3A_299 : memref<1x128xi32, #tpu.memory_space<vmem>> -> memref<128xi32, #tpu.memory_space<vmem>>
      %dma_wait3A_301 = arith.constant 0 : i32
      %dma_wait3A_302 = arith.constant 0 : i32
      %dma_wait3A_303 = tpu.memref_slice %arg7[%dma_wait3A_301, %dma_wait3A_302] : memref<10240x64xf32, #tpu.memory_space<vmem_shared>> -> memref<10240x64xf32, #tpu.memory_space<vmem_shared>>
      tpu.wait_indirect_dma semaphore(%arg15 : memref<!tpu.dma_semaphore, #tpu.memory_space<semaphore_mem>>) src(%dma_wait3A_303 : memref<10240x64xf32, #tpu.memory_space<vmem_shared>>) dst(%dma_wait3A_297 : memref<128x64xf32, #tpu.memory_space<vmem>>)
      %dma_start3A_304 = arith.constant 3 : i32
      %dma_start3A_305 = arith.constant 0 : i32
      %dma_start3A_306 = arith.constant 0 : i32
      %dma_start3A_307 = tpu.memref_slice %arg10[%dma_start3A_304, %dma_start3A_305, %dma_start3A_306] : memref<4x128x64xf32, #tpu.memory_space<vmem>> -> memref<1x128x64xf32, #tpu.memory_space<vmem>>
      %dma_start3A_308 = tpu.memref_squeeze %dma_start3A_307 : memref<1x128x64xf32, #tpu.memory_space<vmem>> -> memref<128x64xf32, #tpu.memory_space<vmem>>
      %dma_start3A_309 = arith.constant 0 : i32
      %dma_start3A_310 = tpu.memref_slice %arg9[%add3A_286, %dma_start3A_309] : memref<40x128xi32, #tpu.memory_space<vmem>> -> memref<1x128xi32, #tpu.memory_space<vmem>>
      %dma_start3A_311 = tpu.memref_squeeze %dma_start3A_310 : memref<1x128xi32, #tpu.memory_space<vmem>> -> memref<128xi32, #tpu.memory_space<vmem>>
      %dma_start3A_312 = arith.constant 0 : i32
      %dma_start3A_313 = arith.constant 0 : i32
      %dma_start3A_314 = tpu.memref_slice %arg6[%dma_start3A_312, %dma_start3A_313] : memref<10240x64xf32, #tpu.memory_space<vmem_shared>> -> memref<10240x64xf32, #tpu.memory_space<vmem_shared>>
      tpu.enqueue_indirect_dma source(%dma_start3A_308 : memref<128x64xf32, #tpu.memory_space<vmem>>) target(%dma_start3A_314 : memref<10240x64xf32, #tpu.memory_space<vmem_shared>>) offsets(%dma_start3A_311 : memref<128xi32, #tpu.memory_space<vmem>>) semaphore(%arg19 : memref<!tpu.dma_semaphore, #tpu.memory_space<semaphore_mem>>) {add = true}
    }
    %while3A_89 = arith.constant 1 : i32
    scf.for %while3A_186 = %while3A_87 to %while3A_83 step %while3A_89  : i32 {
      %mul3A_187 = arith.constant 4 : i32
      %mul3A_188 = arith.muli %while3A_186, %mul3A_187 : i32
      %add3A_189 = arith.constant 0 : i32
      %add3A_190 = arith.addi %mul3A_188, %add3A_189 : i32
      %add3A_191 = arith.constant 2 : i32
      %add3A_192 = arith.addi %add3A_190, %add3A_191 : i32
      %lt3A_193 = arith.cmpi slt, %add3A_192, %add3A_4 : i32
      %convert_element_type3A_194 = arith.extui %lt3A_193 : i1 to i32
      %cond3A_195 = arith.constant 0 : i32
      %cond3A_196 = arith.cmpi ne, %convert_element_type3A_194, %cond3A_195 : i32
      scf.if %cond3A_196 {
        %ge3A_315 = arith.constant 2 : i32
        %ge3A_316 = arith.cmpi sge, %add3A_190, %ge3A_315 : i32
        %convert_element_type3A_317 = arith.extui %ge3A_316 : i1 to i32
        %cond3A_318 = arith.constant 0 : i32
        %cond3A_319 = arith.cmpi ne, %convert_element_type3A_317, %cond3A_318 : i32
        scf.if %cond3A_319 {
          %sub3A_331 = arith.constant 2 : i32
          %sub3A_332 = arith.subi %add3A_190, %sub3A_331 : i32
          %dma_wait3A_333 = arith.constant 2 : i32
          %dma_wait3A_334 = arith.constant 0 : i32
          %dma_wait3A_335 = arith.constant 0 : i32
          %dma_wait3A_336 = tpu.memref_slice %arg10[%dma_wait3A_333, %dma_wait3A_334, %dma_wait3A_335] : memref<4x128x64xf32, #tpu.memory_space<vmem>> -> memref<1x128x64xf32, #tpu.memory_space<vmem>>
          %dma_wait3A_337 = tpu.memref_squeeze %dma_wait3A_336 : memref<1x128x64xf32, #tpu.memory_space<vmem>> -> memref<128x64xf32, #tpu.memory_space<vmem>>
          %dma_wait3A_338 = arith.constant 0 : i32
          %dma_wait3A_339 = tpu.memref_slice %arg9[%sub3A_332, %dma_wait3A_338] : memref<40x128xi32, #tpu.memory_space<vmem>> -> memref<1x128xi32, #tpu.memory_space<vmem>>
          %dma_wait3A_340 = tpu.memref_squeeze %dma_wait3A_339 : memref<1x128xi32, #tpu.memory_space<vmem>> -> memref<128xi32, #tpu.memory_space<vmem>>
          %dma_wait3A_341 = arith.constant 0 : i32
          %dma_wait3A_342 = arith.constant 0 : i32
          %dma_wait3A_343 = tpu.memref_slice %arg6[%dma_wait3A_341, %dma_wait3A_342] : memref<10240x64xf32, #tpu.memory_space<vmem_shared>> -> memref<10240x64xf32, #tpu.memory_space<vmem_shared>>
          tpu.wait_indirect_dma semaphore(%arg18 : memref<!tpu.dma_semaphore, #tpu.memory_space<semaphore_mem>>) src(%dma_wait3A_337 : memref<128x64xf32, #tpu.memory_space<vmem>>) dst(%dma_wait3A_343 : memref<10240x64xf32, #tpu.memory_space<vmem_shared>>)
        } else {
        }
        %dma_start3A_320 = arith.constant 2 : i32
        %dma_start3A_321 = arith.constant 0 : i32
        %dma_start3A_322 = arith.constant 0 : i32
        %dma_start3A_323 = tpu.memref_slice %arg10[%dma_start3A_320, %dma_start3A_321, %dma_start3A_322] : memref<4x128x64xf32, #tpu.memory_space<vmem>> -> memref<1x128x64xf32, #tpu.memory_space<vmem>>
        %dma_start3A_324 = tpu.memref_squeeze %dma_start3A_323 : memref<1x128x64xf32, #tpu.memory_space<vmem>> -> memref<128x64xf32, #tpu.memory_space<vmem>>
        %dma_start3A_325 = arith.constant 0 : i32
        %dma_start3A_326 = tpu.memref_slice %arg8[%add3A_192, %dma_start3A_325] : memref<40x128xi32, #tpu.memory_space<vmem>> -> memref<1x128xi32, #tpu.memory_space<vmem>>
        %dma_start3A_327 = tpu.memref_squeeze %dma_start3A_326 : memref<1x128xi32, #tpu.memory_space<vmem>> -> memref<128xi32, #tpu.memory_space<vmem>>
        %dma_start3A_328 = arith.constant 0 : i32
        %dma_start3A_329 = arith.constant 0 : i32
        %dma_start3A_330 = tpu.memref_slice %arg7[%dma_start3A_328, %dma_start3A_329] : memref<10240x64xf32, #tpu.memory_space<vmem_shared>> -> memref<10240x64xf32, #tpu.memory_space<vmem_shared>>
        tpu.enqueue_indirect_dma source(%dma_start3A_330 : memref<10240x64xf32, #tpu.memory_space<vmem_shared>>) target(%dma_start3A_324 : memref<128x64xf32, #tpu.memory_space<vmem>>) offsets(%dma_start3A_327 : memref<128xi32, #tpu.memory_space<vmem>>) semaphore(%arg14 : memref<!tpu.dma_semaphore, #tpu.memory_space<semaphore_mem>>)
      } else {
      }
      %dma_wait3A_197 = arith.constant 0 : i32
      %dma_wait3A_198 = arith.constant 0 : i32
      %dma_wait3A_199 = arith.constant 0 : i32
      %dma_wait3A_200 = tpu.memref_slice %arg10[%dma_wait3A_197, %dma_wait3A_198, %dma_wait3A_199] : memref<4x128x64xf32, #tpu.memory_space<vmem>> -> memref<1x128x64xf32, #tpu.memory_space<vmem>>
      %dma_wait3A_201 = tpu.memref_squeeze %dma_wait3A_200 : memref<1x128x64xf32, #tpu.memory_space<vmem>> -> memref<128x64xf32, #tpu.memory_space<vmem>>
      %dma_wait3A_202 = arith.constant 0 : i32
      %dma_wait3A_203 = tpu.memref_slice %arg8[%add3A_190, %dma_wait3A_202] : memref<40x128xi32, #tpu.memory_space<vmem>> -> memref<1x128xi32, #tpu.memory_space<vmem>>
      %dma_wait3A_204 = tpu.memref_squeeze %dma_wait3A_203 : memref<1x128xi32, #tpu.memory_space<vmem>> -> memref<128xi32, #tpu.memory_space<vmem>>
      %dma_wait3A_205 = arith.constant 0 : i32
      %dma_wait3A_206 = arith.constant 0 : i32
      %dma_wait3A_207 = tpu.memref_slice %arg7[%dma_wait3A_205, %dma_wait3A_206] : memref<10240x64xf32, #tpu.memory_space<vmem_shared>> -> memref<10240x64xf32, #tpu.memory_space<vmem_shared>>
      tpu.wait_indirect_dma semaphore(%arg12 : memref<!tpu.dma_semaphore, #tpu.memory_space<semaphore_mem>>) src(%dma_wait3A_207 : memref<10240x64xf32, #tpu.memory_space<vmem_shared>>) dst(%dma_wait3A_201 : memref<128x64xf32, #tpu.memory_space<vmem>>)
      %dma_start3A_208 = arith.constant 0 : i32
      %dma_start3A_209 = arith.constant 0 : i32
      %dma_start3A_210 = arith.constant 0 : i32
      %dma_start3A_211 = tpu.memref_slice %arg10[%dma_start3A_208, %dma_start3A_209, %dma_start3A_210] : memref<4x128x64xf32, #tpu.memory_space<vmem>> -> memref<1x128x64xf32, #tpu.memory_space<vmem>>
      %dma_start3A_212 = tpu.memref_squeeze %dma_start3A_211 : memref<1x128x64xf32, #tpu.memory_space<vmem>> -> memref<128x64xf32, #tpu.memory_space<vmem>>
      %dma_start3A_213 = arith.constant 0 : i32
      %dma_start3A_214 = tpu.memref_slice %arg9[%add3A_190, %dma_start3A_213] : memref<40x128xi32, #tpu.memory_space<vmem>> -> memref<1x128xi32, #tpu.memory_space<vmem>>
      %dma_start3A_215 = tpu.memref_squeeze %dma_start3A_214 : memref<1x128xi32, #tpu.memory_space<vmem>> -> memref<128xi32, #tpu.memory_space<vmem>>
      %dma_start3A_216 = arith.constant 0 : i32
      %dma_start3A_217 = arith.constant 0 : i32
      %dma_start3A_218 = tpu.memref_slice %arg6[%dma_start3A_216, %dma_start3A_217] : memref<10240x64xf32, #tpu.memory_space<vmem_shared>> -> memref<10240x64xf32, #tpu.memory_space<vmem_shared>>
      tpu.enqueue_indirect_dma source(%dma_start3A_212 : memref<128x64xf32, #tpu.memory_space<vmem>>) target(%dma_start3A_218 : memref<10240x64xf32, #tpu.memory_space<vmem_shared>>) offsets(%dma_start3A_215 : memref<128xi32, #tpu.memory_space<vmem>>) semaphore(%arg16 : memref<!tpu.dma_semaphore, #tpu.memory_space<semaphore_mem>>) {add = true}
      %mul3A_219 = arith.constant 4 : i32
      %mul3A_220 = arith.muli %while3A_186, %mul3A_219 : i32
      %add3A_221 = arith.constant 1 : i32
      %add3A_222 = arith.addi %mul3A_220, %add3A_221 : i32
      %add3A_223 = arith.constant 2 : i32
      %add3A_224 = arith.addi %add3A_222, %add3A_223 : i32
      %lt3A_225 = arith.cmpi slt, %add3A_224, %add3A_4 : i32
      %convert_element_type3A_226 = arith.extui %lt3A_225 : i1 to i32
      %cond3A_227 = arith.constant 0 : i32
      %cond3A_228 = arith.cmpi ne, %convert_element_type3A_226, %cond3A_227 : i32
      scf.if %cond3A_228 {
        %ge3A_315 = arith.constant 2 : i32
        %ge3A_316 = arith.cmpi sge, %add3A_222, %ge3A_315 : i32
        %convert_element_type3A_317 = arith.extui %ge3A_316 : i1 to i32
        %cond3A_318 = arith.constant 0 : i32
        %cond3A_319 = arith.cmpi ne, %convert_element_type3A_317, %cond3A_318 : i32
        scf.if %cond3A_319 {
          %sub3A_331 = arith.constant 2 : i32
          %sub3A_332 = arith.subi %add3A_222, %sub3A_331 : i32
          %dma_wait3A_333 = arith.constant 3 : i32
          %dma_wait3A_334 = arith.constant 0 : i32
          %dma_wait3A_335 = arith.constant 0 : i32
          %dma_wait3A_336 = tpu.memref_slice %arg10[%dma_wait3A_333, %dma_wait3A_334, %dma_wait3A_335] : memref<4x128x64xf32, #tpu.memory_space<vmem>> -> memref<1x128x64xf32, #tpu.memory_space<vmem>>
          %dma_wait3A_337 = tpu.memref_squeeze %dma_wait3A_336 : memref<1x128x64xf32, #tpu.memory_space<vmem>> -> memref<128x64xf32, #tpu.memory_space<vmem>>
          %dma_wait3A_338 = arith.constant 0 : i32
          %dma_wait3A_339 = tpu.memref_slice %arg9[%sub3A_332, %dma_wait3A_338] : memref<40x128xi32, #tpu.memory_space<vmem>> -> memref<1x128xi32, #tpu.memory_space<vmem>>
          %dma_wait3A_340 = tpu.memref_squeeze %dma_wait3A_339 : memref<1x128xi32, #tpu.memory_space<vmem>> -> memref<128xi32, #tpu.memory_space<vmem>>
          %dma_wait3A_341 = arith.constant 0 : i32
          %dma_wait3A_342 = arith.constant 0 : i32
          %dma_wait3A_343 = tpu.memref_slice %arg6[%dma_wait3A_341, %dma_wait3A_342] : memref<10240x64xf32, #tpu.memory_space<vmem_shared>> -> memref<10240x64xf32, #tpu.memory_space<vmem_shared>>
          tpu.wait_indirect_dma semaphore(%arg19 : memref<!tpu.dma_semaphore, #tpu.memory_space<semaphore_mem>>) src(%dma_wait3A_337 : memref<128x64xf32, #tpu.memory_space<vmem>>) dst(%dma_wait3A_343 : memref<10240x64xf32, #tpu.memory_space<vmem_shared>>)
        } else {
        }
        %dma_start3A_320 = arith.constant 3 : i32
        %dma_start3A_321 = arith.constant 0 : i32
        %dma_start3A_322 = arith.constant 0 : i32
        %dma_start3A_323 = tpu.memref_slice %arg10[%dma_start3A_320, %dma_start3A_321, %dma_start3A_322] : memref<4x128x64xf32, #tpu.memory_space<vmem>> -> memref<1x128x64xf32, #tpu.memory_space<vmem>>
        %dma_start3A_324 = tpu.memref_squeeze %dma_start3A_323 : memref<1x128x64xf32, #tpu.memory_space<vmem>> -> memref<128x64xf32, #tpu.memory_space<vmem>>
        %dma_start3A_325 = arith.constant 0 : i32
        %dma_start3A_326 = tpu.memref_slice %arg8[%add3A_224, %dma_start3A_325] : memref<40x128xi32, #tpu.memory_space<vmem>> -> memref<1x128xi32, #tpu.memory_space<vmem>>
        %dma_start3A_327 = tpu.memref_squeeze %dma_start3A_326 : memref<1x128xi32, #tpu.memory_space<vmem>> -> memref<128xi32, #tpu.memory_space<vmem>>
        %dma_start3A_328 = arith.constant 0 : i32
        %dma_start3A_329 = arith.constant 0 : i32
        %dma_start3A_330 = tpu.memref_slice %arg7[%dma_start3A_328, %dma_start3A_329] : memref<10240x64xf32, #tpu.memory_space<vmem_shared>> -> memref<10240x64xf32, #tpu.memory_space<vmem_shared>>
        tpu.enqueue_indirect_dma source(%dma_start3A_330 : memref<10240x64xf32, #tpu.memory_space<vmem_shared>>) target(%dma_start3A_324 : memref<128x64xf32, #tpu.memory_space<vmem>>) offsets(%dma_start3A_327 : memref<128xi32, #tpu.memory_space<vmem>>) semaphore(%arg15 : memref<!tpu.dma_semaphore, #tpu.memory_space<semaphore_mem>>)
      } else {
      }
      %dma_wait3A_229 = arith.constant 1 : i32
      %dma_wait3A_230 = arith.constant 0 : i32
      %dma_wait3A_231 = arith.constant 0 : i32
      %dma_wait3A_232 = tpu.memref_slice %arg10[%dma_wait3A_229, %dma_wait3A_230, %dma_wait3A_231] : memref<4x128x64xf32, #tpu.memory_space<vmem>> -> memref<1x128x64xf32, #tpu.memory_space<vmem>>
      %dma_wait3A_233 = tpu.memref_squeeze %dma_wait3A_232 : memref<1x128x64xf32, #tpu.memory_space<vmem>> -> memref<128x64xf32, #tpu.memory_space<vmem>>
      %dma_wait3A_234 = arith.constant 0 : i32
      %dma_wait3A_235 = tpu.memref_slice %arg8[%add3A_222, %dma_wait3A_234] : memref<40x128xi32, #tpu.memory_space<vmem>> -> memref<1x128xi32, #tpu.memory_space<vmem>>
      %dma_wait3A_236 = tpu.memref_squeeze %dma_wait3A_235 : memref<1x128xi32, #tpu.memory_space<vmem>> -> memref<128xi32, #tpu.memory_space<vmem>>
      %dma_wait3A_237 = arith.constant 0 : i32
      %dma_wait3A_238 = arith.constant 0 : i32
      %dma_wait3A_239 = tpu.memref_slice %arg7[%dma_wait3A_237, %dma_wait3A_238] : memref<10240x64xf32, #tpu.memory_space<vmem_shared>> -> memref<10240x64xf32, #tpu.memory_space<vmem_shared>>
      tpu.wait_indirect_dma semaphore(%arg13 : memref<!tpu.dma_semaphore, #tpu.memory_space<semaphore_mem>>) src(%dma_wait3A_239 : memref<10240x64xf32, #tpu.memory_space<vmem_shared>>) dst(%dma_wait3A_233 : memref<128x64xf32, #tpu.memory_space<vmem>>)
      %dma_start3A_240 = arith.constant 1 : i32
      %dma_start3A_241 = arith.constant 0 : i32
      %dma_start3A_242 = arith.constant 0 : i32
      %dma_start3A_243 = tpu.memref_slice %arg10[%dma_start3A_240, %dma_start3A_241, %dma_start3A_242] : memref<4x128x64xf32, #tpu.memory_space<vmem>> -> memref<1x128x64xf32, #tpu.memory_space<vmem>>
      %dma_start3A_244 = tpu.memref_squeeze %dma_start3A_243 : memref<1x128x64xf32, #tpu.memory_space<vmem>> -> memref<128x64xf32, #tpu.memory_space<vmem>>
      %dma_start3A_245 = arith.constant 0 : i32
      %dma_start3A_246 = tpu.memref_slice %arg9[%add3A_222, %dma_start3A_245] : memref<40x128xi32, #tpu.memory_space<vmem>> -> memref<1x128xi32, #tpu.memory_space<vmem>>
      %dma_start3A_247 = tpu.memref_squeeze %dma_start3A_246 : memref<1x128xi32, #tpu.memory_space<vmem>> -> memref<128xi32, #tpu.memory_space<vmem>>
      %dma_start3A_248 = arith.constant 0 : i32
      %dma_start3A_249 = arith.constant 0 : i32
      %dma_start3A_250 = tpu.memref_slice %arg6[%dma_start3A_248, %dma_start3A_249] : memref<10240x64xf32, #tpu.memory_space<vmem_shared>> -> memref<10240x64xf32, #tpu.memory_space<vmem_shared>>
      tpu.enqueue_indirect_dma source(%dma_start3A_244 : memref<128x64xf32, #tpu.memory_space<vmem>>) target(%dma_start3A_250 : memref<10240x64xf32, #tpu.memory_space<vmem_shared>>) offsets(%dma_start3A_247 : memref<128xi32, #tpu.memory_space<vmem>>) semaphore(%arg17 : memref<!tpu.dma_semaphore, #tpu.memory_space<semaphore_mem>>) {add = true}
      %mul3A_251 = arith.constant 4 : i32
      %mul3A_252 = arith.muli %while3A_186, %mul3A_251 : i32
      %add3A_253 = arith.constant 2 : i32
      %add3A_254 = arith.addi %mul3A_252, %add3A_253 : i32
      %add3A_255 = arith.constant 2 : i32
      %add3A_256 = arith.addi %add3A_254, %add3A_255 : i32
      %lt3A_257 = arith.cmpi slt, %add3A_256, %add3A_4 : i32
      %convert_element_type3A_258 = arith.extui %lt3A_257 : i1 to i32
      %cond3A_259 = arith.constant 0 : i32
      %cond3A_260 = arith.cmpi ne, %convert_element_type3A_258, %cond3A_259 : i32
      scf.if %cond3A_260 {
        %ge3A_315 = arith.constant 2 : i32
        %ge3A_316 = arith.cmpi sge, %add3A_254, %ge3A_315 : i32
        %convert_element_type3A_317 = arith.extui %ge3A_316 : i1 to i32
        %cond3A_318 = arith.constant 0 : i32
        %cond3A_319 = arith.cmpi ne, %convert_element_type3A_317, %cond3A_318 : i32
        scf.if %cond3A_319 {
          %sub3A_331 = arith.constant 2 : i32
          %sub3A_332 = arith.subi %add3A_254, %sub3A_331 : i32
          %dma_wait3A_333 = arith.constant 0 : i32
          %dma_wait3A_334 = arith.constant 0 : i32
          %dma_wait3A_335 = arith.constant 0 : i32
          %dma_wait3A_336 = tpu.memref_slice %arg10[%dma_wait3A_333, %dma_wait3A_334, %dma_wait3A_335] : memref<4x128x64xf32, #tpu.memory_space<vmem>> -> memref<1x128x64xf32, #tpu.memory_space<vmem>>
          %dma_wait3A_337 = tpu.memref_squeeze %dma_wait3A_336 : memref<1x128x64xf32, #tpu.memory_space<vmem>> -> memref<128x64xf32, #tpu.memory_space<vmem>>
          %dma_wait3A_338 = arith.constant 0 : i32
          %dma_wait3A_339 = tpu.memref_slice %arg9[%sub3A_332, %dma_wait3A_338] : memref<40x128xi32, #tpu.memory_space<vmem>> -> memref<1x128xi32, #tpu.memory_space<vmem>>
          %dma_wait3A_340 = tpu.memref_squeeze %dma_wait3A_339 : memref<1x128xi32, #tpu.memory_space<vmem>> -> memref<128xi32, #tpu.memory_space<vmem>>
          %dma_wait3A_341 = arith.constant 0 : i32
          %dma_wait3A_342 = arith.constant 0 : i32
          %dma_wait3A_343 = tpu.memref_slice %arg6[%dma_wait3A_341, %dma_wait3A_342] : memref<10240x64xf32, #tpu.memory_space<vmem_shared>> -> memref<10240x64xf32, #tpu.memory_space<vmem_shared>>
          tpu.wait_indirect_dma semaphore(%arg16 : memref<!tpu.dma_semaphore, #tpu.memory_space<semaphore_mem>>) src(%dma_wait3A_337 : memref<128x64xf32, #tpu.memory_space<vmem>>) dst(%dma_wait3A_343 : memref<10240x64xf32, #tpu.memory_space<vmem_shared>>)
        } else {
        }
        %dma_start3A_320 = arith.constant 0 : i32
        %dma_start3A_321 = arith.constant 0 : i32
        %dma_start3A_322 = arith.constant 0 : i32
        %dma_start3A_323 = tpu.memref_slice %arg10[%dma_start3A_320, %dma_start3A_321, %dma_start3A_322] : memref<4x128x64xf32, #tpu.memory_space<vmem>> -> memref<1x128x64xf32, #tpu.memory_space<vmem>>
        %dma_start3A_324 = tpu.memref_squeeze %dma_start3A_323 : memref<1x128x64xf32, #tpu.memory_space<vmem>> -> memref<128x64xf32, #tpu.memory_space<vmem>>
        %dma_start3A_325 = arith.constant 0 : i32
        %dma_start3A_326 = tpu.memref_slice %arg8[%add3A_256, %dma_start3A_325] : memref<40x128xi32, #tpu.memory_space<vmem>> -> memref<1x128xi32, #tpu.memory_space<vmem>>
        %dma_start3A_327 = tpu.memref_squeeze %dma_start3A_326 : memref<1x128xi32, #tpu.memory_space<vmem>> -> memref<128xi32, #tpu.memory_space<vmem>>
        %dma_start3A_328 = arith.constant 0 : i32
        %dma_start3A_329 = arith.constant 0 : i32
        %dma_start3A_330 = tpu.memref_slice %arg7[%dma_start3A_328, %dma_start3A_329] : memref<10240x64xf32, #tpu.memory_space<vmem_shared>> -> memref<10240x64xf32, #tpu.memory_space<vmem_shared>>
        tpu.enqueue_indirect_dma source(%dma_start3A_330 : memref<10240x64xf32, #tpu.memory_space<vmem_shared>>) target(%dma_start3A_324 : memref<128x64xf32, #tpu.memory_space<vmem>>) offsets(%dma_start3A_327 : memref<128xi32, #tpu.memory_space<vmem>>) semaphore(%arg12 : memref<!tpu.dma_semaphore, #tpu.memory_space<semaphore_mem>>)
      } else {
      }
      %dma_wait3A_261 = arith.constant 2 : i32
      %dma_wait3A_262 = arith.constant 0 : i32
      %dma_wait3A_263 = arith.constant 0 : i32
      %dma_wait3A_264 = tpu.memref_slice %arg10[%dma_wait3A_261, %dma_wait3A_262, %dma_wait3A_263] : memref<4x128x64xf32, #tpu.memory_space<vmem>> -> memref<1x128x64xf32, #tpu.memory_space<vmem>>
      %dma_wait3A_265 = tpu.memref_squeeze %dma_wait3A_264 : memref<1x128x64xf32, #tpu.memory_space<vmem>> -> memref<128x64xf32, #tpu.memory_space<vmem>>
      %dma_wait3A_266 = arith.constant 0 : i32
      %dma_wait3A_267 = tpu.memref_slice %arg8[%add3A_254, %dma_wait3A_266] : memref<40x128xi32, #tpu.memory_space<vmem>> -> memref<1x128xi32, #tpu.memory_space<vmem>>
      %dma_wait3A_268 = tpu.memref_squeeze %dma_wait3A_267 : memref<1x128xi32, #tpu.memory_space<vmem>> -> memref<128xi32, #tpu.memory_space<vmem>>
      %dma_wait3A_269 = arith.constant 0 : i32
      %dma_wait3A_270 = arith.constant 0 : i32
      %dma_wait3A_271 = tpu.memref_slice %arg7[%dma_wait3A_269, %dma_wait3A_270] : memref<10240x64xf32, #tpu.memory_space<vmem_shared>> -> memref<10240x64xf32, #tpu.memory_space<vmem_shared>>
      tpu.wait_indirect_dma semaphore(%arg14 : memref<!tpu.dma_semaphore, #tpu.memory_space<semaphore_mem>>) src(%dma_wait3A_271 : memref<10240x64xf32, #tpu.memory_space<vmem_shared>>) dst(%dma_wait3A_265 : memref<128x64xf32, #tpu.memory_space<vmem>>)
      %dma_start3A_272 = arith.constant 2 : i32
      %dma_start3A_273 = arith.constant 0 : i32
      %dma_start3A_274 = arith.constant 0 : i32
      %dma_start3A_275 = tpu.memref_slice %arg10[%dma_start3A_272, %dma_start3A_273, %dma_start3A_274] : memref<4x128x64xf32, #tpu.memory_space<vmem>> -> memref<1x128x64xf32, #tpu.memory_space<vmem>>
      %dma_start3A_276 = tpu.memref_squeeze %dma_start3A_275 : memref<1x128x64xf32, #tpu.memory_space<vmem>> -> memref<128x64xf32, #tpu.memory_space<vmem>>
      %dma_start3A_277 = arith.constant 0 : i32
      %dma_start3A_278 = tpu.memref_slice %arg9[%add3A_254, %dma_start3A_277] : memref<40x128xi32, #tpu.memory_space<vmem>> -> memref<1x128xi32, #tpu.memory_space<vmem>>
      %dma_start3A_279 = tpu.memref_squeeze %dma_start3A_278 : memref<1x128xi32, #tpu.memory_space<vmem>> -> memref<128xi32, #tpu.memory_space<vmem>>
      %dma_start3A_280 = arith.constant 0 : i32
      %dma_start3A_281 = arith.constant 0 : i32
      %dma_start3A_282 = tpu.memref_slice %arg6[%dma_start3A_280, %dma_start3A_281] : memref<10240x64xf32, #tpu.memory_space<vmem_shared>> -> memref<10240x64xf32, #tpu.memory_space<vmem_shared>>
      tpu.enqueue_indirect_dma source(%dma_start3A_276 : memref<128x64xf32, #tpu.memory_space<vmem>>) target(%dma_start3A_282 : memref<10240x64xf32, #tpu.memory_space<vmem_shared>>) offsets(%dma_start3A_279 : memref<128xi32, #tpu.memory_space<vmem>>) semaphore(%arg18 : memref<!tpu.dma_semaphore, #tpu.memory_space<semaphore_mem>>) {add = true}
      %mul3A_283 = arith.constant 4 : i32
      %mul3A_284 = arith.muli %while3A_186, %mul3A_283 : i32
      %add3A_285 = arith.constant 3 : i32
      %add3A_286 = arith.addi %mul3A_284, %add3A_285 : i32
      %add3A_287 = arith.constant 2 : i32
      %add3A_288 = arith.addi %add3A_286, %add3A_287 : i32
      %lt3A_289 = arith.cmpi slt, %add3A_288, %add3A_4 : i32
      %convert_element_type3A_290 = arith.extui %lt3A_289 : i1 to i32
      %cond3A_291 = arith.constant 0 : i32
      %cond3A_292 = arith.cmpi ne, %convert_element_type3A_290, %cond3A_291 : i32
      scf.if %cond3A_292 {
        %ge3A_315 = arith.constant 2 : i32
        %ge3A_316 = arith.cmpi sge, %add3A_286, %ge3A_315 : i32
        %convert_element_type3A_317 = arith.extui %ge3A_316 : i1 to i32
        %cond3A_318 = arith.constant 0 : i32
        %cond3A_319 = arith.cmpi ne, %convert_element_type3A_317, %cond3A_318 : i32
        scf.if %cond3A_319 {
          %sub3A_331 = arith.constant 2 : i32
          %sub3A_332 = arith.subi %add3A_286, %sub3A_331 : i32
          %dma_wait3A_333 = arith.constant 1 : i32
          %dma_wait3A_334 = arith.constant 0 : i32
          %dma_wait3A_335 = arith.constant 0 : i32
          %dma_wait3A_336 = tpu.memref_slice %arg10[%dma_wait3A_333, %dma_wait3A_334, %dma_wait3A_335] : memref<4x128x64xf32, #tpu.memory_space<vmem>> -> memref<1x128x64xf32, #tpu.memory_space<vmem>>
          %dma_wait3A_337 = tpu.memref_squeeze %dma_wait3A_336 : memref<1x128x64xf32, #tpu.memory_space<vmem>> -> memref<128x64xf32, #tpu.memory_space<vmem>>
          %dma_wait3A_338 = arith.constant 0 : i32
          %dma_wait3A_339 = tpu.memref_slice %arg9[%sub3A_332, %dma_wait3A_338] : memref<40x128xi32, #tpu.memory_space<vmem>> -> memref<1x128xi32, #tpu.memory_space<vmem>>
          %dma_wait3A_340 = tpu.memref_squeeze %dma_wait3A_339 : memref<1x128xi32, #tpu.memory_space<vmem>> -> memref<128xi32, #tpu.memory_space<vmem>>
          %dma_wait3A_341 = arith.constant 0 : i32
          %dma_wait3A_342 = arith.constant 0 : i32
          %dma_wait3A_343 = tpu.memref_slice %arg6[%dma_wait3A_341, %dma_wait3A_342] : memref<10240x64xf32, #tpu.memory_space<vmem_shared>> -> memref<10240x64xf32, #tpu.memory_space<vmem_shared>>
          tpu.wait_indirect_dma semaphore(%arg17 : memref<!tpu.dma_semaphore, #tpu.memory_space<semaphore_mem>>) src(%dma_wait3A_337 : memref<128x64xf32, #tpu.memory_space<vmem>>) dst(%dma_wait3A_343 : memref<10240x64xf32, #tpu.memory_space<vmem_shared>>)
        } else {
        }
        %dma_start3A_320 = arith.constant 1 : i32
        %dma_start3A_321 = arith.constant 0 : i32
        %dma_start3A_322 = arith.constant 0 : i32
        %dma_start3A_323 = tpu.memref_slice %arg10[%dma_start3A_320, %dma_start3A_321, %dma_start3A_322] : memref<4x128x64xf32, #tpu.memory_space<vmem>> -> memref<1x128x64xf32, #tpu.memory_space<vmem>>
        %dma_start3A_324 = tpu.memref_squeeze %dma_start3A_323 : memref<1x128x64xf32, #tpu.memory_space<vmem>> -> memref<128x64xf32, #tpu.memory_space<vmem>>
        %dma_start3A_325 = arith.constant 0 : i32
        %dma_start3A_326 = tpu.memref_slice %arg8[%add3A_288, %dma_start3A_325] : memref<40x128xi32, #tpu.memory_space<vmem>> -> memref<1x128xi32, #tpu.memory_space<vmem>>
        %dma_start3A_327 = tpu.memref_squeeze %dma_start3A_326 : memref<1x128xi32, #tpu.memory_space<vmem>> -> memref<128xi32, #tpu.memory_space<vmem>>
        %dma_start3A_328 = arith.constant 0 : i32
        %dma_start3A_329 = arith.constant 0 : i32
        %dma_start3A_330 = tpu.memref_slice %arg7[%dma_start3A_328, %dma_start3A_329] : memref<10240x64xf32, #tpu.memory_space<vmem_shared>> -> memref<10240x64xf32, #tpu.memory_space<vmem_shared>>
        tpu.enqueue_indirect_dma source(%dma_start3A_330 : memref<10240x64xf32, #tpu.memory_space<vmem_shared>>) target(%dma_start3A_324 : memref<128x64xf32, #tpu.memory_space<vmem>>) offsets(%dma_start3A_327 : memref<128xi32, #tpu.memory_space<vmem>>) semaphore(%arg13 : memref<!tpu.dma_semaphore, #tpu.memory_space<semaphore_mem>>)
      } else {
      }
      %dma_wait3A_293 = arith.constant 3 : i32
      %dma_wait3A_294 = arith.constant 0 : i32
      %dma_wait3A_295 = arith.constant 0 : i32
      %dma_wait3A_296 = tpu.memref_slice %arg10[%dma_wait3A_293, %dma_wait3A_294, %dma_wait3A_295] : memref<4x128x64xf32, #tpu.memory_space<vmem>> -> memref<1x128x64xf32, #tpu.memory_space<vmem>>
      %dma_wait3A_297 = tpu.memref_squeeze %dma_wait3A_296 : memref<1x128x64xf32, #tpu.memory_space<vmem>> -> memref<128x64xf32, #tpu.memory_space<vmem>>
      %dma_wait3A_298 = arith.constant 0 : i32
      %dma_wait3A_299 = tpu.memref_slice %arg8[%add3A_286, %dma_wait3A_298] : memref<40x128xi32, #tpu.memory_space<vmem>> -> memref<1x128xi32, #tpu.memory_space<vmem>>
      %dma_wait3A_300 = tpu.memref_squeeze %dma_wait3A_299 : memref<1x128xi32, #tpu.memory_space<vmem>> -> memref<128xi32, #tpu.memory_space<vmem>>
      %dma_wait3A_301 = arith.constant 0 : i32
      %dma_wait3A_302 = arith.constant 0 : i32
      %dma_wait3A_303 = tpu.memref_slice %arg7[%dma_wait3A_301, %dma_wait3A_302] : memref<10240x64xf32, #tpu.memory_space<vmem_shared>> -> memref<10240x64xf32, #tpu.memory_space<vmem_shared>>
      tpu.wait_indirect_dma semaphore(%arg15 : memref<!tpu.dma_semaphore, #tpu.memory_space<semaphore_mem>>) src(%dma_wait3A_303 : memref<10240x64xf32, #tpu.memory_space<vmem_shared>>) dst(%dma_wait3A_297 : memref<128x64xf32, #tpu.memory_space<vmem>>)
      %dma_start3A_304 = arith.constant 3 : i32
      %dma_start3A_305 = arith.constant 0 : i32
      %dma_start3A_306 = arith.constant 0 : i32
      %dma_start3A_307 = tpu.memref_slice %arg10[%dma_start3A_304, %dma_start3A_305, %dma_start3A_306] : memref<4x128x64xf32, #tpu.memory_space<vmem>> -> memref<1x128x64xf32, #tpu.memory_space<vmem>>
      %dma_start3A_308 = tpu.memref_squeeze %dma_start3A_307 : memref<1x128x64xf32, #tpu.memory_space<vmem>> -> memref<128x64xf32, #tpu.memory_space<vmem>>
      %dma_start3A_309 = arith.constant 0 : i32
      %dma_start3A_310 = tpu.memref_slice %arg9[%add3A_286, %dma_start3A_309] : memref<40x128xi32, #tpu.memory_space<vmem>> -> memref<1x128xi32, #tpu.memory_space<vmem>>
      %dma_start3A_311 = tpu.memref_squeeze %dma_start3A_310 : memref<1x128xi32, #tpu.memory_space<vmem>> -> memref<128xi32, #tpu.memory_space<vmem>>
      %dma_start3A_312 = arith.constant 0 : i32
      %dma_start3A_313 = arith.constant 0 : i32
      %dma_start3A_314 = tpu.memref_slice %arg6[%dma_start3A_312, %dma_start3A_313] : memref<10240x64xf32, #tpu.memory_space<vmem_shared>> -> memref<10240x64xf32, #tpu.memory_space<vmem_shared>>
      tpu.enqueue_indirect_dma source(%dma_start3A_308 : memref<128x64xf32, #tpu.memory_space<vmem>>) target(%dma_start3A_314 : memref<10240x64xf32, #tpu.memory_space<vmem_shared>>) offsets(%dma_start3A_311 : memref<128xi32, #tpu.memory_space<vmem>>) semaphore(%arg19 : memref<!tpu.dma_semaphore, #tpu.memory_space<semaphore_mem>>) {add = true}
    }
    %jit3A_90 = arith.constant 4 : i32
    %div3A_91 = arith.divsi %add3A_4, %jit3A_90 : i32
    %sign3A_92 = arith.constant 0 : i32
    %sign3A_93 = arith.cmpi sgt, %add3A_4, %sign3A_92 : i32
    %sign3A_94 = arith.extui %sign3A_93 : i1 to i32
    %sign3A_95 = arith.constant 0 : i32
    %sign3A_96 = arith.cmpi slt, %add3A_4, %sign3A_95 : i32
    %sign3A_97 = arith.extui %sign3A_96 : i1 to i32
    %sign3A_98 = arith.subi %sign3A_94, %sign3A_97 : i32
    %sign3A_99 = arith.constant 0 : i32
    %sign3A_100 = arith.cmpi sgt, %jit3A_90, %sign3A_99 : i32
    %sign3A_101 = arith.extui %sign3A_100 : i1 to i32
    %sign3A_102 = arith.constant 0 : i32
    %sign3A_103 = arith.cmpi slt, %jit3A_90, %sign3A_102 : i32
    %sign3A_104 = arith.extui %sign3A_103 : i1 to i32
    %sign3A_105 = arith.subi %sign3A_101, %sign3A_104 : i32
    %ne3A_106 = arith.cmpi ne, %sign3A_98, %sign3A_105 : i32
    %rem3A_107 = arith.remsi %add3A_4, %jit3A_90 : i32
    %ne3A_108 = arith.constant 0 : i32
    %ne3A_109 = arith.cmpi ne, %rem3A_107, %ne3A_108 : i32
    %and3A_110 = arith.andi %ne3A_106, %ne3A_109 : i1
    %sub3A_111 = arith.constant 1 : i32
    %sub3A_112 = arith.subi %div3A_91, %sub3A_111 : i32
    %select_n3A_113 = arith.select %and3A_110, %sub3A_112, %div3A_91 : i32
    %mul3A_114 = arith.constant 4 : i32
    %mul3A_115 = arith.muli %select_n3A_113, %mul3A_114 : i32
    %add3A_116 = arith.constant 0 : i32
    %add3A_117 = arith.addi %mul3A_115, %add3A_116 : i32
    %lt3A = arith.cmpi slt, %add3A_117, %add3A_4 : i32
    %convert_element_type3A = arith.extui %lt3A : i1 to i32
    %cond3A = arith.constant 0 : i32
    %cond3A_118 = arith.cmpi ne, %convert_element_type3A, %cond3A : i32
    scf.if %cond3A_118 {
      %add3A_186 = arith.constant 0 : i32
      %add3A_187 = arith.addi %mul3A_115, %add3A_186 : i32
      %add3A_188 = arith.constant 2 : i32
      %add3A_189 = arith.addi %add3A_187, %add3A_188 : i32
      %lt3A_190 = arith.cmpi slt, %add3A_189, %add3A_4 : i32
      %convert_element_type3A_191 = arith.extui %lt3A_190 : i1 to i32
      %cond3A_192 = arith.constant 0 : i32
      %cond3A_193 = arith.cmpi ne, %convert_element_type3A_191, %cond3A_192 : i32
      scf.if %cond3A_193 {
        %ge3A_216 = arith.constant 2 : i32
        %ge3A_217 = arith.cmpi sge, %add3A_187, %ge3A_216 : i32
        %convert_element_type3A_218 = arith.extui %ge3A_217 : i1 to i32
        %cond3A_219 = arith.constant 0 : i32
        %cond3A_220 = arith.cmpi ne, %convert_element_type3A_218, %cond3A_219 : i32
        scf.if %cond3A_220 {
          %sub3A_232 = arith.constant 2 : i32
          %sub3A_233 = arith.subi %add3A_187, %sub3A_232 : i32
          %dma_wait3A_234 = arith.constant 2 : i32
          %dma_wait3A_235 = arith.constant 0 : i32
          %dma_wait3A_236 = arith.constant 0 : i32
          %dma_wait3A_237 = tpu.memref_slice %arg10[%dma_wait3A_234, %dma_wait3A_235, %dma_wait3A_236] : memref<4x128x64xf32, #tpu.memory_space<vmem>> -> memref<1x128x64xf32, #tpu.memory_space<vmem>>
          %dma_wait3A_238 = tpu.memref_squeeze %dma_wait3A_237 : memref<1x128x64xf32, #tpu.memory_space<vmem>> -> memref<128x64xf32, #tpu.memory_space<vmem>>
          %dma_wait3A_239 = arith.constant 0 : i32
          %dma_wait3A_240 = tpu.memref_slice %arg9[%sub3A_233, %dma_wait3A_239] : memref<40x128xi32, #tpu.memory_space<vmem>> -> memref<1x128xi32, #tpu.memory_space<vmem>>
          %dma_wait3A_241 = tpu.memref_squeeze %dma_wait3A_240 : memref<1x128xi32, #tpu.memory_space<vmem>> -> memref<128xi32, #tpu.memory_space<vmem>>
          %dma_wait3A_242 = arith.constant 0 : i32
          %dma_wait3A_243 = arith.constant 0 : i32
          %dma_wait3A_244 = tpu.memref_slice %arg6[%dma_wait3A_242, %dma_wait3A_243] : memref<10240x64xf32, #tpu.memory_space<vmem_shared>> -> memref<10240x64xf32, #tpu.memory_space<vmem_shared>>
          tpu.wait_indirect_dma semaphore(%arg18 : memref<!tpu.dma_semaphore, #tpu.memory_space<semaphore_mem>>) src(%dma_wait3A_238 : memref<128x64xf32, #tpu.memory_space<vmem>>) dst(%dma_wait3A_244 : memref<10240x64xf32, #tpu.memory_space<vmem_shared>>)
        } else {
        }
        %dma_start3A_221 = arith.constant 2 : i32
        %dma_start3A_222 = arith.constant 0 : i32
        %dma_start3A_223 = arith.constant 0 : i32
        %dma_start3A_224 = tpu.memref_slice %arg10[%dma_start3A_221, %dma_start3A_222, %dma_start3A_223] : memref<4x128x64xf32, #tpu.memory_space<vmem>> -> memref<1x128x64xf32, #tpu.memory_space<vmem>>
        %dma_start3A_225 = tpu.memref_squeeze %dma_start3A_224 : memref<1x128x64xf32, #tpu.memory_space<vmem>> -> memref<128x64xf32, #tpu.memory_space<vmem>>
        %dma_start3A_226 = arith.constant 0 : i32
        %dma_start3A_227 = tpu.memref_slice %arg8[%add3A_189, %dma_start3A_226] : memref<40x128xi32, #tpu.memory_space<vmem>> -> memref<1x128xi32, #tpu.memory_space<vmem>>
        %dma_start3A_228 = tpu.memref_squeeze %dma_start3A_227 : memref<1x128xi32, #tpu.memory_space<vmem>> -> memref<128xi32, #tpu.memory_space<vmem>>
        %dma_start3A_229 = arith.constant 0 : i32
        %dma_start3A_230 = arith.constant 0 : i32
        %dma_start3A_231 = tpu.memref_slice %arg7[%dma_start3A_229, %dma_start3A_230] : memref<10240x64xf32, #tpu.memory_space<vmem_shared>> -> memref<10240x64xf32, #tpu.memory_space<vmem_shared>>
        tpu.enqueue_indirect_dma source(%dma_start3A_231 : memref<10240x64xf32, #tpu.memory_space<vmem_shared>>) target(%dma_start3A_225 : memref<128x64xf32, #tpu.memory_space<vmem>>) offsets(%dma_start3A_228 : memref<128xi32, #tpu.memory_space<vmem>>) semaphore(%arg14 : memref<!tpu.dma_semaphore, #tpu.memory_space<semaphore_mem>>)
      } else {
      }
      %dma_wait3A_194 = arith.constant 0 : i32
      %dma_wait3A_195 = arith.constant 0 : i32
      %dma_wait3A_196 = arith.constant 0 : i32
      %dma_wait3A_197 = tpu.memref_slice %arg10[%dma_wait3A_194, %dma_wait3A_195, %dma_wait3A_196] : memref<4x128x64xf32, #tpu.memory_space<vmem>> -> memref<1x128x64xf32, #tpu.memory_space<vmem>>
      %dma_wait3A_198 = tpu.memref_squeeze %dma_wait3A_197 : memref<1x128x64xf32, #tpu.memory_space<vmem>> -> memref<128x64xf32, #tpu.memory_space<vmem>>
      %dma_wait3A_199 = arith.constant 0 : i32
      %dma_wait3A_200 = tpu.memref_slice %arg8[%add3A_187, %dma_wait3A_199] : memref<40x128xi32, #tpu.memory_space<vmem>> -> memref<1x128xi32, #tpu.memory_space<vmem>>
      %dma_wait3A_201 = tpu.memref_squeeze %dma_wait3A_200 : memref<1x128xi32, #tpu.memory_space<vmem>> -> memref<128xi32, #tpu.memory_space<vmem>>
      %dma_wait3A_202 = arith.constant 0 : i32
      %dma_wait3A_203 = arith.constant 0 : i32
      %dma_wait3A_204 = tpu.memref_slice %arg7[%dma_wait3A_202, %dma_wait3A_203] : memref<10240x64xf32, #tpu.memory_space<vmem_shared>> -> memref<10240x64xf32, #tpu.memory_space<vmem_shared>>
      tpu.wait_indirect_dma semaphore(%arg12 : memref<!tpu.dma_semaphore, #tpu.memory_space<semaphore_mem>>) src(%dma_wait3A_204 : memref<10240x64xf32, #tpu.memory_space<vmem_shared>>) dst(%dma_wait3A_198 : memref<128x64xf32, #tpu.memory_space<vmem>>)
      %dma_start3A_205 = arith.constant 0 : i32
      %dma_start3A_206 = arith.constant 0 : i32
      %dma_start3A_207 = arith.constant 0 : i32
      %dma_start3A_208 = tpu.memref_slice %arg10[%dma_start3A_205, %dma_start3A_206, %dma_start3A_207] : memref<4x128x64xf32, #tpu.memory_space<vmem>> -> memref<1x128x64xf32, #tpu.memory_space<vmem>>
      %dma_start3A_209 = tpu.memref_squeeze %dma_start3A_208 : memref<1x128x64xf32, #tpu.memory_space<vmem>> -> memref<128x64xf32, #tpu.memory_space<vmem>>
      %dma_start3A_210 = arith.constant 0 : i32
      %dma_start3A_211 = tpu.memref_slice %arg9[%add3A_187, %dma_start3A_210] : memref<40x128xi32, #tpu.memory_space<vmem>> -> memref<1x128xi32, #tpu.memory_space<vmem>>
      %dma_start3A_212 = tpu.memref_squeeze %dma_start3A_211 : memref<1x128xi32, #tpu.memory_space<vmem>> -> memref<128xi32, #tpu.memory_space<vmem>>
      %dma_start3A_213 = arith.constant 0 : i32
      %dma_start3A_214 = arith.constant 0 : i32
      %dma_start3A_215 = tpu.memref_slice %arg6[%dma_start3A_213, %dma_start3A_214] : memref<10240x64xf32, #tpu.memory_space<vmem_shared>> -> memref<10240x64xf32, #tpu.memory_space<vmem_shared>>
      tpu.enqueue_indirect_dma source(%dma_start3A_209 : memref<128x64xf32, #tpu.memory_space<vmem>>) target(%dma_start3A_215 : memref<10240x64xf32, #tpu.memory_space<vmem_shared>>) offsets(%dma_start3A_212 : memref<128xi32, #tpu.memory_space<vmem>>) semaphore(%arg16 : memref<!tpu.dma_semaphore, #tpu.memory_space<semaphore_mem>>) {add = true}
    } else {
    }
    %add3A_119 = arith.constant 1 : i32
    %add3A_120 = arith.addi %mul3A_115, %add3A_119 : i32
    %lt3A_121 = arith.cmpi slt, %add3A_120, %add3A_4 : i32
    %convert_element_type3A_122 = arith.extui %lt3A_121 : i1 to i32
    %cond3A_123 = arith.constant 0 : i32
    %cond3A_124 = arith.cmpi ne, %convert_element_type3A_122, %cond3A_123 : i32
    scf.if %cond3A_124 {
      %add3A_186 = arith.constant 1 : i32
      %add3A_187 = arith.addi %mul3A_115, %add3A_186 : i32
      %add3A_188 = arith.constant 2 : i32
      %add3A_189 = arith.addi %add3A_187, %add3A_188 : i32
      %lt3A_190 = arith.cmpi slt, %add3A_189, %add3A_4 : i32
      %convert_element_type3A_191 = arith.extui %lt3A_190 : i1 to i32
      %cond3A_192 = arith.constant 0 : i32
      %cond3A_193 = arith.cmpi ne, %convert_element_type3A_191, %cond3A_192 : i32
      scf.if %cond3A_193 {
        %ge3A_216 = arith.constant 2 : i32
        %ge3A_217 = arith.cmpi sge, %add3A_187, %ge3A_216 : i32
        %convert_element_type3A_218 = arith.extui %ge3A_217 : i1 to i32
        %cond3A_219 = arith.constant 0 : i32
        %cond3A_220 = arith.cmpi ne, %convert_element_type3A_218, %cond3A_219 : i32
        scf.if %cond3A_220 {
          %sub3A_232 = arith.constant 2 : i32
          %sub3A_233 = arith.subi %add3A_187, %sub3A_232 : i32
          %dma_wait3A_234 = arith.constant 3 : i32
          %dma_wait3A_235 = arith.constant 0 : i32
          %dma_wait3A_236 = arith.constant 0 : i32
          %dma_wait3A_237 = tpu.memref_slice %arg10[%dma_wait3A_234, %dma_wait3A_235, %dma_wait3A_236] : memref<4x128x64xf32, #tpu.memory_space<vmem>> -> memref<1x128x64xf32, #tpu.memory_space<vmem>>
          %dma_wait3A_238 = tpu.memref_squeeze %dma_wait3A_237 : memref<1x128x64xf32, #tpu.memory_space<vmem>> -> memref<128x64xf32, #tpu.memory_space<vmem>>
          %dma_wait3A_239 = arith.constant 0 : i32
          %dma_wait3A_240 = tpu.memref_slice %arg9[%sub3A_233, %dma_wait3A_239] : memref<40x128xi32, #tpu.memory_space<vmem>> -> memref<1x128xi32, #tpu.memory_space<vmem>>
          %dma_wait3A_241 = tpu.memref_squeeze %dma_wait3A_240 : memref<1x128xi32, #tpu.memory_space<vmem>> -> memref<128xi32, #tpu.memory_space<vmem>>
          %dma_wait3A_242 = arith.constant 0 : i32
          %dma_wait3A_243 = arith.constant 0 : i32
          %dma_wait3A_244 = tpu.memref_slice %arg6[%dma_wait3A_242, %dma_wait3A_243] : memref<10240x64xf32, #tpu.memory_space<vmem_shared>> -> memref<10240x64xf32, #tpu.memory_space<vmem_shared>>
          tpu.wait_indirect_dma semaphore(%arg19 : memref<!tpu.dma_semaphore, #tpu.memory_space<semaphore_mem>>) src(%dma_wait3A_238 : memref<128x64xf32, #tpu.memory_space<vmem>>) dst(%dma_wait3A_244 : memref<10240x64xf32, #tpu.memory_space<vmem_shared>>)
        } else {
        }
        %dma_start3A_221 = arith.constant 3 : i32
        %dma_start3A_222 = arith.constant 0 : i32
        %dma_start3A_223 = arith.constant 0 : i32
        %dma_start3A_224 = tpu.memref_slice %arg10[%dma_start3A_221, %dma_start3A_222, %dma_start3A_223] : memref<4x128x64xf32, #tpu.memory_space<vmem>> -> memref<1x128x64xf32, #tpu.memory_space<vmem>>
        %dma_start3A_225 = tpu.memref_squeeze %dma_start3A_224 : memref<1x128x64xf32, #tpu.memory_space<vmem>> -> memref<128x64xf32, #tpu.memory_space<vmem>>
        %dma_start3A_226 = arith.constant 0 : i32
        %dma_start3A_227 = tpu.memref_slice %arg8[%add3A_189, %dma_start3A_226] : memref<40x128xi32, #tpu.memory_space<vmem>> -> memref<1x128xi32, #tpu.memory_space<vmem>>
        %dma_start3A_228 = tpu.memref_squeeze %dma_start3A_227 : memref<1x128xi32, #tpu.memory_space<vmem>> -> memref<128xi32, #tpu.memory_space<vmem>>
        %dma_start3A_229 = arith.constant 0 : i32
        %dma_start3A_230 = arith.constant 0 : i32
        %dma_start3A_231 = tpu.memref_slice %arg7[%dma_start3A_229, %dma_start3A_230] : memref<10240x64xf32, #tpu.memory_space<vmem_shared>> -> memref<10240x64xf32, #tpu.memory_space<vmem_shared>>
        tpu.enqueue_indirect_dma source(%dma_start3A_231 : memref<10240x64xf32, #tpu.memory_space<vmem_shared>>) target(%dma_start3A_225 : memref<128x64xf32, #tpu.memory_space<vmem>>) offsets(%dma_start3A_228 : memref<128xi32, #tpu.memory_space<vmem>>) semaphore(%arg15 : memref<!tpu.dma_semaphore, #tpu.memory_space<semaphore_mem>>)
      } else {
      }
      %dma_wait3A_194 = arith.constant 1 : i32
      %dma_wait3A_195 = arith.constant 0 : i32
      %dma_wait3A_196 = arith.constant 0 : i32
      %dma_wait3A_197 = tpu.memref_slice %arg10[%dma_wait3A_194, %dma_wait3A_195, %dma_wait3A_196] : memref<4x128x64xf32, #tpu.memory_space<vmem>> -> memref<1x128x64xf32, #tpu.memory_space<vmem>>
      %dma_wait3A_198 = tpu.memref_squeeze %dma_wait3A_197 : memref<1x128x64xf32, #tpu.memory_space<vmem>> -> memref<128x64xf32, #tpu.memory_space<vmem>>
      %dma_wait3A_199 = arith.constant 0 : i32
      %dma_wait3A_200 = tpu.memref_slice %arg8[%add3A_187, %dma_wait3A_199] : memref<40x128xi32, #tpu.memory_space<vmem>> -> memref<1x128xi32, #tpu.memory_space<vmem>>
      %dma_wait3A_201 = tpu.memref_squeeze %dma_wait3A_200 : memref<1x128xi32, #tpu.memory_space<vmem>> -> memref<128xi32, #tpu.memory_space<vmem>>
      %dma_wait3A_202 = arith.constant 0 : i32
      %dma_wait3A_203 = arith.constant 0 : i32
      %dma_wait3A_204 = tpu.memref_slice %arg7[%dma_wait3A_202, %dma_wait3A_203] : memref<10240x64xf32, #tpu.memory_space<vmem_shared>> -> memref<10240x64xf32, #tpu.memory_space<vmem_shared>>
      tpu.wait_indirect_dma semaphore(%arg13 : memref<!tpu.dma_semaphore, #tpu.memory_space<semaphore_mem>>) src(%dma_wait3A_204 : memref<10240x64xf32, #tpu.memory_space<vmem_shared>>) dst(%dma_wait3A_198 : memref<128x64xf32, #tpu.memory_space<vmem>>)
      %dma_start3A_205 = arith.constant 1 : i32
      %dma_start3A_206 = arith.constant 0 : i32
      %dma_start3A_207 = arith.constant 0 : i32
      %dma_start3A_208 = tpu.memref_slice %arg10[%dma_start3A_205, %dma_start3A_206, %dma_start3A_207] : memref<4x128x64xf32, #tpu.memory_space<vmem>> -> memref<1x128x64xf32, #tpu.memory_space<vmem>>
      %dma_start3A_209 = tpu.memref_squeeze %dma_start3A_208 : memref<1x128x64xf32, #tpu.memory_space<vmem>> -> memref<128x64xf32, #tpu.memory_space<vmem>>
      %dma_start3A_210 = arith.constant 0 : i32
      %dma_start3A_211 = tpu.memref_slice %arg9[%add3A_187, %dma_start3A_210] : memref<40x128xi32, #tpu.memory_space<vmem>> -> memref<1x128xi32, #tpu.memory_space<vmem>>
      %dma_start3A_212 = tpu.memref_squeeze %dma_start3A_211 : memref<1x128xi32, #tpu.memory_space<vmem>> -> memref<128xi32, #tpu.memory_space<vmem>>
      %dma_start3A_213 = arith.constant 0 : i32
      %dma_start3A_214 = arith.constant 0 : i32
      %dma_start3A_215 = tpu.memref_slice %arg6[%dma_start3A_213, %dma_start3A_214] : memref<10240x64xf32, #tpu.memory_space<vmem_shared>> -> memref<10240x64xf32, #tpu.memory_space<vmem_shared>>
      tpu.enqueue_indirect_dma source(%dma_start3A_209 : memref<128x64xf32, #tpu.memory_space<vmem>>) target(%dma_start3A_215 : memref<10240x64xf32, #tpu.memory_space<vmem_shared>>) offsets(%dma_start3A_212 : memref<128xi32, #tpu.memory_space<vmem>>) semaphore(%arg17 : memref<!tpu.dma_semaphore, #tpu.memory_space<semaphore_mem>>) {add = true}
    } else {
    }
    %add3A_125 = arith.constant 2 : i32
    %add3A_126 = arith.addi %mul3A_115, %add3A_125 : i32
    %lt3A_127 = arith.cmpi slt, %add3A_126, %add3A_4 : i32
    %convert_element_type3A_128 = arith.extui %lt3A_127 : i1 to i32
    %cond3A_129 = arith.constant 0 : i32
    %cond3A_130 = arith.cmpi ne, %convert_element_type3A_128, %cond3A_129 : i32
    scf.if %cond3A_130 {
      %add3A_186 = arith.constant 2 : i32
      %add3A_187 = arith.addi %mul3A_115, %add3A_186 : i32
      %add3A_188 = arith.constant 2 : i32
      %add3A_189 = arith.addi %add3A_187, %add3A_188 : i32
      %lt3A_190 = arith.cmpi slt, %add3A_189, %add3A_4 : i32
      %convert_element_type3A_191 = arith.extui %lt3A_190 : i1 to i32
      %cond3A_192 = arith.constant 0 : i32
      %cond3A_193 = arith.cmpi ne, %convert_element_type3A_191, %cond3A_192 : i32
      scf.if %cond3A_193 {
        %ge3A_216 = arith.constant 2 : i32
        %ge3A_217 = arith.cmpi sge, %add3A_187, %ge3A_216 : i32
        %convert_element_type3A_218 = arith.extui %ge3A_217 : i1 to i32
        %cond3A_219 = arith.constant 0 : i32
        %cond3A_220 = arith.cmpi ne, %convert_element_type3A_218, %cond3A_219 : i32
        scf.if %cond3A_220 {
          %sub3A_232 = arith.constant 2 : i32
          %sub3A_233 = arith.subi %add3A_187, %sub3A_232 : i32
          %dma_wait3A_234 = arith.constant 0 : i32
          %dma_wait3A_235 = arith.constant 0 : i32
          %dma_wait3A_236 = arith.constant 0 : i32
          %dma_wait3A_237 = tpu.memref_slice %arg10[%dma_wait3A_234, %dma_wait3A_235, %dma_wait3A_236] : memref<4x128x64xf32, #tpu.memory_space<vmem>> -> memref<1x128x64xf32, #tpu.memory_space<vmem>>
          %dma_wait3A_238 = tpu.memref_squeeze %dma_wait3A_237 : memref<1x128x64xf32, #tpu.memory_space<vmem>> -> memref<128x64xf32, #tpu.memory_space<vmem>>
          %dma_wait3A_239 = arith.constant 0 : i32
          %dma_wait3A_240 = tpu.memref_slice %arg9[%sub3A_233, %dma_wait3A_239] : memref<40x128xi32, #tpu.memory_space<vmem>> -> memref<1x128xi32, #tpu.memory_space<vmem>>
          %dma_wait3A_241 = tpu.memref_squeeze %dma_wait3A_240 : memref<1x128xi32, #tpu.memory_space<vmem>> -> memref<128xi32, #tpu.memory_space<vmem>>
          %dma_wait3A_242 = arith.constant 0 : i32
          %dma_wait3A_243 = arith.constant 0 : i32
          %dma_wait3A_244 = tpu.memref_slice %arg6[%dma_wait3A_242, %dma_wait3A_243] : memref<10240x64xf32, #tpu.memory_space<vmem_shared>> -> memref<10240x64xf32, #tpu.memory_space<vmem_shared>>
          tpu.wait_indirect_dma semaphore(%arg16 : memref<!tpu.dma_semaphore, #tpu.memory_space<semaphore_mem>>) src(%dma_wait3A_238 : memref<128x64xf32, #tpu.memory_space<vmem>>) dst(%dma_wait3A_244 : memref<10240x64xf32, #tpu.memory_space<vmem_shared>>)
        } else {
        }
        %dma_start3A_221 = arith.constant 0 : i32
        %dma_start3A_222 = arith.constant 0 : i32
        %dma_start3A_223 = arith.constant 0 : i32
        %dma_start3A_224 = tpu.memref_slice %arg10[%dma_start3A_221, %dma_start3A_222, %dma_start3A_223] : memref<4x128x64xf32, #tpu.memory_space<vmem>> -> memref<1x128x64xf32, #tpu.memory_space<vmem>>
        %dma_start3A_225 = tpu.memref_squeeze %dma_start3A_224 : memref<1x128x64xf32, #tpu.memory_space<vmem>> -> memref<128x64xf32, #tpu.memory_space<vmem>>
        %dma_start3A_226 = arith.constant 0 : i32
        %dma_start3A_227 = tpu.memref_slice %arg8[%add3A_189, %dma_start3A_226] : memref<40x128xi32, #tpu.memory_space<vmem>> -> memref<1x128xi32, #tpu.memory_space<vmem>>
        %dma_start3A_228 = tpu.memref_squeeze %dma_start3A_227 : memref<1x128xi32, #tpu.memory_space<vmem>> -> memref<128xi32, #tpu.memory_space<vmem>>
        %dma_start3A_229 = arith.constant 0 : i32
        %dma_start3A_230 = arith.constant 0 : i32
        %dma_start3A_231 = tpu.memref_slice %arg7[%dma_start3A_229, %dma_start3A_230] : memref<10240x64xf32, #tpu.memory_space<vmem_shared>> -> memref<10240x64xf32, #tpu.memory_space<vmem_shared>>
        tpu.enqueue_indirect_dma source(%dma_start3A_231 : memref<10240x64xf32, #tpu.memory_space<vmem_shared>>) target(%dma_start3A_225 : memref<128x64xf32, #tpu.memory_space<vmem>>) offsets(%dma_start3A_228 : memref<128xi32, #tpu.memory_space<vmem>>) semaphore(%arg12 : memref<!tpu.dma_semaphore, #tpu.memory_space<semaphore_mem>>)
      } else {
      }
      %dma_wait3A_194 = arith.constant 2 : i32
      %dma_wait3A_195 = arith.constant 0 : i32
      %dma_wait3A_196 = arith.constant 0 : i32
      %dma_wait3A_197 = tpu.memref_slice %arg10[%dma_wait3A_194, %dma_wait3A_195, %dma_wait3A_196] : memref<4x128x64xf32, #tpu.memory_space<vmem>> -> memref<1x128x64xf32, #tpu.memory_space<vmem>>
      %dma_wait3A_198 = tpu.memref_squeeze %dma_wait3A_197 : memref<1x128x64xf32, #tpu.memory_space<vmem>> -> memref<128x64xf32, #tpu.memory_space<vmem>>
      %dma_wait3A_199 = arith.constant 0 : i32
      %dma_wait3A_200 = tpu.memref_slice %arg8[%add3A_187, %dma_wait3A_199] : memref<40x128xi32, #tpu.memory_space<vmem>> -> memref<1x128xi32, #tpu.memory_space<vmem>>
      %dma_wait3A_201 = tpu.memref_squeeze %dma_wait3A_200 : memref<1x128xi32, #tpu.memory_space<vmem>> -> memref<128xi32, #tpu.memory_space<vmem>>
      %dma_wait3A_202 = arith.constant 0 : i32
      %dma_wait3A_203 = arith.constant 0 : i32
      %dma_wait3A_204 = tpu.memref_slice %arg7[%dma_wait3A_202, %dma_wait3A_203] : memref<10240x64xf32, #tpu.memory_space<vmem_shared>> -> memref<10240x64xf32, #tpu.memory_space<vmem_shared>>
      tpu.wait_indirect_dma semaphore(%arg14 : memref<!tpu.dma_semaphore, #tpu.memory_space<semaphore_mem>>) src(%dma_wait3A_204 : memref<10240x64xf32, #tpu.memory_space<vmem_shared>>) dst(%dma_wait3A_198 : memref<128x64xf32, #tpu.memory_space<vmem>>)
      %dma_start3A_205 = arith.constant 2 : i32
      %dma_start3A_206 = arith.constant 0 : i32
      %dma_start3A_207 = arith.constant 0 : i32
      %dma_start3A_208 = tpu.memref_slice %arg10[%dma_start3A_205, %dma_start3A_206, %dma_start3A_207] : memref<4x128x64xf32, #tpu.memory_space<vmem>> -> memref<1x128x64xf32, #tpu.memory_space<vmem>>
      %dma_start3A_209 = tpu.memref_squeeze %dma_start3A_208 : memref<1x128x64xf32, #tpu.memory_space<vmem>> -> memref<128x64xf32, #tpu.memory_space<vmem>>
      %dma_start3A_210 = arith.constant 0 : i32
      %dma_start3A_211 = tpu.memref_slice %arg9[%add3A_187, %dma_start3A_210] : memref<40x128xi32, #tpu.memory_space<vmem>> -> memref<1x128xi32, #tpu.memory_space<vmem>>
      %dma_start3A_212 = tpu.memref_squeeze %dma_start3A_211 : memref<1x128xi32, #tpu.memory_space<vmem>> -> memref<128xi32, #tpu.memory_space<vmem>>
      %dma_start3A_213 = arith.constant 0 : i32
      %dma_start3A_214 = arith.constant 0 : i32
      %dma_start3A_215 = tpu.memref_slice %arg6[%dma_start3A_213, %dma_start3A_214] : memref<10240x64xf32, #tpu.memory_space<vmem_shared>> -> memref<10240x64xf32, #tpu.memory_space<vmem_shared>>
      tpu.enqueue_indirect_dma source(%dma_start3A_209 : memref<128x64xf32, #tpu.memory_space<vmem>>) target(%dma_start3A_215 : memref<10240x64xf32, #tpu.memory_space<vmem_shared>>) offsets(%dma_start3A_212 : memref<128xi32, #tpu.memory_space<vmem>>) semaphore(%arg18 : memref<!tpu.dma_semaphore, #tpu.memory_space<semaphore_mem>>) {add = true}
    } else {
    }
    %add3A_131 = arith.constant 3 : i32
    %add3A_132 = arith.addi %mul3A_115, %add3A_131 : i32
    %lt3A_133 = arith.cmpi slt, %add3A_132, %add3A_4 : i32
    %convert_element_type3A_134 = arith.extui %lt3A_133 : i1 to i32
    %cond3A_135 = arith.constant 0 : i32
    %cond3A_136 = arith.cmpi ne, %convert_element_type3A_134, %cond3A_135 : i32
    scf.if %cond3A_136 {
      %add3A_186 = arith.constant 3 : i32
      %add3A_187 = arith.addi %mul3A_115, %add3A_186 : i32
      %add3A_188 = arith.constant 2 : i32
      %add3A_189 = arith.addi %add3A_187, %add3A_188 : i32
      %lt3A_190 = arith.cmpi slt, %add3A_189, %add3A_4 : i32
      %convert_element_type3A_191 = arith.extui %lt3A_190 : i1 to i32
      %cond3A_192 = arith.constant 0 : i32
      %cond3A_193 = arith.cmpi ne, %convert_element_type3A_191, %cond3A_192 : i32
      scf.if %cond3A_193 {
        %ge3A_216 = arith.constant 2 : i32
        %ge3A_217 = arith.cmpi sge, %add3A_187, %ge3A_216 : i32
        %convert_element_type3A_218 = arith.extui %ge3A_217 : i1 to i32
        %cond3A_219 = arith.constant 0 : i32
        %cond3A_220 = arith.cmpi ne, %convert_element_type3A_218, %cond3A_219 : i32
        scf.if %cond3A_220 {
          %sub3A_232 = arith.constant 2 : i32
          %sub3A_233 = arith.subi %add3A_187, %sub3A_232 : i32
          %dma_wait3A_234 = arith.constant 1 : i32
          %dma_wait3A_235 = arith.constant 0 : i32
          %dma_wait3A_236 = arith.constant 0 : i32
          %dma_wait3A_237 = tpu.memref_slice %arg10[%dma_wait3A_234, %dma_wait3A_235, %dma_wait3A_236] : memref<4x128x64xf32, #tpu.memory_space<vmem>> -> memref<1x128x64xf32, #tpu.memory_space<vmem>>
          %dma_wait3A_238 = tpu.memref_squeeze %dma_wait3A_237 : memref<1x128x64xf32, #tpu.memory_space<vmem>> -> memref<128x64xf32, #tpu.memory_space<vmem>>
          %dma_wait3A_239 = arith.constant 0 : i32
          %dma_wait3A_240 = tpu.memref_slice %arg9[%sub3A_233, %dma_wait3A_239] : memref<40x128xi32, #tpu.memory_space<vmem>> -> memref<1x128xi32, #tpu.memory_space<vmem>>
          %dma_wait3A_241 = tpu.memref_squeeze %dma_wait3A_240 : memref<1x128xi32, #tpu.memory_space<vmem>> -> memref<128xi32, #tpu.memory_space<vmem>>
          %dma_wait3A_242 = arith.constant 0 : i32
          %dma_wait3A_243 = arith.constant 0 : i32
          %dma_wait3A_244 = tpu.memref_slice %arg6[%dma_wait3A_242, %dma_wait3A_243] : memref<10240x64xf32, #tpu.memory_space<vmem_shared>> -> memref<10240x64xf32, #tpu.memory_space<vmem_shared>>
          tpu.wait_indirect_dma semaphore(%arg17 : memref<!tpu.dma_semaphore, #tpu.memory_space<semaphore_mem>>) src(%dma_wait3A_238 : memref<128x64xf32, #tpu.memory_space<vmem>>) dst(%dma_wait3A_244 : memref<10240x64xf32, #tpu.memory_space<vmem_shared>>)
        } else {
        }
        %dma_start3A_221 = arith.constant 1 : i32
        %dma_start3A_222 = arith.constant 0 : i32
        %dma_start3A_223 = arith.constant 0 : i32
        %dma_start3A_224 = tpu.memref_slice %arg10[%dma_start3A_221, %dma_start3A_222, %dma_start3A_223] : memref<4x128x64xf32, #tpu.memory_space<vmem>> -> memref<1x128x64xf32, #tpu.memory_space<vmem>>
        %dma_start3A_225 = tpu.memref_squeeze %dma_start3A_224 : memref<1x128x64xf32, #tpu.memory_space<vmem>> -> memref<128x64xf32, #tpu.memory_space<vmem>>
        %dma_start3A_226 = arith.constant 0 : i32
        %dma_start3A_227 = tpu.memref_slice %arg8[%add3A_189, %dma_start3A_226] : memref<40x128xi32, #tpu.memory_space<vmem>> -> memref<1x128xi32, #tpu.memory_space<vmem>>
        %dma_start3A_228 = tpu.memref_squeeze %dma_start3A_227 : memref<1x128xi32, #tpu.memory_space<vmem>> -> memref<128xi32, #tpu.memory_space<vmem>>
        %dma_start3A_229 = arith.constant 0 : i32
        %dma_start3A_230 = arith.constant 0 : i32
        %dma_start3A_231 = tpu.memref_slice %arg7[%dma_start3A_229, %dma_start3A_230] : memref<10240x64xf32, #tpu.memory_space<vmem_shared>> -> memref<10240x64xf32, #tpu.memory_space<vmem_shared>>
        tpu.enqueue_indirect_dma source(%dma_start3A_231 : memref<10240x64xf32, #tpu.memory_space<vmem_shared>>) target(%dma_start3A_225 : memref<128x64xf32, #tpu.memory_space<vmem>>) offsets(%dma_start3A_228 : memref<128xi32, #tpu.memory_space<vmem>>) semaphore(%arg13 : memref<!tpu.dma_semaphore, #tpu.memory_space<semaphore_mem>>)
      } else {
      }
      %dma_wait3A_194 = arith.constant 3 : i32
      %dma_wait3A_195 = arith.constant 0 : i32
      %dma_wait3A_196 = arith.constant 0 : i32
      %dma_wait3A_197 = tpu.memref_slice %arg10[%dma_wait3A_194, %dma_wait3A_195, %dma_wait3A_196] : memref<4x128x64xf32, #tpu.memory_space<vmem>> -> memref<1x128x64xf32, #tpu.memory_space<vmem>>
      %dma_wait3A_198 = tpu.memref_squeeze %dma_wait3A_197 : memref<1x128x64xf32, #tpu.memory_space<vmem>> -> memref<128x64xf32, #tpu.memory_space<vmem>>
      %dma_wait3A_199 = arith.constant 0 : i32
      %dma_wait3A_200 = tpu.memref_slice %arg8[%add3A_187, %dma_wait3A_199] : memref<40x128xi32, #tpu.memory_space<vmem>> -> memref<1x128xi32, #tpu.memory_space<vmem>>
      %dma_wait3A_201 = tpu.memref_squeeze %dma_wait3A_200 : memref<1x128xi32, #tpu.memory_space<vmem>> -> memref<128xi32, #tpu.memory_space<vmem>>
      %dma_wait3A_202 = arith.constant 0 : i32
      %dma_wait3A_203 = arith.constant 0 : i32
      %dma_wait3A_204 = tpu.memref_slice %arg7[%dma_wait3A_202, %dma_wait3A_203] : memref<10240x64xf32, #tpu.memory_space<vmem_shared>> -> memref<10240x64xf32, #tpu.memory_space<vmem_shared>>
      tpu.wait_indirect_dma semaphore(%arg15 : memref<!tpu.dma_semaphore, #tpu.memory_space<semaphore_mem>>) src(%dma_wait3A_204 : memref<10240x64xf32, #tpu.memory_space<vmem_shared>>) dst(%dma_wait3A_198 : memref<128x64xf32, #tpu.memory_space<vmem>>)
      %dma_start3A_205 = arith.constant 3 : i32
      %dma_start3A_206 = arith.constant 0 : i32
      %dma_start3A_207 = arith.constant 0 : i32
      %dma_start3A_208 = tpu.memref_slice %arg10[%dma_start3A_205, %dma_start3A_206, %dma_start3A_207] : memref<4x128x64xf32, #tpu.memory_space<vmem>> -> memref<1x128x64xf32, #tpu.memory_space<vmem>>
      %dma_start3A_209 = tpu.memref_squeeze %dma_start3A_208 : memref<1x128x64xf32, #tpu.memory_space<vmem>> -> memref<128x64xf32, #tpu.memory_space<vmem>>
      %dma_start3A_210 = arith.constant 0 : i32
      %dma_start3A_211 = tpu.memref_slice %arg9[%add3A_187, %dma_start3A_210] : memref<40x128xi32, #tpu.memory_space<vmem>> -> memref<1x128xi32, #tpu.memory_space<vmem>>
      %dma_start3A_212 = tpu.memref_squeeze %dma_start3A_211 : memref<1x128xi32, #tpu.memory_space<vmem>> -> memref<128xi32, #tpu.memory_space<vmem>>
      %dma_start3A_213 = arith.constant 0 : i32
      %dma_start3A_214 = arith.constant 0 : i32
      %dma_start3A_215 = tpu.memref_slice %arg6[%dma_start3A_213, %dma_start3A_214] : memref<10240x64xf32, #tpu.memory_space<vmem_shared>> -> memref<10240x64xf32, #tpu.memory_space<vmem_shared>>
      tpu.enqueue_indirect_dma source(%dma_start3A_209 : memref<128x64xf32, #tpu.memory_space<vmem>>) target(%dma_start3A_215 : memref<10240x64xf32, #tpu.memory_space<vmem_shared>>) offsets(%dma_start3A_212 : memref<128xi32, #tpu.memory_space<vmem>>) semaphore(%arg19 : memref<!tpu.dma_semaphore, #tpu.memory_space<semaphore_mem>>) {add = true}
    } else {
    }
    %dma_wait3A_137 = arith.constant 0 : i32
    %dma_wait3A_138 = arith.constant 0 : i32
    %dma_wait3A_139 = arith.constant 0 : i32
    %dma_wait3A_140 = arith.constant 0 : i32
    %dma_wait3A_141 = tpu.memref_slice %arg10[%dma_wait3A_137, %dma_wait3A_139, %dma_wait3A_140] : memref<4x128x64xf32, #tpu.memory_space<vmem>> -> memref<1x128x64xf32, #tpu.memory_space<vmem>>
    %dma_wait3A_142 = tpu.memref_squeeze %dma_wait3A_141 : memref<1x128x64xf32, #tpu.memory_space<vmem>> -> memref<128x64xf32, #tpu.memory_space<vmem>>
    %dma_wait3A_143 = arith.constant 0 : i32
    %dma_wait3A_144 = tpu.memref_slice %arg9[%dma_wait3A_138, %dma_wait3A_143] : memref<40x128xi32, #tpu.memory_space<vmem>> -> memref<1x128xi32, #tpu.memory_space<vmem>>
    %dma_wait3A_145 = tpu.memref_squeeze %dma_wait3A_144 : memref<1x128xi32, #tpu.memory_space<vmem>> -> memref<128xi32, #tpu.memory_space<vmem>>
    %dma_wait3A_146 = arith.constant 0 : i32
    %dma_wait3A_147 = arith.constant 0 : i32
    %dma_wait3A_148 = tpu.memref_slice %arg6[%dma_wait3A_146, %dma_wait3A_147] : memref<10240x64xf32, #tpu.memory_space<vmem_shared>> -> memref<10240x64xf32, #tpu.memory_space<vmem_shared>>
    tpu.wait_indirect_dma semaphore(%arg16 : memref<!tpu.dma_semaphore, #tpu.memory_space<semaphore_mem>>) src(%dma_wait3A_142 : memref<128x64xf32, #tpu.memory_space<vmem>>) dst(%dma_wait3A_148 : memref<10240x64xf32, #tpu.memory_space<vmem_shared>>)
    %dma_wait3A_149 = arith.constant 1 : i32
    %dma_wait3A_150 = arith.constant 0 : i32
    %dma_wait3A_151 = arith.constant 0 : i32
    %dma_wait3A_152 = arith.constant 0 : i32
    %dma_wait3A_153 = tpu.memref_slice %arg10[%dma_wait3A_149, %dma_wait3A_151, %dma_wait3A_152] : memref<4x128x64xf32, #tpu.memory_space<vmem>> -> memref<1x128x64xf32, #tpu.memory_space<vmem>>
    %dma_wait3A_154 = tpu.memref_squeeze %dma_wait3A_153 : memref<1x128x64xf32, #tpu.memory_space<vmem>> -> memref<128x64xf32, #tpu.memory_space<vmem>>
    %dma_wait3A_155 = arith.constant 0 : i32
    %dma_wait3A_156 = tpu.memref_slice %arg9[%dma_wait3A_150, %dma_wait3A_155] : memref<40x128xi32, #tpu.memory_space<vmem>> -> memref<1x128xi32, #tpu.memory_space<vmem>>
    %dma_wait3A_157 = tpu.memref_squeeze %dma_wait3A_156 : memref<1x128xi32, #tpu.memory_space<vmem>> -> memref<128xi32, #tpu.memory_space<vmem>>
    %dma_wait3A_158 = arith.constant 0 : i32
    %dma_wait3A_159 = arith.constant 0 : i32
    %dma_wait3A_160 = tpu.memref_slice %arg6[%dma_wait3A_158, %dma_wait3A_159] : memref<10240x64xf32, #tpu.memory_space<vmem_shared>> -> memref<10240x64xf32, #tpu.memory_space<vmem_shared>>
    tpu.wait_indirect_dma semaphore(%arg17 : memref<!tpu.dma_semaphore, #tpu.memory_space<semaphore_mem>>) src(%dma_wait3A_154 : memref<128x64xf32, #tpu.memory_space<vmem>>) dst(%dma_wait3A_160 : memref<10240x64xf32, #tpu.memory_space<vmem_shared>>)
    %dma_wait3A_161 = arith.constant 2 : i32
    %dma_wait3A_162 = arith.constant 0 : i32
    %dma_wait3A_163 = arith.constant 0 : i32
    %dma_wait3A_164 = arith.constant 0 : i32
    %dma_wait3A_165 = tpu.memref_slice %arg10[%dma_wait3A_161, %dma_wait3A_163, %dma_wait3A_164] : memref<4x128x64xf32, #tpu.memory_space<vmem>> -> memref<1x128x64xf32, #tpu.memory_space<vmem>>
    %dma_wait3A_166 = tpu.memref_squeeze %dma_wait3A_165 : memref<1x128x64xf32, #tpu.memory_space<vmem>> -> memref<128x64xf32, #tpu.memory_space<vmem>>
    %dma_wait3A_167 = arith.constant 0 : i32
    %dma_wait3A_168 = tpu.memref_slice %arg9[%dma_wait3A_162, %dma_wait3A_167] : memref<40x128xi32, #tpu.memory_space<vmem>> -> memref<1x128xi32, #tpu.memory_space<vmem>>
    %dma_wait3A_169 = tpu.memref_squeeze %dma_wait3A_168 : memref<1x128xi32, #tpu.memory_space<vmem>> -> memref<128xi32, #tpu.memory_space<vmem>>
    %dma_wait3A_170 = arith.constant 0 : i32
    %dma_wait3A_171 = arith.constant 0 : i32
    %dma_wait3A_172 = tpu.memref_slice %arg6[%dma_wait3A_170, %dma_wait3A_171] : memref<10240x64xf32, #tpu.memory_space<vmem_shared>> -> memref<10240x64xf32, #tpu.memory_space<vmem_shared>>
    tpu.wait_indirect_dma semaphore(%arg18 : memref<!tpu.dma_semaphore, #tpu.memory_space<semaphore_mem>>) src(%dma_wait3A_166 : memref<128x64xf32, #tpu.memory_space<vmem>>) dst(%dma_wait3A_172 : memref<10240x64xf32, #tpu.memory_space<vmem_shared>>)
    %dma_wait3A_173 = arith.constant 3 : i32
    %dma_wait3A_174 = arith.constant 0 : i32
    %dma_wait3A_175 = arith.constant 0 : i32
    %dma_wait3A_176 = arith.constant 0 : i32
    %dma_wait3A_177 = tpu.memref_slice %arg10[%dma_wait3A_173, %dma_wait3A_175, %dma_wait3A_176] : memref<4x128x64xf32, #tpu.memory_space<vmem>> -> memref<1x128x64xf32, #tpu.memory_space<vmem>>
    %dma_wait3A_178 = tpu.memref_squeeze %dma_wait3A_177 : memref<1x128x64xf32, #tpu.memory_space<vmem>> -> memref<128x64xf32, #tpu.memory_space<vmem>>
    %dma_wait3A_179 = arith.constant 0 : i32
    %dma_wait3A_180 = tpu.memref_slice %arg9[%dma_wait3A_174, %dma_wait3A_179] : memref<40x128xi32, #tpu.memory_space<vmem>> -> memref<1x128xi32, #tpu.memory_space<vmem>>
    %dma_wait3A_181 = tpu.memref_squeeze %dma_wait3A_180 : memref<1x128xi32, #tpu.memory_space<vmem>> -> memref<128xi32, #tpu.memory_space<vmem>>
    %dma_wait3A_182 = arith.constant 0 : i32
    %dma_wait3A_183 = arith.constant 0 : i32
    %dma_wait3A_184 = tpu.memref_slice %arg6[%dma_wait3A_182, %dma_wait3A_183] : memref<10240x64xf32, #tpu.memory_space<vmem_shared>> -> memref<10240x64xf32, #tpu.memory_space<vmem_shared>>
    tpu.wait_indirect_dma semaphore(%arg19 : memref<!tpu.dma_semaphore, #tpu.memory_space<semaphore_mem>>) src(%dma_wait3A_178 : memref<128x64xf32, #tpu.memory_space<vmem>>) dst(%dma_wait3A_184 : memref<10240x64xf32, #tpu.memory_space<vmem_shared>>)
    %barrier3A_185 = arith.constant 0 : index
    tpu.barrier barrier_id(%barrier3A_185)
    "tpu.region"() ({
      %run_scoped3A = tpu.sem_alloc : memref<!tpu.dma_semaphore, #tpu.memory_space<semaphore_mem>>
      %dma_start3A_186 = arith.constant 0 : i32
      %dma_start3A_187 = tpu.memref_slice %arg5[%arg0, %mul3A_11, %dma_start3A_186] : memref<2x10240x64xf32, #tpu.memory_space<hbm>> -> memref<1x640x64xf32, #tpu.memory_space<hbm>>
      %dma_start3A_188 = tpu.memref_squeeze %dma_start3A_187 : memref<1x640x64xf32, #tpu.memory_space<hbm>> -> memref<640x64xf32, #tpu.memory_space<hbm>>
      %dma_start3A_189 = arith.constant 0 : i32
      %dma_start3A_190 = tpu.memref_slice %arg6[%mul3A_11, %dma_start3A_189] : memref<10240x64xf32, #tpu.memory_space<vmem_shared>> -> memref<640x64xf32, #tpu.memory_space<vmem_shared>>
      tpu.enqueue_dma source(%dma_start3A_190 : memref<640x64xf32, #tpu.memory_space<vmem_shared>>) target(%dma_start3A_188 : memref<640x64xf32, #tpu.memory_space<hbm>>) target_semaphore(%run_scoped3A : memref<!tpu.dma_semaphore, #tpu.memory_space<semaphore_mem>>)
      %dma_wait3A_191 = arith.constant 0 : i32
      %dma_wait3A_192 = tpu.memref_slice %arg5[%arg0, %mul3A_11, %dma_wait3A_191] : memref<2x10240x64xf32, #tpu.memory_space<hbm>> -> memref<1x640x64xf32, #tpu.memory_space<hbm>>
      %dma_wait3A_193 = tpu.memref_squeeze %dma_wait3A_192 : memref<1x640x64xf32, #tpu.memory_space<hbm>> -> memref<640x64xf32, #tpu.memory_space<hbm>>
      %dma_wait3A_194 = arith.constant 0 : i32
      %dma_wait3A_195 = tpu.memref_slice %arg6[%mul3A_11, %dma_wait3A_194] : memref<10240x64xf32, #tpu.memory_space<vmem_shared>> -> memref<640x64xf32, #tpu.memory_space<vmem_shared>>
      tpu.wait_dma2 semaphore(%run_scoped3A : memref<!tpu.dma_semaphore, #tpu.memory_space<semaphore_mem>>) src(%dma_wait3A_195 : memref<640x64xf32, #tpu.memory_space<vmem_shared>>) dst(%dma_wait3A_193 : memref<640x64xf32, #tpu.memory_space<hbm>>)
      tpu.yield
    }) : () -> ()
    return
  }
}

#map = affine_map<(d0, d1) -> (0, 0)>
#map1 = affine_map<(d0, d1) -> (0, 0, 0)>
module attributes {stable_mosaic.version = 14 : i64} {
  func.func @_segsum_body(%arg0: i32, %arg1: i32, %arg2: memref<10240x64xf32, #tpu.memory_space<hbm>>, %arg3: memref<2x1250x128xi32, #tpu.memory_space<hbm>>, %arg4: memref<640x64xf32, #tpu.memory_space<hbm>>, %arg5: memref<2x10240x64xf32, #tpu.memory_space<hbm>>, %arg6: memref<10240x64xf32, #tpu.memory_space<vmem_shared>>, %arg7: memref<10240x64xf32, #tpu.memory_space<vmem_shared>>, %arg8: memref<40x128xi32, #tpu.memory_space<vmem>>, %arg9: memref<40x128xi32, #tpu.memory_space<vmem>>, %arg10: memref<4x128x64xf32, #tpu.memory_space<vmem>>, %arg11: memref<!tpu.dma_semaphore, #tpu.memory_space<semaphore_mem>>, %arg12: memref<!tpu.dma_semaphore, #tpu.memory_space<semaphore_mem>>, %arg13: memref<!tpu.dma_semaphore, #tpu.memory_space<semaphore_mem>>, %arg14: memref<!tpu.dma_semaphore, #tpu.memory_space<semaphore_mem>>, %arg15: memref<!tpu.dma_semaphore, #tpu.memory_space<semaphore_mem>>, %arg16: memref<!tpu.dma_semaphore, #tpu.memory_space<semaphore_mem>>, %arg17: memref<!tpu.dma_semaphore, #tpu.memory_space<semaphore_mem>>, %arg18: memref<!tpu.dma_semaphore, #tpu.memory_space<semaphore_mem>>, %arg19: memref<!tpu.dma_semaphore, #tpu.memory_space<semaphore_mem>>) attributes {dimension_semantics = [#tpu.dimension_semantics<core_parallel>, #tpu.dimension_semantics<subcore_parallel>], iteration_bounds = array<i64: 2, 16>, scalar_prefetch = 0 : i64, scratch_operands = 14 : i64, tpu.core_type = #tpu.core_type<sc_vector_subcore>, window_params = [{transform_indices = #map}, {transform_indices = #map1}, {transform_indices = #map}, {transform_indices = #map1}]} {
    %mul3A = arith.constant 2 : i32
    %mul3A_0 = arith.muli %arg1, %mul3A : i32
    %add3A = arith.addi %mul3A_0, %arg0 : i32
    %ge3A = arith.constant 30 : i32
    %ge3A_1 = arith.cmpi sge, %add3A, %ge3A : i32
    %jit3A = arith.constant 1 : i32
    %jit3A_2 = arith.constant 0 : i32
    %select_n3A = arith.select %ge3A_1, %jit3A, %jit3A_2 : i32
    %add3A_3 = arith.constant 39 : i32
    %add3A_4 = arith.addi %add3A_3, %select_n3A : i32
    %mul3A_5 = arith.constant 39 : i32
    %mul3A_6 = arith.muli %mul3A_5, %add3A : i32
    %sub3A = arith.constant 30 : i32
    %sub3A_7 = arith.subi %add3A, %sub3A : i32
    %max3A = arith.constant 0 : i32
    %max3A_8 = arith.maxsi %sub3A_7, %max3A : i32
    %add3A_9 = arith.addi %mul3A_6, %max3A_8 : i32
    %mul3A_10 = arith.constant 640 : i32
    %mul3A_11 = arith.muli %arg1, %mul3A_10 : i32
    %dma_start3A = arith.constant 0 : i32
    %dma_start3A_12 = arith.constant 0 : i32
    %dma_start3A_13 = tpu.memref_slice %arg3[%dma_start3A, %add3A_9, %dma_start3A_12] : memref<2x1250x128xi32, #tpu.memory_space<hbm>> -> memref<1x40x128xi32, #tpu.memory_space<hbm>>
    %dma_start3A_14 = tpu.memref_squeeze %dma_start3A_13 : memref<1x40x128xi32, #tpu.memory_space<hbm>> -> memref<40x128xi32, #tpu.memory_space<hbm>>
    %dma_start3A_15 = arith.constant 0 : i32
    %dma_start3A_16 = tpu.memref_slice %arg3[%dma_start3A, %add3A_9, %dma_start3A_15] : memref<2x1250x128xi32, #tpu.memory_space<hbm>> -> memref<1x40x128xi32, #tpu.memory_space<hbm>>
    %dma_start3A_17 = tpu.memref_squeeze %dma_start3A_16 : memref<1x40x128xi32, #tpu.memory_space<hbm>> -> memref<40x128xi32, #tpu.memory_space<hbm>>
    tpu.enqueue_dma source(%dma_start3A_17 : memref<40x128xi32, #tpu.memory_space<hbm>>) target(%arg8 : memref<40x128xi32, #tpu.memory_space<vmem>>) target_semaphore(%arg11 : memref<!tpu.dma_semaphore, #tpu.memory_space<semaphore_mem>>)
    %dma_start3A_18 = arith.constant 1 : i32
    %dma_start3A_19 = arith.constant 0 : i32
    %dma_start3A_20 = tpu.memref_slice %arg3[%dma_start3A_18, %add3A_9, %dma_start3A_19] : memref<2x1250x128xi32, #tpu.memory_space<hbm>> -> memref<1x40x128xi32, #tpu.memory_space<hbm>>
    %dma_start3A_21 = tpu.memref_squeeze %dma_start3A_20 : memref<1x40x128xi32, #tpu.memory_space<hbm>> -> memref<40x128xi32, #tpu.memory_space<hbm>>
    %dma_start3A_22 = arith.constant 0 : i32
    %dma_start3A_23 = tpu.memref_slice %arg3[%dma_start3A_18, %add3A_9, %dma_start3A_22] : memref<2x1250x128xi32, #tpu.memory_space<hbm>> -> memref<1x40x128xi32, #tpu.memory_space<hbm>>
    %dma_start3A_24 = tpu.memref_squeeze %dma_start3A_23 : memref<1x40x128xi32, #tpu.memory_space<hbm>> -> memref<40x128xi32, #tpu.memory_space<hbm>>
    tpu.enqueue_dma source(%dma_start3A_24 : memref<40x128xi32, #tpu.memory_space<hbm>>) target(%arg9 : memref<40x128xi32, #tpu.memory_space<vmem>>) target_semaphore(%arg11 : memref<!tpu.dma_semaphore, #tpu.memory_space<semaphore_mem>>)
    "tpu.region"() ({
      %run_scoped3A = tpu.sem_alloc : memref<!tpu.dma_semaphore, #tpu.memory_space<semaphore_mem>>
      %dma_start3A_186 = arith.constant 0 : i32
      %dma_start3A_187 = tpu.memref_slice %arg7[%mul3A_11, %dma_start3A_186] : memref<10240x64xf32, #tpu.memory_space<vmem_shared>> -> memref<640x64xf32, #tpu.memory_space<vmem_shared>>
      %dma_start3A_188 = arith.constant 0 : i32
      %dma_start3A_189 = tpu.memref_slice %arg2[%mul3A_11, %dma_start3A_188] : memref<10240x64xf32, #tpu.memory_space<hbm>> -> memref<640x64xf32, #tpu.memory_space<hbm>>
      tpu.enqueue_dma source(%dma_start3A_189 : memref<640x64xf32, #tpu.memory_space<hbm>>) target(%dma_start3A_187 : memref<640x64xf32, #tpu.memory_space<vmem_shared>>) target_semaphore(%run_scoped3A : memref<!tpu.dma_semaphore, #tpu.memory_space<semaphore_mem>>)
      %dma_wait3A_190 = arith.constant 0 : i32
      %dma_wait3A_191 = tpu.memref_slice %arg7[%mul3A_11, %dma_wait3A_190] : memref<10240x64xf32, #tpu.memory_space<vmem_shared>> -> memref<640x64xf32, #tpu.memory_space<vmem_shared>>
      %dma_wait3A_192 = arith.constant 0 : i32
      %dma_wait3A_193 = tpu.memref_slice %arg2[%mul3A_11, %dma_wait3A_192] : memref<10240x64xf32, #tpu.memory_space<hbm>> -> memref<640x64xf32, #tpu.memory_space<hbm>>
      tpu.wait_dma2 semaphore(%run_scoped3A : memref<!tpu.dma_semaphore, #tpu.memory_space<semaphore_mem>>) src(%dma_wait3A_193 : memref<640x64xf32, #tpu.memory_space<hbm>>) dst(%dma_wait3A_191 : memref<640x64xf32, #tpu.memory_space<vmem_shared>>)
      tpu.yield
    }) : () -> ()
    "tpu.region"() ({
      %run_scoped3A = tpu.sem_alloc : memref<!tpu.dma_semaphore, #tpu.memory_space<semaphore_mem>>
      %dma_start3A_186 = arith.constant 0 : i32
      %dma_start3A_187 = tpu.memref_slice %arg6[%mul3A_11, %dma_start3A_186] : memref<10240x64xf32, #tpu.memory_space<vmem_shared>> -> memref<640x64xf32, #tpu.memory_space<vmem_shared>>
      tpu.enqueue_dma source(%arg4 : memref<640x64xf32, #tpu.memory_space<hbm>>) target(%dma_start3A_187 : memref<640x64xf32, #tpu.memory_space<vmem_shared>>) target_semaphore(%run_scoped3A : memref<!tpu.dma_semaphore, #tpu.memory_space<semaphore_mem>>)
      %dma_wait3A_188 = arith.constant 0 : i32
      %dma_wait3A_189 = tpu.memref_slice %arg6[%mul3A_11, %dma_wait3A_188] : memref<10240x64xf32, #tpu.memory_space<vmem_shared>> -> memref<640x64xf32, #tpu.memory_space<vmem_shared>>
      tpu.wait_dma2 semaphore(%run_scoped3A : memref<!tpu.dma_semaphore, #tpu.memory_space<semaphore_mem>>) src(%arg4 : memref<640x64xf32, #tpu.memory_space<hbm>>) dst(%dma_wait3A_189 : memref<640x64xf32, #tpu.memory_space<vmem_shared>>)
      tpu.yield
    }) : () -> ()
    %barrier3A = arith.constant 0 : index
    tpu.barrier barrier_id(%barrier3A)
    %dma_wait3A = arith.constant 0 : i32
    %dma_wait3A_25 = arith.constant 0 : i32
    %dma_wait3A_26 = tpu.memref_slice %arg3[%dma_wait3A, %add3A_9, %dma_wait3A_25] : memref<2x1250x128xi32, #tpu.memory_space<hbm>> -> memref<1x40x128xi32, #tpu.memory_space<hbm>>
    %dma_wait3A_27 = tpu.memref_squeeze %dma_wait3A_26 : memref<1x40x128xi32, #tpu.memory_space<hbm>> -> memref<40x128xi32, #tpu.memory_space<hbm>>
    %dma_wait3A_28 = arith.constant 0 : i32
    %dma_wait3A_29 = tpu.memref_slice %arg3[%dma_wait3A, %add3A_9, %dma_wait3A_28] : memref<2x1250x128xi32, #tpu.memory_space<hbm>> -> memref<1x40x128xi32, #tpu.memory_space<hbm>>
    %dma_wait3A_30 = tpu.memref_squeeze %dma_wait3A_29 : memref<1x40x128xi32, #tpu.memory_space<hbm>> -> memref<40x128xi32, #tpu.memory_space<hbm>>
    tpu.wait_dma2 semaphore(%arg11 : memref<!tpu.dma_semaphore, #tpu.memory_space<semaphore_mem>>) src(%dma_wait3A_30 : memref<40x128xi32, #tpu.memory_space<hbm>>) dst(%arg8 : memref<40x128xi32, #tpu.memory_space<vmem>>)
    %dma_wait3A_31 = arith.constant 1 : i32
    %dma_wait3A_32 = arith.constant 0 : i32
    %dma_wait3A_33 = tpu.memref_slice %arg3[%dma_wait3A_31, %add3A_9, %dma_wait3A_32] : memref<2x1250x128xi32, #tpu.memory_space<hbm>> -> memref<1x40x128xi32, #tpu.memory_space<hbm>>
    %dma_wait3A_34 = tpu.memref_squeeze %dma_wait3A_33 : memref<1x40x128xi32, #tpu.memory_space<hbm>> -> memref<40x128xi32, #tpu.memory_space<hbm>>
    %dma_wait3A_35 = arith.constant 0 : i32
    %dma_wait3A_36 = tpu.memref_slice %arg3[%dma_wait3A_31, %add3A_9, %dma_wait3A_35] : memref<2x1250x128xi32, #tpu.memory_space<hbm>> -> memref<1x40x128xi32, #tpu.memory_space<hbm>>
    %dma_wait3A_37 = tpu.memref_squeeze %dma_wait3A_36 : memref<1x40x128xi32, #tpu.memory_space<hbm>> -> memref<40x128xi32, #tpu.memory_space<hbm>>
    tpu.wait_dma2 semaphore(%arg11 : memref<!tpu.dma_semaphore, #tpu.memory_space<semaphore_mem>>) src(%dma_wait3A_37 : memref<40x128xi32, #tpu.memory_space<hbm>>) dst(%arg9 : memref<40x128xi32, #tpu.memory_space<vmem>>)
    %dma_start3A_38 = arith.constant 0 : i32
    %dma_start3A_39 = arith.constant 0 : i32
    %dma_start3A_40 = arith.constant 0 : i32
    %dma_start3A_41 = arith.constant 0 : i32
    %dma_start3A_42 = tpu.memref_slice %arg10[%dma_start3A_39, %dma_start3A_40, %dma_start3A_41] : memref<4x128x64xf32, #tpu.memory_space<vmem>> -> memref<1x128x64xf32, #tpu.memory_space<vmem>>
    %dma_start3A_43 = tpu.memref_squeeze %dma_start3A_42 : memref<1x128x64xf32, #tpu.memory_space<vmem>> -> memref<128x64xf32, #tpu.memory_space<vmem>>
    %dma_start3A_44 = arith.constant 0 : i32
    %dma_start3A_45 = tpu.memref_slice %arg8[%dma_start3A_38, %dma_start3A_44] : memref<40x128xi32, #tpu.memory_space<vmem>> -> memref<1x128xi32, #tpu.memory_space<vmem>>
    %dma_start3A_46 = tpu.memref_squeeze %dma_start3A_45 : memref<1x128xi32, #tpu.memory_space<vmem>> -> memref<128xi32, #tpu.memory_space<vmem>>
    %dma_start3A_47 = arith.constant 0 : i32
    %dma_start3A_48 = arith.constant 0 : i32
    %dma_start3A_49 = tpu.memref_slice %arg7[%dma_start3A_47, %dma_start3A_48] : memref<10240x64xf32, #tpu.memory_space<vmem_shared>> -> memref<10240x64xf32, #tpu.memory_space<vmem_shared>>
    tpu.enqueue_indirect_dma source(%dma_start3A_49 : memref<10240x64xf32, #tpu.memory_space<vmem_shared>>) target(%dma_start3A_43 : memref<128x64xf32, #tpu.memory_space<vmem>>) offsets(%dma_start3A_46 : memref<128xi32, #tpu.memory_space<vmem>>) semaphore(%arg12 : memref<!tpu.dma_semaphore, #tpu.memory_space<semaphore_mem>>)
    %dma_start3A_50 = arith.constant 1 : i32
    %dma_start3A_51 = arith.constant 1 : i32
    %dma_start3A_52 = arith.constant 0 : i32
    %dma_start3A_53 = arith.constant 0 : i32
    %dma_start3A_54 = tpu.memref_slice %arg10[%dma_start3A_51, %dma_start3A_52, %dma_start3A_53] : memref<4x128x64xf32, #tpu.memory_space<vmem>> -> memref<1x128x64xf32, #tpu.memory_space<vmem>>
    %dma_start3A_55 = tpu.memref_squeeze %dma_start3A_54 : memref<1x128x64xf32, #tpu.memory_space<vmem>> -> memref<128x64xf32, #tpu.memory_space<vmem>>
    %dma_start3A_56 = arith.constant 0 : i32
    %dma_start3A_57 = tpu.memref_slice %arg8[%dma_start3A_50, %dma_start3A_56] : memref<40x128xi32, #tpu.memory_space<vmem>> -> memref<1x128xi32, #tpu.memory_space<vmem>>
    %dma_start3A_58 = tpu.memref_squeeze %dma_start3A_57 : memref<1x128xi32, #tpu.memory_space<vmem>> -> memref<128xi32, #tpu.memory_space<vmem>>
    %dma_start3A_59 = arith.constant 0 : i32
    %dma_start3A_60 = arith.constant 0 : i32
    %dma_start3A_61 = tpu.memref_slice %arg7[%dma_start3A_59, %dma_start3A_60] : memref<10240x64xf32, #tpu.memory_space<vmem_shared>> -> memref<10240x64xf32, #tpu.memory_space<vmem_shared>>
    tpu.enqueue_indirect_dma source(%dma_start3A_61 : memref<10240x64xf32, #tpu.memory_space<vmem_shared>>) target(%dma_start3A_55 : memref<128x64xf32, #tpu.memory_space<vmem>>) offsets(%dma_start3A_58 : memref<128xi32, #tpu.memory_space<vmem>>) semaphore(%arg13 : memref<!tpu.dma_semaphore, #tpu.memory_space<semaphore_mem>>)
    %jit3A_62 = arith.constant 4 : i32
    %div3A = arith.divsi %add3A_4, %jit3A_62 : i32
    %sign3A = arith.constant 0 : i32
    %sign3A_63 = arith.cmpi sgt, %add3A_4, %sign3A : i32
    %sign3A_64 = arith.extui %sign3A_63 : i1 to i32
    %sign3A_65 = arith.constant 0 : i32
    %sign3A_66 = arith.cmpi slt, %add3A_4, %sign3A_65 : i32
    %sign3A_67 = arith.extui %sign3A_66 : i1 to i32
    %sign3A_68 = arith.subi %sign3A_64, %sign3A_67 : i32
    %sign3A_69 = arith.constant 0 : i32
    %sign3A_70 = arith.cmpi sgt, %jit3A_62, %sign3A_69 : i32
    %sign3A_71 = arith.extui %sign3A_70 : i1 to i32
    %sign3A_72 = arith.constant 0 : i32
    %sign3A_73 = arith.cmpi slt, %jit3A_62, %sign3A_72 : i32
    %sign3A_74 = arith.extui %sign3A_73 : i1 to i32
    %sign3A_75 = arith.subi %sign3A_71, %sign3A_74 : i32
    %ne3A = arith.cmpi ne, %sign3A_68, %sign3A_75 : i32
    %rem3A = arith.remsi %add3A_4, %jit3A_62 : i32
    %ne3A_76 = arith.constant 0 : i32
    %ne3A_77 = arith.cmpi ne, %rem3A, %ne3A_76 : i32
    %and3A = arith.andi %ne3A, %ne3A_77 : i1
    %sub3A_78 = arith.constant 1 : i32
    %sub3A_79 = arith.subi %div3A, %sub3A_78 : i32
    %select_n3A_80 = arith.select %and3A, %sub3A_79, %div3A : i32
    %while3A = arith.constant 0 : i32
    %while3A_81 = arith.constant 0 : i32
    %while3A_82 = arith.subi %select_n3A_80, %while3A_81 : i32
    %while3A_83 = arith.addi %while3A_81, %while3A_82 : i32
    %while3A_84 = arith.constant 1 : i32
    %while3A_85 = arith.divsi %while3A_82, %while3A_84 : i32
    %while3A_86 = arith.muli %while3A_85, %while3A_84 : i32
    %while3A_87 = arith.addi %while3A_81, %while3A_86 : i32
    %while3A_88 = arith.constant 1 : i32
    scf.for %while3A_186 = %while3A_81 to %while3A_87 step %while3A_88  : i32 {
      %mul3A_187 = arith.constant 4 : i32
      %mul3A_188 = arith.muli %while3A_186, %mul3A_187 : i32
      %add3A_189 = arith.constant 0 : i32
      %add3A_190 = arith.addi %mul3A_188, %add3A_189 : i32
      %add3A_191 = arith.constant 2 : i32
      %add3A_192 = arith.addi %add3A_190, %add3A_191 : i32
      %lt3A_193 = arith.cmpi slt, %add3A_192, %add3A_4 : i32
      %convert_element_type3A_194 = arith.extui %lt3A_193 : i1 to i32
      %cond3A_195 = arith.constant 0 : i32
      %cond3A_196 = arith.cmpi ne, %convert_element_type3A_194, %cond3A_195 : i32
      scf.if %cond3A_196 {
        %ge3A_315 = arith.constant 2 : i32
        %ge3A_316 = arith.cmpi sge, %add3A_190, %ge3A_315 : i32
        %convert_element_type3A_317 = arith.extui %ge3A_316 : i1 to i32
        %cond3A_318 = arith.constant 0 : i32
        %cond3A_319 = arith.cmpi ne, %convert_element_type3A_317, %cond3A_318 : i32
        scf.if %cond3A_319 {
          %sub3A_331 = arith.constant 2 : i32
          %sub3A_332 = arith.subi %add3A_190, %sub3A_331 : i32
          %dma_wait3A_333 = arith.constant 2 : i32
          %dma_wait3A_334 = arith.constant 0 : i32
          %dma_wait3A_335 = arith.constant 0 : i32
          %dma_wait3A_336 = tpu.memref_slice %arg10[%dma_wait3A_333, %dma_wait3A_334, %dma_wait3A_335] : memref<4x128x64xf32, #tpu.memory_space<vmem>> -> memref<1x128x64xf32, #tpu.memory_space<vmem>>
          %dma_wait3A_337 = tpu.memref_squeeze %dma_wait3A_336 : memref<1x128x64xf32, #tpu.memory_space<vmem>> -> memref<128x64xf32, #tpu.memory_space<vmem>>
          %dma_wait3A_338 = arith.constant 0 : i32
          %dma_wait3A_339 = tpu.memref_slice %arg9[%sub3A_332, %dma_wait3A_338] : memref<40x128xi32, #tpu.memory_space<vmem>> -> memref<1x128xi32, #tpu.memory_space<vmem>>
          %dma_wait3A_340 = tpu.memref_squeeze %dma_wait3A_339 : memref<1x128xi32, #tpu.memory_space<vmem>> -> memref<128xi32, #tpu.memory_space<vmem>>
          %dma_wait3A_341 = arith.constant 0 : i32
          %dma_wait3A_342 = arith.constant 0 : i32
          %dma_wait3A_343 = tpu.memref_slice %arg6[%dma_wait3A_341, %dma_wait3A_342] : memref<10240x64xf32, #tpu.memory_space<vmem_shared>> -> memref<10240x64xf32, #tpu.memory_space<vmem_shared>>
          tpu.wait_indirect_dma semaphore(%arg18 : memref<!tpu.dma_semaphore, #tpu.memory_space<semaphore_mem>>) src(%dma_wait3A_337 : memref<128x64xf32, #tpu.memory_space<vmem>>) dst(%dma_wait3A_343 : memref<10240x64xf32, #tpu.memory_space<vmem_shared>>)
        } else {
        }
        %dma_start3A_320 = arith.constant 2 : i32
        %dma_start3A_321 = arith.constant 0 : i32
        %dma_start3A_322 = arith.constant 0 : i32
        %dma_start3A_323 = tpu.memref_slice %arg10[%dma_start3A_320, %dma_start3A_321, %dma_start3A_322] : memref<4x128x64xf32, #tpu.memory_space<vmem>> -> memref<1x128x64xf32, #tpu.memory_space<vmem>>
        %dma_start3A_324 = tpu.memref_squeeze %dma_start3A_323 : memref<1x128x64xf32, #tpu.memory_space<vmem>> -> memref<128x64xf32, #tpu.memory_space<vmem>>
        %dma_start3A_325 = arith.constant 0 : i32
        %dma_start3A_326 = tpu.memref_slice %arg8[%add3A_192, %dma_start3A_325] : memref<40x128xi32, #tpu.memory_space<vmem>> -> memref<1x128xi32, #tpu.memory_space<vmem>>
        %dma_start3A_327 = tpu.memref_squeeze %dma_start3A_326 : memref<1x128xi32, #tpu.memory_space<vmem>> -> memref<128xi32, #tpu.memory_space<vmem>>
        %dma_start3A_328 = arith.constant 0 : i32
        %dma_start3A_329 = arith.constant 0 : i32
        %dma_start3A_330 = tpu.memref_slice %arg7[%dma_start3A_328, %dma_start3A_329] : memref<10240x64xf32, #tpu.memory_space<vmem_shared>> -> memref<10240x64xf32, #tpu.memory_space<vmem_shared>>
        tpu.enqueue_indirect_dma source(%dma_start3A_330 : memref<10240x64xf32, #tpu.memory_space<vmem_shared>>) target(%dma_start3A_324 : memref<128x64xf32, #tpu.memory_space<vmem>>) offsets(%dma_start3A_327 : memref<128xi32, #tpu.memory_space<vmem>>) semaphore(%arg14 : memref<!tpu.dma_semaphore, #tpu.memory_space<semaphore_mem>>)
      } else {
      }
      %dma_wait3A_197 = arith.constant 0 : i32
      %dma_wait3A_198 = arith.constant 0 : i32
      %dma_wait3A_199 = arith.constant 0 : i32
      %dma_wait3A_200 = tpu.memref_slice %arg10[%dma_wait3A_197, %dma_wait3A_198, %dma_wait3A_199] : memref<4x128x64xf32, #tpu.memory_space<vmem>> -> memref<1x128x64xf32, #tpu.memory_space<vmem>>
      %dma_wait3A_201 = tpu.memref_squeeze %dma_wait3A_200 : memref<1x128x64xf32, #tpu.memory_space<vmem>> -> memref<128x64xf32, #tpu.memory_space<vmem>>
      %dma_wait3A_202 = arith.constant 0 : i32
      %dma_wait3A_203 = tpu.memref_slice %arg8[%add3A_190, %dma_wait3A_202] : memref<40x128xi32, #tpu.memory_space<vmem>> -> memref<1x128xi32, #tpu.memory_space<vmem>>
      %dma_wait3A_204 = tpu.memref_squeeze %dma_wait3A_203 : memref<1x128xi32, #tpu.memory_space<vmem>> -> memref<128xi32, #tpu.memory_space<vmem>>
      %dma_wait3A_205 = arith.constant 0 : i32
      %dma_wait3A_206 = arith.constant 0 : i32
      %dma_wait3A_207 = tpu.memref_slice %arg7[%dma_wait3A_205, %dma_wait3A_206] : memref<10240x64xf32, #tpu.memory_space<vmem_shared>> -> memref<10240x64xf32, #tpu.memory_space<vmem_shared>>
      tpu.wait_indirect_dma semaphore(%arg12 : memref<!tpu.dma_semaphore, #tpu.memory_space<semaphore_mem>>) src(%dma_wait3A_207 : memref<10240x64xf32, #tpu.memory_space<vmem_shared>>) dst(%dma_wait3A_201 : memref<128x64xf32, #tpu.memory_space<vmem>>)
      %dma_start3A_208 = arith.constant 0 : i32
      %dma_start3A_209 = arith.constant 0 : i32
      %dma_start3A_210 = arith.constant 0 : i32
      %dma_start3A_211 = tpu.memref_slice %arg10[%dma_start3A_208, %dma_start3A_209, %dma_start3A_210] : memref<4x128x64xf32, #tpu.memory_space<vmem>> -> memref<1x128x64xf32, #tpu.memory_space<vmem>>
      %dma_start3A_212 = tpu.memref_squeeze %dma_start3A_211 : memref<1x128x64xf32, #tpu.memory_space<vmem>> -> memref<128x64xf32, #tpu.memory_space<vmem>>
      %dma_start3A_213 = arith.constant 0 : i32
      %dma_start3A_214 = tpu.memref_slice %arg9[%add3A_190, %dma_start3A_213] : memref<40x128xi32, #tpu.memory_space<vmem>> -> memref<1x128xi32, #tpu.memory_space<vmem>>
      %dma_start3A_215 = tpu.memref_squeeze %dma_start3A_214 : memref<1x128xi32, #tpu.memory_space<vmem>> -> memref<128xi32, #tpu.memory_space<vmem>>
      %dma_start3A_216 = arith.constant 0 : i32
      %dma_start3A_217 = arith.constant 0 : i32
      %dma_start3A_218 = tpu.memref_slice %arg6[%dma_start3A_216, %dma_start3A_217] : memref<10240x64xf32, #tpu.memory_space<vmem_shared>> -> memref<10240x64xf32, #tpu.memory_space<vmem_shared>>
      tpu.enqueue_indirect_dma source(%dma_start3A_212 : memref<128x64xf32, #tpu.memory_space<vmem>>) target(%dma_start3A_218 : memref<10240x64xf32, #tpu.memory_space<vmem_shared>>) offsets(%dma_start3A_215 : memref<128xi32, #tpu.memory_space<vmem>>) semaphore(%arg16 : memref<!tpu.dma_semaphore, #tpu.memory_space<semaphore_mem>>) {add = true}
      %mul3A_219 = arith.constant 4 : i32
      %mul3A_220 = arith.muli %while3A_186, %mul3A_219 : i32
      %add3A_221 = arith.constant 1 : i32
      %add3A_222 = arith.addi %mul3A_220, %add3A_221 : i32
      %add3A_223 = arith.constant 2 : i32
      %add3A_224 = arith.addi %add3A_222, %add3A_223 : i32
      %lt3A_225 = arith.cmpi slt, %add3A_224, %add3A_4 : i32
      %convert_element_type3A_226 = arith.extui %lt3A_225 : i1 to i32
      %cond3A_227 = arith.constant 0 : i32
      %cond3A_228 = arith.cmpi ne, %convert_element_type3A_226, %cond3A_227 : i32
      scf.if %cond3A_228 {
        %ge3A_315 = arith.constant 2 : i32
        %ge3A_316 = arith.cmpi sge, %add3A_222, %ge3A_315 : i32
        %convert_element_type3A_317 = arith.extui %ge3A_316 : i1 to i32
        %cond3A_318 = arith.constant 0 : i32
        %cond3A_319 = arith.cmpi ne, %convert_element_type3A_317, %cond3A_318 : i32
        scf.if %cond3A_319 {
          %sub3A_331 = arith.constant 2 : i32
          %sub3A_332 = arith.subi %add3A_222, %sub3A_331 : i32
          %dma_wait3A_333 = arith.constant 3 : i32
          %dma_wait3A_334 = arith.constant 0 : i32
          %dma_wait3A_335 = arith.constant 0 : i32
          %dma_wait3A_336 = tpu.memref_slice %arg10[%dma_wait3A_333, %dma_wait3A_334, %dma_wait3A_335] : memref<4x128x64xf32, #tpu.memory_space<vmem>> -> memref<1x128x64xf32, #tpu.memory_space<vmem>>
          %dma_wait3A_337 = tpu.memref_squeeze %dma_wait3A_336 : memref<1x128x64xf32, #tpu.memory_space<vmem>> -> memref<128x64xf32, #tpu.memory_space<vmem>>
          %dma_wait3A_338 = arith.constant 0 : i32
          %dma_wait3A_339 = tpu.memref_slice %arg9[%sub3A_332, %dma_wait3A_338] : memref<40x128xi32, #tpu.memory_space<vmem>> -> memref<1x128xi32, #tpu.memory_space<vmem>>
          %dma_wait3A_340 = tpu.memref_squeeze %dma_wait3A_339 : memref<1x128xi32, #tpu.memory_space<vmem>> -> memref<128xi32, #tpu.memory_space<vmem>>
          %dma_wait3A_341 = arith.constant 0 : i32
          %dma_wait3A_342 = arith.constant 0 : i32
          %dma_wait3A_343 = tpu.memref_slice %arg6[%dma_wait3A_341, %dma_wait3A_342] : memref<10240x64xf32, #tpu.memory_space<vmem_shared>> -> memref<10240x64xf32, #tpu.memory_space<vmem_shared>>
          tpu.wait_indirect_dma semaphore(%arg19 : memref<!tpu.dma_semaphore, #tpu.memory_space<semaphore_mem>>) src(%dma_wait3A_337 : memref<128x64xf32, #tpu.memory_space<vmem>>) dst(%dma_wait3A_343 : memref<10240x64xf32, #tpu.memory_space<vmem_shared>>)
        } else {
        }
        %dma_start3A_320 = arith.constant 3 : i32
        %dma_start3A_321 = arith.constant 0 : i32
        %dma_start3A_322 = arith.constant 0 : i32
        %dma_start3A_323 = tpu.memref_slice %arg10[%dma_start3A_320, %dma_start3A_321, %dma_start3A_322] : memref<4x128x64xf32, #tpu.memory_space<vmem>> -> memref<1x128x64xf32, #tpu.memory_space<vmem>>
        %dma_start3A_324 = tpu.memref_squeeze %dma_start3A_323 : memref<1x128x64xf32, #tpu.memory_space<vmem>> -> memref<128x64xf32, #tpu.memory_space<vmem>>
        %dma_start3A_325 = arith.constant 0 : i32
        %dma_start3A_326 = tpu.memref_slice %arg8[%add3A_224, %dma_start3A_325] : memref<40x128xi32, #tpu.memory_space<vmem>> -> memref<1x128xi32, #tpu.memory_space<vmem>>
        %dma_start3A_327 = tpu.memref_squeeze %dma_start3A_326 : memref<1x128xi32, #tpu.memory_space<vmem>> -> memref<128xi32, #tpu.memory_space<vmem>>
        %dma_start3A_328 = arith.constant 0 : i32
        %dma_start3A_329 = arith.constant 0 : i32
        %dma_start3A_330 = tpu.memref_slice %arg7[%dma_start3A_328, %dma_start3A_329] : memref<10240x64xf32, #tpu.memory_space<vmem_shared>> -> memref<10240x64xf32, #tpu.memory_space<vmem_shared>>
        tpu.enqueue_indirect_dma source(%dma_start3A_330 : memref<10240x64xf32, #tpu.memory_space<vmem_shared>>) target(%dma_start3A_324 : memref<128x64xf32, #tpu.memory_space<vmem>>) offsets(%dma_start3A_327 : memref<128xi32, #tpu.memory_space<vmem>>) semaphore(%arg15 : memref<!tpu.dma_semaphore, #tpu.memory_space<semaphore_mem>>)
      } else {
      }
      %dma_wait3A_229 = arith.constant 1 : i32
      %dma_wait3A_230 = arith.constant 0 : i32
      %dma_wait3A_231 = arith.constant 0 : i32
      %dma_wait3A_232 = tpu.memref_slice %arg10[%dma_wait3A_229, %dma_wait3A_230, %dma_wait3A_231] : memref<4x128x64xf32, #tpu.memory_space<vmem>> -> memref<1x128x64xf32, #tpu.memory_space<vmem>>
      %dma_wait3A_233 = tpu.memref_squeeze %dma_wait3A_232 : memref<1x128x64xf32, #tpu.memory_space<vmem>> -> memref<128x64xf32, #tpu.memory_space<vmem>>
      %dma_wait3A_234 = arith.constant 0 : i32
      %dma_wait3A_235 = tpu.memref_slice %arg8[%add3A_222, %dma_wait3A_234] : memref<40x128xi32, #tpu.memory_space<vmem>> -> memref<1x128xi32, #tpu.memory_space<vmem>>
      %dma_wait3A_236 = tpu.memref_squeeze %dma_wait3A_235 : memref<1x128xi32, #tpu.memory_space<vmem>> -> memref<128xi32, #tpu.memory_space<vmem>>
      %dma_wait3A_237 = arith.constant 0 : i32
      %dma_wait3A_238 = arith.constant 0 : i32
      %dma_wait3A_239 = tpu.memref_slice %arg7[%dma_wait3A_237, %dma_wait3A_238] : memref<10240x64xf32, #tpu.memory_space<vmem_shared>> -> memref<10240x64xf32, #tpu.memory_space<vmem_shared>>
      tpu.wait_indirect_dma semaphore(%arg13 : memref<!tpu.dma_semaphore, #tpu.memory_space<semaphore_mem>>) src(%dma_wait3A_239 : memref<10240x64xf32, #tpu.memory_space<vmem_shared>>) dst(%dma_wait3A_233 : memref<128x64xf32, #tpu.memory_space<vmem>>)
      %dma_start3A_240 = arith.constant 1 : i32
      %dma_start3A_241 = arith.constant 0 : i32
      %dma_start3A_242 = arith.constant 0 : i32
      %dma_start3A_243 = tpu.memref_slice %arg10[%dma_start3A_240, %dma_start3A_241, %dma_start3A_242] : memref<4x128x64xf32, #tpu.memory_space<vmem>> -> memref<1x128x64xf32, #tpu.memory_space<vmem>>
      %dma_start3A_244 = tpu.memref_squeeze %dma_start3A_243 : memref<1x128x64xf32, #tpu.memory_space<vmem>> -> memref<128x64xf32, #tpu.memory_space<vmem>>
      %dma_start3A_245 = arith.constant 0 : i32
      %dma_start3A_246 = tpu.memref_slice %arg9[%add3A_222, %dma_start3A_245] : memref<40x128xi32, #tpu.memory_space<vmem>> -> memref<1x128xi32, #tpu.memory_space<vmem>>
      %dma_start3A_247 = tpu.memref_squeeze %dma_start3A_246 : memref<1x128xi32, #tpu.memory_space<vmem>> -> memref<128xi32, #tpu.memory_space<vmem>>
      %dma_start3A_248 = arith.constant 0 : i32
      %dma_start3A_249 = arith.constant 0 : i32
      %dma_start3A_250 = tpu.memref_slice %arg6[%dma_start3A_248, %dma_start3A_249] : memref<10240x64xf32, #tpu.memory_space<vmem_shared>> -> memref<10240x64xf32, #tpu.memory_space<vmem_shared>>
      tpu.enqueue_indirect_dma source(%dma_start3A_244 : memref<128x64xf32, #tpu.memory_space<vmem>>) target(%dma_start3A_250 : memref<10240x64xf32, #tpu.memory_space<vmem_shared>>) offsets(%dma_start3A_247 : memref<128xi32, #tpu.memory_space<vmem>>) semaphore(%arg17 : memref<!tpu.dma_semaphore, #tpu.memory_space<semaphore_mem>>) {add = true}
      %mul3A_251 = arith.constant 4 : i32
      %mul3A_252 = arith.muli %while3A_186, %mul3A_251 : i32
      %add3A_253 = arith.constant 2 : i32
      %add3A_254 = arith.addi %mul3A_252, %add3A_253 : i32
      %add3A_255 = arith.constant 2 : i32
      %add3A_256 = arith.addi %add3A_254, %add3A_255 : i32
      %lt3A_257 = arith.cmpi slt, %add3A_256, %add3A_4 : i32
      %convert_element_type3A_258 = arith.extui %lt3A_257 : i1 to i32
      %cond3A_259 = arith.constant 0 : i32
      %cond3A_260 = arith.cmpi ne, %convert_element_type3A_258, %cond3A_259 : i32
      scf.if %cond3A_260 {
        %ge3A_315 = arith.constant 2 : i32
        %ge3A_316 = arith.cmpi sge, %add3A_254, %ge3A_315 : i32
        %convert_element_type3A_317 = arith.extui %ge3A_316 : i1 to i32
        %cond3A_318 = arith.constant 0 : i32
        %cond3A_319 = arith.cmpi ne, %convert_element_type3A_317, %cond3A_318 : i32
        scf.if %cond3A_319 {
          %sub3A_331 = arith.constant 2 : i32
          %sub3A_332 = arith.subi %add3A_254, %sub3A_331 : i32
          %dma_wait3A_333 = arith.constant 0 : i32
          %dma_wait3A_334 = arith.constant 0 : i32
          %dma_wait3A_335 = arith.constant 0 : i32
          %dma_wait3A_336 = tpu.memref_slice %arg10[%dma_wait3A_333, %dma_wait3A_334, %dma_wait3A_335] : memref<4x128x64xf32, #tpu.memory_space<vmem>> -> memref<1x128x64xf32, #tpu.memory_space<vmem>>
          %dma_wait3A_337 = tpu.memref_squeeze %dma_wait3A_336 : memref<1x128x64xf32, #tpu.memory_space<vmem>> -> memref<128x64xf32, #tpu.memory_space<vmem>>
          %dma_wait3A_338 = arith.constant 0 : i32
          %dma_wait3A_339 = tpu.memref_slice %arg9[%sub3A_332, %dma_wait3A_338] : memref<40x128xi32, #tpu.memory_space<vmem>> -> memref<1x128xi32, #tpu.memory_space<vmem>>
          %dma_wait3A_340 = tpu.memref_squeeze %dma_wait3A_339 : memref<1x128xi32, #tpu.memory_space<vmem>> -> memref<128xi32, #tpu.memory_space<vmem>>
          %dma_wait3A_341 = arith.constant 0 : i32
          %dma_wait3A_342 = arith.constant 0 : i32
          %dma_wait3A_343 = tpu.memref_slice %arg6[%dma_wait3A_341, %dma_wait3A_342] : memref<10240x64xf32, #tpu.memory_space<vmem_shared>> -> memref<10240x64xf32, #tpu.memory_space<vmem_shared>>
          tpu.wait_indirect_dma semaphore(%arg16 : memref<!tpu.dma_semaphore, #tpu.memory_space<semaphore_mem>>) src(%dma_wait3A_337 : memref<128x64xf32, #tpu.memory_space<vmem>>) dst(%dma_wait3A_343 : memref<10240x64xf32, #tpu.memory_space<vmem_shared>>)
        } else {
        }
        %dma_start3A_320 = arith.constant 0 : i32
        %dma_start3A_321 = arith.constant 0 : i32
        %dma_start3A_322 = arith.constant 0 : i32
        %dma_start3A_323 = tpu.memref_slice %arg10[%dma_start3A_320, %dma_start3A_321, %dma_start3A_322] : memref<4x128x64xf32, #tpu.memory_space<vmem>> -> memref<1x128x64xf32, #tpu.memory_space<vmem>>
        %dma_start3A_324 = tpu.memref_squeeze %dma_start3A_323 : memref<1x128x64xf32, #tpu.memory_space<vmem>> -> memref<128x64xf32, #tpu.memory_space<vmem>>
        %dma_start3A_325 = arith.constant 0 : i32
        %dma_start3A_326 = tpu.memref_slice %arg8[%add3A_256, %dma_start3A_325] : memref<40x128xi32, #tpu.memory_space<vmem>> -> memref<1x128xi32, #tpu.memory_space<vmem>>
        %dma_start3A_327 = tpu.memref_squeeze %dma_start3A_326 : memref<1x128xi32, #tpu.memory_space<vmem>> -> memref<128xi32, #tpu.memory_space<vmem>>
        %dma_start3A_328 = arith.constant 0 : i32
        %dma_start3A_329 = arith.constant 0 : i32
        %dma_start3A_330 = tpu.memref_slice %arg7[%dma_start3A_328, %dma_start3A_329] : memref<10240x64xf32, #tpu.memory_space<vmem_shared>> -> memref<10240x64xf32, #tpu.memory_space<vmem_shared>>
        tpu.enqueue_indirect_dma source(%dma_start3A_330 : memref<10240x64xf32, #tpu.memory_space<vmem_shared>>) target(%dma_start3A_324 : memref<128x64xf32, #tpu.memory_space<vmem>>) offsets(%dma_start3A_327 : memref<128xi32, #tpu.memory_space<vmem>>) semaphore(%arg12 : memref<!tpu.dma_semaphore, #tpu.memory_space<semaphore_mem>>)
      } else {
      }
      %dma_wait3A_261 = arith.constant 2 : i32
      %dma_wait3A_262 = arith.constant 0 : i32
      %dma_wait3A_263 = arith.constant 0 : i32
      %dma_wait3A_264 = tpu.memref_slice %arg10[%dma_wait3A_261, %dma_wait3A_262, %dma_wait3A_263] : memref<4x128x64xf32, #tpu.memory_space<vmem>> -> memref<1x128x64xf32, #tpu.memory_space<vmem>>
      %dma_wait3A_265 = tpu.memref_squeeze %dma_wait3A_264 : memref<1x128x64xf32, #tpu.memory_space<vmem>> -> memref<128x64xf32, #tpu.memory_space<vmem>>
      %dma_wait3A_266 = arith.constant 0 : i32
      %dma_wait3A_267 = tpu.memref_slice %arg8[%add3A_254, %dma_wait3A_266] : memref<40x128xi32, #tpu.memory_space<vmem>> -> memref<1x128xi32, #tpu.memory_space<vmem>>
      %dma_wait3A_268 = tpu.memref_squeeze %dma_wait3A_267 : memref<1x128xi32, #tpu.memory_space<vmem>> -> memref<128xi32, #tpu.memory_space<vmem>>
      %dma_wait3A_269 = arith.constant 0 : i32
      %dma_wait3A_270 = arith.constant 0 : i32
      %dma_wait3A_271 = tpu.memref_slice %arg7[%dma_wait3A_269, %dma_wait3A_270] : memref<10240x64xf32, #tpu.memory_space<vmem_shared>> -> memref<10240x64xf32, #tpu.memory_space<vmem_shared>>
      tpu.wait_indirect_dma semaphore(%arg14 : memref<!tpu.dma_semaphore, #tpu.memory_space<semaphore_mem>>) src(%dma_wait3A_271 : memref<10240x64xf32, #tpu.memory_space<vmem_shared>>) dst(%dma_wait3A_265 : memref<128x64xf32, #tpu.memory_space<vmem>>)
      %dma_start3A_272 = arith.constant 2 : i32
      %dma_start3A_273 = arith.constant 0 : i32
      %dma_start3A_274 = arith.constant 0 : i32
      %dma_start3A_275 = tpu.memref_slice %arg10[%dma_start3A_272, %dma_start3A_273, %dma_start3A_274] : memref<4x128x64xf32, #tpu.memory_space<vmem>> -> memref<1x128x64xf32, #tpu.memory_space<vmem>>
      %dma_start3A_276 = tpu.memref_squeeze %dma_start3A_275 : memref<1x128x64xf32, #tpu.memory_space<vmem>> -> memref<128x64xf32, #tpu.memory_space<vmem>>
      %dma_start3A_277 = arith.constant 0 : i32
      %dma_start3A_278 = tpu.memref_slice %arg9[%add3A_254, %dma_start3A_277] : memref<40x128xi32, #tpu.memory_space<vmem>> -> memref<1x128xi32, #tpu.memory_space<vmem>>
      %dma_start3A_279 = tpu.memref_squeeze %dma_start3A_278 : memref<1x128xi32, #tpu.memory_space<vmem>> -> memref<128xi32, #tpu.memory_space<vmem>>
      %dma_start3A_280 = arith.constant 0 : i32
      %dma_start3A_281 = arith.constant 0 : i32
      %dma_start3A_282 = tpu.memref_slice %arg6[%dma_start3A_280, %dma_start3A_281] : memref<10240x64xf32, #tpu.memory_space<vmem_shared>> -> memref<10240x64xf32, #tpu.memory_space<vmem_shared>>
      tpu.enqueue_indirect_dma source(%dma_start3A_276 : memref<128x64xf32, #tpu.memory_space<vmem>>) target(%dma_start3A_282 : memref<10240x64xf32, #tpu.memory_space<vmem_shared>>) offsets(%dma_start3A_279 : memref<128xi32, #tpu.memory_space<vmem>>) semaphore(%arg18 : memref<!tpu.dma_semaphore, #tpu.memory_space<semaphore_mem>>) {add = true}
      %mul3A_283 = arith.constant 4 : i32
      %mul3A_284 = arith.muli %while3A_186, %mul3A_283 : i32
      %add3A_285 = arith.constant 3 : i32
      %add3A_286 = arith.addi %mul3A_284, %add3A_285 : i32
      %add3A_287 = arith.constant 2 : i32
      %add3A_288 = arith.addi %add3A_286, %add3A_287 : i32
      %lt3A_289 = arith.cmpi slt, %add3A_288, %add3A_4 : i32
      %convert_element_type3A_290 = arith.extui %lt3A_289 : i1 to i32
      %cond3A_291 = arith.constant 0 : i32
      %cond3A_292 = arith.cmpi ne, %convert_element_type3A_290, %cond3A_291 : i32
      scf.if %cond3A_292 {
        %ge3A_315 = arith.constant 2 : i32
        %ge3A_316 = arith.cmpi sge, %add3A_286, %ge3A_315 : i32
        %convert_element_type3A_317 = arith.extui %ge3A_316 : i1 to i32
        %cond3A_318 = arith.constant 0 : i32
        %cond3A_319 = arith.cmpi ne, %convert_element_type3A_317, %cond3A_318 : i32
        scf.if %cond3A_319 {
          %sub3A_331 = arith.constant 2 : i32
          %sub3A_332 = arith.subi %add3A_286, %sub3A_331 : i32
          %dma_wait3A_333 = arith.constant 1 : i32
          %dma_wait3A_334 = arith.constant 0 : i32
          %dma_wait3A_335 = arith.constant 0 : i32
          %dma_wait3A_336 = tpu.memref_slice %arg10[%dma_wait3A_333, %dma_wait3A_334, %dma_wait3A_335] : memref<4x128x64xf32, #tpu.memory_space<vmem>> -> memref<1x128x64xf32, #tpu.memory_space<vmem>>
          %dma_wait3A_337 = tpu.memref_squeeze %dma_wait3A_336 : memref<1x128x64xf32, #tpu.memory_space<vmem>> -> memref<128x64xf32, #tpu.memory_space<vmem>>
          %dma_wait3A_338 = arith.constant 0 : i32
          %dma_wait3A_339 = tpu.memref_slice %arg9[%sub3A_332, %dma_wait3A_338] : memref<40x128xi32, #tpu.memory_space<vmem>> -> memref<1x128xi32, #tpu.memory_space<vmem>>
          %dma_wait3A_340 = tpu.memref_squeeze %dma_wait3A_339 : memref<1x128xi32, #tpu.memory_space<vmem>> -> memref<128xi32, #tpu.memory_space<vmem>>
          %dma_wait3A_341 = arith.constant 0 : i32
          %dma_wait3A_342 = arith.constant 0 : i32
          %dma_wait3A_343 = tpu.memref_slice %arg6[%dma_wait3A_341, %dma_wait3A_342] : memref<10240x64xf32, #tpu.memory_space<vmem_shared>> -> memref<10240x64xf32, #tpu.memory_space<vmem_shared>>
          tpu.wait_indirect_dma semaphore(%arg17 : memref<!tpu.dma_semaphore, #tpu.memory_space<semaphore_mem>>) src(%dma_wait3A_337 : memref<128x64xf32, #tpu.memory_space<vmem>>) dst(%dma_wait3A_343 : memref<10240x64xf32, #tpu.memory_space<vmem_shared>>)
        } else {
        }
        %dma_start3A_320 = arith.constant 1 : i32
        %dma_start3A_321 = arith.constant 0 : i32
        %dma_start3A_322 = arith.constant 0 : i32
        %dma_start3A_323 = tpu.memref_slice %arg10[%dma_start3A_320, %dma_start3A_321, %dma_start3A_322] : memref<4x128x64xf32, #tpu.memory_space<vmem>> -> memref<1x128x64xf32, #tpu.memory_space<vmem>>
        %dma_start3A_324 = tpu.memref_squeeze %dma_start3A_323 : memref<1x128x64xf32, #tpu.memory_space<vmem>> -> memref<128x64xf32, #tpu.memory_space<vmem>>
        %dma_start3A_325 = arith.constant 0 : i32
        %dma_start3A_326 = tpu.memref_slice %arg8[%add3A_288, %dma_start3A_325] : memref<40x128xi32, #tpu.memory_space<vmem>> -> memref<1x128xi32, #tpu.memory_space<vmem>>
        %dma_start3A_327 = tpu.memref_squeeze %dma_start3A_326 : memref<1x128xi32, #tpu.memory_space<vmem>> -> memref<128xi32, #tpu.memory_space<vmem>>
        %dma_start3A_328 = arith.constant 0 : i32
        %dma_start3A_329 = arith.constant 0 : i32
        %dma_start3A_330 = tpu.memref_slice %arg7[%dma_start3A_328, %dma_start3A_329] : memref<10240x64xf32, #tpu.memory_space<vmem_shared>> -> memref<10240x64xf32, #tpu.memory_space<vmem_shared>>
        tpu.enqueue_indirect_dma source(%dma_start3A_330 : memref<10240x64xf32, #tpu.memory_space<vmem_shared>>) target(%dma_start3A_324 : memref<128x64xf32, #tpu.memory_space<vmem>>) offsets(%dma_start3A_327 : memref<128xi32, #tpu.memory_space<vmem>>) semaphore(%arg13 : memref<!tpu.dma_semaphore, #tpu.memory_space<semaphore_mem>>)
      } else {
      }
      %dma_wait3A_293 = arith.constant 3 : i32
      %dma_wait3A_294 = arith.constant 0 : i32
      %dma_wait3A_295 = arith.constant 0 : i32
      %dma_wait3A_296 = tpu.memref_slice %arg10[%dma_wait3A_293, %dma_wait3A_294, %dma_wait3A_295] : memref<4x128x64xf32, #tpu.memory_space<vmem>> -> memref<1x128x64xf32, #tpu.memory_space<vmem>>
      %dma_wait3A_297 = tpu.memref_squeeze %dma_wait3A_296 : memref<1x128x64xf32, #tpu.memory_space<vmem>> -> memref<128x64xf32, #tpu.memory_space<vmem>>
      %dma_wait3A_298 = arith.constant 0 : i32
      %dma_wait3A_299 = tpu.memref_slice %arg8[%add3A_286, %dma_wait3A_298] : memref<40x128xi32, #tpu.memory_space<vmem>> -> memref<1x128xi32, #tpu.memory_space<vmem>>
      %dma_wait3A_300 = tpu.memref_squeeze %dma_wait3A_299 : memref<1x128xi32, #tpu.memory_space<vmem>> -> memref<128xi32, #tpu.memory_space<vmem>>
      %dma_wait3A_301 = arith.constant 0 : i32
      %dma_wait3A_302 = arith.constant 0 : i32
      %dma_wait3A_303 = tpu.memref_slice %arg7[%dma_wait3A_301, %dma_wait3A_302] : memref<10240x64xf32, #tpu.memory_space<vmem_shared>> -> memref<10240x64xf32, #tpu.memory_space<vmem_shared>>
      tpu.wait_indirect_dma semaphore(%arg15 : memref<!tpu.dma_semaphore, #tpu.memory_space<semaphore_mem>>) src(%dma_wait3A_303 : memref<10240x64xf32, #tpu.memory_space<vmem_shared>>) dst(%dma_wait3A_297 : memref<128x64xf32, #tpu.memory_space<vmem>>)
      %dma_start3A_304 = arith.constant 3 : i32
      %dma_start3A_305 = arith.constant 0 : i32
      %dma_start3A_306 = arith.constant 0 : i32
      %dma_start3A_307 = tpu.memref_slice %arg10[%dma_start3A_304, %dma_start3A_305, %dma_start3A_306] : memref<4x128x64xf32, #tpu.memory_space<vmem>> -> memref<1x128x64xf32, #tpu.memory_space<vmem>>
      %dma_start3A_308 = tpu.memref_squeeze %dma_start3A_307 : memref<1x128x64xf32, #tpu.memory_space<vmem>> -> memref<128x64xf32, #tpu.memory_space<vmem>>
      %dma_start3A_309 = arith.constant 0 : i32
      %dma_start3A_310 = tpu.memref_slice %arg9[%add3A_286, %dma_start3A_309] : memref<40x128xi32, #tpu.memory_space<vmem>> -> memref<1x128xi32, #tpu.memory_space<vmem>>
      %dma_start3A_311 = tpu.memref_squeeze %dma_start3A_310 : memref<1x128xi32, #tpu.memory_space<vmem>> -> memref<128xi32, #tpu.memory_space<vmem>>
      %dma_start3A_312 = arith.constant 0 : i32
      %dma_start3A_313 = arith.constant 0 : i32
      %dma_start3A_314 = tpu.memref_slice %arg6[%dma_start3A_312, %dma_start3A_313] : memref<10240x64xf32, #tpu.memory_space<vmem_shared>> -> memref<10240x64xf32, #tpu.memory_space<vmem_shared>>
      tpu.enqueue_indirect_dma source(%dma_start3A_308 : memref<128x64xf32, #tpu.memory_space<vmem>>) target(%dma_start3A_314 : memref<10240x64xf32, #tpu.memory_space<vmem_shared>>) offsets(%dma_start3A_311 : memref<128xi32, #tpu.memory_space<vmem>>) semaphore(%arg19 : memref<!tpu.dma_semaphore, #tpu.memory_space<semaphore_mem>>) {add = true}
    }
    %while3A_89 = arith.constant 1 : i32
    scf.for %while3A_186 = %while3A_87 to %while3A_83 step %while3A_89  : i32 {
      %mul3A_187 = arith.constant 4 : i32
      %mul3A_188 = arith.muli %while3A_186, %mul3A_187 : i32
      %add3A_189 = arith.constant 0 : i32
      %add3A_190 = arith.addi %mul3A_188, %add3A_189 : i32
      %add3A_191 = arith.constant 2 : i32
      %add3A_192 = arith.addi %add3A_190, %add3A_191 : i32
      %lt3A_193 = arith.cmpi slt, %add3A_192, %add3A_4 : i32
      %convert_element_type3A_194 = arith.extui %lt3A_193 : i1 to i32
      %cond3A_195 = arith.constant 0 : i32
      %cond3A_196 = arith.cmpi ne, %convert_element_type3A_194, %cond3A_195 : i32
      scf.if %cond3A_196 {
        %ge3A_315 = arith.constant 2 : i32
        %ge3A_316 = arith.cmpi sge, %add3A_190, %ge3A_315 : i32
        %convert_element_type3A_317 = arith.extui %ge3A_316 : i1 to i32
        %cond3A_318 = arith.constant 0 : i32
        %cond3A_319 = arith.cmpi ne, %convert_element_type3A_317, %cond3A_318 : i32
        scf.if %cond3A_319 {
          %sub3A_331 = arith.constant 2 : i32
          %sub3A_332 = arith.subi %add3A_190, %sub3A_331 : i32
          %dma_wait3A_333 = arith.constant 2 : i32
          %dma_wait3A_334 = arith.constant 0 : i32
          %dma_wait3A_335 = arith.constant 0 : i32
          %dma_wait3A_336 = tpu.memref_slice %arg10[%dma_wait3A_333, %dma_wait3A_334, %dma_wait3A_335] : memref<4x128x64xf32, #tpu.memory_space<vmem>> -> memref<1x128x64xf32, #tpu.memory_space<vmem>>
          %dma_wait3A_337 = tpu.memref_squeeze %dma_wait3A_336 : memref<1x128x64xf32, #tpu.memory_space<vmem>> -> memref<128x64xf32, #tpu.memory_space<vmem>>
          %dma_wait3A_338 = arith.constant 0 : i32
          %dma_wait3A_339 = tpu.memref_slice %arg9[%sub3A_332, %dma_wait3A_338] : memref<40x128xi32, #tpu.memory_space<vmem>> -> memref<1x128xi32, #tpu.memory_space<vmem>>
          %dma_wait3A_340 = tpu.memref_squeeze %dma_wait3A_339 : memref<1x128xi32, #tpu.memory_space<vmem>> -> memref<128xi32, #tpu.memory_space<vmem>>
          %dma_wait3A_341 = arith.constant 0 : i32
          %dma_wait3A_342 = arith.constant 0 : i32
          %dma_wait3A_343 = tpu.memref_slice %arg6[%dma_wait3A_341, %dma_wait3A_342] : memref<10240x64xf32, #tpu.memory_space<vmem_shared>> -> memref<10240x64xf32, #tpu.memory_space<vmem_shared>>
          tpu.wait_indirect_dma semaphore(%arg18 : memref<!tpu.dma_semaphore, #tpu.memory_space<semaphore_mem>>) src(%dma_wait3A_337 : memref<128x64xf32, #tpu.memory_space<vmem>>) dst(%dma_wait3A_343 : memref<10240x64xf32, #tpu.memory_space<vmem_shared>>)
        } else {
        }
        %dma_start3A_320 = arith.constant 2 : i32
        %dma_start3A_321 = arith.constant 0 : i32
        %dma_start3A_322 = arith.constant 0 : i32
        %dma_start3A_323 = tpu.memref_slice %arg10[%dma_start3A_320, %dma_start3A_321, %dma_start3A_322] : memref<4x128x64xf32, #tpu.memory_space<vmem>> -> memref<1x128x64xf32, #tpu.memory_space<vmem>>
        %dma_start3A_324 = tpu.memref_squeeze %dma_start3A_323 : memref<1x128x64xf32, #tpu.memory_space<vmem>> -> memref<128x64xf32, #tpu.memory_space<vmem>>
        %dma_start3A_325 = arith.constant 0 : i32
        %dma_start3A_326 = tpu.memref_slice %arg8[%add3A_192, %dma_start3A_325] : memref<40x128xi32, #tpu.memory_space<vmem>> -> memref<1x128xi32, #tpu.memory_space<vmem>>
        %dma_start3A_327 = tpu.memref_squeeze %dma_start3A_326 : memref<1x128xi32, #tpu.memory_space<vmem>> -> memref<128xi32, #tpu.memory_space<vmem>>
        %dma_start3A_328 = arith.constant 0 : i32
        %dma_start3A_329 = arith.constant 0 : i32
        %dma_start3A_330 = tpu.memref_slice %arg7[%dma_start3A_328, %dma_start3A_329] : memref<10240x64xf32, #tpu.memory_space<vmem_shared>> -> memref<10240x64xf32, #tpu.memory_space<vmem_shared>>
        tpu.enqueue_indirect_dma source(%dma_start3A_330 : memref<10240x64xf32, #tpu.memory_space<vmem_shared>>) target(%dma_start3A_324 : memref<128x64xf32, #tpu.memory_space<vmem>>) offsets(%dma_start3A_327 : memref<128xi32, #tpu.memory_space<vmem>>) semaphore(%arg14 : memref<!tpu.dma_semaphore, #tpu.memory_space<semaphore_mem>>)
      } else {
      }
      %dma_wait3A_197 = arith.constant 0 : i32
      %dma_wait3A_198 = arith.constant 0 : i32
      %dma_wait3A_199 = arith.constant 0 : i32
      %dma_wait3A_200 = tpu.memref_slice %arg10[%dma_wait3A_197, %dma_wait3A_198, %dma_wait3A_199] : memref<4x128x64xf32, #tpu.memory_space<vmem>> -> memref<1x128x64xf32, #tpu.memory_space<vmem>>
      %dma_wait3A_201 = tpu.memref_squeeze %dma_wait3A_200 : memref<1x128x64xf32, #tpu.memory_space<vmem>> -> memref<128x64xf32, #tpu.memory_space<vmem>>
      %dma_wait3A_202 = arith.constant 0 : i32
      %dma_wait3A_203 = tpu.memref_slice %arg8[%add3A_190, %dma_wait3A_202] : memref<40x128xi32, #tpu.memory_space<vmem>> -> memref<1x128xi32, #tpu.memory_space<vmem>>
      %dma_wait3A_204 = tpu.memref_squeeze %dma_wait3A_203 : memref<1x128xi32, #tpu.memory_space<vmem>> -> memref<128xi32, #tpu.memory_space<vmem>>
      %dma_wait3A_205 = arith.constant 0 : i32
      %dma_wait3A_206 = arith.constant 0 : i32
      %dma_wait3A_207 = tpu.memref_slice %arg7[%dma_wait3A_205, %dma_wait3A_206] : memref<10240x64xf32, #tpu.memory_space<vmem_shared>> -> memref<10240x64xf32, #tpu.memory_space<vmem_shared>>
      tpu.wait_indirect_dma semaphore(%arg12 : memref<!tpu.dma_semaphore, #tpu.memory_space<semaphore_mem>>) src(%dma_wait3A_207 : memref<10240x64xf32, #tpu.memory_space<vmem_shared>>) dst(%dma_wait3A_201 : memref<128x64xf32, #tpu.memory_space<vmem>>)
      %dma_start3A_208 = arith.constant 0 : i32
      %dma_start3A_209 = arith.constant 0 : i32
      %dma_start3A_210 = arith.constant 0 : i32
      %dma_start3A_211 = tpu.memref_slice %arg10[%dma_start3A_208, %dma_start3A_209, %dma_start3A_210] : memref<4x128x64xf32, #tpu.memory_space<vmem>> -> memref<1x128x64xf32, #tpu.memory_space<vmem>>
      %dma_start3A_212 = tpu.memref_squeeze %dma_start3A_211 : memref<1x128x64xf32, #tpu.memory_space<vmem>> -> memref<128x64xf32, #tpu.memory_space<vmem>>
      %dma_start3A_213 = arith.constant 0 : i32
      %dma_start3A_214 = tpu.memref_slice %arg9[%add3A_190, %dma_start3A_213] : memref<40x128xi32, #tpu.memory_space<vmem>> -> memref<1x128xi32, #tpu.memory_space<vmem>>
      %dma_start3A_215 = tpu.memref_squeeze %dma_start3A_214 : memref<1x128xi32, #tpu.memory_space<vmem>> -> memref<128xi32, #tpu.memory_space<vmem>>
      %dma_start3A_216 = arith.constant 0 : i32
      %dma_start3A_217 = arith.constant 0 : i32
      %dma_start3A_218 = tpu.memref_slice %arg6[%dma_start3A_216, %dma_start3A_217] : memref<10240x64xf32, #tpu.memory_space<vmem_shared>> -> memref<10240x64xf32, #tpu.memory_space<vmem_shared>>
      tpu.enqueue_indirect_dma source(%dma_start3A_212 : memref<128x64xf32, #tpu.memory_space<vmem>>) target(%dma_start3A_218 : memref<10240x64xf32, #tpu.memory_space<vmem_shared>>) offsets(%dma_start3A_215 : memref<128xi32, #tpu.memory_space<vmem>>) semaphore(%arg16 : memref<!tpu.dma_semaphore, #tpu.memory_space<semaphore_mem>>) {add = true}
      %mul3A_219 = arith.constant 4 : i32
      %mul3A_220 = arith.muli %while3A_186, %mul3A_219 : i32
      %add3A_221 = arith.constant 1 : i32
      %add3A_222 = arith.addi %mul3A_220, %add3A_221 : i32
      %add3A_223 = arith.constant 2 : i32
      %add3A_224 = arith.addi %add3A_222, %add3A_223 : i32
      %lt3A_225 = arith.cmpi slt, %add3A_224, %add3A_4 : i32
      %convert_element_type3A_226 = arith.extui %lt3A_225 : i1 to i32
      %cond3A_227 = arith.constant 0 : i32
      %cond3A_228 = arith.cmpi ne, %convert_element_type3A_226, %cond3A_227 : i32
      scf.if %cond3A_228 {
        %ge3A_315 = arith.constant 2 : i32
        %ge3A_316 = arith.cmpi sge, %add3A_222, %ge3A_315 : i32
        %convert_element_type3A_317 = arith.extui %ge3A_316 : i1 to i32
        %cond3A_318 = arith.constant 0 : i32
        %cond3A_319 = arith.cmpi ne, %convert_element_type3A_317, %cond3A_318 : i32
        scf.if %cond3A_319 {
          %sub3A_331 = arith.constant 2 : i32
          %sub3A_332 = arith.subi %add3A_222, %sub3A_331 : i32
          %dma_wait3A_333 = arith.constant 3 : i32
          %dma_wait3A_334 = arith.constant 0 : i32
          %dma_wait3A_335 = arith.constant 0 : i32
          %dma_wait3A_336 = tpu.memref_slice %arg10[%dma_wait3A_333, %dma_wait3A_334, %dma_wait3A_335] : memref<4x128x64xf32, #tpu.memory_space<vmem>> -> memref<1x128x64xf32, #tpu.memory_space<vmem>>
          %dma_wait3A_337 = tpu.memref_squeeze %dma_wait3A_336 : memref<1x128x64xf32, #tpu.memory_space<vmem>> -> memref<128x64xf32, #tpu.memory_space<vmem>>
          %dma_wait3A_338 = arith.constant 0 : i32
          %dma_wait3A_339 = tpu.memref_slice %arg9[%sub3A_332, %dma_wait3A_338] : memref<40x128xi32, #tpu.memory_space<vmem>> -> memref<1x128xi32, #tpu.memory_space<vmem>>
          %dma_wait3A_340 = tpu.memref_squeeze %dma_wait3A_339 : memref<1x128xi32, #tpu.memory_space<vmem>> -> memref<128xi32, #tpu.memory_space<vmem>>
          %dma_wait3A_341 = arith.constant 0 : i32
          %dma_wait3A_342 = arith.constant 0 : i32
          %dma_wait3A_343 = tpu.memref_slice %arg6[%dma_wait3A_341, %dma_wait3A_342] : memref<10240x64xf32, #tpu.memory_space<vmem_shared>> -> memref<10240x64xf32, #tpu.memory_space<vmem_shared>>
          tpu.wait_indirect_dma semaphore(%arg19 : memref<!tpu.dma_semaphore, #tpu.memory_space<semaphore_mem>>) src(%dma_wait3A_337 : memref<128x64xf32, #tpu.memory_space<vmem>>) dst(%dma_wait3A_343 : memref<10240x64xf32, #tpu.memory_space<vmem_shared>>)
        } else {
        }
        %dma_start3A_320 = arith.constant 3 : i32
        %dma_start3A_321 = arith.constant 0 : i32
        %dma_start3A_322 = arith.constant 0 : i32
        %dma_start3A_323 = tpu.memref_slice %arg10[%dma_start3A_320, %dma_start3A_321, %dma_start3A_322] : memref<4x128x64xf32, #tpu.memory_space<vmem>> -> memref<1x128x64xf32, #tpu.memory_space<vmem>>
        %dma_start3A_324 = tpu.memref_squeeze %dma_start3A_323 : memref<1x128x64xf32, #tpu.memory_space<vmem>> -> memref<128x64xf32, #tpu.memory_space<vmem>>
        %dma_start3A_325 = arith.constant 0 : i32
        %dma_start3A_326 = tpu.memref_slice %arg8[%add3A_224, %dma_start3A_325] : memref<40x128xi32, #tpu.memory_space<vmem>> -> memref<1x128xi32, #tpu.memory_space<vmem>>
        %dma_start3A_327 = tpu.memref_squeeze %dma_start3A_326 : memref<1x128xi32, #tpu.memory_space<vmem>> -> memref<128xi32, #tpu.memory_space<vmem>>
        %dma_start3A_328 = arith.constant 0 : i32
        %dma_start3A_329 = arith.constant 0 : i32
        %dma_start3A_330 = tpu.memref_slice %arg7[%dma_start3A_328, %dma_start3A_329] : memref<10240x64xf32, #tpu.memory_space<vmem_shared>> -> memref<10240x64xf32, #tpu.memory_space<vmem_shared>>
        tpu.enqueue_indirect_dma source(%dma_start3A_330 : memref<10240x64xf32, #tpu.memory_space<vmem_shared>>) target(%dma_start3A_324 : memref<128x64xf32, #tpu.memory_space<vmem>>) offsets(%dma_start3A_327 : memref<128xi32, #tpu.memory_space<vmem>>) semaphore(%arg15 : memref<!tpu.dma_semaphore, #tpu.memory_space<semaphore_mem>>)
      } else {
      }
      %dma_wait3A_229 = arith.constant 1 : i32
      %dma_wait3A_230 = arith.constant 0 : i32
      %dma_wait3A_231 = arith.constant 0 : i32
      %dma_wait3A_232 = tpu.memref_slice %arg10[%dma_wait3A_229, %dma_wait3A_230, %dma_wait3A_231] : memref<4x128x64xf32, #tpu.memory_space<vmem>> -> memref<1x128x64xf32, #tpu.memory_space<vmem>>
      %dma_wait3A_233 = tpu.memref_squeeze %dma_wait3A_232 : memref<1x128x64xf32, #tpu.memory_space<vmem>> -> memref<128x64xf32, #tpu.memory_space<vmem>>
      %dma_wait3A_234 = arith.constant 0 : i32
      %dma_wait3A_235 = tpu.memref_slice %arg8[%add3A_222, %dma_wait3A_234] : memref<40x128xi32, #tpu.memory_space<vmem>> -> memref<1x128xi32, #tpu.memory_space<vmem>>
      %dma_wait3A_236 = tpu.memref_squeeze %dma_wait3A_235 : memref<1x128xi32, #tpu.memory_space<vmem>> -> memref<128xi32, #tpu.memory_space<vmem>>
      %dma_wait3A_237 = arith.constant 0 : i32
      %dma_wait3A_238 = arith.constant 0 : i32
      %dma_wait3A_239 = tpu.memref_slice %arg7[%dma_wait3A_237, %dma_wait3A_238] : memref<10240x64xf32, #tpu.memory_space<vmem_shared>> -> memref<10240x64xf32, #tpu.memory_space<vmem_shared>>
      tpu.wait_indirect_dma semaphore(%arg13 : memref<!tpu.dma_semaphore, #tpu.memory_space<semaphore_mem>>) src(%dma_wait3A_239 : memref<10240x64xf32, #tpu.memory_space<vmem_shared>>) dst(%dma_wait3A_233 : memref<128x64xf32, #tpu.memory_space<vmem>>)
      %dma_start3A_240 = arith.constant 1 : i32
      %dma_start3A_241 = arith.constant 0 : i32
      %dma_start3A_242 = arith.constant 0 : i32
      %dma_start3A_243 = tpu.memref_slice %arg10[%dma_start3A_240, %dma_start3A_241, %dma_start3A_242] : memref<4x128x64xf32, #tpu.memory_space<vmem>> -> memref<1x128x64xf32, #tpu.memory_space<vmem>>
      %dma_start3A_244 = tpu.memref_squeeze %dma_start3A_243 : memref<1x128x64xf32, #tpu.memory_space<vmem>> -> memref<128x64xf32, #tpu.memory_space<vmem>>
      %dma_start3A_245 = arith.constant 0 : i32
      %dma_start3A_246 = tpu.memref_slice %arg9[%add3A_222, %dma_start3A_245] : memref<40x128xi32, #tpu.memory_space<vmem>> -> memref<1x128xi32, #tpu.memory_space<vmem>>
      %dma_start3A_247 = tpu.memref_squeeze %dma_start3A_246 : memref<1x128xi32, #tpu.memory_space<vmem>> -> memref<128xi32, #tpu.memory_space<vmem>>
      %dma_start3A_248 = arith.constant 0 : i32
      %dma_start3A_249 = arith.constant 0 : i32
      %dma_start3A_250 = tpu.memref_slice %arg6[%dma_start3A_248, %dma_start3A_249] : memref<10240x64xf32, #tpu.memory_space<vmem_shared>> -> memref<10240x64xf32, #tpu.memory_space<vmem_shared>>
      tpu.enqueue_indirect_dma source(%dma_start3A_244 : memref<128x64xf32, #tpu.memory_space<vmem>>) target(%dma_start3A_250 : memref<10240x64xf32, #tpu.memory_space<vmem_shared>>) offsets(%dma_start3A_247 : memref<128xi32, #tpu.memory_space<vmem>>) semaphore(%arg17 : memref<!tpu.dma_semaphore, #tpu.memory_space<semaphore_mem>>) {add = true}
      %mul3A_251 = arith.constant 4 : i32
      %mul3A_252 = arith.muli %while3A_186, %mul3A_251 : i32
      %add3A_253 = arith.constant 2 : i32
      %add3A_254 = arith.addi %mul3A_252, %add3A_253 : i32
      %add3A_255 = arith.constant 2 : i32
      %add3A_256 = arith.addi %add3A_254, %add3A_255 : i32
      %lt3A_257 = arith.cmpi slt, %add3A_256, %add3A_4 : i32
      %convert_element_type3A_258 = arith.extui %lt3A_257 : i1 to i32
      %cond3A_259 = arith.constant 0 : i32
      %cond3A_260 = arith.cmpi ne, %convert_element_type3A_258, %cond3A_259 : i32
      scf.if %cond3A_260 {
        %ge3A_315 = arith.constant 2 : i32
        %ge3A_316 = arith.cmpi sge, %add3A_254, %ge3A_315 : i32
        %convert_element_type3A_317 = arith.extui %ge3A_316 : i1 to i32
        %cond3A_318 = arith.constant 0 : i32
        %cond3A_319 = arith.cmpi ne, %convert_element_type3A_317, %cond3A_318 : i32
        scf.if %cond3A_319 {
          %sub3A_331 = arith.constant 2 : i32
          %sub3A_332 = arith.subi %add3A_254, %sub3A_331 : i32
          %dma_wait3A_333 = arith.constant 0 : i32
          %dma_wait3A_334 = arith.constant 0 : i32
          %dma_wait3A_335 = arith.constant 0 : i32
          %dma_wait3A_336 = tpu.memref_slice %arg10[%dma_wait3A_333, %dma_wait3A_334, %dma_wait3A_335] : memref<4x128x64xf32, #tpu.memory_space<vmem>> -> memref<1x128x64xf32, #tpu.memory_space<vmem>>
          %dma_wait3A_337 = tpu.memref_squeeze %dma_wait3A_336 : memref<1x128x64xf32, #tpu.memory_space<vmem>> -> memref<128x64xf32, #tpu.memory_space<vmem>>
          %dma_wait3A_338 = arith.constant 0 : i32
          %dma_wait3A_339 = tpu.memref_slice %arg9[%sub3A_332, %dma_wait3A_338] : memref<40x128xi32, #tpu.memory_space<vmem>> -> memref<1x128xi32, #tpu.memory_space<vmem>>
          %dma_wait3A_340 = tpu.memref_squeeze %dma_wait3A_339 : memref<1x128xi32, #tpu.memory_space<vmem>> -> memref<128xi32, #tpu.memory_space<vmem>>
          %dma_wait3A_341 = arith.constant 0 : i32
          %dma_wait3A_342 = arith.constant 0 : i32
          %dma_wait3A_343 = tpu.memref_slice %arg6[%dma_wait3A_341, %dma_wait3A_342] : memref<10240x64xf32, #tpu.memory_space<vmem_shared>> -> memref<10240x64xf32, #tpu.memory_space<vmem_shared>>
          tpu.wait_indirect_dma semaphore(%arg16 : memref<!tpu.dma_semaphore, #tpu.memory_space<semaphore_mem>>) src(%dma_wait3A_337 : memref<128x64xf32, #tpu.memory_space<vmem>>) dst(%dma_wait3A_343 : memref<10240x64xf32, #tpu.memory_space<vmem_shared>>)
        } else {
        }
        %dma_start3A_320 = arith.constant 0 : i32
        %dma_start3A_321 = arith.constant 0 : i32
        %dma_start3A_322 = arith.constant 0 : i32
        %dma_start3A_323 = tpu.memref_slice %arg10[%dma_start3A_320, %dma_start3A_321, %dma_start3A_322] : memref<4x128x64xf32, #tpu.memory_space<vmem>> -> memref<1x128x64xf32, #tpu.memory_space<vmem>>
        %dma_start3A_324 = tpu.memref_squeeze %dma_start3A_323 : memref<1x128x64xf32, #tpu.memory_space<vmem>> -> memref<128x64xf32, #tpu.memory_space<vmem>>
        %dma_start3A_325 = arith.constant 0 : i32
        %dma_start3A_326 = tpu.memref_slice %arg8[%add3A_256, %dma_start3A_325] : memref<40x128xi32, #tpu.memory_space<vmem>> -> memref<1x128xi32, #tpu.memory_space<vmem>>
        %dma_start3A_327 = tpu.memref_squeeze %dma_start3A_326 : memref<1x128xi32, #tpu.memory_space<vmem>> -> memref<128xi32, #tpu.memory_space<vmem>>
        %dma_start3A_328 = arith.constant 0 : i32
        %dma_start3A_329 = arith.constant 0 : i32
        %dma_start3A_330 = tpu.memref_slice %arg7[%dma_start3A_328, %dma_start3A_329] : memref<10240x64xf32, #tpu.memory_space<vmem_shared>> -> memref<10240x64xf32, #tpu.memory_space<vmem_shared>>
        tpu.enqueue_indirect_dma source(%dma_start3A_330 : memref<10240x64xf32, #tpu.memory_space<vmem_shared>>) target(%dma_start3A_324 : memref<128x64xf32, #tpu.memory_space<vmem>>) offsets(%dma_start3A_327 : memref<128xi32, #tpu.memory_space<vmem>>) semaphore(%arg12 : memref<!tpu.dma_semaphore, #tpu.memory_space<semaphore_mem>>)
      } else {
      }
      %dma_wait3A_261 = arith.constant 2 : i32
      %dma_wait3A_262 = arith.constant 0 : i32
      %dma_wait3A_263 = arith.constant 0 : i32
      %dma_wait3A_264 = tpu.memref_slice %arg10[%dma_wait3A_261, %dma_wait3A_262, %dma_wait3A_263] : memref<4x128x64xf32, #tpu.memory_space<vmem>> -> memref<1x128x64xf32, #tpu.memory_space<vmem>>
      %dma_wait3A_265 = tpu.memref_squeeze %dma_wait3A_264 : memref<1x128x64xf32, #tpu.memory_space<vmem>> -> memref<128x64xf32, #tpu.memory_space<vmem>>
      %dma_wait3A_266 = arith.constant 0 : i32
      %dma_wait3A_267 = tpu.memref_slice %arg8[%add3A_254, %dma_wait3A_266] : memref<40x128xi32, #tpu.memory_space<vmem>> -> memref<1x128xi32, #tpu.memory_space<vmem>>
      %dma_wait3A_268 = tpu.memref_squeeze %dma_wait3A_267 : memref<1x128xi32, #tpu.memory_space<vmem>> -> memref<128xi32, #tpu.memory_space<vmem>>
      %dma_wait3A_269 = arith.constant 0 : i32
      %dma_wait3A_270 = arith.constant 0 : i32
      %dma_wait3A_271 = tpu.memref_slice %arg7[%dma_wait3A_269, %dma_wait3A_270] : memref<10240x64xf32, #tpu.memory_space<vmem_shared>> -> memref<10240x64xf32, #tpu.memory_space<vmem_shared>>
      tpu.wait_indirect_dma semaphore(%arg14 : memref<!tpu.dma_semaphore, #tpu.memory_space<semaphore_mem>>) src(%dma_wait3A_271 : memref<10240x64xf32, #tpu.memory_space<vmem_shared>>) dst(%dma_wait3A_265 : memref<128x64xf32, #tpu.memory_space<vmem>>)
      %dma_start3A_272 = arith.constant 2 : i32
      %dma_start3A_273 = arith.constant 0 : i32
      %dma_start3A_274 = arith.constant 0 : i32
      %dma_start3A_275 = tpu.memref_slice %arg10[%dma_start3A_272, %dma_start3A_273, %dma_start3A_274] : memref<4x128x64xf32, #tpu.memory_space<vmem>> -> memref<1x128x64xf32, #tpu.memory_space<vmem>>
      %dma_start3A_276 = tpu.memref_squeeze %dma_start3A_275 : memref<1x128x64xf32, #tpu.memory_space<vmem>> -> memref<128x64xf32, #tpu.memory_space<vmem>>
      %dma_start3A_277 = arith.constant 0 : i32
      %dma_start3A_278 = tpu.memref_slice %arg9[%add3A_254, %dma_start3A_277] : memref<40x128xi32, #tpu.memory_space<vmem>> -> memref<1x128xi32, #tpu.memory_space<vmem>>
      %dma_start3A_279 = tpu.memref_squeeze %dma_start3A_278 : memref<1x128xi32, #tpu.memory_space<vmem>> -> memref<128xi32, #tpu.memory_space<vmem>>
      %dma_start3A_280 = arith.constant 0 : i32
      %dma_start3A_281 = arith.constant 0 : i32
      %dma_start3A_282 = tpu.memref_slice %arg6[%dma_start3A_280, %dma_start3A_281] : memref<10240x64xf32, #tpu.memory_space<vmem_shared>> -> memref<10240x64xf32, #tpu.memory_space<vmem_shared>>
      tpu.enqueue_indirect_dma source(%dma_start3A_276 : memref<128x64xf32, #tpu.memory_space<vmem>>) target(%dma_start3A_282 : memref<10240x64xf32, #tpu.memory_space<vmem_shared>>) offsets(%dma_start3A_279 : memref<128xi32, #tpu.memory_space<vmem>>) semaphore(%arg18 : memref<!tpu.dma_semaphore, #tpu.memory_space<semaphore_mem>>) {add = true}
      %mul3A_283 = arith.constant 4 : i32
      %mul3A_284 = arith.muli %while3A_186, %mul3A_283 : i32
      %add3A_285 = arith.constant 3 : i32
      %add3A_286 = arith.addi %mul3A_284, %add3A_285 : i32
      %add3A_287 = arith.constant 2 : i32
      %add3A_288 = arith.addi %add3A_286, %add3A_287 : i32
      %lt3A_289 = arith.cmpi slt, %add3A_288, %add3A_4 : i32
      %convert_element_type3A_290 = arith.extui %lt3A_289 : i1 to i32
      %cond3A_291 = arith.constant 0 : i32
      %cond3A_292 = arith.cmpi ne, %convert_element_type3A_290, %cond3A_291 : i32
      scf.if %cond3A_292 {
        %ge3A_315 = arith.constant 2 : i32
        %ge3A_316 = arith.cmpi sge, %add3A_286, %ge3A_315 : i32
        %convert_element_type3A_317 = arith.extui %ge3A_316 : i1 to i32
        %cond3A_318 = arith.constant 0 : i32
        %cond3A_319 = arith.cmpi ne, %convert_element_type3A_317, %cond3A_318 : i32
        scf.if %cond3A_319 {
          %sub3A_331 = arith.constant 2 : i32
          %sub3A_332 = arith.subi %add3A_286, %sub3A_331 : i32
          %dma_wait3A_333 = arith.constant 1 : i32
          %dma_wait3A_334 = arith.constant 0 : i32
          %dma_wait3A_335 = arith.constant 0 : i32
          %dma_wait3A_336 = tpu.memref_slice %arg10[%dma_wait3A_333, %dma_wait3A_334, %dma_wait3A_335] : memref<4x128x64xf32, #tpu.memory_space<vmem>> -> memref<1x128x64xf32, #tpu.memory_space<vmem>>
          %dma_wait3A_337 = tpu.memref_squeeze %dma_wait3A_336 : memref<1x128x64xf32, #tpu.memory_space<vmem>> -> memref<128x64xf32, #tpu.memory_space<vmem>>
          %dma_wait3A_338 = arith.constant 0 : i32
          %dma_wait3A_339 = tpu.memref_slice %arg9[%sub3A_332, %dma_wait3A_338] : memref<40x128xi32, #tpu.memory_space<vmem>> -> memref<1x128xi32, #tpu.memory_space<vmem>>
          %dma_wait3A_340 = tpu.memref_squeeze %dma_wait3A_339 : memref<1x128xi32, #tpu.memory_space<vmem>> -> memref<128xi32, #tpu.memory_space<vmem>>
          %dma_wait3A_341 = arith.constant 0 : i32
          %dma_wait3A_342 = arith.constant 0 : i32
          %dma_wait3A_343 = tpu.memref_slice %arg6[%dma_wait3A_341, %dma_wait3A_342] : memref<10240x64xf32, #tpu.memory_space<vmem_shared>> -> memref<10240x64xf32, #tpu.memory_space<vmem_shared>>
          tpu.wait_indirect_dma semaphore(%arg17 : memref<!tpu.dma_semaphore, #tpu.memory_space<semaphore_mem>>) src(%dma_wait3A_337 : memref<128x64xf32, #tpu.memory_space<vmem>>) dst(%dma_wait3A_343 : memref<10240x64xf32, #tpu.memory_space<vmem_shared>>)
        } else {
        }
        %dma_start3A_320 = arith.constant 1 : i32
        %dma_start3A_321 = arith.constant 0 : i32
        %dma_start3A_322 = arith.constant 0 : i32
        %dma_start3A_323 = tpu.memref_slice %arg10[%dma_start3A_320, %dma_start3A_321, %dma_start3A_322] : memref<4x128x64xf32, #tpu.memory_space<vmem>> -> memref<1x128x64xf32, #tpu.memory_space<vmem>>
        %dma_start3A_324 = tpu.memref_squeeze %dma_start3A_323 : memref<1x128x64xf32, #tpu.memory_space<vmem>> -> memref<128x64xf32, #tpu.memory_space<vmem>>
        %dma_start3A_325 = arith.constant 0 : i32
        %dma_start3A_326 = tpu.memref_slice %arg8[%add3A_288, %dma_start3A_325] : memref<40x128xi32, #tpu.memory_space<vmem>> -> memref<1x128xi32, #tpu.memory_space<vmem>>
        %dma_start3A_327 = tpu.memref_squeeze %dma_start3A_326 : memref<1x128xi32, #tpu.memory_space<vmem>> -> memref<128xi32, #tpu.memory_space<vmem>>
        %dma_start3A_328 = arith.constant 0 : i32
        %dma_start3A_329 = arith.constant 0 : i32
        %dma_start3A_330 = tpu.memref_slice %arg7[%dma_start3A_328, %dma_start3A_329] : memref<10240x64xf32, #tpu.memory_space<vmem_shared>> -> memref<10240x64xf32, #tpu.memory_space<vmem_shared>>
        tpu.enqueue_indirect_dma source(%dma_start3A_330 : memref<10240x64xf32, #tpu.memory_space<vmem_shared>>) target(%dma_start3A_324 : memref<128x64xf32, #tpu.memory_space<vmem>>) offsets(%dma_start3A_327 : memref<128xi32, #tpu.memory_space<vmem>>) semaphore(%arg13 : memref<!tpu.dma_semaphore, #tpu.memory_space<semaphore_mem>>)
      } else {
      }
      %dma_wait3A_293 = arith.constant 3 : i32
      %dma_wait3A_294 = arith.constant 0 : i32
      %dma_wait3A_295 = arith.constant 0 : i32
      %dma_wait3A_296 = tpu.memref_slice %arg10[%dma_wait3A_293, %dma_wait3A_294, %dma_wait3A_295] : memref<4x128x64xf32, #tpu.memory_space<vmem>> -> memref<1x128x64xf32, #tpu.memory_space<vmem>>
      %dma_wait3A_297 = tpu.memref_squeeze %dma_wait3A_296 : memref<1x128x64xf32, #tpu.memory_space<vmem>> -> memref<128x64xf32, #tpu.memory_space<vmem>>
      %dma_wait3A_298 = arith.constant 0 : i32
      %dma_wait3A_299 = tpu.memref_slice %arg8[%add3A_286, %dma_wait3A_298] : memref<40x128xi32, #tpu.memory_space<vmem>> -> memref<1x128xi32, #tpu.memory_space<vmem>>
      %dma_wait3A_300 = tpu.memref_squeeze %dma_wait3A_299 : memref<1x128xi32, #tpu.memory_space<vmem>> -> memref<128xi32, #tpu.memory_space<vmem>>
      %dma_wait3A_301 = arith.constant 0 : i32
      %dma_wait3A_302 = arith.constant 0 : i32
      %dma_wait3A_303 = tpu.memref_slice %arg7[%dma_wait3A_301, %dma_wait3A_302] : memref<10240x64xf32, #tpu.memory_space<vmem_shared>> -> memref<10240x64xf32, #tpu.memory_space<vmem_shared>>
      tpu.wait_indirect_dma semaphore(%arg15 : memref<!tpu.dma_semaphore, #tpu.memory_space<semaphore_mem>>) src(%dma_wait3A_303 : memref<10240x64xf32, #tpu.memory_space<vmem_shared>>) dst(%dma_wait3A_297 : memref<128x64xf32, #tpu.memory_space<vmem>>)
      %dma_start3A_304 = arith.constant 3 : i32
      %dma_start3A_305 = arith.constant 0 : i32
      %dma_start3A_306 = arith.constant 0 : i32
      %dma_start3A_307 = tpu.memref_slice %arg10[%dma_start3A_304, %dma_start3A_305, %dma_start3A_306] : memref<4x128x64xf32, #tpu.memory_space<vmem>> -> memref<1x128x64xf32, #tpu.memory_space<vmem>>
      %dma_start3A_308 = tpu.memref_squeeze %dma_start3A_307 : memref<1x128x64xf32, #tpu.memory_space<vmem>> -> memref<128x64xf32, #tpu.memory_space<vmem>>
      %dma_start3A_309 = arith.constant 0 : i32
      %dma_start3A_310 = tpu.memref_slice %arg9[%add3A_286, %dma_start3A_309] : memref<40x128xi32, #tpu.memory_space<vmem>> -> memref<1x128xi32, #tpu.memory_space<vmem>>
      %dma_start3A_311 = tpu.memref_squeeze %dma_start3A_310 : memref<1x128xi32, #tpu.memory_space<vmem>> -> memref<128xi32, #tpu.memory_space<vmem>>
      %dma_start3A_312 = arith.constant 0 : i32
      %dma_start3A_313 = arith.constant 0 : i32
      %dma_start3A_314 = tpu.memref_slice %arg6[%dma_start3A_312, %dma_start3A_313] : memref<10240x64xf32, #tpu.memory_space<vmem_shared>> -> memref<10240x64xf32, #tpu.memory_space<vmem_shared>>
      tpu.enqueue_indirect_dma source(%dma_start3A_308 : memref<128x64xf32, #tpu.memory_space<vmem>>) target(%dma_start3A_314 : memref<10240x64xf32, #tpu.memory_space<vmem_shared>>) offsets(%dma_start3A_311 : memref<128xi32, #tpu.memory_space<vmem>>) semaphore(%arg19 : memref<!tpu.dma_semaphore, #tpu.memory_space<semaphore_mem>>) {add = true}
    }
    %jit3A_90 = arith.constant 4 : i32
    %div3A_91 = arith.divsi %add3A_4, %jit3A_90 : i32
    %sign3A_92 = arith.constant 0 : i32
    %sign3A_93 = arith.cmpi sgt, %add3A_4, %sign3A_92 : i32
    %sign3A_94 = arith.extui %sign3A_93 : i1 to i32
    %sign3A_95 = arith.constant 0 : i32
    %sign3A_96 = arith.cmpi slt, %add3A_4, %sign3A_95 : i32
    %sign3A_97 = arith.extui %sign3A_96 : i1 to i32
    %sign3A_98 = arith.subi %sign3A_94, %sign3A_97 : i32
    %sign3A_99 = arith.constant 0 : i32
    %sign3A_100 = arith.cmpi sgt, %jit3A_90, %sign3A_99 : i32
    %sign3A_101 = arith.extui %sign3A_100 : i1 to i32
    %sign3A_102 = arith.constant 0 : i32
    %sign3A_103 = arith.cmpi slt, %jit3A_90, %sign3A_102 : i32
    %sign3A_104 = arith.extui %sign3A_103 : i1 to i32
    %sign3A_105 = arith.subi %sign3A_101, %sign3A_104 : i32
    %ne3A_106 = arith.cmpi ne, %sign3A_98, %sign3A_105 : i32
    %rem3A_107 = arith.remsi %add3A_4, %jit3A_90 : i32
    %ne3A_108 = arith.constant 0 : i32
    %ne3A_109 = arith.cmpi ne, %rem3A_107, %ne3A_108 : i32
    %and3A_110 = arith.andi %ne3A_106, %ne3A_109 : i1
    %sub3A_111 = arith.constant 1 : i32
    %sub3A_112 = arith.subi %div3A_91, %sub3A_111 : i32
    %select_n3A_113 = arith.select %and3A_110, %sub3A_112, %div3A_91 : i32
    %mul3A_114 = arith.constant 4 : i32
    %mul3A_115 = arith.muli %select_n3A_113, %mul3A_114 : i32
    %add3A_116 = arith.constant 0 : i32
    %add3A_117 = arith.addi %mul3A_115, %add3A_116 : i32
    %lt3A = arith.cmpi slt, %add3A_117, %add3A_4 : i32
    %convert_element_type3A = arith.extui %lt3A : i1 to i32
    %cond3A = arith.constant 0 : i32
    %cond3A_118 = arith.cmpi ne, %convert_element_type3A, %cond3A : i32
    scf.if %cond3A_118 {
      %add3A_186 = arith.constant 0 : i32
      %add3A_187 = arith.addi %mul3A_115, %add3A_186 : i32
      %add3A_188 = arith.constant 2 : i32
      %add3A_189 = arith.addi %add3A_187, %add3A_188 : i32
      %lt3A_190 = arith.cmpi slt, %add3A_189, %add3A_4 : i32
      %convert_element_type3A_191 = arith.extui %lt3A_190 : i1 to i32
      %cond3A_192 = arith.constant 0 : i32
      %cond3A_193 = arith.cmpi ne, %convert_element_type3A_191, %cond3A_192 : i32
      scf.if %cond3A_193 {
        %ge3A_216 = arith.constant 2 : i32
        %ge3A_217 = arith.cmpi sge, %add3A_187, %ge3A_216 : i32
        %convert_element_type3A_218 = arith.extui %ge3A_217 : i1 to i32
        %cond3A_219 = arith.constant 0 : i32
        %cond3A_220 = arith.cmpi ne, %convert_element_type3A_218, %cond3A_219 : i32
        scf.if %cond3A_220 {
          %sub3A_232 = arith.constant 2 : i32
          %sub3A_233 = arith.subi %add3A_187, %sub3A_232 : i32
          %dma_wait3A_234 = arith.constant 2 : i32
          %dma_wait3A_235 = arith.constant 0 : i32
          %dma_wait3A_236 = arith.constant 0 : i32
          %dma_wait3A_237 = tpu.memref_slice %arg10[%dma_wait3A_234, %dma_wait3A_235, %dma_wait3A_236] : memref<4x128x64xf32, #tpu.memory_space<vmem>> -> memref<1x128x64xf32, #tpu.memory_space<vmem>>
          %dma_wait3A_238 = tpu.memref_squeeze %dma_wait3A_237 : memref<1x128x64xf32, #tpu.memory_space<vmem>> -> memref<128x64xf32, #tpu.memory_space<vmem>>
          %dma_wait3A_239 = arith.constant 0 : i32
          %dma_wait3A_240 = tpu.memref_slice %arg9[%sub3A_233, %dma_wait3A_239] : memref<40x128xi32, #tpu.memory_space<vmem>> -> memref<1x128xi32, #tpu.memory_space<vmem>>
          %dma_wait3A_241 = tpu.memref_squeeze %dma_wait3A_240 : memref<1x128xi32, #tpu.memory_space<vmem>> -> memref<128xi32, #tpu.memory_space<vmem>>
          %dma_wait3A_242 = arith.constant 0 : i32
          %dma_wait3A_243 = arith.constant 0 : i32
          %dma_wait3A_244 = tpu.memref_slice %arg6[%dma_wait3A_242, %dma_wait3A_243] : memref<10240x64xf32, #tpu.memory_space<vmem_shared>> -> memref<10240x64xf32, #tpu.memory_space<vmem_shared>>
          tpu.wait_indirect_dma semaphore(%arg18 : memref<!tpu.dma_semaphore, #tpu.memory_space<semaphore_mem>>) src(%dma_wait3A_238 : memref<128x64xf32, #tpu.memory_space<vmem>>) dst(%dma_wait3A_244 : memref<10240x64xf32, #tpu.memory_space<vmem_shared>>)
        } else {
        }
        %dma_start3A_221 = arith.constant 2 : i32
        %dma_start3A_222 = arith.constant 0 : i32
        %dma_start3A_223 = arith.constant 0 : i32
        %dma_start3A_224 = tpu.memref_slice %arg10[%dma_start3A_221, %dma_start3A_222, %dma_start3A_223] : memref<4x128x64xf32, #tpu.memory_space<vmem>> -> memref<1x128x64xf32, #tpu.memory_space<vmem>>
        %dma_start3A_225 = tpu.memref_squeeze %dma_start3A_224 : memref<1x128x64xf32, #tpu.memory_space<vmem>> -> memref<128x64xf32, #tpu.memory_space<vmem>>
        %dma_start3A_226 = arith.constant 0 : i32
        %dma_start3A_227 = tpu.memref_slice %arg8[%add3A_189, %dma_start3A_226] : memref<40x128xi32, #tpu.memory_space<vmem>> -> memref<1x128xi32, #tpu.memory_space<vmem>>
        %dma_start3A_228 = tpu.memref_squeeze %dma_start3A_227 : memref<1x128xi32, #tpu.memory_space<vmem>> -> memref<128xi32, #tpu.memory_space<vmem>>
        %dma_start3A_229 = arith.constant 0 : i32
        %dma_start3A_230 = arith.constant 0 : i32
        %dma_start3A_231 = tpu.memref_slice %arg7[%dma_start3A_229, %dma_start3A_230] : memref<10240x64xf32, #tpu.memory_space<vmem_shared>> -> memref<10240x64xf32, #tpu.memory_space<vmem_shared>>
        tpu.enqueue_indirect_dma source(%dma_start3A_231 : memref<10240x64xf32, #tpu.memory_space<vmem_shared>>) target(%dma_start3A_225 : memref<128x64xf32, #tpu.memory_space<vmem>>) offsets(%dma_start3A_228 : memref<128xi32, #tpu.memory_space<vmem>>) semaphore(%arg14 : memref<!tpu.dma_semaphore, #tpu.memory_space<semaphore_mem>>)
      } else {
      }
      %dma_wait3A_194 = arith.constant 0 : i32
      %dma_wait3A_195 = arith.constant 0 : i32
      %dma_wait3A_196 = arith.constant 0 : i32
      %dma_wait3A_197 = tpu.memref_slice %arg10[%dma_wait3A_194, %dma_wait3A_195, %dma_wait3A_196] : memref<4x128x64xf32, #tpu.memory_space<vmem>> -> memref<1x128x64xf32, #tpu.memory_space<vmem>>
      %dma_wait3A_198 = tpu.memref_squeeze %dma_wait3A_197 : memref<1x128x64xf32, #tpu.memory_space<vmem>> -> memref<128x64xf32, #tpu.memory_space<vmem>>
      %dma_wait3A_199 = arith.constant 0 : i32
      %dma_wait3A_200 = tpu.memref_slice %arg8[%add3A_187, %dma_wait3A_199] : memref<40x128xi32, #tpu.memory_space<vmem>> -> memref<1x128xi32, #tpu.memory_space<vmem>>
      %dma_wait3A_201 = tpu.memref_squeeze %dma_wait3A_200 : memref<1x128xi32, #tpu.memory_space<vmem>> -> memref<128xi32, #tpu.memory_space<vmem>>
      %dma_wait3A_202 = arith.constant 0 : i32
      %dma_wait3A_203 = arith.constant 0 : i32
      %dma_wait3A_204 = tpu.memref_slice %arg7[%dma_wait3A_202, %dma_wait3A_203] : memref<10240x64xf32, #tpu.memory_space<vmem_shared>> -> memref<10240x64xf32, #tpu.memory_space<vmem_shared>>
      tpu.wait_indirect_dma semaphore(%arg12 : memref<!tpu.dma_semaphore, #tpu.memory_space<semaphore_mem>>) src(%dma_wait3A_204 : memref<10240x64xf32, #tpu.memory_space<vmem_shared>>) dst(%dma_wait3A_198 : memref<128x64xf32, #tpu.memory_space<vmem>>)
      %dma_start3A_205 = arith.constant 0 : i32
      %dma_start3A_206 = arith.constant 0 : i32
      %dma_start3A_207 = arith.constant 0 : i32
      %dma_start3A_208 = tpu.memref_slice %arg10[%dma_start3A_205, %dma_start3A_206, %dma_start3A_207] : memref<4x128x64xf32, #tpu.memory_space<vmem>> -> memref<1x128x64xf32, #tpu.memory_space<vmem>>
      %dma_start3A_209 = tpu.memref_squeeze %dma_start3A_208 : memref<1x128x64xf32, #tpu.memory_space<vmem>> -> memref<128x64xf32, #tpu.memory_space<vmem>>
      %dma_start3A_210 = arith.constant 0 : i32
      %dma_start3A_211 = tpu.memref_slice %arg9[%add3A_187, %dma_start3A_210] : memref<40x128xi32, #tpu.memory_space<vmem>> -> memref<1x128xi32, #tpu.memory_space<vmem>>
      %dma_start3A_212 = tpu.memref_squeeze %dma_start3A_211 : memref<1x128xi32, #tpu.memory_space<vmem>> -> memref<128xi32, #tpu.memory_space<vmem>>
      %dma_start3A_213 = arith.constant 0 : i32
      %dma_start3A_214 = arith.constant 0 : i32
      %dma_start3A_215 = tpu.memref_slice %arg6[%dma_start3A_213, %dma_start3A_214] : memref<10240x64xf32, #tpu.memory_space<vmem_shared>> -> memref<10240x64xf32, #tpu.memory_space<vmem_shared>>
      tpu.enqueue_indirect_dma source(%dma_start3A_209 : memref<128x64xf32, #tpu.memory_space<vmem>>) target(%dma_start3A_215 : memref<10240x64xf32, #tpu.memory_space<vmem_shared>>) offsets(%dma_start3A_212 : memref<128xi32, #tpu.memory_space<vmem>>) semaphore(%arg16 : memref<!tpu.dma_semaphore, #tpu.memory_space<semaphore_mem>>) {add = true}
    } else {
    }
    %add3A_119 = arith.constant 1 : i32
    %add3A_120 = arith.addi %mul3A_115, %add3A_119 : i32
    %lt3A_121 = arith.cmpi slt, %add3A_120, %add3A_4 : i32
    %convert_element_type3A_122 = arith.extui %lt3A_121 : i1 to i32
    %cond3A_123 = arith.constant 0 : i32
    %cond3A_124 = arith.cmpi ne, %convert_element_type3A_122, %cond3A_123 : i32
    scf.if %cond3A_124 {
      %add3A_186 = arith.constant 1 : i32
      %add3A_187 = arith.addi %mul3A_115, %add3A_186 : i32
      %add3A_188 = arith.constant 2 : i32
      %add3A_189 = arith.addi %add3A_187, %add3A_188 : i32
      %lt3A_190 = arith.cmpi slt, %add3A_189, %add3A_4 : i32
      %convert_element_type3A_191 = arith.extui %lt3A_190 : i1 to i32
      %cond3A_192 = arith.constant 0 : i32
      %cond3A_193 = arith.cmpi ne, %convert_element_type3A_191, %cond3A_192 : i32
      scf.if %cond3A_193 {
        %ge3A_216 = arith.constant 2 : i32
        %ge3A_217 = arith.cmpi sge, %add3A_187, %ge3A_216 : i32
        %convert_element_type3A_218 = arith.extui %ge3A_217 : i1 to i32
        %cond3A_219 = arith.constant 0 : i32
        %cond3A_220 = arith.cmpi ne, %convert_element_type3A_218, %cond3A_219 : i32
        scf.if %cond3A_220 {
          %sub3A_232 = arith.constant 2 : i32
          %sub3A_233 = arith.subi %add3A_187, %sub3A_232 : i32
          %dma_wait3A_234 = arith.constant 3 : i32
          %dma_wait3A_235 = arith.constant 0 : i32
          %dma_wait3A_236 = arith.constant 0 : i32
          %dma_wait3A_237 = tpu.memref_slice %arg10[%dma_wait3A_234, %dma_wait3A_235, %dma_wait3A_236] : memref<4x128x64xf32, #tpu.memory_space<vmem>> -> memref<1x128x64xf32, #tpu.memory_space<vmem>>
          %dma_wait3A_238 = tpu.memref_squeeze %dma_wait3A_237 : memref<1x128x64xf32, #tpu.memory_space<vmem>> -> memref<128x64xf32, #tpu.memory_space<vmem>>
          %dma_wait3A_239 = arith.constant 0 : i32
          %dma_wait3A_240 = tpu.memref_slice %arg9[%sub3A_233, %dma_wait3A_239] : memref<40x128xi32, #tpu.memory_space<vmem>> -> memref<1x128xi32, #tpu.memory_space<vmem>>
          %dma_wait3A_241 = tpu.memref_squeeze %dma_wait3A_240 : memref<1x128xi32, #tpu.memory_space<vmem>> -> memref<128xi32, #tpu.memory_space<vmem>>
          %dma_wait3A_242 = arith.constant 0 : i32
          %dma_wait3A_243 = arith.constant 0 : i32
          %dma_wait3A_244 = tpu.memref_slice %arg6[%dma_wait3A_242, %dma_wait3A_243] : memref<10240x64xf32, #tpu.memory_space<vmem_shared>> -> memref<10240x64xf32, #tpu.memory_space<vmem_shared>>
          tpu.wait_indirect_dma semaphore(%arg19 : memref<!tpu.dma_semaphore, #tpu.memory_space<semaphore_mem>>) src(%dma_wait3A_238 : memref<128x64xf32, #tpu.memory_space<vmem>>) dst(%dma_wait3A_244 : memref<10240x64xf32, #tpu.memory_space<vmem_shared>>)
        } else {
        }
        %dma_start3A_221 = arith.constant 3 : i32
        %dma_start3A_222 = arith.constant 0 : i32
        %dma_start3A_223 = arith.constant 0 : i32
        %dma_start3A_224 = tpu.memref_slice %arg10[%dma_start3A_221, %dma_start3A_222, %dma_start3A_223] : memref<4x128x64xf32, #tpu.memory_space<vmem>> -> memref<1x128x64xf32, #tpu.memory_space<vmem>>
        %dma_start3A_225 = tpu.memref_squeeze %dma_start3A_224 : memref<1x128x64xf32, #tpu.memory_space<vmem>> -> memref<128x64xf32, #tpu.memory_space<vmem>>
        %dma_start3A_226 = arith.constant 0 : i32
        %dma_start3A_227 = tpu.memref_slice %arg8[%add3A_189, %dma_start3A_226] : memref<40x128xi32, #tpu.memory_space<vmem>> -> memref<1x128xi32, #tpu.memory_space<vmem>>
        %dma_start3A_228 = tpu.memref_squeeze %dma_start3A_227 : memref<1x128xi32, #tpu.memory_space<vmem>> -> memref<128xi32, #tpu.memory_space<vmem>>
        %dma_start3A_229 = arith.constant 0 : i32
        %dma_start3A_230 = arith.constant 0 : i32
        %dma_start3A_231 = tpu.memref_slice %arg7[%dma_start3A_229, %dma_start3A_230] : memref<10240x64xf32, #tpu.memory_space<vmem_shared>> -> memref<10240x64xf32, #tpu.memory_space<vmem_shared>>
        tpu.enqueue_indirect_dma source(%dma_start3A_231 : memref<10240x64xf32, #tpu.memory_space<vmem_shared>>) target(%dma_start3A_225 : memref<128x64xf32, #tpu.memory_space<vmem>>) offsets(%dma_start3A_228 : memref<128xi32, #tpu.memory_space<vmem>>) semaphore(%arg15 : memref<!tpu.dma_semaphore, #tpu.memory_space<semaphore_mem>>)
      } else {
      }
      %dma_wait3A_194 = arith.constant 1 : i32
      %dma_wait3A_195 = arith.constant 0 : i32
      %dma_wait3A_196 = arith.constant 0 : i32
      %dma_wait3A_197 = tpu.memref_slice %arg10[%dma_wait3A_194, %dma_wait3A_195, %dma_wait3A_196] : memref<4x128x64xf32, #tpu.memory_space<vmem>> -> memref<1x128x64xf32, #tpu.memory_space<vmem>>
      %dma_wait3A_198 = tpu.memref_squeeze %dma_wait3A_197 : memref<1x128x64xf32, #tpu.memory_space<vmem>> -> memref<128x64xf32, #tpu.memory_space<vmem>>
      %dma_wait3A_199 = arith.constant 0 : i32
      %dma_wait3A_200 = tpu.memref_slice %arg8[%add3A_187, %dma_wait3A_199] : memref<40x128xi32, #tpu.memory_space<vmem>> -> memref<1x128xi32, #tpu.memory_space<vmem>>
      %dma_wait3A_201 = tpu.memref_squeeze %dma_wait3A_200 : memref<1x128xi32, #tpu.memory_space<vmem>> -> memref<128xi32, #tpu.memory_space<vmem>>
      %dma_wait3A_202 = arith.constant 0 : i32
      %dma_wait3A_203 = arith.constant 0 : i32
      %dma_wait3A_204 = tpu.memref_slice %arg7[%dma_wait3A_202, %dma_wait3A_203] : memref<10240x64xf32, #tpu.memory_space<vmem_shared>> -> memref<10240x64xf32, #tpu.memory_space<vmem_shared>>
      tpu.wait_indirect_dma semaphore(%arg13 : memref<!tpu.dma_semaphore, #tpu.memory_space<semaphore_mem>>) src(%dma_wait3A_204 : memref<10240x64xf32, #tpu.memory_space<vmem_shared>>) dst(%dma_wait3A_198 : memref<128x64xf32, #tpu.memory_space<vmem>>)
      %dma_start3A_205 = arith.constant 1 : i32
      %dma_start3A_206 = arith.constant 0 : i32
      %dma_start3A_207 = arith.constant 0 : i32
      %dma_start3A_208 = tpu.memref_slice %arg10[%dma_start3A_205, %dma_start3A_206, %dma_start3A_207] : memref<4x128x64xf32, #tpu.memory_space<vmem>> -> memref<1x128x64xf32, #tpu.memory_space<vmem>>
      %dma_start3A_209 = tpu.memref_squeeze %dma_start3A_208 : memref<1x128x64xf32, #tpu.memory_space<vmem>> -> memref<128x64xf32, #tpu.memory_space<vmem>>
      %dma_start3A_210 = arith.constant 0 : i32
      %dma_start3A_211 = tpu.memref_slice %arg9[%add3A_187, %dma_start3A_210] : memref<40x128xi32, #tpu.memory_space<vmem>> -> memref<1x128xi32, #tpu.memory_space<vmem>>
      %dma_start3A_212 = tpu.memref_squeeze %dma_start3A_211 : memref<1x128xi32, #tpu.memory_space<vmem>> -> memref<128xi32, #tpu.memory_space<vmem>>
      %dma_start3A_213 = arith.constant 0 : i32
      %dma_start3A_214 = arith.constant 0 : i32
      %dma_start3A_215 = tpu.memref_slice %arg6[%dma_start3A_213, %dma_start3A_214] : memref<10240x64xf32, #tpu.memory_space<vmem_shared>> -> memref<10240x64xf32, #tpu.memory_space<vmem_shared>>
      tpu.enqueue_indirect_dma source(%dma_start3A_209 : memref<128x64xf32, #tpu.memory_space<vmem>>) target(%dma_start3A_215 : memref<10240x64xf32, #tpu.memory_space<vmem_shared>>) offsets(%dma_start3A_212 : memref<128xi32, #tpu.memory_space<vmem>>) semaphore(%arg17 : memref<!tpu.dma_semaphore, #tpu.memory_space<semaphore_mem>>) {add = true}
    } else {
    }
    %add3A_125 = arith.constant 2 : i32
    %add3A_126 = arith.addi %mul3A_115, %add3A_125 : i32
    %lt3A_127 = arith.cmpi slt, %add3A_126, %add3A_4 : i32
    %convert_element_type3A_128 = arith.extui %lt3A_127 : i1 to i32
    %cond3A_129 = arith.constant 0 : i32
    %cond3A_130 = arith.cmpi ne, %convert_element_type3A_128, %cond3A_129 : i32
    scf.if %cond3A_130 {
      %add3A_186 = arith.constant 2 : i32
      %add3A_187 = arith.addi %mul3A_115, %add3A_186 : i32
      %add3A_188 = arith.constant 2 : i32
      %add3A_189 = arith.addi %add3A_187, %add3A_188 : i32
      %lt3A_190 = arith.cmpi slt, %add3A_189, %add3A_4 : i32
      %convert_element_type3A_191 = arith.extui %lt3A_190 : i1 to i32
      %cond3A_192 = arith.constant 0 : i32
      %cond3A_193 = arith.cmpi ne, %convert_element_type3A_191, %cond3A_192 : i32
      scf.if %cond3A_193 {
        %ge3A_216 = arith.constant 2 : i32
        %ge3A_217 = arith.cmpi sge, %add3A_187, %ge3A_216 : i32
        %convert_element_type3A_218 = arith.extui %ge3A_217 : i1 to i32
        %cond3A_219 = arith.constant 0 : i32
        %cond3A_220 = arith.cmpi ne, %convert_element_type3A_218, %cond3A_219 : i32
        scf.if %cond3A_220 {
          %sub3A_232 = arith.constant 2 : i32
          %sub3A_233 = arith.subi %add3A_187, %sub3A_232 : i32
          %dma_wait3A_234 = arith.constant 0 : i32
          %dma_wait3A_235 = arith.constant 0 : i32
          %dma_wait3A_236 = arith.constant 0 : i32
          %dma_wait3A_237 = tpu.memref_slice %arg10[%dma_wait3A_234, %dma_wait3A_235, %dma_wait3A_236] : memref<4x128x64xf32, #tpu.memory_space<vmem>> -> memref<1x128x64xf32, #tpu.memory_space<vmem>>
          %dma_wait3A_238 = tpu.memref_squeeze %dma_wait3A_237 : memref<1x128x64xf32, #tpu.memory_space<vmem>> -> memref<128x64xf32, #tpu.memory_space<vmem>>
          %dma_wait3A_239 = arith.constant 0 : i32
          %dma_wait3A_240 = tpu.memref_slice %arg9[%sub3A_233, %dma_wait3A_239] : memref<40x128xi32, #tpu.memory_space<vmem>> -> memref<1x128xi32, #tpu.memory_space<vmem>>
          %dma_wait3A_241 = tpu.memref_squeeze %dma_wait3A_240 : memref<1x128xi32, #tpu.memory_space<vmem>> -> memref<128xi32, #tpu.memory_space<vmem>>
          %dma_wait3A_242 = arith.constant 0 : i32
          %dma_wait3A_243 = arith.constant 0 : i32
          %dma_wait3A_244 = tpu.memref_slice %arg6[%dma_wait3A_242, %dma_wait3A_243] : memref<10240x64xf32, #tpu.memory_space<vmem_shared>> -> memref<10240x64xf32, #tpu.memory_space<vmem_shared>>
          tpu.wait_indirect_dma semaphore(%arg16 : memref<!tpu.dma_semaphore, #tpu.memory_space<semaphore_mem>>) src(%dma_wait3A_238 : memref<128x64xf32, #tpu.memory_space<vmem>>) dst(%dma_wait3A_244 : memref<10240x64xf32, #tpu.memory_space<vmem_shared>>)
        } else {
        }
        %dma_start3A_221 = arith.constant 0 : i32
        %dma_start3A_222 = arith.constant 0 : i32
        %dma_start3A_223 = arith.constant 0 : i32
        %dma_start3A_224 = tpu.memref_slice %arg10[%dma_start3A_221, %dma_start3A_222, %dma_start3A_223] : memref<4x128x64xf32, #tpu.memory_space<vmem>> -> memref<1x128x64xf32, #tpu.memory_space<vmem>>
        %dma_start3A_225 = tpu.memref_squeeze %dma_start3A_224 : memref<1x128x64xf32, #tpu.memory_space<vmem>> -> memref<128x64xf32, #tpu.memory_space<vmem>>
        %dma_start3A_226 = arith.constant 0 : i32
        %dma_start3A_227 = tpu.memref_slice %arg8[%add3A_189, %dma_start3A_226] : memref<40x128xi32, #tpu.memory_space<vmem>> -> memref<1x128xi32, #tpu.memory_space<vmem>>
        %dma_start3A_228 = tpu.memref_squeeze %dma_start3A_227 : memref<1x128xi32, #tpu.memory_space<vmem>> -> memref<128xi32, #tpu.memory_space<vmem>>
        %dma_start3A_229 = arith.constant 0 : i32
        %dma_start3A_230 = arith.constant 0 : i32
        %dma_start3A_231 = tpu.memref_slice %arg7[%dma_start3A_229, %dma_start3A_230] : memref<10240x64xf32, #tpu.memory_space<vmem_shared>> -> memref<10240x64xf32, #tpu.memory_space<vmem_shared>>
        tpu.enqueue_indirect_dma source(%dma_start3A_231 : memref<10240x64xf32, #tpu.memory_space<vmem_shared>>) target(%dma_start3A_225 : memref<128x64xf32, #tpu.memory_space<vmem>>) offsets(%dma_start3A_228 : memref<128xi32, #tpu.memory_space<vmem>>) semaphore(%arg12 : memref<!tpu.dma_semaphore, #tpu.memory_space<semaphore_mem>>)
      } else {
      }
      %dma_wait3A_194 = arith.constant 2 : i32
      %dma_wait3A_195 = arith.constant 0 : i32
      %dma_wait3A_196 = arith.constant 0 : i32
      %dma_wait3A_197 = tpu.memref_slice %arg10[%dma_wait3A_194, %dma_wait3A_195, %dma_wait3A_196] : memref<4x128x64xf32, #tpu.memory_space<vmem>> -> memref<1x128x64xf32, #tpu.memory_space<vmem>>
      %dma_wait3A_198 = tpu.memref_squeeze %dma_wait3A_197 : memref<1x128x64xf32, #tpu.memory_space<vmem>> -> memref<128x64xf32, #tpu.memory_space<vmem>>
      %dma_wait3A_199 = arith.constant 0 : i32
      %dma_wait3A_200 = tpu.memref_slice %arg8[%add3A_187, %dma_wait3A_199] : memref<40x128xi32, #tpu.memory_space<vmem>> -> memref<1x128xi32, #tpu.memory_space<vmem>>
      %dma_wait3A_201 = tpu.memref_squeeze %dma_wait3A_200 : memref<1x128xi32, #tpu.memory_space<vmem>> -> memref<128xi32, #tpu.memory_space<vmem>>
      %dma_wait3A_202 = arith.constant 0 : i32
      %dma_wait3A_203 = arith.constant 0 : i32
      %dma_wait3A_204 = tpu.memref_slice %arg7[%dma_wait3A_202, %dma_wait3A_203] : memref<10240x64xf32, #tpu.memory_space<vmem_shared>> -> memref<10240x64xf32, #tpu.memory_space<vmem_shared>>
      tpu.wait_indirect_dma semaphore(%arg14 : memref<!tpu.dma_semaphore, #tpu.memory_space<semaphore_mem>>) src(%dma_wait3A_204 : memref<10240x64xf32, #tpu.memory_space<vmem_shared>>) dst(%dma_wait3A_198 : memref<128x64xf32, #tpu.memory_space<vmem>>)
      %dma_start3A_205 = arith.constant 2 : i32
      %dma_start3A_206 = arith.constant 0 : i32
      %dma_start3A_207 = arith.constant 0 : i32
      %dma_start3A_208 = tpu.memref_slice %arg10[%dma_start3A_205, %dma_start3A_206, %dma_start3A_207] : memref<4x128x64xf32, #tpu.memory_space<vmem>> -> memref<1x128x64xf32, #tpu.memory_space<vmem>>
      %dma_start3A_209 = tpu.memref_squeeze %dma_start3A_208 : memref<1x128x64xf32, #tpu.memory_space<vmem>> -> memref<128x64xf32, #tpu.memory_space<vmem>>
      %dma_start3A_210 = arith.constant 0 : i32
      %dma_start3A_211 = tpu.memref_slice %arg9[%add3A_187, %dma_start3A_210] : memref<40x128xi32, #tpu.memory_space<vmem>> -> memref<1x128xi32, #tpu.memory_space<vmem>>
      %dma_start3A_212 = tpu.memref_squeeze %dma_start3A_211 : memref<1x128xi32, #tpu.memory_space<vmem>> -> memref<128xi32, #tpu.memory_space<vmem>>
      %dma_start3A_213 = arith.constant 0 : i32
      %dma_start3A_214 = arith.constant 0 : i32
      %dma_start3A_215 = tpu.memref_slice %arg6[%dma_start3A_213, %dma_start3A_214] : memref<10240x64xf32, #tpu.memory_space<vmem_shared>> -> memref<10240x64xf32, #tpu.memory_space<vmem_shared>>
      tpu.enqueue_indirect_dma source(%dma_start3A_209 : memref<128x64xf32, #tpu.memory_space<vmem>>) target(%dma_start3A_215 : memref<10240x64xf32, #tpu.memory_space<vmem_shared>>) offsets(%dma_start3A_212 : memref<128xi32, #tpu.memory_space<vmem>>) semaphore(%arg18 : memref<!tpu.dma_semaphore, #tpu.memory_space<semaphore_mem>>) {add = true}
    } else {
    }
    %add3A_131 = arith.constant 3 : i32
    %add3A_132 = arith.addi %mul3A_115, %add3A_131 : i32
    %lt3A_133 = arith.cmpi slt, %add3A_132, %add3A_4 : i32
    %convert_element_type3A_134 = arith.extui %lt3A_133 : i1 to i32
    %cond3A_135 = arith.constant 0 : i32
    %cond3A_136 = arith.cmpi ne, %convert_element_type3A_134, %cond3A_135 : i32
    scf.if %cond3A_136 {
      %add3A_186 = arith.constant 3 : i32
      %add3A_187 = arith.addi %mul3A_115, %add3A_186 : i32
      %add3A_188 = arith.constant 2 : i32
      %add3A_189 = arith.addi %add3A_187, %add3A_188 : i32
      %lt3A_190 = arith.cmpi slt, %add3A_189, %add3A_4 : i32
      %convert_element_type3A_191 = arith.extui %lt3A_190 : i1 to i32
      %cond3A_192 = arith.constant 0 : i32
      %cond3A_193 = arith.cmpi ne, %convert_element_type3A_191, %cond3A_192 : i32
      scf.if %cond3A_193 {
        %ge3A_216 = arith.constant 2 : i32
        %ge3A_217 = arith.cmpi sge, %add3A_187, %ge3A_216 : i32
        %convert_element_type3A_218 = arith.extui %ge3A_217 : i1 to i32
        %cond3A_219 = arith.constant 0 : i32
        %cond3A_220 = arith.cmpi ne, %convert_element_type3A_218, %cond3A_219 : i32
        scf.if %cond3A_220 {
          %sub3A_232 = arith.constant 2 : i32
          %sub3A_233 = arith.subi %add3A_187, %sub3A_232 : i32
          %dma_wait3A_234 = arith.constant 1 : i32
          %dma_wait3A_235 = arith.constant 0 : i32
          %dma_wait3A_236 = arith.constant 0 : i32
          %dma_wait3A_237 = tpu.memref_slice %arg10[%dma_wait3A_234, %dma_wait3A_235, %dma_wait3A_236] : memref<4x128x64xf32, #tpu.memory_space<vmem>> -> memref<1x128x64xf32, #tpu.memory_space<vmem>>
          %dma_wait3A_238 = tpu.memref_squeeze %dma_wait3A_237 : memref<1x128x64xf32, #tpu.memory_space<vmem>> -> memref<128x64xf32, #tpu.memory_space<vmem>>
          %dma_wait3A_239 = arith.constant 0 : i32
          %dma_wait3A_240 = tpu.memref_slice %arg9[%sub3A_233, %dma_wait3A_239] : memref<40x128xi32, #tpu.memory_space<vmem>> -> memref<1x128xi32, #tpu.memory_space<vmem>>
          %dma_wait3A_241 = tpu.memref_squeeze %dma_wait3A_240 : memref<1x128xi32, #tpu.memory_space<vmem>> -> memref<128xi32, #tpu.memory_space<vmem>>
          %dma_wait3A_242 = arith.constant 0 : i32
          %dma_wait3A_243 = arith.constant 0 : i32
          %dma_wait3A_244 = tpu.memref_slice %arg6[%dma_wait3A_242, %dma_wait3A_243] : memref<10240x64xf32, #tpu.memory_space<vmem_shared>> -> memref<10240x64xf32, #tpu.memory_space<vmem_shared>>
          tpu.wait_indirect_dma semaphore(%arg17 : memref<!tpu.dma_semaphore, #tpu.memory_space<semaphore_mem>>) src(%dma_wait3A_238 : memref<128x64xf32, #tpu.memory_space<vmem>>) dst(%dma_wait3A_244 : memref<10240x64xf32, #tpu.memory_space<vmem_shared>>)
        } else {
        }
        %dma_start3A_221 = arith.constant 1 : i32
        %dma_start3A_222 = arith.constant 0 : i32
        %dma_start3A_223 = arith.constant 0 : i32
        %dma_start3A_224 = tpu.memref_slice %arg10[%dma_start3A_221, %dma_start3A_222, %dma_start3A_223] : memref<4x128x64xf32, #tpu.memory_space<vmem>> -> memref<1x128x64xf32, #tpu.memory_space<vmem>>
        %dma_start3A_225 = tpu.memref_squeeze %dma_start3A_224 : memref<1x128x64xf32, #tpu.memory_space<vmem>> -> memref<128x64xf32, #tpu.memory_space<vmem>>
        %dma_start3A_226 = arith.constant 0 : i32
        %dma_start3A_227 = tpu.memref_slice %arg8[%add3A_189, %dma_start3A_226] : memref<40x128xi32, #tpu.memory_space<vmem>> -> memref<1x128xi32, #tpu.memory_space<vmem>>
        %dma_start3A_228 = tpu.memref_squeeze %dma_start3A_227 : memref<1x128xi32, #tpu.memory_space<vmem>> -> memref<128xi32, #tpu.memory_space<vmem>>
        %dma_start3A_229 = arith.constant 0 : i32
        %dma_start3A_230 = arith.constant 0 : i32
        %dma_start3A_231 = tpu.memref_slice %arg7[%dma_start3A_229, %dma_start3A_230] : memref<10240x64xf32, #tpu.memory_space<vmem_shared>> -> memref<10240x64xf32, #tpu.memory_space<vmem_shared>>
        tpu.enqueue_indirect_dma source(%dma_start3A_231 : memref<10240x64xf32, #tpu.memory_space<vmem_shared>>) target(%dma_start3A_225 : memref<128x64xf32, #tpu.memory_space<vmem>>) offsets(%dma_start3A_228 : memref<128xi32, #tpu.memory_space<vmem>>) semaphore(%arg13 : memref<!tpu.dma_semaphore, #tpu.memory_space<semaphore_mem>>)
      } else {
      }
      %dma_wait3A_194 = arith.constant 3 : i32
      %dma_wait3A_195 = arith.constant 0 : i32
      %dma_wait3A_196 = arith.constant 0 : i32
      %dma_wait3A_197 = tpu.memref_slice %arg10[%dma_wait3A_194, %dma_wait3A_195, %dma_wait3A_196] : memref<4x128x64xf32, #tpu.memory_space<vmem>> -> memref<1x128x64xf32, #tpu.memory_space<vmem>>
      %dma_wait3A_198 = tpu.memref_squeeze %dma_wait3A_197 : memref<1x128x64xf32, #tpu.memory_space<vmem>> -> memref<128x64xf32, #tpu.memory_space<vmem>>
      %dma_wait3A_199 = arith.constant 0 : i32
      %dma_wait3A_200 = tpu.memref_slice %arg8[%add3A_187, %dma_wait3A_199] : memref<40x128xi32, #tpu.memory_space<vmem>> -> memref<1x128xi32, #tpu.memory_space<vmem>>
      %dma_wait3A_201 = tpu.memref_squeeze %dma_wait3A_200 : memref<1x128xi32, #tpu.memory_space<vmem>> -> memref<128xi32, #tpu.memory_space<vmem>>
      %dma_wait3A_202 = arith.constant 0 : i32
      %dma_wait3A_203 = arith.constant 0 : i32
      %dma_wait3A_204 = tpu.memref_slice %arg7[%dma_wait3A_202, %dma_wait3A_203] : memref<10240x64xf32, #tpu.memory_space<vmem_shared>> -> memref<10240x64xf32, #tpu.memory_space<vmem_shared>>
      tpu.wait_indirect_dma semaphore(%arg15 : memref<!tpu.dma_semaphore, #tpu.memory_space<semaphore_mem>>) src(%dma_wait3A_204 : memref<10240x64xf32, #tpu.memory_space<vmem_shared>>) dst(%dma_wait3A_198 : memref<128x64xf32, #tpu.memory_space<vmem>>)
      %dma_start3A_205 = arith.constant 3 : i32
      %dma_start3A_206 = arith.constant 0 : i32
      %dma_start3A_207 = arith.constant 0 : i32
      %dma_start3A_208 = tpu.memref_slice %arg10[%dma_start3A_205, %dma_start3A_206, %dma_start3A_207] : memref<4x128x64xf32, #tpu.memory_space<vmem>> -> memref<1x128x64xf32, #tpu.memory_space<vmem>>
      %dma_start3A_209 = tpu.memref_squeeze %dma_start3A_208 : memref<1x128x64xf32, #tpu.memory_space<vmem>> -> memref<128x64xf32, #tpu.memory_space<vmem>>
      %dma_start3A_210 = arith.constant 0 : i32
      %dma_start3A_211 = tpu.memref_slice %arg9[%add3A_187, %dma_start3A_210] : memref<40x128xi32, #tpu.memory_space<vmem>> -> memref<1x128xi32, #tpu.memory_space<vmem>>
      %dma_start3A_212 = tpu.memref_squeeze %dma_start3A_211 : memref<1x128xi32, #tpu.memory_space<vmem>> -> memref<128xi32, #tpu.memory_space<vmem>>
      %dma_start3A_213 = arith.constant 0 : i32
      %dma_start3A_214 = arith.constant 0 : i32
      %dma_start3A_215 = tpu.memref_slice %arg6[%dma_start3A_213, %dma_start3A_214] : memref<10240x64xf32, #tpu.memory_space<vmem_shared>> -> memref<10240x64xf32, #tpu.memory_space<vmem_shared>>
      tpu.enqueue_indirect_dma source(%dma_start3A_209 : memref<128x64xf32, #tpu.memory_space<vmem>>) target(%dma_start3A_215 : memref<10240x64xf32, #tpu.memory_space<vmem_shared>>) offsets(%dma_start3A_212 : memref<128xi32, #tpu.memory_space<vmem>>) semaphore(%arg19 : memref<!tpu.dma_semaphore, #tpu.memory_space<semaphore_mem>>) {add = true}
    } else {
    }
    %dma_wait3A_137 = arith.constant 0 : i32
    %dma_wait3A_138 = arith.constant 0 : i32
    %dma_wait3A_139 = arith.constant 0 : i32
    %dma_wait3A_140 = arith.constant 0 : i32
    %dma_wait3A_141 = tpu.memref_slice %arg10[%dma_wait3A_137, %dma_wait3A_139, %dma_wait3A_140] : memref<4x128x64xf32, #tpu.memory_space<vmem>> -> memref<1x128x64xf32, #tpu.memory_space<vmem>>
    %dma_wait3A_142 = tpu.memref_squeeze %dma_wait3A_141 : memref<1x128x64xf32, #tpu.memory_space<vmem>> -> memref<128x64xf32, #tpu.memory_space<vmem>>
    %dma_wait3A_143 = arith.constant 0 : i32
    %dma_wait3A_144 = tpu.memref_slice %arg9[%dma_wait3A_138, %dma_wait3A_143] : memref<40x128xi32, #tpu.memory_space<vmem>> -> memref<1x128xi32, #tpu.memory_space<vmem>>
    %dma_wait3A_145 = tpu.memref_squeeze %dma_wait3A_144 : memref<1x128xi32, #tpu.memory_space<vmem>> -> memref<128xi32, #tpu.memory_space<vmem>>
    %dma_wait3A_146 = arith.constant 0 : i32
    %dma_wait3A_147 = arith.constant 0 : i32
    %dma_wait3A_148 = tpu.memref_slice %arg6[%dma_wait3A_146, %dma_wait3A_147] : memref<10240x64xf32, #tpu.memory_space<vmem_shared>> -> memref<10240x64xf32, #tpu.memory_space<vmem_shared>>
    tpu.wait_indirect_dma semaphore(%arg16 : memref<!tpu.dma_semaphore, #tpu.memory_space<semaphore_mem>>) src(%dma_wait3A_142 : memref<128x64xf32, #tpu.memory_space<vmem>>) dst(%dma_wait3A_148 : memref<10240x64xf32, #tpu.memory_space<vmem_shared>>)
    %dma_wait3A_149 = arith.constant 1 : i32
    %dma_wait3A_150 = arith.constant 0 : i32
    %dma_wait3A_151 = arith.constant 0 : i32
    %dma_wait3A_152 = arith.constant 0 : i32
    %dma_wait3A_153 = tpu.memref_slice %arg10[%dma_wait3A_149, %dma_wait3A_151, %dma_wait3A_152] : memref<4x128x64xf32, #tpu.memory_space<vmem>> -> memref<1x128x64xf32, #tpu.memory_space<vmem>>
    %dma_wait3A_154 = tpu.memref_squeeze %dma_wait3A_153 : memref<1x128x64xf32, #tpu.memory_space<vmem>> -> memref<128x64xf32, #tpu.memory_space<vmem>>
    %dma_wait3A_155 = arith.constant 0 : i32
    %dma_wait3A_156 = tpu.memref_slice %arg9[%dma_wait3A_150, %dma_wait3A_155] : memref<40x128xi32, #tpu.memory_space<vmem>> -> memref<1x128xi32, #tpu.memory_space<vmem>>
    %dma_wait3A_157 = tpu.memref_squeeze %dma_wait3A_156 : memref<1x128xi32, #tpu.memory_space<vmem>> -> memref<128xi32, #tpu.memory_space<vmem>>
    %dma_wait3A_158 = arith.constant 0 : i32
    %dma_wait3A_159 = arith.constant 0 : i32
    %dma_wait3A_160 = tpu.memref_slice %arg6[%dma_wait3A_158, %dma_wait3A_159] : memref<10240x64xf32, #tpu.memory_space<vmem_shared>> -> memref<10240x64xf32, #tpu.memory_space<vmem_shared>>
    tpu.wait_indirect_dma semaphore(%arg17 : memref<!tpu.dma_semaphore, #tpu.memory_space<semaphore_mem>>) src(%dma_wait3A_154 : memref<128x64xf32, #tpu.memory_space<vmem>>) dst(%dma_wait3A_160 : memref<10240x64xf32, #tpu.memory_space<vmem_shared>>)
    %dma_wait3A_161 = arith.constant 2 : i32
    %dma_wait3A_162 = arith.constant 0 : i32
    %dma_wait3A_163 = arith.constant 0 : i32
    %dma_wait3A_164 = arith.constant 0 : i32
    %dma_wait3A_165 = tpu.memref_slice %arg10[%dma_wait3A_161, %dma_wait3A_163, %dma_wait3A_164] : memref<4x128x64xf32, #tpu.memory_space<vmem>> -> memref<1x128x64xf32, #tpu.memory_space<vmem>>
    %dma_wait3A_166 = tpu.memref_squeeze %dma_wait3A_165 : memref<1x128x64xf32, #tpu.memory_space<vmem>> -> memref<128x64xf32, #tpu.memory_space<vmem>>
    %dma_wait3A_167 = arith.constant 0 : i32
    %dma_wait3A_168 = tpu.memref_slice %arg9[%dma_wait3A_162, %dma_wait3A_167] : memref<40x128xi32, #tpu.memory_space<vmem>> -> memref<1x128xi32, #tpu.memory_space<vmem>>
    %dma_wait3A_169 = tpu.memref_squeeze %dma_wait3A_168 : memref<1x128xi32, #tpu.memory_space<vmem>> -> memref<128xi32, #tpu.memory_space<vmem>>
    %dma_wait3A_170 = arith.constant 0 : i32
    %dma_wait3A_171 = arith.constant 0 : i32
    %dma_wait3A_172 = tpu.memref_slice %arg6[%dma_wait3A_170, %dma_wait3A_171] : memref<10240x64xf32, #tpu.memory_space<vmem_shared>> -> memref<10240x64xf32, #tpu.memory_space<vmem_shared>>
    tpu.wait_indirect_dma semaphore(%arg18 : memref<!tpu.dma_semaphore, #tpu.memory_space<semaphore_mem>>) src(%dma_wait3A_166 : memref<128x64xf32, #tpu.memory_space<vmem>>) dst(%dma_wait3A_172 : memref<10240x64xf32, #tpu.memory_space<vmem_shared>>)
    %dma_wait3A_173 = arith.constant 3 : i32
    %dma_wait3A_174 = arith.constant 0 : i32
    %dma_wait3A_175 = arith.constant 0 : i32
    %dma_wait3A_176 = arith.constant 0 : i32
    %dma_wait3A_177 = tpu.memref_slice %arg10[%dma_wait3A_173, %dma_wait3A_175, %dma_wait3A_176] : memref<4x128x64xf32, #tpu.memory_space<vmem>> -> memref<1x128x64xf32, #tpu.memory_space<vmem>>
    %dma_wait3A_178 = tpu.memref_squeeze %dma_wait3A_177 : memref<1x128x64xf32, #tpu.memory_space<vmem>> -> memref<128x64xf32, #tpu.memory_space<vmem>>
    %dma_wait3A_179 = arith.constant 0 : i32
    %dma_wait3A_180 = tpu.memref_slice %arg9[%dma_wait3A_174, %dma_wait3A_179] : memref<40x128xi32, #tpu.memory_space<vmem>> -> memref<1x128xi32, #tpu.memory_space<vmem>>
    %dma_wait3A_181 = tpu.memref_squeeze %dma_wait3A_180 : memref<1x128xi32, #tpu.memory_space<vmem>> -> memref<128xi32, #tpu.memory_space<vmem>>
    %dma_wait3A_182 = arith.constant 0 : i32
    %dma_wait3A_183 = arith.constant 0 : i32
    %dma_wait3A_184 = tpu.memref_slice %arg6[%dma_wait3A_182, %dma_wait3A_183] : memref<10240x64xf32, #tpu.memory_space<vmem_shared>> -> memref<10240x64xf32, #tpu.memory_space<vmem_shared>>
    tpu.wait_indirect_dma semaphore(%arg19 : memref<!tpu.dma_semaphore, #tpu.memory_space<semaphore_mem>>) src(%dma_wait3A_178 : memref<128x64xf32, #tpu.memory_space<vmem>>) dst(%dma_wait3A_184 : memref<10240x64xf32, #tpu.memory_space<vmem_shared>>)
    %barrier3A_185 = arith.constant 0 : index
    tpu.barrier barrier_id(%barrier3A_185)
    "tpu.region"() ({
      %run_scoped3A = tpu.sem_alloc : memref<!tpu.dma_semaphore, #tpu.memory_space<semaphore_mem>>
      %dma_start3A_186 = arith.constant 0 : i32
      %dma_start3A_187 = tpu.memref_slice %arg5[%arg0, %mul3A_11, %dma_start3A_186] : memref<2x10240x64xf32, #tpu.memory_space<hbm>> -> memref<1x640x64xf32, #tpu.memory_space<hbm>>
      %dma_start3A_188 = tpu.memref_squeeze %dma_start3A_187 : memref<1x640x64xf32, #tpu.memory_space<hbm>> -> memref<640x64xf32, #tpu.memory_space<hbm>>
      %dma_start3A_189 = arith.constant 0 : i32
      %dma_start3A_190 = tpu.memref_slice %arg6[%mul3A_11, %dma_start3A_189] : memref<10240x64xf32, #tpu.memory_space<vmem_shared>> -> memref<640x64xf32, #tpu.memory_space<vmem_shared>>
      tpu.enqueue_dma source(%dma_start3A_190 : memref<640x64xf32, #tpu.memory_space<vmem_shared>>) target(%dma_start3A_188 : memref<640x64xf32, #tpu.memory_space<hbm>>) target_semaphore(%run_scoped3A : memref<!tpu.dma_semaphore, #tpu.memory_space<semaphore_mem>>)
      %dma_wait3A_191 = arith.constant 0 : i32
      %dma_wait3A_192 = tpu.memref_slice %arg5[%arg0, %mul3A_11, %dma_wait3A_191] : memref<2x10240x64xf32, #tpu.memory_space<hbm>> -> memref<1x640x64xf32, #tpu.memory_space<hbm>>
      %dma_wait3A_193 = tpu.memref_squeeze %dma_wait3A_192 : memref<1x640x64xf32, #tpu.memory_space<hbm>> -> memref<640x64xf32, #tpu.memory_space<hbm>>
      %dma_wait3A_194 = arith.constant 0 : i32
      %dma_wait3A_195 = tpu.memref_slice %arg6[%mul3A_11, %dma_wait3A_194] : memref<10240x64xf32, #tpu.memory_space<vmem_shared>> -> memref<640x64xf32, #tpu.memory_space<vmem_shared>>
      tpu.wait_dma2 semaphore(%run_scoped3A : memref<!tpu.dma_semaphore, #tpu.memory_space<semaphore_mem>>) src(%dma_wait3A_195 : memref<640x64xf32, #tpu.memory_space<vmem_shared>>) dst(%dma_wait3A_193 : memref<640x64xf32, #tpu.memory_space<hbm>>)
      tpu.yield
    }) : () -> ()
    return
  }
}

module attributes {stable_mosaic.version = 14 : i64} {
  func.func @_mm1_body(%arg0: memref<10000x128xf32, #tpu.memory_space<vmem>>, %arg1: memref<128x64xf32, #tpu.memory_space<vmem>>, %arg2: memref<10000x64xf32, #tpu.memory_space<vmem>>) attributes {dimension_semantics = [], scalar_prefetch = 0 : i64, scratch_operands = 0 : i64, tpu.core_type = #tpu.core_type<tc>} {
    %get3A = arith.constant 0 : index
    %get3A_0 = arith.constant 0 : index
    %get3A_1 = vector.load %arg0[%get3A, %get3A_0] : memref<10000x128xf32, #tpu.memory_space<vmem>>, vector<10000x128xf32>
    %get3A_2 = arith.constant 0 : index
    %get3A_3 = arith.constant 0 : index
    %get3A_4 = vector.load %arg1[%get3A_2, %get3A_3] : memref<128x64xf32, #tpu.memory_space<vmem>>, vector<128x64xf32>
    %dot_general3A = arith.constant dense<0.000000e+00> : vector<10000x64xf32>
    %dot_general3A_5 = tpu.matmul %get3A_1, %get3A_4, %dot_general3A {dimension_numbers = #tpu.dot_dimension_numbers<[1], [0], [0], [1], [0, 0, 1, 1], [], []>, transpose_lhs_hint = false} : vector<10000x128xf32>, vector<128x64xf32>, vector<10000x64xf32> -> vector<10000x64xf32>
    %swap3A = arith.constant 0 : index
    %swap3A_6 = arith.constant 0 : index
    %swap3A_7 = vector.load %arg2[%swap3A, %swap3A_6] : memref<10000x64xf32, #tpu.memory_space<vmem>>, vector<10000x64xf32>
    tpu.vector_store %arg2[%swap3A, %swap3A_6], %dot_general3A_5 {strides = array<i32>} : memref<10000x64xf32, #tpu.memory_space<vmem>>, vector<10000x64xf32>,
    return
  }
}

module attributes {stable_mosaic.version = 14 : i64} {
  func.func @_scale_body(%arg0: memref<10000x64xf32, #tpu.memory_space<vmem>>, %arg1: memref<2x2x10240xf32, #tpu.memory_space<vmem>>, %arg2: memref<10240x64xf32, #tpu.memory_space<vmem>>) attributes {dimension_semantics = [], scalar_prefetch = 0 : i64, scratch_operands = 0 : i64, tpu.core_type = #tpu.core_type<tc>} {
    %get3A = arith.constant 0 : index
    %get3A_0 = arith.constant 0 : index
    %get3A_1 = arith.constant 0 : index
    %get3A_2 = vector.load %arg1[%get3A, %get3A_0, %get3A_1] : memref<2x2x10240xf32, #tpu.memory_space<vmem>>, vector<2x2x10240xf32>
    %slice3A = vector.extract_strided_slice %get3A_2 {offsets = [0, 0, 0], sizes = [1, 1, 10240], strides = [1, 1, 1]} : vector<2x2x10240xf32> to vector<1x1x10240xf32>
    %squeeze3A = vector.shape_cast %slice3A : vector<1x1x10240xf32> to vector<10240xf32>
    %slice3A_3 = vector.extract_strided_slice %get3A_2 {offsets = [1, 0, 0], sizes = [1, 1, 10240], strides = [1, 1, 1]} : vector<2x2x10240xf32> to vector<1x1x10240xf32>
    %squeeze3A_4 = vector.shape_cast %slice3A_3 : vector<1x1x10240xf32> to vector<10240xf32>
    %add3A = arith.addf %squeeze3A, %squeeze3A_4 : vector<10240xf32>
    %gt3A = arith.constant 0.000000e+00 : f32
    %gt3A_5 = vector.broadcast %gt3A : f32 to vector<10240xf32>
    %gt3A_6 = arith.cmpf ogt, %add3A, %gt3A_5 : vector<10240xf32>
    %max3A = arith.constant 1.000000e+00 : f32
    %max3A_7 = vector.broadcast %max3A : f32 to vector<10240xf32>
    %max3A_8 = arith.maximumf %add3A, %max3A_7 : vector<10240xf32>
    %rsqrt3A = math.rsqrt %max3A_8 : vector<10240xf32>
    %jit3A = arith.constant 0.000000e+00 : f32
    %broadcast_in_dim3A = vector.broadcast %jit3A : f32 to vector<10240xf32>
    %select_n3A = arith.select %gt3A_6, %rsqrt3A, %broadcast_in_dim3A : vector<10240xi1>, vector<10240xf32>
    %slice3A_9 = vector.extract_strided_slice %select_n3A {offsets = [0], sizes = [10000], strides = [1]} : vector<10240xf32> to vector<10000xf32>
    %reshape3A = vector.shape_cast %slice3A_9 : vector<10000xf32> to vector<10000x1xf32>
    %get3A_10 = arith.constant 0 : index
    %get3A_11 = arith.constant 0 : index
    %get3A_12 = vector.load %arg0[%get3A_10, %get3A_11] : memref<10000x64xf32, #tpu.memory_space<vmem>>, vector<10000x64xf32>
    %mul3A = vector.broadcast %reshape3A : vector<10000x1xf32> to vector<10000x64xf32>
    %mul3A_13 = arith.mulf %get3A_12, %mul3A : vector<10000x64xf32>
    %swap3A = arith.constant 0 : index
    %swap3A_14 = arith.constant 0 : index
    %swap3A_15 = vector.load %arg2[%swap3A, %swap3A_14] : memref<10240x64xf32, #tpu.memory_space<vmem>>, vector<10000x64xf32>
    tpu.vector_store %arg2[%swap3A, %swap3A_14], %mul3A_13 {strides = array<i32>} : memref<10240x64xf32, #tpu.memory_space<vmem>>, vector<10000x64xf32>,
    %broadcast_in_dim3A_16 = arith.constant 0.000000e+00 : f32
    %broadcast_in_dim3A_17 = vector.broadcast %broadcast_in_dim3A_16 : f32 to vector<240x64xf32>
    %swap3A_18 = arith.constant 10000 : index
    %swap3A_19 = arith.constant 0 : index
    %swap3A_20 = vector.load %arg2[%swap3A_18, %swap3A_19] : memref<10240x64xf32, #tpu.memory_space<vmem>>, vector<240x64xf32>
    tpu.vector_store %arg2[%swap3A_18, %swap3A_19], %broadcast_in_dim3A_17 {strides = array<i32>} : memref<10240x64xf32, #tpu.memory_space<vmem>>, vector<240x64xf32>,
    return
  }
}

module attributes {stable_mosaic.version = 14 : i64} {
  func.func @_z_body(%arg0: memref<2x10240x64xf32, #tpu.memory_space<vmem>>, %arg1: memref<2x2x10240xf32, #tpu.memory_space<vmem>>, %arg2: memref<1x64xf32, #tpu.memory_space<vmem>>, %arg3: memref<10000x64xf32, #tpu.memory_space<vmem>>, %arg4: memref<10240x64xf32, #tpu.memory_space<vmem>>) attributes {dimension_semantics = [], scalar_prefetch = 0 : i64, scratch_operands = 0 : i64, tpu.core_type = #tpu.core_type<tc>} {
    %get3A = arith.constant 0 : index
    %get3A_0 = arith.constant 0 : index
    %get3A_1 = arith.constant 0 : index
    %get3A_2 = vector.load %arg1[%get3A, %get3A_0, %get3A_1] : memref<2x2x10240xf32, #tpu.memory_space<vmem>>, vector<2x2x10240xf32>
    %slice3A = vector.extract_strided_slice %get3A_2 {offsets = [0, 0, 0], sizes = [1, 1, 10240], strides = [1, 1, 1]} : vector<2x2x10240xf32> to vector<1x1x10240xf32>
    %squeeze3A = vector.shape_cast %slice3A : vector<1x1x10240xf32> to vector<10240xf32>
    %slice3A_3 = vector.extract_strided_slice %get3A_2 {offsets = [1, 0, 0], sizes = [1, 1, 10240], strides = [1, 1, 1]} : vector<2x2x10240xf32> to vector<1x1x10240xf32>
    %squeeze3A_4 = vector.shape_cast %slice3A_3 : vector<1x1x10240xf32> to vector<10240xf32>
    %add3A = arith.addf %squeeze3A, %squeeze3A_4 : vector<10240xf32>
    %slice3A_5 = vector.extract_strided_slice %get3A_2 {offsets = [0, 1, 0], sizes = [1, 1, 10240], strides = [1, 1, 1]} : vector<2x2x10240xf32> to vector<1x1x10240xf32>
    %squeeze3A_6 = vector.shape_cast %slice3A_5 : vector<1x1x10240xf32> to vector<10240xf32>
    %slice3A_7 = vector.extract_strided_slice %get3A_2 {offsets = [1, 1, 0], sizes = [1, 1, 10240], strides = [1, 1, 1]} : vector<2x2x10240xf32> to vector<1x1x10240xf32>
    %squeeze3A_8 = vector.shape_cast %slice3A_7 : vector<1x1x10240xf32> to vector<10240xf32>
    %add3A_9 = arith.addf %squeeze3A_6, %squeeze3A_8 : vector<10240xf32>
    %gt3A = arith.constant 0.000000e+00 : f32
    %gt3A_10 = vector.broadcast %gt3A : f32 to vector<10240xf32>
    %gt3A_11 = arith.cmpf ogt, %add3A, %gt3A_10 : vector<10240xf32>
    %max3A = arith.constant 1.000000e+00 : f32
    %max3A_12 = vector.broadcast %max3A : f32 to vector<10240xf32>
    %max3A_13 = arith.maximumf %add3A, %max3A_12 : vector<10240xf32>
    %rsqrt3A = math.rsqrt %max3A_13 : vector<10240xf32>
    %jit3A = arith.constant 0.000000e+00 : f32
    %broadcast_in_dim3A = vector.broadcast %jit3A : f32 to vector<10240xf32>
    %select_n3A = arith.select %gt3A_11, %rsqrt3A, %broadcast_in_dim3A : vector<10240xi1>, vector<10240xf32>
    %gt3A_14 = arith.constant 0.000000e+00 : f32
    %gt3A_15 = vector.broadcast %gt3A_14 : f32 to vector<10240xf32>
    %gt3A_16 = arith.cmpf ogt, %add3A_9, %gt3A_15 : vector<10240xf32>
    %max3A_17 = arith.constant 1.000000e+00 : f32
    %max3A_18 = vector.broadcast %max3A_17 : f32 to vector<10240xf32>
    %max3A_19 = arith.maximumf %add3A_9, %max3A_18 : vector<10240xf32>
    %rsqrt3A_20 = math.rsqrt %max3A_19 : vector<10240xf32>
    %jit3A_21 = arith.constant 0.000000e+00 : f32
    %broadcast_in_dim3A_22 = vector.broadcast %jit3A_21 : f32 to vector<10240xf32>
    %select_n3A_23 = arith.select %gt3A_16, %rsqrt3A_20, %broadcast_in_dim3A_22 : vector<10240xi1>, vector<10240xf32>
    %slice3A_24 = vector.extract_strided_slice %select_n3A {offsets = [0], sizes = [10000], strides = [1]} : vector<10240xf32> to vector<10000xf32>
    %reshape3A = vector.shape_cast %slice3A_24 : vector<10000xf32> to vector<10000x1xf32>
    %slice3A_25 = vector.extract_strided_slice %select_n3A_23 {offsets = [0], sizes = [10000], strides = [1]} : vector<10240xf32> to vector<10000xf32>
    %reshape3A_26 = vector.shape_cast %slice3A_25 : vector<10000xf32> to vector<10000x1xf32>
    %get3A_27 = arith.constant 0 : index
    %get3A_28 = arith.constant 0 : index
    %get3A_29 = arith.constant 0 : index
    %get3A_30 = vector.load %arg0[%get3A_27, %get3A_28, %get3A_29] : memref<2x10240x64xf32, #tpu.memory_space<vmem>>, vector<2x10240x64xf32>
    %slice3A_31 = vector.extract_strided_slice %get3A_30 {offsets = [0, 0, 0], sizes = [1, 10000, 64], strides = [1, 1, 1]} : vector<2x10240x64xf32> to vector<1x10000x64xf32>
    %squeeze3A_32 = vector.shape_cast %slice3A_31 : vector<1x10000x64xf32> to vector<10000x64xf32>
    %slice3A_33 = vector.extract_strided_slice %get3A_30 {offsets = [1, 0, 0], sizes = [1, 10000, 64], strides = [1, 1, 1]} : vector<2x10240x64xf32> to vector<1x10000x64xf32>
    %squeeze3A_34 = vector.shape_cast %slice3A_33 : vector<1x10000x64xf32> to vector<10000x64xf32>
    %add3A_35 = arith.addf %squeeze3A_32, %squeeze3A_34 : vector<10000x64xf32>
    %mul3A = vector.broadcast %reshape3A_26 : vector<10000x1xf32> to vector<10000x64xf32>
    %mul3A_36 = arith.mulf %add3A_35, %mul3A : vector<10000x64xf32>
    %get3A_37 = arith.constant 0 : index
    %get3A_38 = arith.constant 0 : index
    %get3A_39 = vector.load %arg2[%get3A_37, %get3A_38] : memref<1x64xf32, #tpu.memory_space<vmem>>, vector<1x64xf32>
    %add3A_40 = vector.broadcast %get3A_39 : vector<1x64xf32> to vector<10000x64xf32>
    %add3A_41 = arith.addf %mul3A_36, %add3A_40 : vector<10000x64xf32>
    %logistic3A = arith.negf %add3A_41 : vector<10000x64xf32>
    %logistic3A_42 = math.exp %logistic3A : vector<10000x64xf32>
    %logistic3A_43 = arith.constant 1.000000e+00 : f32
    %logistic3A_44 = vector.broadcast %logistic3A_43 : f32 to vector<10000x64xf32>
    %logistic3A_45 = arith.addf %logistic3A_44, %logistic3A_42 : vector<10000x64xf32>
    %logistic3A_46 = arith.divf %logistic3A_44, %logistic3A_45 : vector<10000x64xf32>
    %swap3A = arith.constant 0 : index
    %swap3A_47 = arith.constant 0 : index
    %swap3A_48 = vector.load %arg3[%swap3A, %swap3A_47] : memref<10000x64xf32, #tpu.memory_space<vmem>>, vector<10000x64xf32>
    tpu.vector_store %arg3[%swap3A, %swap3A_47], %logistic3A_46 {strides = array<i32>} : memref<10000x64xf32, #tpu.memory_space<vmem>>, vector<10000x64xf32>,
    %mul3A_49 = vector.broadcast %reshape3A : vector<10000x1xf32> to vector<10000x64xf32>
    %mul3A_50 = arith.mulf %logistic3A_46, %mul3A_49 : vector<10000x64xf32>
    %swap3A_51 = arith.constant 0 : index
    %swap3A_52 = arith.constant 0 : index
    %swap3A_53 = vector.load %arg4[%swap3A_51, %swap3A_52] : memref<10240x64xf32, #tpu.memory_space<vmem>>, vector<10000x64xf32>
    tpu.vector_store %arg4[%swap3A_51, %swap3A_52], %mul3A_50 {strides = array<i32>} : memref<10240x64xf32, #tpu.memory_space<vmem>>, vector<10000x64xf32>,
    %broadcast_in_dim3A_54 = arith.constant 0.000000e+00 : f32
    %broadcast_in_dim3A_55 = vector.broadcast %broadcast_in_dim3A_54 : f32 to vector<240x64xf32>
    %swap3A_56 = arith.constant 10000 : index
    %swap3A_57 = arith.constant 0 : index
    %swap3A_58 = vector.load %arg4[%swap3A_56, %swap3A_57] : memref<10240x64xf32, #tpu.memory_space<vmem>>, vector<240x64xf32>
    tpu.vector_store %arg4[%swap3A_56, %swap3A_57], %broadcast_in_dim3A_55 {strides = array<i32>} : memref<10240x64xf32, #tpu.memory_space<vmem>>, vector<240x64xf32>,
    return
  }
}

module attributes {stable_mosaic.version = 14 : i64} {
  func.func @_struct_body(%arg0: i32, %arg1: memref<400x64xf32, #tpu.memory_space<vmem>>, %arg2: memref<10000x64xf32, #tpu.memory_space<vmem>>, %arg3: memref<400x10000xf32, #tpu.memory_space<vmem>>) attributes {dimension_semantics = [#tpu.dimension_semantics<arbitrary>], iteration_bounds = array<i64: 25>, scalar_prefetch = 0 : i64, scratch_operands = 0 : i64, tpu.core_type = #tpu.core_type<tc>, window_params = [{transform_indices = @transform_0, window_bounds = array<i64: 400, 64>}, {pipeline_mode = #tpu.pipeline_mode<synchronous>, transform_indices = @transform_1, window_bounds = array<i64: 10000, 64>}, {transform_indices = @transform_2, window_bounds = array<i64: 400, 10000>}]} {
    %get3A = arith.constant 0 : index
    %get3A_0 = arith.constant 0 : index
    %get3A_1 = vector.load %arg1[%get3A, %get3A_0] : memref<400x64xf32, #tpu.memory_space<vmem>>, vector<400x64xf32>
    %get3A_2 = arith.constant 0 : index
    %get3A_3 = arith.constant 0 : index
    %get3A_4 = vector.load %arg2[%get3A_2, %get3A_3] : memref<10000x64xf32, #tpu.memory_space<vmem>>, vector<10000x64xf32>
    %dot_general3A = arith.constant dense<0.000000e+00> : vector<400x10000xf32>
    %dot_general3A_5 = tpu.matmul %get3A_1, %get3A_4, %dot_general3A {dimension_numbers = #tpu.dot_dimension_numbers<[1], [1], [0], [0], [0, 0, 1, 0], [], []>, transpose_lhs_hint = false} : vector<400x64xf32>, vector<10000x64xf32>, vector<400x10000xf32> -> vector<400x10000xf32>
    %logistic3A = arith.negf %dot_general3A_5 : vector<400x10000xf32>
    %logistic3A_6 = math.exp %logistic3A : vector<400x10000xf32>
    %logistic3A_7 = arith.constant 1.000000e+00 : f32
    %logistic3A_8 = vector.broadcast %logistic3A_7 : f32 to vector<400x10000xf32>
    %logistic3A_9 = arith.addf %logistic3A_8, %logistic3A_6 : vector<400x10000xf32>
    %logistic3A_10 = arith.divf %logistic3A_8, %logistic3A_9 : vector<400x10000xf32>
    %swap3A = arith.constant 0 : index
    %swap3A_11 = arith.constant 0 : index
    %swap3A_12 = vector.load %arg3[%swap3A, %swap3A_11] : memref<400x10000xf32, #tpu.memory_space<vmem>>, vector<400x10000xf32>
    tpu.vector_store %arg3[%swap3A, %swap3A_11], %logistic3A_10 {strides = array<i32>} : memref<400x10000xf32, #tpu.memory_space<vmem>>, vector<400x10000xf32>,
    return
  }
  func.func @transform_0(%arg0: i32) -> (i32, i32) {
    %c0_i32 = arith.constant 0 : i32
    %c0_i32_0 = arith.constant 0 : i32
    return %arg0, %c0_i32 : i32, i32
  }
  func.func @transform_1(%arg0: i32) -> (i32, i32) {
    %c0_i32 = arith.constant 0 : i32
    %c0_i32_0 = arith.constant 0 : i32
    %c0_i32_1 = arith.constant 0 : i32
    return %c0_i32, %c0_i32_0 : i32, i32
  }
  func.func @transform_2(%arg0: i32) -> (i32, i32) {
    %c0_i32 = arith.constant 0 : i32
    %c0_i32_0 = arith.constant 0 : i32
    return %arg0, %c0_i32 : i32, i32
  }
}

module attributes {stable_mosaic.version = 14 : i64} {
  func.func @_xhat_body(%arg0: memref<2x10240x64xf32, #tpu.memory_space<vmem>>, %arg1: memref<2x2x10240xf32, #tpu.memory_space<vmem>>, %arg2: memref<64x128xf32, #tpu.memory_space<vmem>>, %arg3: memref<1x128xf32, #tpu.memory_space<vmem>>, %arg4: memref<10000x128xf32, #tpu.memory_space<vmem>>) attributes {dimension_semantics = [], scalar_prefetch = 0 : i64, scratch_operands = 0 : i64, tpu.core_type = #tpu.core_type<tc>} {
    %get3A = arith.constant 0 : index
    %get3A_0 = arith.constant 0 : index
    %get3A_1 = arith.constant 0 : index
    %get3A_2 = vector.load %arg1[%get3A, %get3A_0, %get3A_1] : memref<2x2x10240xf32, #tpu.memory_space<vmem>>, vector<2x2x10240xf32>
    %slice3A = vector.extract_strided_slice %get3A_2 {offsets = [0, 1, 0], sizes = [1, 1, 10240], strides = [1, 1, 1]} : vector<2x2x10240xf32> to vector<1x1x10240xf32>
    %squeeze3A = vector.shape_cast %slice3A : vector<1x1x10240xf32> to vector<10240xf32>
    %slice3A_3 = vector.extract_strided_slice %get3A_2 {offsets = [1, 1, 0], sizes = [1, 1, 10240], strides = [1, 1, 1]} : vector<2x2x10240xf32> to vector<1x1x10240xf32>
    %squeeze3A_4 = vector.shape_cast %slice3A_3 : vector<1x1x10240xf32> to vector<10240xf32>
    %add3A = arith.addf %squeeze3A, %squeeze3A_4 : vector<10240xf32>
    %gt3A = arith.constant 0.000000e+00 : f32
    %gt3A_5 = vector.broadcast %gt3A : f32 to vector<10240xf32>
    %gt3A_6 = arith.cmpf ogt, %add3A, %gt3A_5 : vector<10240xf32>
    %max3A = arith.constant 1.000000e+00 : f32
    %max3A_7 = vector.broadcast %max3A : f32 to vector<10240xf32>
    %max3A_8 = arith.maximumf %add3A, %max3A_7 : vector<10240xf32>
    %rsqrt3A = math.rsqrt %max3A_8 : vector<10240xf32>
    %jit3A = arith.constant 0.000000e+00 : f32
    %broadcast_in_dim3A = vector.broadcast %jit3A : f32 to vector<10240xf32>
    %select_n3A = arith.select %gt3A_6, %rsqrt3A, %broadcast_in_dim3A : vector<10240xi1>, vector<10240xf32>
    %slice3A_9 = vector.extract_strided_slice %select_n3A {offsets = [0], sizes = [10000], strides = [1]} : vector<10240xf32> to vector<10000xf32>
    %reshape3A = vector.shape_cast %slice3A_9 : vector<10000xf32> to vector<10000x1xf32>
    %get3A_10 = arith.constant 0 : index
    %get3A_11 = arith.constant 0 : index
    %get3A_12 = arith.constant 0 : index
    %get3A_13 = vector.load %arg0[%get3A_10, %get3A_11, %get3A_12] : memref<2x10240x64xf32, #tpu.memory_space<vmem>>, vector<2x10240x64xf32>
    %slice3A_14 = vector.extract_strided_slice %get3A_13 {offsets = [0, 0, 0], sizes = [1, 10000, 64], strides = [1, 1, 1]} : vector<2x10240x64xf32> to vector<1x10000x64xf32>
    %squeeze3A_15 = vector.shape_cast %slice3A_14 : vector<1x10000x64xf32> to vector<10000x64xf32>
    %slice3A_16 = vector.extract_strided_slice %get3A_13 {offsets = [1, 0, 0], sizes = [1, 10000, 64], strides = [1, 1, 1]} : vector<2x10240x64xf32> to vector<1x10000x64xf32>
    %squeeze3A_17 = vector.shape_cast %slice3A_16 : vector<1x10000x64xf32> to vector<10000x64xf32>
    %add3A_18 = arith.addf %squeeze3A_15, %squeeze3A_17 : vector<10000x64xf32>
    %mul3A = vector.broadcast %reshape3A : vector<10000x1xf32> to vector<10000x64xf32>
    %mul3A_19 = arith.mulf %add3A_18, %mul3A : vector<10000x64xf32>
    %get3A_20 = arith.constant 0 : index
    %get3A_21 = arith.constant 0 : index
    %get3A_22 = vector.load %arg2[%get3A_20, %get3A_21] : memref<64x128xf32, #tpu.memory_space<vmem>>, vector<64x128xf32>
    %dot_general3A = arith.constant dense<0.000000e+00> : vector<10000x128xf32>
    %dot_general3A_23 = tpu.matmul %mul3A_19, %get3A_22, %dot_general3A {dimension_numbers = #tpu.dot_dimension_numbers<[1], [0], [0], [1], [0, 0, 1, 1], [], []>, transpose_lhs_hint = false} : vector<10000x64xf32>, vector<64x128xf32>, vector<10000x128xf32> -> vector<10000x128xf32>
    %get3A_24 = arith.constant 0 : index
    %get3A_25 = arith.constant 0 : index
    %get3A_26 = vector.load %arg3[%get3A_24, %get3A_25] : memref<1x128xf32, #tpu.memory_space<vmem>>, vector<1x128xf32>
    %add3A_27 = vector.broadcast %get3A_26 : vector<1x128xf32> to vector<10000x128xf32>
    %add3A_28 = arith.addf %dot_general3A_23, %add3A_27 : vector<10000x128xf32>
    %logistic3A = arith.negf %add3A_28 : vector<10000x128xf32>
    %logistic3A_29 = math.exp %logistic3A : vector<10000x128xf32>
    %logistic3A_30 = arith.constant 1.000000e+00 : f32
    %logistic3A_31 = vector.broadcast %logistic3A_30 : f32 to vector<10000x128xf32>
    %logistic3A_32 = arith.addf %logistic3A_31, %logistic3A_29 : vector<10000x128xf32>
    %logistic3A_33 = arith.divf %logistic3A_31, %logistic3A_32 : vector<10000x128xf32>
    %swap3A = arith.constant 0 : index
    %swap3A_34 = arith.constant 0 : index
    %swap3A_35 = vector.load %arg4[%swap3A, %swap3A_34] : memref<10000x128xf32, #tpu.memory_space<vmem>>, vector<10000x128xf32>
    tpu.vector_store %arg4[%swap3A, %swap3A_34], %logistic3A_33 {strides = array<i32>} : memref<10000x128xf32, #tpu.memory_space<vmem>>, vector<10000x128xf32>,
    return
  }
}

</mosaic_0001>

<sc_bundles>
// kernel: kernel.10.cloned.1.call-start
scs
__scs_entry_jumppad:
0x0: {  	(pc) =	sbr.rel $0x88, $3  }
0x1: {  	(tag) =	ssettag $0x0;
	lr =	simm.s32 $0x1  }
0x2: {  	[smem:$0x3F9B] =	sst lr;
	_ =	strace $0xD0000000  }
0x3: {  	_ = 	snop  }
0x4: {  	_ = 	snop  }
0x5: {  	_ = 	snop  }
0x6: {  	_ = 	snop  }
0x7: {  	_ = 	snop  }
__scs_overlays_trampoline_lowered:
0x8: {  	[smem:$0x3FAA] =	sst s0  }
0x9: {  	[smem:$0x3FAB] =	sst s1  }
0xa: {  	[smem:$0x3FAC] =	sst s2  }
0xb: {  	[smem:$0x3FAD] =	sst s3  }
0xc: {  	[smem:$0x3FAE] =	sst s4  }
0xd: {  	[smem:$0x3FAF] =	sst s5  }
0xe: {  	[smem:$0x3FB0] =	sst s6  }
0xf: {  	[smem:$0x3FB1] =	sst s7  }
0x10: {  	[smem:$0x3FB2] =	sst s8  }
0x11: {  	[smem:$0x3FB3] =	sst s9;
	s0 =	simm.s32 @!p0 $0x0  }
0x12: {  	s1 =	sld [smem:$0x3F99];
	s0 =	simm.s32 @p0 $0x1  }
0x13: {  	[smem:$0x3FB4] =	sst s0;
	s0 =	simm.s32 @!p1 $0x0  }
0x14: {  	s2 =	sld [smem:$0x3F98];
	s0 =	simm.s32 @p1 $0x1  }
0x15: {  	[smem:$0x3FB5] =	sst s0;
	s0 =	simm.s32 @!p2 $0x0  }
0x16: {  	s3 =	sld [smem:$0x3FDB];
	s0 =	simm.s32 @p2 $0x1  }
0x17: {  	s4 =	simm.s32 $0x1BF5;
	[smem:$0x3FB7] =	sst s0  }
0x18: {  	s0 =	sld [smem:$0x3F9A];
	_ =	swait.ge [sflag:s4], $0x0  }
0x19: {  	s7 =	sld [smem:$0x3F9B]  }
0x1a: {  	s8 =	sadd.s32 $0xFFFFE003, lr  }
0x1b: {  	s9 =	sadd.s32 $0xFFFFFEF7, lr;
	s5 =	simm.s32 $0xFFFFFFFF;
	p2 =	slt.u32 s8, $0xFFFFF086  }
0x1c: {  	p1 =	slt.u32 s9, $0xF7A;
	s5 =	simm.s32 @!p2 $0x0  }
0x1d: {  	s5 =	simm.s32 @p1 $0x1;
	p0 =	seq.s32 s7, s2  }
0x1e: {  	s7 =	smul.u32 @!p0 $0xF7A, s2;
	p2 =	seq.s32 @!p0 s5, $0x0  }
0x1f: {  	s9 =	smul.u32 $0xF7A, s1;
	s8 =	simm.s32 @!p0 $0x1BF5;
	p2 =	por !p2, p0  }
0x20: {  	[sflag:s8] =	ssyncset.s32 @!p0 $0xFFFFF086;
	s6 =	sadd.s32 @!p0 s3, s7;
	s7 =	simm.s32 @!p0 $0x108  }
0x21: {  	s3 =	sadd.s32 s3, s9;
	s6 =	sadd.s32 @!p0 $0x88, s6;
	s7 =	simm.s32 @p2 $0x1082  }
0x22: {  	[simem:s7], [sflag:s8] =	dma.local @!p0 [hbm:s6], $0xF7A  }
0x23: {  	s9 =	sor.u32 $0xD0000000, s2;
	s6 =	simm.s32 $0x108;
	_ =	swait.ge @!p0 [sflag:s8], $0x0  }
0x24: {  	s3 =	sadd.s32 $0x88, s3;
	s6 =	simm.s32 @!p1 $0x1082;
	[sflag:s4] =	ssyncset.s32 $0xFFFFF086  }
0x25: {  	[simem:s6], [sflag:s4] =	dma.local [hbm:s3], $0xF7A  }
0x26: {  	[smem:$0x3F9B] =	sst s1;
	(tag) =	ssettag s2;
	_ =	strace s9  }
0x27: {  	s1 =	sld [smem:$0x3FAB]  }
0x28: {  	s2 =	sld [smem:$0x3FAC]  }
0x29: {  	s4 =	sld [smem:$0x3FAE]  }
0x2a: {  	p0 =	seq.s32 s5, $0x0;
	s5 =	sld [smem:$0x3FAF]  }
0x2b: {  	s6 =	sld [smem:$0x3FB0]  }
0x2c: {  	s7 =	sld [smem:$0x3FB1]  }
0x2d: {  	s3 =	simm.s32 $0x108;
	s8 =	sld [smem:$0x3FB2]  }
0x2e: {  	s3 =	simm.s32 @!p0 $0x1082;
	s9 =	sld [smem:$0x3FB3]  }
0x2f: {  	lr =	sadd.s32 s0, s3;
	s0 =	sld [smem:$0x3FAA]  }
0x30: {  	s3 =	sld [smem:$0x3FAD]  }
0x31: {  	[smem:$0x3FB6] =	sst s10  }
0x32: {  	s10 =	sld [smem:$0x3FB4];
	_ =	sdelay $0x3  }
0x33: {  	p0 =	seq.s32 s10, $0x1;
	s10 =	sld [smem:$0x3FB6];
	_ =	sdelay $0x3  }
0x34: {  	[smem:$0x3FB6] =	sst s10  }
0x35: {  	s10 =	sld [smem:$0x3FB5];
	_ =	sdelay $0x3  }
0x36: {  	p1 =	seq.s32 s10, $0x1;
	s10 =	sld [smem:$0x3FB6];
	_ =	sdelay $0x3  }
0x37: {  	[smem:$0x3FB6] =	sst s10  }
0x38: {  	s10 =	sld [smem:$0x3FB7]  }
0x39: {  	_ = 	snop;
	(pc) =	sbr.ind lr, $3  }
0x3a: {  	_ = 	snop  }
0x3b: {  	_ = 	snop  }
0x3c: {  	p2 =	seq.s32 s10, $0x1;
	s10 =	sld [smem:$0x3FB6]  }
0x3d: {  	_ =	shalt  }
0x3e: {  	_ =	shalt  }
0x3f: {  	_ =	shalt  }
0x40: {  	_ =	shalt  }
0x41: {  	_ =	shalt  }
0x42: {  	_ =	shalt  }
0x43: {  	_ =	shalt  }
0x44: {  	_ =	shalt  }
0x45: {  	_ =	shalt  }
0x46: {  	_ =	shalt  }
0x47: {  	_ =	shalt  }
0x48: {  	_ =	shalt  }
0x49: {  	_ =	shalt  }
0x4a: {  	_ =	shalt  }
0x4b: {  	_ =	shalt  }
0x4c: {  	_ =	shalt  }
0x4d: {  	_ =	shalt  }
0x4e: {  	_ =	shalt  }
0x4f: {  	_ =	shalt  }
0x50: {  	_ =	shalt  }
0x51: {  	_ =	shalt  }
0x52: {  	_ =	shalt  }
0x53: {  	_ =	shalt  }
0x54: {  	_ =	shalt  }
0x55: {  	_ =	shalt  }
0x56: {  	_ =	shalt  }
0x57: {  	_ =	shalt  }
0x58: {  	_ =	shalt  }
0x59: {  	_ =	shalt  }
0x5a: {  	_ =	shalt  }
0x5b: {  	_ =	shalt  }
0x5c: {  	_ =	shalt  }
0x5d: {  	_ =	shalt  }
0x5e: {  	_ =	shalt  }
0x5f: {  	_ =	shalt  }
0x60: {  	_ =	shalt  }
0x61: {  	_ =	shalt  }
0x62: {  	_ =	shalt  }
0x63: {  	_ =	shalt  }
0x64: {  	_ =	shalt  }
0x65: {  	_ =	shalt  }
0x66: {  	_ =	shalt  }
0x67: {  	_ =	shalt  }
0x68: {  	_ =	shalt  }
0x69: {  	_ =	shalt  }
0x6a: {  	_ =	shalt  }
0x6b: {  	_ =	shalt  }
0x6c: {  	_ =	shalt  }
0x6d: {  	_ =	shalt  }
0x6e: {  	_ =	shalt  }
0x6f: {  	_ =	shalt  }
0x70: {  	_ =	shalt  }
0x71: {  	_ =	shalt  }
0x72: {  	_ =	shalt  }
0x73: {  	_ =	shalt  }
0x74: {  	_ =	shalt  }
0x75: {  	_ =	shalt  }
0x76: {  	_ =	shalt  }
0x77: {  	_ =	shalt  }
0x78: {  	_ =	shalt  }
0x79: {  	_ =	shalt  }
0x7a: {  	_ =	shalt  }
0x7b: {  	_ =	shalt  }
0x7c: {  	_ =	shalt  }
0x7d: {  	_ =	shalt  }
0x7e: {  	_ =	shalt  }
0x7f: {  	_ =	shalt  }
0x80: {  	_ =	shalt  }
0x81: {  	_ =	shalt  }
0x82: {  	_ =	shalt  }
0x83: {  	_ =	shalt  }
0x84: {  	_ =	shalt  }
0x85: {  	_ =	shalt  }
0x86: {  	_ =	shalt  }
0x87: {  	_ =	shalt  }
.Lfunc_end0:
.L_simem_size_0:
called_computation_lowered:
.L_overlay_start_0:
0x88: {  	s2 =	sld [smem:$0x3FD9]  }
0x89: {  	s3 =	sld [smem:$0x3FFE];
	_ =	sdelay $0x1  }
0x8a: {  	s1 =	srdreg.scid  }
0x8b: {  	s0 =	sand.u32 $0x1, s1  }
0x8c: {  	s14 =	sshll.u32 s0, $0xA;
	s2 =	sadd.s32 s3, s2  }
0x8d: {  	s2 =	sadd.s32 s2, s14  }
0x8e: {  	[smem:$0x3FC2] =	sst s2  }
0x8f: {  	_ = 	snop  }
0x90: {  	s2 =	sld [smem:$0x3FD0];
	_ =	sdelay $0x2  }
0x91: {  	s15 =	simm.s32 $0xA;
	s4 =	simm.s32 $0x10  }
0x92: {  	[smem:s4], [sflag:s15] =	dma.local [hbm:s2], $0x1  }
0x93: {  	_ =	swait.eq [sflag:s15], $0x1  }
0x94: {  	[sflag:s15] =	ssyncset.done $0x0  }
0x95: {  	s16 =	sld [smem:$0x10];
	[sflag:s15] =	ssyncadd.s32 $0xFFFFFFFF  }
0x96: {  	s17 =	sld [smem:$0x11];
	(tm) =	ssettm $0x1  }
0x97: {  	s18 =	sld [smem:$0x3FFB];
	_ =	sdelay $0x3  }
0x98: {  	_ =	strace s18  }
0x99: {  	s4 =	sld [smem:$0x3FFC];
	_ =	sdelay $0x3  }
0x9a: {  	_ =	strace s4  }
0x9b: {  	s4 =	sld [smem:$0x3FFD];
	_ =	sdelay $0x3  }
0x9c: {  	_ =	strace s4  }
0x9d: {  	_ =	strace $0x8FFFFFFF  }
0x9e: {  	s19 =	sld [smem:$0x3FDB];
	_ =	sdelay $0x1  }
0x9f: {  	s5 =	simm.s32 $_scs_section_size  }
0xa0: {  	s6 =	simm.s32 $_size__tile_overlayer_lowered;
	s7 =	simm.s32 $_tile_overlayer_lowered  }
0xa1: {  	s22 =	simm.s32 $0x1BFF;
	s21 =	sshll.u32 s7, $0x1;
	s4 =	sadd.s32 s5, s19  }
0xa2: {  	s8 =	simm.s32 $0x0;
	s20 =	sshll.u32 s6, $0x1;
	s6 =	sadd.s32 s21, s4  }
0xa3: {  	[timem:s8], [sflag:s22] =	dma.local [hbm:s6], s20  }
0xa4: {  	_ =	swait.ge [sflag:s22], s20  }
0xa5: {  	s5 =	ssub.s32 $0x0, s20;
	[sflag:s22] =	ssyncset.done $0x0  }
0xa6: {  	[sflag:s22] =	ssyncadd.s32 s5;
	_ =	sdelay $0x1  }
0xa7: {  	s23 =	simm.s32 $0x1B8B  }
0xa8: {  	_ =	swait.ge [sflag:s23], $0x1  }
0xa9: {  	[sflag:s23] =	ssyncset.done $0x0  }
0xaa: {  	s25 =	simm.s32 $0x1B8E;
	s24 =	sld [smem:$0x3FFE];
	[sflag:s23] =	ssyncadd.s32 $0xFFFFFFFF  }
0xab: {  	s26 =	simm.s32 $execute0_lowered;
	[smem:$0x3FD2] =	sst s25  }
0xac: {  	s6 =	sshll.u32 s26, $0x1;
	_ =	strace $0x80000046;
	[dreg:$0x1] =	wrdreg $0xFFFFFFFF  }
0xad: {  	s28 =	simm.s32 $_size_execute0_lowered;
	s4 =	sadd.s32 s4, s6;
	[dreg:$0x0] =	wrdreg $0x0  }
0xae: {  	s6 =	sshll.u32 s28, $0x1;
	[dreg:$0x2] =	wrdreg s4  }
0xaf: {  	[dreg:$0x3] =	wrdreg s6  }
0xb0: {  	[dreg:$0x4] =	wrdreg $0xC0  }
0xb1: {  	_ =	task [dreg:s8], $0x5FFFF  }
0xb2: {  	[dreg:$0x1] =	wrdreg $0xFFFFFFFF  }
0xb3: {  	[dreg:$0x0] =	wrdreg $0x60  }
0xb4: {  	[dreg:$0x2] =	wrdreg s24  }
0xb5: {  	[dreg:$0x3] =	wrdreg s16  }
0xb6: {  	[dreg:$0x4] =	wrdreg s17  }
0xb7: {  	[dreg:$0x5] =	wrdreg $0x0  }
0xb8: {  	[dreg:$0x6] =	wrdreg $0x2800  }
0xb9: {  	[dreg:$0x7] =	wrdreg $0x9  }
0xba: {  	_ =	task.clear_ibuf [dreg:s8], $0x8FFFF;
	_ =	strace $0x90000046  }
0xbb: {  	s29 =	simm.s32 $0x9;
	_ =	strace $0x80000048  }
0xbc: {  	_ =	swait.ge [sflag:s29], $0x1  }
0xbd: {  	[sflag:s29] =	ssyncadd.s32 $0xFFFFFFFF  }
0xbe: {  	_ =	strace $0x90000048  }
0xbf: {  	_ =	sfence  }
0xc0: {  	s30 =	sld [smem:$0x0];
	_ =	sdelay $0x2  }
0xc1: {  	s31 =	sshll.u32 s1, $0xD;
	s1 =	sshrl.u32 s1, $0x2  }
0xc2: {  	s3 =	sand.u32 $0x4000, s31;
	s1 =	sadd.s32 s1, s30  }
0xc3: {  	s0 =	sor.u32 s3, s0;
	s1 =	sshll.u32 s1, $0x11  }
0xc4: {  	s0 =	sor.u32 s1, s0  }
0xc5: {  	s0 =	sadd.s32 $0x8F2B, s0  }
0xc6: {  	[sflag:s0] =	ssyncadd.remote.s32 $0x1  }
0xc7: {  	_ =	sfence.sel $0xFFFF  }
0xc8: {  	[dreg:$0x0] =	wrdreg $0xFFFFFFFF;
	(pc) =	sbr.abs _section_cstart, $3  }
0xc9: {  	[dreg:$0x1] =	wrdreg $0xFFFFFFFF  }
0xca: {  	_ =	task.clear_ibuf [dreg:s8], $0x2FFFF;
	_ =	strace $0x9FFFFFFF  }
0xcb: {  	(tm) =	ssettm $0x7FFFFFFF  }
tec
execute0_lowered:
.L_overlay_start_1:
0x0: {  	(tag) =	ssettag $0x1  }
0x1: {  	s7 =	rddreg [dreg:$0x0]  }
0x2: {  	s1 =	rddreg [dreg:$0x1]  }
0x3: {  	s11 =	rddreg [dreg:$0x2]  }
0x4: {  	s3 =	rddreg [dreg:$0x3]  }
0x5: {  	s4 =	rddreg [dreg:$0x4]  }
0x6: {  	s0 =	rddreg [dreg:$0x5];
	s6 =	srdreg.scid  }
0x7: {  	s2 =	stileid.u32;
	s5 =	simm.s32 $0x0;
	s15 =	simm.s32 $0x3  }
0x8: {  	s16 =	simm.s32 $0x1;
	s17 =	simm.s32 $0x80;
	s18 =	simm.s32 $0x2F80  }
0x9: {  	s19 =	simm.s32 $0x2;
	s20 =	simm.s32 $0x0;
	s6 =	sand.u32 $0x1, s6  }
0xa: {  	s8 =	sshll.u32 s2, $0x1;
	[smem:$0x7FF] =	sst s5;
	s13 =	smul.u32 $0x280, s2  }
0xb: {  	p0 =	seq.s32 s2, $0xF;
	s8 =	sor.u32 s6, s8;
	_ =	strace $0x80000047  }
0xc: {  	s9 =	ssub.s32 $0x2, s6;
	s30 =	smul.u32 $0x5000, s6;
	s6 =	simm.s32 $0x28  }
0xd: {  	s10 =	smul.u32 $0x27, s8;
	s12 =	sshrl.u32 s9, $0x1;
	s8 =	smax.u32 s8, $0x1E  }
0xe: {  	s6 =	simm.s32 @!p0 $0x27;
	s14 =	ssub.s32 s9, s12;
	s9 =	sadd.s32 s13, s30  }
0xf: {  	s8 =	sadd.s32 s10, s8;
	s31 =	sshrl.u32 s9, $0x3;
	s9 =	sadd.s32 s13, s3  }
0x10: {  	s10 =	sadd.s32 s13, s4;
	s13 =	smax.u32 s14, $0x1;
	s8 =	sshll.u32 s8, $0x4  }
0x11: {  	s14 =	simm.s32 $0x500;
	s11 =	sadd.s32 s11, s31;
	s8 =	sadd.s32 s7, s8  }
0x12: {  	v0 =	vimm.f32 $1.000000000e+00;
	s12 =	sadd.s32 $0x500, s11;
	s7 =	sadd.s32 $0x1620, s8;
	s8 =	sadd.s32 $0x6440, s8  }
.LBB2_1:
0x13: {  	s22 =	simm.s32 $0x780  }
0x14: {  	[tilespmem:s22], [sflag:$0x1] =	stream.linear.gather [hbm4b:s7+s5], $0x1400, $0x38;
	[tilespmem:$0x3000] =	vst v63  }
0x15: {  	s21 =	simm.s32 $0x1B80  }
0x16: {  	[tilespmem:s21], [sflag:$0x1] =	stream.linear.gather [hbm4b:s8+s5], $0x1400, $0x38;
	[tilespmem:$0x3000] =	vst v63  }
0x17: {  	[tilespmem:$0x2F80] =	vst v0  }
0x18: {  	[tilespmem:$0x2F90] =	vst v0  }
0x19: {  	[tilespmem:$0x2FA0] =	vst v0  }
0x1a: {  	[tilespmem:$0x2FB0] =	vst v0  }
0x1b: {  	[tilespmem:$0x2FC0] =	vst v0  }
0x1c: {  	[tilespmem:$0x2FD0] =	vst v0  }
0x1d: {  	[tilespmem:$0x2FE0] =	vst v0  }
0x1e: {  	[tilespmem:$0x2FF0] =	vst v0  }
0x1f: {  	[tilespmem:s14], [sflag:$0x3] =	stream.linear.gather [hbm4b:s1+s5], $0x280, $0x38;
	[tilespmem:$0x3000] =	vst v63  }
0x20: {  	_ =	swait.ge [sflag:s15], $0x280  }
0x21: {  	[sflag:s15] =	ssyncset.done $0x0  }
0x22: {  	[sflag:s15] =	ssyncadd.s32 $0xFFFFFD80  }
0x23: {  	[spmem:s9] =	stream.linear.scatter [tilespmem:s14], [sflag:$0x3], $0x280, $0x38;
	[tilespmem:$0x3000] =	vst v63  }
0x24: {  	_ =	swait.ge [sflag:s15], $0x280  }
0x25: {  	[sflag:s15] =	ssyncset.done $0x0  }
0x26: {  	[sflag:s15] =	ssyncadd.s32 $0xFFFFFD80  }
0x27: {  	[spmem:s10] =	stream.linear.scatter [tilespmem:s14], [sflag:$0x3], $0x280, $0x38;
	[tilespmem:$0x3000] =	vst v63  }
0x28: {  	_ =	swait.ge [sflag:s15], $0x280  }
0x29: {  	[sflag:s15] =	ssyncset.done $0x0  }
0x2a: {  	[sflag:s15] =	ssyncadd.s32 $0xFFFFFD80  }
0x2b: {  	[bflag:$0x0] =	sbarrier.arrive $0xFFFF  }
0x2c: {  	_ =	swait.ge [sflag:s16], $0x1400  }
0x2d: {  	[sflag:s16] =	ssyncset.done $0x0  }
0x2e: {  	[sflag:s16] =	ssyncadd.s32 $0xFFFFEC00  }
0x2f: {  	p0 =	sne.s32 s6, $0x1;
	_ =	swait.ge [sflag:s16], $0x1400  }
.Ltmp0:
0x30: {  	[sflag:s16] =	ssyncset.done $0x0;
	(pc) =	sbr.rel @!p0 .LBB2_3-.Ltmp0, $4  }
0x31: {  	[sflag:s16] =	ssyncadd.s32 $0xFFFFEC00  }
0x32: {  	[spmem:s3] =	stream.indirect.scatter.add.f32 [tilespmem:s18], [sflag:$0x2], $0x1, s22, s17, $0xb8;
	[tilespmem:$0x3000] =	vst v63  }
0x33: {  	s23 =	simm.s32 $0x800;
	s22 =	sadd.s32 $0xFFFFFFFF, s6  }
0x34: {  	[spmem:s4] =	stream.indirect.scatter.add.f32 [tilespmem:s18], [sflag:$0x2], $0x1, s21, s17, $0xb8;
	[tilespmem:$0x3000] =	vst v63  }
.LBB2_2:
0x35: {  	[spmem:s3] =	stream.indirect.scatter.add.f32 [tilespmem:s18], [sflag:$0x2], $0x1, s23, s17, $0xb8;
	[tilespmem:$0x3000] =	vst v63  }
0x36: {  	p1 =	sne.s32 s22, $0x1  }
.Ltmp1:
0x37: {  	s22 =	sadd.s32 $0xFFFFFFFF, s22;
	(pc) =	sbr.rel @p1 .LBB2_2-.Ltmp1, $4  }
0x38: {  	s21 =	sadd.s32 $0x80, s21  }
0x39: {  	[spmem:s4] =	stream.indirect.scatter.add.f32 [tilespmem:s18], [sflag:$0x2], $0x1, s21, s17, $0xb8;
	[tilespmem:$0x3000] =	vst v63  }
0x3a: {  	_ = 	snop  }
0x3b: {  	s23 =	sadd.s32 $0x80, s23  }
.LBB2_3:
.Ltmp2:
0x3c: {  	_ =	swait.ge [sflag:s19], $0x80;
	(pc) =	sbr.rel @!p0 .LBB2_5-.Ltmp2, $4  }
0x3d: {  	[sflag:s19] =	ssyncset.done $0x0  }
0x3e: {  	[sflag:s19] =	ssyncadd.s32 $0xFFFFFF80  }
0x3f: {  	_ =	swait.ge [sflag:s19], $0x80  }
0x40: {  	s21 =	sadd.s32 $0xFFFFFFFF, s6;
	[sflag:s19] =	ssyncset.done $0x0  }
.LBB2_4:
0x41: {  	p0 =	sne.s32 s21, $0x1;
	s21 =	sadd.s32 $0xFFFFFFFF, s21;
	[sflag:s19] =	ssyncadd.s32 $0xFFFFFF80  }
.Ltmp3:
0x42: {  	_ =	swait.ge [sflag:s19], $0x80;
	(pc) =	sbr.rel @p0 .LBB2_4-.Ltmp3, $4  }
0x43: {  	[sflag:s19] =	ssyncset.done $0x0  }
0x44: {  	[sflag:s19] =	ssyncadd.s32 $0xFFFFFF80  }
0x45: {  	_ =	swait.ge [sflag:s19], $0x80  }
0x46: {  	[sflag:s19] =	ssyncset.done $0x0  }
.LBB2_5:
0x47: {  	[sflag:s19] =	ssyncadd.s32 $0xFFFFFF80  }
0x48: {  	[bflag:$0x0] =	sbarrier.arrive $0xFFFF  }
0x49: {  	[tilespmem:s14], [sflag:$0x3] =	stream.linear.gather [spmem:s9], $0x280, $0x38;
	[tilespmem:$0x3000] =	vst v63  }
0x4a: {  	_ =	swait.ge [sflag:s15], $0x280  }
0x4b: {  	[sflag:s15] =	ssyncset.done $0x0  }
0x4c: {  	[sflag:s15] =	ssyncadd.s32 $0xFFFFFD80  }
0x4d: {  	[hbm4b:s11+s5] =	stream.linear.scatter [tilespmem:s14], [sflag:$0x3], $0x280, $0x38;
	[tilespmem:$0x3000] =	vst v63  }
0x4e: {  	_ =	swait.ge [sflag:s15], $0x280  }
0x4f: {  	[sflag:s15] =	ssyncset.done $0x0  }
0x50: {  	[sflag:s15] =	ssyncadd.s32 $0xFFFFFD80  }
0x51: {  	[tilespmem:s14], [sflag:$0x3] =	stream.linear.gather [spmem:s10], $0x280, $0x38;
	[tilespmem:$0x3000] =	vst v63  }
0x52: {  	s20 =	sadd.s32 $0x1, s20;
	_ =	swait.ge [sflag:s15], $0x280  }
0x53: {  	p0 =	sne.s32 s20, s13;
	[sflag:s15] =	ssyncset.done $0x0  }
.Ltmp4:
0x54: {  	[sflag:s15] =	ssyncadd.s32 $0xFFFFFD80;
	(pc) =	sbr.rel @p0 .LBB2_1-.Ltmp4, $4  }
0x55: {  	[hbm4b:s12+s5] =	stream.linear.scatter [tilespmem:s14], [sflag:$0x3], $0x280, $0x38;
	[tilespmem:$0x3000] =	vst v63  }
0x56: {  	_ =	swait.ge [sflag:s15], $0x280  }
0x57: {  	[sflag:s15] =	ssyncset.done $0x0  }
0x58: {  	[sflag:s15] =	ssyncadd.s32 $0xFFFFFD80  }
0x59: {  	_ =	sfence.sel $0x180000  }
0x5a: {  	[bflag:$0x0] =	sbarrier.arrive $0xFFFF  }
0x5b: {  	p0 =	sne.s32 s2, $0x0;
	_ =	strace $0x90000047  }
0x5c: {  	s0 =	sadd.s32 @!p0 $0x100000, s0;
	[bflag:$0x2] =	sbarrier.arrive $0xFFFF  }
0x5d: {  	[sflag:s0] =	ssyncadd.tile.s32 @!p0 $0x1;
	_ =	shalt  }
.Lfunc_end2:
_tile_overlayer_lowered:
.L_overlay_start_2:
0x5e: {  	(tag) =	ssettag $0x2  }
0x5f: {  	s0 =	rddreg [dreg:$0x0];
	s2 =	stileid.u32  }
0x60: {  	s1 =	rddreg [dreg:$0x1];
	p0 =	sne.s32 s2, $0x0  }
0x61: {  	s3 =	rddreg [dreg:$0x2];
	[bflag:$0x3] =	sbarrier.arrive $0xFFFF;
	s2 =	simm.s32 @!p0 $0x1C03  }
0x62: {  	[timem:s3], [sflag:s2] =	dma.local @!p0 [hbm:s0], s1  }
0x63: {  	s0 =	simm.s32 @!p0 $0x3  }
0x64: {  	_ =	swait.ge @!p0 [sflag:s0], s1  }
0x65: {  	s1 =	ssub.s32 @!p0 $0x0, s1;
	[sflag:s0] =	ssyncset.done @!p0 $0x0  }
0x66: {  	[sflag:s0] =	ssyncadd.s32 @!p0 s1  }
0x67: {  	[bflag:$0x3] =	sbarrier.arrive $0xFFFF  }
0x68: {  	_ =	shalt  }

// kernel: kernel.13.cloned.1.call-start
scs
__scs_entry_jumppad:
0x0: {  	(pc) =	sbr.rel $0x88, $3  }
0x1: {  	(tag) =	ssettag $0x0;
	lr =	simm.s32 $0x1  }
0x2: {  	[smem:$0x3F9B] =	sst lr;
	_ =	strace $0xD0000000  }
0x3: {  	_ = 	snop  }
0x4: {  	_ = 	snop  }
0x5: {  	_ = 	snop  }
0x6: {  	_ = 	snop  }
0x7: {  	_ = 	snop  }
__scs_overlays_trampoline_lowered:
0x8: {  	[smem:$0x3FAA] =	sst s0  }
0x9: {  	[smem:$0x3FAB] =	sst s1  }
0xa: {  	[smem:$0x3FAC] =	sst s2  }
0xb: {  	[smem:$0x3FAD] =	sst s3  }
0xc: {  	[smem:$0x3FAE] =	sst s4  }
0xd: {  	[smem:$0x3FAF] =	sst s5  }
0xe: {  	[smem:$0x3FB0] =	sst s6  }
0xf: {  	[smem:$0x3FB1] =	sst s7  }
0x10: {  	[smem:$0x3FB2] =	sst s8  }
0x11: {  	[smem:$0x3FB3] =	sst s9;
	s0 =	simm.s32 @!p0 $0x0  }
0x12: {  	s1 =	sld [smem:$0x3F99];
	s0 =	simm.s32 @p0 $0x1  }
0x13: {  	[smem:$0x3FB4] =	sst s0;
	s0 =	simm.s32 @!p1 $0x0  }
0x14: {  	s2 =	sld [smem:$0x3F98];
	s0 =	simm.s32 @p1 $0x1  }
0x15: {  	[smem:$0x3FB5] =	sst s0;
	s0 =	simm.s32 @!p2 $0x0  }
0x16: {  	s3 =	sld [smem:$0x3FDB];
	s0 =	simm.s32 @p2 $0x1  }
0x17: {  	s4 =	simm.s32 $0x1BF5;
	[smem:$0x3FB7] =	sst s0  }
0x18: {  	s0 =	sld [smem:$0x3F9A];
	_ =	swait.ge [sflag:s4], $0x0  }
0x19: {  	s7 =	sld [smem:$0x3F9B]  }
0x1a: {  	s8 =	sadd.s32 $0xFFFFE003, lr  }
0x1b: {  	s9 =	sadd.s32 $0xFFFFFEF7, lr;
	s5 =	simm.s32 $0xFFFFFFFF;
	p2 =	slt.u32 s8, $0xFFFFF086  }
0x1c: {  	p1 =	slt.u32 s9, $0xF7A;
	s5 =	simm.s32 @!p2 $0x0  }
0x1d: {  	s5 =	simm.s32 @p1 $0x1;
	p0 =	seq.s32 s7, s2  }
0x1e: {  	s7 =	smul.u32 @!p0 $0xF7A, s2;
	p2 =	seq.s32 @!p0 s5, $0x0  }
0x1f: {  	s9 =	smul.u32 $0xF7A, s1;
	s8 =	simm.s32 @!p0 $0x1BF5;
	p2 =	por !p2, p0  }
0x20: {  	[sflag:s8] =	ssyncset.s32 @!p0 $0xFFFFF086;
	s6 =	sadd.s32 @!p0 s3, s7;
	s7 =	simm.s32 @!p0 $0x108  }
0x21: {  	s3 =	sadd.s32 s3, s9;
	s6 =	sadd.s32 @!p0 $0x88, s6;
	s7 =	simm.s32 @p2 $0x1082  }
0x22: {  	[simem:s7], [sflag:s8] =	dma.local @!p0 [hbm:s6], $0xF7A  }
0x23: {  	s9 =	sor.u32 $0xD0000000, s2;
	s6 =	simm.s32 $0x108;
	_ =	swait.ge @!p0 [sflag:s8], $0x0  }
0x24: {  	s3 =	sadd.s32 $0x88, s3;
	s6 =	simm.s32 @!p1 $0x1082;
	[sflag:s4] =	ssyncset.s32 $0xFFFFF086  }
0x25: {  	[simem:s6], [sflag:s4] =	dma.local [hbm:s3], $0xF7A  }
0x26: {  	[smem:$0x3F9B] =	sst s1;
	(tag) =	ssettag s2;
	_ =	strace s9  }
0x27: {  	s1 =	sld [smem:$0x3FAB]  }
0x28: {  	s2 =	sld [smem:$0x3FAC]  }
0x29: {  	s4 =	sld [smem:$0x3FAE]  }
0x2a: {  	p0 =	seq.s32 s5, $0x0;
	s5 =	sld [smem:$0x3FAF]  }
0x2b: {  	s6 =	sld [smem:$0x3FB0]  }
0x2c: {  	s7 =	sld [smem:$0x3FB1]  }
0x2d: {  	s3 =	simm.s32 $0x108;
	s8 =	sld [smem:$0x3FB2]  }
0x2e: {  	s3 =	simm.s32 @!p0 $0x1082;
	s9 =	sld [smem:$0x3FB3]  }
0x2f: {  	lr =	sadd.s32 s0, s3;
	s0 =	sld [smem:$0x3FAA]  }
0x30: {  	s3 =	sld [smem:$0x3FAD]  }
0x31: {  	[smem:$0x3FB6] =	sst s10  }
0x32: {  	s10 =	sld [smem:$0x3FB4];
	_ =	sdelay $0x3  }
0x33: {  	p0 =	seq.s32 s10, $0x1;
	s10 =	sld [smem:$0x3FB6];
	_ =	sdelay $0x3  }
0x34: {  	[smem:$0x3FB6] =	sst s10  }
0x35: {  	s10 =	sld [smem:$0x3FB5];
	_ =	sdelay $0x3  }
0x36: {  	p1 =	seq.s32 s10, $0x1;
	s10 =	sld [smem:$0x3FB6];
	_ =	sdelay $0x3  }
0x37: {  	[smem:$0x3FB6] =	sst s10  }
0x38: {  	s10 =	sld [smem:$0x3FB7]  }
0x39: {  	_ = 	snop;
	(pc) =	sbr.ind lr, $3  }
0x3a: {  	_ = 	snop  }
0x3b: {  	_ = 	snop  }
0x3c: {  	p2 =	seq.s32 s10, $0x1;
	s10 =	sld [smem:$0x3FB6]  }
0x3d: {  	_ =	shalt  }
0x3e: {  	_ =	shalt  }
0x3f: {  	_ =	shalt  }
0x40: {  	_ =	shalt  }
0x41: {  	_ =	shalt  }
0x42: {  	_ =	shalt  }
0x43: {  	_ =	shalt  }
0x44: {  	_ =	shalt  }
0x45: {  	_ =	shalt  }
0x46: {  	_ =	shalt  }
0x47: {  	_ =	shalt  }
0x48: {  	_ =	shalt  }
0x49: {  	_ =	shalt  }
0x4a: {  	_ =	shalt  }
0x4b: {  	_ =	shalt  }
0x4c: {  	_ =	shalt  }
0x4d: {  	_ =	shalt  }
0x4e: {  	_ =	shalt  }
0x4f: {  	_ =	shalt  }
0x50: {  	_ =	shalt  }
0x51: {  	_ =	shalt  }
0x52: {  	_ =	shalt  }
0x53: {  	_ =	shalt  }
0x54: {  	_ =	shalt  }
0x55: {  	_ =	shalt  }
0x56: {  	_ =	shalt  }
0x57: {  	_ =	shalt  }
0x58: {  	_ =	shalt  }
0x59: {  	_ =	shalt  }
0x5a: {  	_ =	shalt  }
0x5b: {  	_ =	shalt  }
0x5c: {  	_ =	shalt  }
0x5d: {  	_ =	shalt  }
0x5e: {  	_ =	shalt  }
0x5f: {  	_ =	shalt  }
0x60: {  	_ =	shalt  }
0x61: {  	_ =	shalt  }
0x62: {  	_ =	shalt  }
0x63: {  	_ =	shalt  }
0x64: {  	_ =	shalt  }
0x65: {  	_ =	shalt  }
0x66: {  	_ =	shalt  }
0x67: {  	_ =	shalt  }
0x68: {  	_ =	shalt  }
0x69: {  	_ =	shalt  }
0x6a: {  	_ =	shalt  }
0x6b: {  	_ =	shalt  }
0x6c: {  	_ =	shalt  }
0x6d: {  	_ =	shalt  }
0x6e: {  	_ =	shalt  }
0x6f: {  	_ =	shalt  }
0x70: {  	_ =	shalt  }
0x71: {  	_ =	shalt  }
0x72: {  	_ =	shalt  }
0x73: {  	_ =	shalt  }
0x74: {  	_ =	shalt  }
0x75: {  	_ =	shalt  }
0x76: {  	_ =	shalt  }
0x77: {  	_ =	shalt  }
0x78: {  	_ =	shalt  }
0x79: {  	_ =	shalt  }
0x7a: {  	_ =	shalt  }
0x7b: {  	_ =	shalt  }
0x7c: {  	_ =	shalt  }
0x7d: {  	_ =	shalt  }
0x7e: {  	_ =	shalt  }
0x7f: {  	_ =	shalt  }
0x80: {  	_ =	shalt  }
0x81: {  	_ =	shalt  }
0x82: {  	_ =	shalt  }
0x83: {  	_ =	shalt  }
0x84: {  	_ =	shalt  }
0x85: {  	_ =	shalt  }
0x86: {  	_ =	shalt  }
0x87: {  	_ =	shalt  }
.Lfunc_end0:
.L_simem_size_0:
called_computation.1_lowered:
.L_overlay_start_0:
0x88: {  	s2 =	sld [smem:$0x3FD9]  }
0x89: {  	s3 =	sld [smem:$0x3FFE];
	_ =	sdelay $0x1  }
0x8a: {  	s1 =	srdreg.scid  }
0x8b: {  	s0 =	sand.u32 $0x1, s1  }
0x8c: {  	s14 =	sshll.u32 s0, $0xA;
	s2 =	sadd.s32 s3, s2  }
0x8d: {  	s2 =	sadd.s32 s2, s14  }
0x8e: {  	[smem:$0x3FC2] =	sst s2  }
0x8f: {  	_ = 	snop  }
0x90: {  	s2 =	sld [smem:$0x3FD0];
	_ =	sdelay $0x2  }
0x91: {  	s15 =	simm.s32 $0xA;
	s4 =	simm.s32 $0x10  }
0x92: {  	[smem:s4], [sflag:s15] =	dma.local [hbm:s2], $0x1  }
0x93: {  	_ =	swait.eq [sflag:s15], $0x1  }
0x94: {  	[sflag:s15] =	ssyncset.done $0x0  }
0x95: {  	s16 =	sld [smem:$0x10];
	[sflag:s15] =	ssyncadd.s32 $0xFFFFFFFF  }
0x96: {  	s17 =	sld [smem:$0x11];
	(tm) =	ssettm $0x1  }
0x97: {  	s18 =	sld [smem:$0x3FFB];
	_ =	sdelay $0x3  }
0x98: {  	_ =	strace s18  }
0x99: {  	s4 =	sld [smem:$0x3FFC];
	_ =	sdelay $0x3  }
0x9a: {  	_ =	strace s4  }
0x9b: {  	s4 =	sld [smem:$0x3FFD];
	_ =	sdelay $0x3  }
0x9c: {  	_ =	strace s4  }
0x9d: {  	_ =	strace $0x8FFFFFFF  }
0x9e: {  	s19 =	sld [smem:$0x3FDB];
	_ =	sdelay $0x1  }
0x9f: {  	s5 =	simm.s32 $_scs_section_size  }
0xa0: {  	s6 =	simm.s32 $_size__tile_overlayer_lowered;
	s7 =	simm.s32 $_tile_overlayer_lowered  }
0xa1: {  	s22 =	simm.s32 $0x1BFF;
	s21 =	sshll.u32 s7, $0x1;
	s4 =	sadd.s32 s5, s19  }
0xa2: {  	s8 =	simm.s32 $0x0;
	s20 =	sshll.u32 s6, $0x1;
	s6 =	sadd.s32 s21, s4  }
0xa3: {  	[timem:s8], [sflag:s22] =	dma.local [hbm:s6], s20  }
0xa4: {  	_ =	swait.ge [sflag:s22], s20  }
0xa5: {  	s5 =	ssub.s32 $0x0, s20;
	[sflag:s22] =	ssyncset.done $0x0  }
0xa6: {  	[sflag:s22] =	ssyncadd.s32 s5;
	_ =	sdelay $0x1  }
0xa7: {  	s23 =	simm.s32 $0x1B8B  }
0xa8: {  	_ =	swait.ge [sflag:s23], $0x1  }
0xa9: {  	[sflag:s23] =	ssyncset.done $0x0  }
0xaa: {  	s25 =	simm.s32 $0x1B8E;
	s24 =	sld [smem:$0x3FFE];
	[sflag:s23] =	ssyncadd.s32 $0xFFFFFFFF  }
0xab: {  	s26 =	simm.s32 $execute0_lowered;
	[smem:$0x3FD2] =	sst s25  }
0xac: {  	s6 =	sshll.u32 s26, $0x1;
	_ =	strace $0x80000049;
	[dreg:$0x1] =	wrdreg $0xFFFFFFFF  }
0xad: {  	s28 =	simm.s32 $_size_execute0_lowered;
	s4 =	sadd.s32 s4, s6;
	[dreg:$0x0] =	wrdreg $0x0  }
0xae: {  	s6 =	sshll.u32 s28, $0x1;
	[dreg:$0x2] =	wrdreg s4  }
0xaf: {  	[dreg:$0x3] =	wrdreg s6  }
0xb0: {  	[dreg:$0x4] =	wrdreg $0xC0  }
0xb1: {  	_ =	task [dreg:s8], $0x5FFFF  }
0xb2: {  	[dreg:$0x1] =	wrdreg $0xFFFFFFFF  }
0xb3: {  	[dreg:$0x0] =	wrdreg $0x60  }
0xb4: {  	[dreg:$0x2] =	wrdreg s17  }
0xb5: {  	[dreg:$0x3] =	wrdreg s24  }
0xb6: {  	[dreg:$0x4] =	wrdreg s16  }
0xb7: {  	[dreg:$0x5] =	wrdreg $0xA0000  }
0xb8: {  	[dreg:$0x6] =	wrdreg $0x0  }
0xb9: {  	[dreg:$0x7] =	wrdreg $0x9  }
0xba: {  	_ =	task.clear_ibuf [dreg:s8], $0x8FFFF;
	_ =	strace $0x90000049  }
0xbb: {  	s29 =	simm.s32 $0x9;
	_ =	strace $0x8000004B  }
0xbc: {  	_ =	swait.ge [sflag:s29], $0x1  }
0xbd: {  	[sflag:s29] =	ssyncadd.s32 $0xFFFFFFFF  }
0xbe: {  	_ =	strace $0x9000004B  }
0xbf: {  	_ =	sfence  }
0xc0: {  	s30 =	sld [smem:$0x0];
	_ =	sdelay $0x2  }
0xc1: {  	s31 =	sshll.u32 s1, $0xD;
	s1 =	sshrl.u32 s1, $0x2  }
0xc2: {  	s3 =	sand.u32 $0x4000, s31;
	s1 =	sadd.s32 s1, s30  }
0xc3: {  	s0 =	sor.u32 s3, s0;
	s1 =	sshll.u32 s1, $0x11  }
0xc4: {  	s0 =	sor.u32 s1, s0  }
0xc5: {  	s0 =	sadd.s32 $0x8F2B, s0  }
0xc6: {  	[sflag:s0] =	ssyncadd.remote.s32 $0x1  }
0xc7: {  	_ =	sfence.sel $0xFFFF  }
0xc8: {  	[dreg:$0x0] =	wrdreg $0xFFFFFFFF;
	(pc) =	sbr.abs _section_cstart, $3  }
0xc9: {  	[dreg:$0x1] =	wrdreg $0xFFFFFFFF  }
0xca: {  	_ =	task.clear_ibuf [dreg:s8], $0x2FFFF;
	_ =	strace $0x9FFFFFFF  }
0xcb: {  	(tm) =	ssettm $0x7FFFFFFF  }
tec
execute0_lowered:
.L_overlay_start_1:
0x0: {  	(tag) =	ssettag $0x1  }
0x1: {  	s0 =	rddreg [dreg:$0x0]  }
0x2: {  	s1 =	rddreg [dreg:$0x1]  }
0x3: {  	s4 =	rddreg [dreg:$0x2]  }
0x4: {  	s2 =	rddreg [dreg:$0x3]  }
0x5: {  	s5 =	srdreg.scid;
	s10 =	stileid.u32  }
0x6: {  	s3 =	rddreg [dreg:$0x4];
	s7 =	simm.s32 $0x0;
	s29 =	simm.s32 $0x1A800  }
0x7: {  	s30 =	simm.s32 $0x2;
	s28 =	simm.s32 $0x6;
	s31 =	simm.s32 $0x7  }
0x8: {  	s5 =	sand.u32 $0x1, s5;
	s6 =	sshll.u32 s10, $0x1;
	[smem:$0x7FF] =	sst s7  }
0x9: {  	s9 =	sadd.s32 $0xB600, s1;
	p0 =	seq.s32 s10, $0xF;
	s14 =	smul.u32 $0xA000, s10  }
0xa: {  	s18 =	sshll.u32 s10, $0x6;
	s7 =	simm.s32 $0x9;
	s6 =	sor.u32 s5, s6  }
0xb: {  	_ =	strace $0x8000004A;
	s8 =	ssub.s32 $0x2, s5;
	[dreg:$0x7] =	wrdreg s9  }
0xc: {  	s10 =	sor.u32 $0x1C0A, s18;
	s5 =	smul.u32 $0xA0000, s5;
	s18 =	simm.s32 $0x14000  }
0xd: {  	s24 =	smul.u32 $0x27, s6;
	s6 =	smax.u32 s6, $0x1E;
	s25 =	sshrl.u32 s8, $0x1  }
0xe: {  	s16 =	sadd.s32 s14, s2;
	s17 =	sshrl.u32 s14, $0x3;
	s19 =	sadd.s32 s14, s3  }
0xf: {  	s26 =	ssub.s32 s8, s25;
	s0 =	sadd.s32 s0, s17;
	[dreg:$0xb] =	wrdreg s19  }
0x10: {  	s5 =	sadd.s32 s14, s5;
	s19 =	simm.s32 $0x15400;
	s6 =	sadd.s32 s24, s6  }
0x11: {  	s8 =	simm.s32 $0x0;
	[dreg:$0xa] =	wrdreg s0;
	s13 =	sshll.u32 s6, $0x4  }
0x12: {  	s23 =	sshrl.u32 s5, $0x3;
	s17 =	smax.u32 s26, $0x1;
	s1 =	sadd.s32 s1, s13  }
0x13: {  	s5 =	simm.s32 $0x8;
	s6 =	simm.s32 $0x28;
	s15 =	sadd.s32 $0x1620, s1  }
0x14: {  	s6 =	simm.s32 @!p0 $0x27;
	s1 =	sadd.s32 $0x6440, s1;
	[dreg:$0x8] =	wrdreg s15  }
0x15: {  	s11 =	sand.u32 $0x2C, s6;
	s22 =	sshll.u32 s6, $0x9;
	[dreg:$0x9] =	wrdreg s1  }
0x16: {  	s9 =	sor.u32 $0x2, s11;
	s12 =	sshll.u32 s11, $0x7;
	s24 =	sor.u32 $0x1, s11  }
0x17: {  	s25 =	sand.u32 $0x5800, s22;
	s22 =	simm.s32 $0x1;
	p0 =	seq.s32 s11, s6  }
0x18: {  	s1 =	simm.s32 $0x1C800;
	s20 =	sshll.u32 s9, $0x7;
	s12 =	sadd.s32 $0x15400, s12  }
0x19: {  	s21 =	sshll.u32 s24, $0x7;
	s26 =	sadd.s32 $0xFFFFF800, s25;
	p1 =	sge.u32 s24, s6  }
0x1a: {  	s24 =	simm.s32 $0x16800;
	p3 =	sge.u32 @!p0 s9, s6;
	p2 =	sge.u32 s9, s6  }
0x1b: {  	s25 =	simm.s32 $0x4;
	s13 =	sor.u32 $0x14000, s20;
	[dreg:$0xd] =	wrdreg s12  }
0x1c: {  	s12 =	sadd.s32 $0x15400, s21;
	s0 =	sadd.s32 $0x15400, s20;
	[dreg:$0x6] =	wrdreg s26  }
0x1d: {  	s20 =	sshrl.u32 s16, $0x3;
	s21 =	simm.s32 $0xA;
	[dreg:$0xc] =	wrdreg s13  }
0x1e: {  	p3 =	por p3, p0;
	s26 =	simm.s32 $0x18800;
	[dreg:$0xe] =	wrdreg s12  }
0x1f: {  	[dreg:$0xf] =	wrdreg s0;
	s0 =	sadd.s32 s4, s23;
	s23 =	simm.s32 $0x80  }
0x20: {  	s4 =	simm.s32 $0x5;
	[dreg:$0x10] =	wrdreg s0;
	s0 =	simm.s32 $0x3  }
.LBB2_1:
0x21: {  	s11 =	rddreg [dreg:$0x8]  }
0x22: {  	s9 =	simm.s32 $0x0;
	s16 =	rddreg [dreg:$0x9]  }
0x23: {  	[tilespmem:s18], [sflag:$0x1] =	stream.linear.gather [hbm4b:s11+s9], $0x1400, $0x38;
	[tilespmem:$0x1E800] =	vst v63  }
0x24: {  	s11 =	rddreg [dreg:$0xa]  }
0x25: {  	[tilespmem:s19], [sflag:$0x1] =	stream.linear.gather [hbm4b:s16+s9], $0x1400, $0x38;
	[tilespmem:$0x1E800] =	vst v63  }
0x26: {  	[spmem:s20], [sflag:s10] =	dma.local [hbm:s11], $0x1400  }
0x27: {  	_ =	swait.ge [sflag:s21], $0x1400  }
0x28: {  	[sflag:s21] =	ssyncset.done $0x0;
	s12 =	rddreg [dreg:$0xb]  }
0x29: {  	s13 =	rddreg [dreg:$0x7];
	[sflag:s21] =	ssyncadd.s32 $0xFFFFEC00;
	s9 =	sshrl.u32 s12, $0x3  }
0x2a: {  	[spmem:s9], [sflag:s10] =	dma.local [hbm:s13], $0x1400  }
0x2b: {  	_ =	swait.ge [sflag:s21], $0x1400  }
0x2c: {  	[sflag:s21] =	ssyncset.done $0x0  }
0x2d: {  	[sflag:s21] =	ssyncadd.s32 $0xFFFFEC00  }
0x2e: {  	[bflag:$0x0] =	sbarrier.arrive $0xFFFF  }
0x2f: {  	_ =	swait.ge [sflag:s22], $0x1400  }
0x30: {  	[sflag:s22] =	ssyncset.done $0x0  }
0x31: {  	[sflag:s22] =	ssyncadd.s32 $0xFFFFEC00  }
0x32: {  	_ =	swait.ge [sflag:s22], $0x1400  }
0x33: {  	[sflag:s22] =	ssyncset.done $0x0  }
0x34: {  	[sflag:s22] =	ssyncadd.s32 $0xFFFFEC00  }
0x35: {  	[tilespmem:s24], [sflag:$0x2] =	stream.indirect.gather [spmem:s2], $0x40, s18, s23, $0xb8;
	[tilespmem:$0x1E800] =	vst v63  }
0x36: {  	s14 =	simm.s32 $0x14080  }
0x37: {  	[tilespmem:s26], [sflag:$0x3] =	stream.indirect.gather [spmem:s2], $0x40, s14, s23, $0xb8;
	[tilespmem:$0x1E800] =	vst v63  }
0x38: {  	s15 =	simm.s32 $0x14100  }
0x39: {  	[tilespmem:s29], [sflag:$0x4] =	stream.indirect.gather [spmem:s2], $0x40, s15, s23, $0xb8;
	[tilespmem:$0x1E800] =	vst v63  }
0x3a: {  	_ =	swait.ge [sflag:s30], $0x2000  }
0x3b: {  	[sflag:s30] =	ssyncset.done $0x0  }
0x3c: {  	[sflag:s30] =	ssyncadd.s32 $0xFFFFE000  }
0x3d: {  	[spmem:s3] =	stream.indirect.scatter.add.f32 [tilespmem:s24], [sflag:$0x6], $0x40, s19, s23, $0xb8;
	[tilespmem:$0x1E800] =	vst v63  }
0x3e: {  	s16 =	simm.s32 $0x14180  }
0x3f: {  	[tilespmem:s1], [sflag:$0x5] =	stream.indirect.gather [spmem:s2], $0x40, s16, s23, $0xb8;
	[tilespmem:$0x1E800] =	vst v63  }
0x40: {  	_ =	swait.ge [sflag:s0], $0x2000  }
0x41: {  	[sflag:s0] =	ssyncset.done $0x0  }
0x42: {  	s12 =	simm.s32 $0x15480;
	[sflag:s0] =	ssyncadd.s32 $0xFFFFE000  }
0x43: {  	[spmem:s3] =	stream.indirect.scatter.add.f32 [tilespmem:s26], [sflag:$0x7], $0x40, s12, s23, $0xb8;
	[tilespmem:$0x1E800] =	vst v63  }
0x44: {  	_ =	swait.ge [sflag:s28], $0x2000  }
0x45: {  	[sflag:s28] =	ssyncset.done $0x0  }
0x46: {  	s13 =	simm.s32 $0x14200;
	[sflag:s28] =	ssyncadd.s32 $0xFFFFE000  }
0x47: {  	[tilespmem:s24], [sflag:$0x2] =	stream.indirect.gather [spmem:s2], $0x40, s13, s23, $0xb8;
	[tilespmem:$0x1E800] =	vst v63  }
0x48: {  	_ =	swait.ge [sflag:s25], $0x2000  }
0x49: {  	[sflag:s25] =	ssyncset.done $0x0  }
0x4a: {  	s14 =	simm.s32 $0x15500;
	[sflag:s25] =	ssyncadd.s32 $0xFFFFE000  }
0x4b: {  	[spmem:s3] =	stream.indirect.scatter.add.f32 [tilespmem:s29], [sflag:$0x8], $0x40, s14, s23, $0xb8;
	[tilespmem:$0x1E800] =	vst v63  }
0x4c: {  	_ =	swait.ge [sflag:s31], $0x2000  }
0x4d: {  	[sflag:s31] =	ssyncset.done $0x0  }
0x4e: {  	s15 =	simm.s32 $0x14280;
	[sflag:s31] =	ssyncadd.s32 $0xFFFFE000  }
0x4f: {  	[tilespmem:s26], [sflag:$0x3] =	stream.indirect.gather [spmem:s2], $0x40, s15, s23, $0xb8;
	[tilespmem:$0x1E800] =	vst v63  }
0x50: {  	_ =	swait.ge [sflag:s4], $0x2000  }
0x51: {  	s11 =	simm.s32 $0x9;
	[sflag:s4] =	ssyncset.done $0x0  }
0x52: {  	s16 =	simm.s32 $0x15580;
	s12 =	simm.s32 $0x0;
	[sflag:s4] =	ssyncadd.s32 $0xFFFFE000  }
0x53: {  	[spmem:s3] =	stream.indirect.scatter.add.f32 [tilespmem:s1], [sflag:$0x9], $0x40, s16, s23, $0xb8;
	[tilespmem:$0x1E800] =	vst v63  }
.LBB2_2:
0x54: {  	s13 =	sadd.s32 $0xFFFFFFFD, s11  }
0x55: {  	p4 =	sge.u32 s13, s6  }
0x56: {  	s13 =	simm.s32 @!p4 $0x8  }
0x57: {  	_ =	swait.ge @!p4 [sflag:s13], $0x2000  }
0x58: {  	[sflag:s13] =	ssyncset.done @!p4 $0x0  }
0x59: {  	[sflag:s13] =	ssyncadd.s32 @!p4 $0xFFFFE000;
	s13 =	sshra.s32 @!p4 s12, $0x2  }
0x5a: {  	s14 =	simm.s32 @!p4 $0x80;
	s15 =	simm.s32 @!p4 $0x1A800;
	s13 =	sadd.s32 @!p4 $0x14300, s13  }
0x5b: {  	[tilespmem:s15], [sflag:$0x4] =	stream.indirect.gather @!p4 [spmem:s2], $0x40, s13, s14, $0xb8;
	[tilespmem:$0x1E800] =	vst v63  }
0x5c: {  	s16 =	sadd.s32 $0xFFFFFFFE, s11;
	_ =	swait.ge [sflag:s30], $0x2000  }
0x5d: {  	s13 =	sshra.s32 s12, $0x2;
	p4 =	sge.u32 s16, s6;
	[sflag:s30] =	ssyncset.done $0x0  }
0x5e: {  	s15 =	sadd.s32 $0x15600, s13;
	s14 =	simm.s32 @!p4 $0x9;
	[sflag:s30] =	ssyncadd.s32 $0xFFFFE000  }
0x5f: {  	[spmem:s3] =	stream.indirect.scatter.add.f32 [tilespmem:s24], [sflag:$0x6], $0x40, s15, s23, $0xb8;
	[tilespmem:$0x1E800] =	vst v63  }
0x60: {  	_ =	swait.ge @!p4 [sflag:s14], $0x2000  }
0x61: {  	[sflag:s14] =	ssyncset.done @!p4 $0x0  }
0x62: {  	[sflag:s14] =	ssyncadd.s32 @!p4 $0xFFFFE000;
	s14 =	sshra.s32 @!p4 s12, $0x2  }
0x63: {  	s16 =	simm.s32 @!p4 $0x1C800;
	s15 =	simm.s32 @!p4 $0x80;
	s14 =	sadd.s32 @!p4 $0x14380, s14  }
0x64: {  	[tilespmem:s16], [sflag:$0x5] =	stream.indirect.gather @!p4 [spmem:s2], $0x40, s14, s15, $0xb8;
	[tilespmem:$0x1E800] =	vst v63  }
0x65: {  	s16 =	sadd.s32 $0xFFFFFFFF, s11;
	_ =	swait.ge [sflag:s0], $0x2000  }
0x66: {  	p4 =	sge.u32 s16, s6;
	[sflag:s0] =	ssyncset.done $0x0  }
0x67: {  	s15 =	sadd.s32 $0x15680, s13;
	s14 =	simm.s32 @!p4 $0x6;
	[sflag:s0] =	ssyncadd.s32 $0xFFFFE000  }
0x68: {  	[spmem:s3] =	stream.indirect.scatter.add.f32 [tilespmem:s26], [sflag:$0x7], $0x40, s15, s23, $0xb8;
	[tilespmem:$0x1E800] =	vst v63  }
0x69: {  	_ =	swait.ge @!p4 [sflag:s14], $0x2000  }
0x6a: {  	[sflag:s14] =	ssyncset.done @!p4 $0x0  }
0x6b: {  	[sflag:s14] =	ssyncadd.s32 @!p4 $0xFFFFE000;
	s14 =	sshra.s32 @!p4 s12, $0x2  }
0x6c: {  	s16 =	simm.s32 @!p4 $0x16800;
	s15 =	simm.s32 @!p4 $0x80;
	s14 =	sadd.s32 @!p4 $0x14400, s14  }
0x6d: {  	[tilespmem:s16], [sflag:$0x2] =	stream.indirect.gather @!p4 [spmem:s2], $0x40, s14, s15, $0xb8;
	[tilespmem:$0x1E800] =	vst v63  }
0x6e: {  	_ =	swait.ge [sflag:s25], $0x2000  }
0x6f: {  	p4 =	sge.u32 s11, s6;
	[sflag:s25] =	ssyncset.done $0x0  }
0x70: {  	s15 =	sadd.s32 $0x15700, s13;
	s14 =	simm.s32 @!p4 $0x7;
	[sflag:s25] =	ssyncadd.s32 $0xFFFFE000  }
0x71: {  	[spmem:s3] =	stream.indirect.scatter.add.f32 [tilespmem:s29], [sflag:$0x8], $0x40, s15, s23, $0xb8;
	[tilespmem:$0x1E800] =	vst v63  }
0x72: {  	_ =	swait.ge @!p4 [sflag:s14], $0x2000  }
0x73: {  	[sflag:s14] =	ssyncset.done @!p4 $0x0  }
0x74: {  	[sflag:s14] =	ssyncadd.s32 @!p4 $0xFFFFE000;
	s14 =	sshra.s32 @!p4 s12, $0x2  }
0x75: {  	s16 =	simm.s32 @!p4 $0x18800;
	s15 =	simm.s32 @!p4 $0x80;
	s14 =	sadd.s32 @!p4 $0x14480, s14  }
0x76: {  	[tilespmem:s16], [sflag:$0x3] =	stream.indirect.gather @!p4 [spmem:s2], $0x40, s14, s15, $0xb8;
	[tilespmem:$0x1E800] =	vst v63  }
0x77: {  	_ =	swait.ge [sflag:s4], $0x2000  }
0x78: {  	s12 =	sadd.s32 $0x800, s12;
	s16 =	rddreg [dreg:$0x6]  }
0x79: {  	p4 =	sne.s32 s16, s12  }
.Ltmp0:
0x7a: {  	_ = 	snop;
	(pc) =	sbr.rel @p4 .LBB2_2-.Ltmp0, $4  }
0x7b: {  	_ = 	snop  }
0x7c: {  	[sflag:s4] =	ssyncset.done $0x0  }
0x7d: {  	s13 =	sadd.s32 $0x15780, s13;
	s11 =	sadd.s32 $0x4, s11;
	[sflag:s4] =	ssyncadd.s32 $0xFFFFE000  }
0x7e: {  	[spmem:s3] =	stream.indirect.scatter.add.f32 [tilespmem:s1], [sflag:$0x9], $0x40, s13, s23, $0xb8;
	[tilespmem:$0x1E800] =	vst v63  }
0x7f: {  	s11 =	simm.s32 @!p3 $0x8  }
0x80: {  	_ =	swait.ge @!p3 [sflag:s11], $0x2000  }
0x81: {  	s12 =	simm.s32 @!p3 $0x1A800;
	[sflag:s11] =	ssyncset.done @!p3 $0x0  }
0x82: {  	s13 =	rddreg [dreg:$0xc];
	[sflag:s11] =	ssyncadd.s32 @!p3 $0xFFFFE000;
	s11 =	simm.s32 @!p3 $0x80  }
0x83: {  	[tilespmem:s12], [sflag:$0x4] =	stream.indirect.gather @!p3 [spmem:s2], $0x40, s13, s11, $0xb8;
	[tilespmem:$0x1E800] =	vst v63  }
0x84: {  	s11 =	simm.s32 @!p0 $0x2  }
0x85: {  	_ =	swait.ge @!p0 [sflag:s11], $0x2000  }
0x86: {  	s12 =	simm.s32 @!p0 $0x16800;
	[sflag:s11] =	ssyncset.done @!p0 $0x0  }
0x87: {  	s13 =	rddreg [dreg:$0xd];
	[sflag:s11] =	ssyncadd.s32 @!p0 $0xFFFFE000;
	s11 =	simm.s32 @!p0 $0x80  }
0x88: {  	[spmem:s3] =	stream.indirect.scatter.add.f32 @!p0 [tilespmem:s12], [sflag:$0x6], $0x40, s13, s11, $0xb8;
	[tilespmem:$0x1E800] =	vst v63  }
0x89: {  	s11 =	simm.s32 @!p1 $0x3  }
0x8a: {  	_ =	swait.ge @!p1 [sflag:s11], $0x2000  }
0x8b: {  	s12 =	simm.s32 @!p1 $0x18800;
	[sflag:s11] =	ssyncset.done @!p1 $0x0  }
0x8c: {  	s13 =	rddreg [dreg:$0xe];
	[sflag:s11] =	ssyncadd.s32 @!p1 $0xFFFFE000;
	s11 =	simm.s32 @!p1 $0x80  }
0x8d: {  	[spmem:s3] =	stream.indirect.scatter.add.f32 @!p1 [tilespmem:s12], [sflag:$0x7], $0x40, s13, s11, $0xb8;
	[tilespmem:$0x1E800] =	vst v63  }
0x8e: {  	s11 =	simm.s32 @!p2 $0x4  }
0x8f: {  	_ =	swait.ge @!p2 [sflag:s11], $0x2000  }
0x90: {  	s12 =	simm.s32 @!p2 $0x1A800;
	[sflag:s11] =	ssyncset.done @!p2 $0x0  }
0x91: {  	s13 =	rddreg [dreg:$0xf];
	[sflag:s11] =	ssyncadd.s32 @!p2 $0xFFFFE000;
	s11 =	simm.s32 @!p2 $0x80  }
0x92: {  	[spmem:s3] =	stream.indirect.scatter.add.f32 @!p2 [tilespmem:s12], [sflag:$0x8], $0x40, s13, s11, $0xb8;
	[tilespmem:$0x1E800] =	vst v63  }
0x93: {  	_ =	swait.ge [sflag:s28], $0x2000  }
0x94: {  	[sflag:s28] =	ssyncset.done $0x0  }
0x95: {  	[sflag:s28] =	ssyncadd.s32 $0xFFFFE000  }
0x96: {  	_ =	swait.ge [sflag:s31], $0x2000  }
0x97: {  	[sflag:s31] =	ssyncset.done $0x0  }
0x98: {  	[sflag:s31] =	ssyncadd.s32 $0xFFFFE000  }
0x99: {  	_ =	swait.ge [sflag:s5], $0x2000  }
0x9a: {  	[sflag:s5] =	ssyncset.done $0x0  }
0x9b: {  	[sflag:s5] =	ssyncadd.s32 $0xFFFFE000  }
0x9c: {  	_ =	swait.ge [sflag:s7], $0x2000  }
0x9d: {  	[sflag:s7] =	ssyncset.done $0x0  }
0x9e: {  	s8 =	sadd.s32 $0x1, s8;
	[sflag:s7] =	ssyncadd.s32 $0xFFFFE000  }
0x9f: {  	p4 =	sne.s32 s8, s17;
	[bflag:$0x0] =	sbarrier.arrive $0xFFFF  }
.Ltmp1:
0xa0: {  	s16 =	rddreg [dreg:$0x10];
	(pc) =	sbr.rel @p4 .LBB2_1-.Ltmp1, $4  }
0xa1: {  	[hbm:s16], [sflag:s10] =	dma.local [spmem:s9], $0x1400  }
0xa2: {  	_ =	swait.ge [sflag:s21], $0x1400  }
0xa3: {  	[sflag:s21] =	ssyncset.done $0x0  }
0xa4: {  	[sflag:s21] =	ssyncadd.s32 $0xFFFFEC00  }
0xa5: {  	_ =	sfence.sel $0x180000  }
0xa6: {  	[bflag:$0x0] =	sbarrier.arrive $0xFFFF  }
0xa7: {  	_ =	strace $0x9000004A  }
0xa8: {  	s0 =	stileid.u32;
	[bflag:$0x2] =	sbarrier.arrive $0xFFFF  }
0xa9: {  	p0 =	sne.s32 s0, $0x0;
	s0 =	rddreg [dreg:$0x5]  }
0xaa: {  	s0 =	sadd.s32 @!p0 $0x100000, s0  }
0xab: {  	[sflag:s0] =	ssyncadd.tile.s32 @!p0 $0x1;
	_ =	shalt  }
.Lfunc_end2:
_tile_overlayer_lowered:
.L_overlay_start_2:
0xac: {  	(tag) =	ssettag $0x2  }
0xad: {  	s0 =	rddreg [dreg:$0x0];
	s2 =	stileid.u32  }
0xae: {  	s1 =	rddreg [dreg:$0x1];
	p0 =	sne.s32 s2, $0x0  }
0xaf: {  	s3 =	rddreg [dreg:$0x2];
	[bflag:$0x3] =	sbarrier.arrive $0xFFFF;
	s2 =	simm.s32 @!p0 $0x1C0A  }
0xb0: {  	[timem:s3], [sflag:s2] =	dma.local @!p0 [hbm:s0], s1  }
0xb1: {  	s0 =	simm.s32 @!p0 $0xA  }
0xb2: {  	_ =	swait.ge @!p0 [sflag:s0], s1  }
0xb3: {  	s1 =	ssub.s32 @!p0 $0x0, s1;
	[sflag:s0] =	ssyncset.done @!p0 $0x0  }
0xb4: {  	[sflag:s0] =	ssyncadd.s32 @!p0 s1  }
0xb5: {  	[bflag:$0x3] =	sbarrier.arrive $0xFFFF  }
0xb6: {  	_ =	shalt  }

// kernel: kernel.16.cloned.1.call-start
scs
__scs_entry_jumppad:
0x0: {  	(pc) =	sbr.rel $0x88, $3  }
0x1: {  	(tag) =	ssettag $0x0;
	lr =	simm.s32 $0x1  }
0x2: {  	[smem:$0x3F9B] =	sst lr;
	_ =	strace $0xD0000000  }
0x3: {  	_ = 	snop  }
0x4: {  	_ = 	snop  }
0x5: {  	_ = 	snop  }
0x6: {  	_ = 	snop  }
0x7: {  	_ = 	snop  }
__scs_overlays_trampoline_lowered:
0x8: {  	[smem:$0x3FAA] =	sst s0  }
0x9: {  	[smem:$0x3FAB] =	sst s1  }
0xa: {  	[smem:$0x3FAC] =	sst s2  }
0xb: {  	[smem:$0x3FAD] =	sst s3  }
0xc: {  	[smem:$0x3FAE] =	sst s4  }
0xd: {  	[smem:$0x3FAF] =	sst s5  }
0xe: {  	[smem:$0x3FB0] =	sst s6  }
0xf: {  	[smem:$0x3FB1] =	sst s7  }
0x10: {  	[smem:$0x3FB2] =	sst s8  }
0x11: {  	[smem:$0x3FB3] =	sst s9;
	s0 =	simm.s32 @!p0 $0x0  }
0x12: {  	s1 =	sld [smem:$0x3F99];
	s0 =	simm.s32 @p0 $0x1  }
0x13: {  	[smem:$0x3FB4] =	sst s0;
	s0 =	simm.s32 @!p1 $0x0  }
0x14: {  	s2 =	sld [smem:$0x3F98];
	s0 =	simm.s32 @p1 $0x1  }
0x15: {  	[smem:$0x3FB5] =	sst s0;
	s0 =	simm.s32 @!p2 $0x0  }
0x16: {  	s3 =	sld [smem:$0x3FDB];
	s0 =	simm.s32 @p2 $0x1  }
0x17: {  	s4 =	simm.s32 $0x1BF5;
	[smem:$0x3FB7] =	sst s0  }
0x18: {  	s0 =	sld [smem:$0x3F9A];
	_ =	swait.ge [sflag:s4], $0x0  }
0x19: {  	s7 =	sld [smem:$0x3F9B]  }
0x1a: {  	s8 =	sadd.s32 $0xFFFFE003, lr  }
0x1b: {  	s9 =	sadd.s32 $0xFFFFFEF7, lr;
	s5 =	simm.s32 $0xFFFFFFFF;
	p2 =	slt.u32 s8, $0xFFFFF086  }
0x1c: {  	p1 =	slt.u32 s9, $0xF7A;
	s5 =	simm.s32 @!p2 $0x0  }
0x1d: {  	s5 =	simm.s32 @p1 $0x1;
	p0 =	seq.s32 s7, s2  }
0x1e: {  	s7 =	smul.u32 @!p0 $0xF7A, s2;
	p2 =	seq.s32 @!p0 s5, $0x0  }
0x1f: {  	s9 =	smul.u32 $0xF7A, s1;
	s8 =	simm.s32 @!p0 $0x1BF5;
	p2 =	por !p2, p0  }
0x20: {  	[sflag:s8] =	ssyncset.s32 @!p0 $0xFFFFF086;
	s6 =	sadd.s32 @!p0 s3, s7;
	s7 =	simm.s32 @!p0 $0x108  }
0x21: {  	s3 =	sadd.s32 s3, s9;
	s6 =	sadd.s32 @!p0 $0x88, s6;
	s7 =	simm.s32 @p2 $0x1082  }
0x22: {  	[simem:s7], [sflag:s8] =	dma.local @!p0 [hbm:s6], $0xF7A  }
0x23: {  	s9 =	sor.u32 $0xD0000000, s2;
	s6 =	simm.s32 $0x108;
	_ =	swait.ge @!p0 [sflag:s8], $0x0  }
0x24: {  	s3 =	sadd.s32 $0x88, s3;
	s6 =	simm.s32 @!p1 $0x1082;
	[sflag:s4] =	ssyncset.s32 $0xFFFFF086  }
0x25: {  	[simem:s6], [sflag:s4] =	dma.local [hbm:s3], $0xF7A  }
0x26: {  	[smem:$0x3F9B] =	sst s1;
	(tag) =	ssettag s2;
	_ =	strace s9  }
0x27: {  	s1 =	sld [smem:$0x3FAB]  }
0x28: {  	s2 =	sld [smem:$0x3FAC]  }
0x29: {  	s4 =	sld [smem:$0x3FAE]  }
0x2a: {  	p0 =	seq.s32 s5, $0x0;
	s5 =	sld [smem:$0x3FAF]  }
0x2b: {  	s6 =	sld [smem:$0x3FB0]  }
0x2c: {  	s7 =	sld [smem:$0x3FB1]  }
0x2d: {  	s3 =	simm.s32 $0x108;
	s8 =	sld [smem:$0x3FB2]  }
0x2e: {  	s3 =	simm.s32 @!p0 $0x1082;
	s9 =	sld [smem:$0x3FB3]  }
0x2f: {  	lr =	sadd.s32 s0, s3;
	s0 =	sld [smem:$0x3FAA]  }
0x30: {  	s3 =	sld [smem:$0x3FAD]  }
0x31: {  	[smem:$0x3FB6] =	sst s10  }
0x32: {  	s10 =	sld [smem:$0x3FB4];
	_ =	sdelay $0x3  }
0x33: {  	p0 =	seq.s32 s10, $0x1;
	s10 =	sld [smem:$0x3FB6];
	_ =	sdelay $0x3  }
0x34: {  	[smem:$0x3FB6] =	sst s10  }
0x35: {  	s10 =	sld [smem:$0x3FB5];
	_ =	sdelay $0x3  }
0x36: {  	p1 =	seq.s32 s10, $0x1;
	s10 =	sld [smem:$0x3FB6];
	_ =	sdelay $0x3  }
0x37: {  	[smem:$0x3FB6] =	sst s10  }
0x38: {  	s10 =	sld [smem:$0x3FB7]  }
0x39: {  	_ = 	snop;
	(pc) =	sbr.ind lr, $3  }
0x3a: {  	_ = 	snop  }
0x3b: {  	_ = 	snop  }
0x3c: {  	p2 =	seq.s32 s10, $0x1;
	s10 =	sld [smem:$0x3FB6]  }
0x3d: {  	_ =	shalt  }
0x3e: {  	_ =	shalt  }
0x3f: {  	_ =	shalt  }
0x40: {  	_ =	shalt  }
0x41: {  	_ =	shalt  }
0x42: {  	_ =	shalt  }
0x43: {  	_ =	shalt  }
0x44: {  	_ =	shalt  }
0x45: {  	_ =	shalt  }
0x46: {  	_ =	shalt  }
0x47: {  	_ =	shalt  }
0x48: {  	_ =	shalt  }
0x49: {  	_ =	shalt  }
0x4a: {  	_ =	shalt  }
0x4b: {  	_ =	shalt  }
0x4c: {  	_ =	shalt  }
0x4d: {  	_ =	shalt  }
0x4e: {  	_ =	shalt  }
0x4f: {  	_ =	shalt  }
0x50: {  	_ =	shalt  }
0x51: {  	_ =	shalt  }
0x52: {  	_ =	shalt  }
0x53: {  	_ =	shalt  }
0x54: {  	_ =	shalt  }
0x55: {  	_ =	shalt  }
0x56: {  	_ =	shalt  }
0x57: {  	_ =	shalt  }
0x58: {  	_ =	shalt  }
0x59: {  	_ =	shalt  }
0x5a: {  	_ =	shalt  }
0x5b: {  	_ =	shalt  }
0x5c: {  	_ =	shalt  }
0x5d: {  	_ =	shalt  }
0x5e: {  	_ =	shalt  }
0x5f: {  	_ =	shalt  }
0x60: {  	_ =	shalt  }
0x61: {  	_ =	shalt  }
0x62: {  	_ =	shalt  }
0x63: {  	_ =	shalt  }
0x64: {  	_ =	shalt  }
0x65: {  	_ =	shalt  }
0x66: {  	_ =	shalt  }
0x67: {  	_ =	shalt  }
0x68: {  	_ =	shalt  }
0x69: {  	_ =	shalt  }
0x6a: {  	_ =	shalt  }
0x6b: {  	_ =	shalt  }
0x6c: {  	_ =	shalt  }
0x6d: {  	_ =	shalt  }
0x6e: {  	_ =	shalt  }
0x6f: {  	_ =	shalt  }
0x70: {  	_ =	shalt  }
0x71: {  	_ =	shalt  }
0x72: {  	_ =	shalt  }
0x73: {  	_ =	shalt  }
0x74: {  	_ =	shalt  }
0x75: {  	_ =	shalt  }
0x76: {  	_ =	shalt  }
0x77: {  	_ =	shalt  }
0x78: {  	_ =	shalt  }
0x79: {  	_ =	shalt  }
0x7a: {  	_ =	shalt  }
0x7b: {  	_ =	shalt  }
0x7c: {  	_ =	shalt  }
0x7d: {  	_ =	shalt  }
0x7e: {  	_ =	shalt  }
0x7f: {  	_ =	shalt  }
0x80: {  	_ =	shalt  }
0x81: {  	_ =	shalt  }
0x82: {  	_ =	shalt  }
0x83: {  	_ =	shalt  }
0x84: {  	_ =	shalt  }
0x85: {  	_ =	shalt  }
0x86: {  	_ =	shalt  }
0x87: {  	_ =	shalt  }
.Lfunc_end0:
.L_simem_size_0:
called_computation.2_lowered:
.L_overlay_start_0:
0x88: {  	s2 =	sld [smem:$0x3FD9]  }
0x89: {  	s3 =	sld [smem:$0x3FFE];
	_ =	sdelay $0x1  }
0x8a: {  	s1 =	srdreg.scid  }
0x8b: {  	s0 =	sand.u32 $0x1, s1  }
0x8c: {  	s14 =	sshll.u32 s0, $0xA;
	s2 =	sadd.s32 s3, s2  }
0x8d: {  	s2 =	sadd.s32 s2, s14  }
0x8e: {  	[smem:$0x3FC2] =	sst s2  }
0x8f: {  	_ = 	snop  }
0x90: {  	s2 =	sld [smem:$0x3FD0];
	_ =	sdelay $0x2  }
0x91: {  	s15 =	simm.s32 $0xA;
	s4 =	simm.s32 $0x10  }
0x92: {  	[smem:s4], [sflag:s15] =	dma.local [hbm:s2], $0x1  }
0x93: {  	_ =	swait.eq [sflag:s15], $0x1  }
0x94: {  	[sflag:s15] =	ssyncset.done $0x0  }
0x95: {  	[sflag:s15] =	ssyncadd.s32 $0xFFFFFFFF  }
0x96: {  	s16 =	sld [smem:$0x11];
	(tm) =	ssettm $0x1  }
0x97: {  	s17 =	sld [smem:$0x3FFB];
	_ =	sdelay $0x3  }
0x98: {  	_ =	strace s17  }
0x99: {  	s3 =	sld [smem:$0x3FFC];
	_ =	sdelay $0x3  }
0x9a: {  	_ =	strace s3  }
0x9b: {  	s3 =	sld [smem:$0x3FFD];
	_ =	sdelay $0x3  }
0x9c: {  	_ =	strace s3  }
0x9d: {  	_ =	strace $0x8FFFFFFF  }
0x9e: {  	s18 =	sld [smem:$0x3FDB];
	_ =	sdelay $0x1  }
0x9f: {  	s19 =	simm.s32 $_scs_section_size  }
0xa0: {  	s5 =	simm.s32 $_size__tile_overlayer_lowered;
	s6 =	simm.s32 $_tile_overlayer_lowered  }
0xa1: {  	s22 =	simm.s32 $0x1BFF;
	s21 =	sshll.u32 s6, $0x1;
	s3 =	sadd.s32 s19, s18  }
0xa2: {  	s7 =	simm.s32 $0x0;
	s20 =	sshll.u32 s5, $0x1;
	s5 =	sadd.s32 s21, s3  }
0xa3: {  	[timem:s7], [sflag:s22] =	dma.local [hbm:s5], s20  }
0xa4: {  	_ =	swait.ge [sflag:s22], s20  }
0xa5: {  	s4 =	ssub.s32 $0x0, s20;
	[sflag:s22] =	ssyncset.done $0x0  }
0xa6: {  	[sflag:s22] =	ssyncadd.s32 s4;
	_ =	sdelay $0x1  }
0xa7: {  	s23 =	simm.s32 $0x1B8B  }
0xa8: {  	_ =	swait.ge [sflag:s23], $0x1  }
0xa9: {  	[sflag:s23] =	ssyncset.done $0x0  }
0xaa: {  	s25 =	simm.s32 $0x1B8E;
	s24 =	sld [smem:$0x3FFE];
	[sflag:s23] =	ssyncadd.s32 $0xFFFFFFFF  }
0xab: {  	s26 =	simm.s32 $execute0_lowered;
	[smem:$0x3FD2] =	sst s25  }
0xac: {  	s5 =	sshll.u32 s26, $0x1;
	_ =	strace $0x8000004C;
	[dreg:$0x1] =	wrdreg $0xFFFFFFFF  }
0xad: {  	s28 =	simm.s32 $_size_execute0_lowered;
	s3 =	sadd.s32 s3, s5;
	[dreg:$0x0] =	wrdreg $0x0  }
0xae: {  	s5 =	sshll.u32 s28, $0x1;
	[dreg:$0x2] =	wrdreg s3  }
0xaf: {  	[dreg:$0x3] =	wrdreg s5  }
0xb0: {  	[dreg:$0x4] =	wrdreg $0xC0  }
0xb1: {  	_ =	task [dreg:s7], $0x5FFFF  }
0xb2: {  	[dreg:$0x1] =	wrdreg $0xFFFFFFFF  }
0xb3: {  	[dreg:$0x0] =	wrdreg $0x60  }
0xb4: {  	[dreg:$0x2] =	wrdreg s16  }
0xb5: {  	[dreg:$0x3] =	wrdreg s24  }
0xb6: {  	[dreg:$0x4] =	wrdreg $0xA0000  }
0xb7: {  	[dreg:$0x5] =	wrdreg $0x0  }
0xb8: {  	[dreg:$0x6] =	wrdreg $0x9  }
0xb9: {  	_ =	task.clear_ibuf [dreg:s7], $0x7FFFF;
	_ =	strace $0x9000004C  }
0xba: {  	s29 =	simm.s32 $0x9;
	_ =	strace $0x8000004E  }
0xbb: {  	_ =	swait.ge [sflag:s29], $0x1  }
0xbc: {  	[sflag:s29] =	ssyncadd.s32 $0xFFFFFFFF  }
0xbd: {  	_ =	strace $0x9000004E  }
0xbe: {  	_ =	sfence  }
0xbf: {  	s30 =	sld [smem:$0x0];
	_ =	sdelay $0x2  }
0xc0: {  	s31 =	sshll.u32 s1, $0xD;
	s1 =	sshrl.u32 s1, $0x2  }
0xc1: {  	s3 =	sand.u32 $0x4000, s31;
	s1 =	sadd.s32 s1, s30  }
0xc2: {  	s0 =	sor.u32 s3, s0;
	s1 =	sshll.u32 s1, $0x11  }
0xc3: {  	s0 =	sor.u32 s1, s0  }
0xc4: {  	s0 =	sadd.s32 $0x8F2B, s0  }
0xc5: {  	[sflag:s0] =	ssyncadd.remote.s32 $0x1  }
0xc6: {  	_ =	sfence.sel $0xFFFF  }
0xc7: {  	[dreg:$0x0] =	wrdreg $0xFFFFFFFF;
	(pc) =	sbr.abs _section_cstart, $3  }
0xc8: {  	[dreg:$0x1] =	wrdreg $0xFFFFFFFF  }
0xc9: {  	_ =	task.clear_ibuf [dreg:s7], $0x2FFFF;
	_ =	strace $0x9FFFFFFF  }
0xca: {  	(tm) =	ssettm $0x7FFFFFFF  }
0xcb: {  	_ =	shalt  }
tec
execute0_lowered:
.L_overlay_start_1:
0x0: {  	(tag) =	ssettag $0x1  }
0x1: {  	s0 =	rddreg [dreg:$0x0]  }
0x2: {  	s2 =	rddreg [dreg:$0x1]  }
0x3: {  	s1 =	rddreg [dreg:$0x2]  }
0x4: {  	s3 =	rddreg [dreg:$0x3];
	s7 =	simm.s32 $0x0;
	s4 =	srdreg.scid  }
0x5: {  	s10 =	stileid.u32;
	s18 =	simm.s32 $0x14000;
	s29 =	simm.s32 $0x1A800  }
0x6: {  	s30 =	simm.s32 $0x2;
	s28 =	simm.s32 $0x6;
	s31 =	simm.s32 $0x7  }
0x7: {  	s4 =	sand.u32 $0x1, s4;
	s5 =	smul.u32 $0xA000, s10;
	s6 =	sshll.u32 s10, $0x1  }
0x8: {  	[smem:$0x7FF] =	sst s7;
	s8 =	sadd.s32 $0xB600, s2;
	p0 =	seq.s32 s10, $0xF  }
0x9: {  	s19 =	sshll.u32 s10, $0x6;
	s12 =	smul.u32 $0xA0000, s4;
	s6 =	sor.u32 s4, s6  }
0xa: {  	_ =	strace $0x8000004D;
	[dreg:$0x6] =	wrdreg s8;
	s4 =	ssub.s32 $0x2, s4  }
0xb: {  	s10 =	sor.u32 $0x1C0A, s19;
	s19 =	simm.s32 $0x15400;
	s13 =	smul.u32 $0x27, s6  }
0xc: {  	s6 =	smax.u32 s6, $0x1E;
	s9 =	sshrl.u32 s4, $0x1;
	s14 =	sadd.s32 s5, s1  }
0xd: {  	s15 =	sshrl.u32 s5, $0x3;
	s20 =	sadd.s32 s5, s3;
	s7 =	sadd.s32 s5, s12  }
0xe: {  	s4 =	ssub.s32 s4, s9;
	s0 =	sadd.s32 s0, s15;
	[dreg:$0xa] =	wrdreg s20  }
0xf: {  	s20 =	sshrl.u32 s14, $0x3;
	s7 =	sshrl.u32 s7, $0x3;
	s6 =	sadd.s32 s13, s6  }
0x10: {  	[dreg:$0x9] =	wrdreg s0;
	s17 =	smax.u32 s4, $0x1;
	s4 =	simm.s32 $0x5  }
0x11: {  	s7 =	sadd.s32 s7, s2;
	s8 =	sshll.u32 s6, $0x4;
	s6 =	simm.s32 $0x28  }
0x12: {  	s2 =	sadd.s32 s2, s8;
	s6 =	simm.s32 @!p0 $0x27;
	s26 =	sadd.s32 $0xCA00, s7  }
0x13: {  	s7 =	simm.s32 $0x9;
	s8 =	sadd.s32 $0x1620, s2;
	[dreg:$0xf] =	wrdreg s26  }
0x14: {  	s2 =	sadd.s32 $0x6440, s2;
	s16 =	sand.u32 $0x2C, s6;
	[dreg:$0x7] =	wrdreg s8  }
0x15: {  	s12 =	sshll.u32 s6, $0x9;
	s26 =	simm.s32 $0x18800;
	[dreg:$0x8] =	wrdreg s2  }
0x16: {  	s8 =	sor.u32 $0x2, s16;
	s23 =	sshll.u32 s16, $0x7;
	s11 =	sor.u32 $0x1, s16  }
0x17: {  	s25 =	sand.u32 $0x5800, s12;
	p0 =	seq.s32 s16, s6;
	s2 =	simm.s32 $0x3  }
0x18: {  	s21 =	sshll.u32 s8, $0x7;
	s5 =	sadd.s32 $0x15400, s23;
	s24 =	sshll.u32 s11, $0x7  }
0x19: {  	s23 =	simm.s32 $0x80;
	p1 =	sge.u32 s11, s6;
	p3 =	sge.u32 @!p0 s8, s6  }
0x1a: {  	p2 =	sge.u32 s8, s6;
	s22 =	sor.u32 $0x14000, s21;
	[dreg:$0xc] =	wrdreg s5  }
0x1b: {  	s8 =	simm.s32 $0x0;
	s5 =	sadd.s32 $0x15400, s24;
	[dreg:$0xb] =	wrdreg s22  }
0x1c: {  	s0 =	sadd.s32 $0x15400, s21;
	s21 =	simm.s32 $0xA;
	[dreg:$0xd] =	wrdreg s5  }
0x1d: {  	s24 =	simm.s32 $0x16800;
	p3 =	por p3, p0;
	[dreg:$0xe] =	wrdreg s0  }
0x1e: {  	s0 =	sadd.s32 $0xFFFFF800, s25;
	s22 =	simm.s32 $0x1;
	s25 =	simm.s32 $0x4  }
0x1f: {  	s5 =	simm.s32 $0x8;
	[dreg:$0x5] =	wrdreg s0;
	s0 =	simm.s32 $0x1C800  }
.LBB2_1:
0x20: {  	s11 =	rddreg [dreg:$0x7]  }
0x21: {  	s9 =	simm.s32 $0x0;
	s16 =	rddreg [dreg:$0x8]  }
0x22: {  	[tilespmem:s18], [sflag:$0x1] =	stream.linear.gather [hbm4b:s11+s9], $0x1400, $0x38;
	[tilespmem:$0x1E800] =	vst v63  }
0x23: {  	s11 =	rddreg [dreg:$0x9]  }
0x24: {  	[tilespmem:s19], [sflag:$0x1] =	stream.linear.gather [hbm4b:s16+s9], $0x1400, $0x38;
	[tilespmem:$0x1E800] =	vst v63  }
0x25: {  	[spmem:s20], [sflag:s10] =	dma.local [hbm:s11], $0x1400  }
0x26: {  	_ =	swait.ge [sflag:s21], $0x1400  }
0x27: {  	[sflag:s21] =	ssyncset.done $0x0;
	s12 =	rddreg [dreg:$0xa]  }
0x28: {  	s13 =	rddreg [dreg:$0x6];
	[sflag:s21] =	ssyncadd.s32 $0xFFFFEC00;
	s9 =	sshrl.u32 s12, $0x3  }
0x29: {  	[spmem:s9], [sflag:s10] =	dma.local [hbm:s13], $0x1400  }
0x2a: {  	_ =	swait.ge [sflag:s21], $0x1400  }
0x2b: {  	[sflag:s21] =	ssyncset.done $0x0  }
0x2c: {  	[sflag:s21] =	ssyncadd.s32 $0xFFFFEC00  }
0x2d: {  	[bflag:$0x0] =	sbarrier.arrive $0xFFFF  }
0x2e: {  	_ =	swait.ge [sflag:s22], $0x1400  }
0x2f: {  	[sflag:s22] =	ssyncset.done $0x0  }
0x30: {  	[sflag:s22] =	ssyncadd.s32 $0xFFFFEC00  }
0x31: {  	_ =	swait.ge [sflag:s22], $0x1400  }
0x32: {  	[sflag:s22] =	ssyncset.done $0x0  }
0x33: {  	[sflag:s22] =	ssyncadd.s32 $0xFFFFEC00  }
0x34: {  	[tilespmem:s24], [sflag:$0x2] =	stream.indirect.gather [spmem:s1], $0x40, s18, s23, $0xb8;
	[tilespmem:$0x1E800] =	vst v63  }
0x35: {  	s14 =	simm.s32 $0x14080  }
0x36: {  	[tilespmem:s26], [sflag:$0x3] =	stream.indirect.gather [spmem:s1], $0x40, s14, s23, $0xb8;
	[tilespmem:$0x1E800] =	vst v63  }
0x37: {  	s15 =	simm.s32 $0x14100  }
0x38: {  	[tilespmem:s29], [sflag:$0x4] =	stream.indirect.gather [spmem:s1], $0x40, s15, s23, $0xb8;
	[tilespmem:$0x1E800] =	vst v63  }
0x39: {  	_ =	swait.ge [sflag:s30], $0x2000  }
0x3a: {  	[sflag:s30] =	ssyncset.done $0x0  }
0x3b: {  	[sflag:s30] =	ssyncadd.s32 $0xFFFFE000  }
0x3c: {  	[spmem:s3] =	stream.indirect.scatter.add.f32 [tilespmem:s24], [sflag:$0x6], $0x40, s19, s23, $0xb8;
	[tilespmem:$0x1E800] =	vst v63  }
0x3d: {  	s16 =	simm.s32 $0x14180  }
0x3e: {  	[tilespmem:s0], [sflag:$0x5] =	stream.indirect.gather [spmem:s1], $0x40, s16, s23, $0xb8;
	[tilespmem:$0x1E800] =	vst v63  }
0x3f: {  	_ =	swait.ge [sflag:s2], $0x2000  }
0x40: {  	[sflag:s2] =	ssyncset.done $0x0  }
0x41: {  	s12 =	simm.s32 $0x15480;
	[sflag:s2] =	ssyncadd.s32 $0xFFFFE000  }
0x42: {  	[spmem:s3] =	stream.indirect.scatter.add.f32 [tilespmem:s26], [sflag:$0x7], $0x40, s12, s23, $0xb8;
	[tilespmem:$0x1E800] =	vst v63  }
0x43: {  	_ =	swait.ge [sflag:s28], $0x2000  }
0x44: {  	[sflag:s28] =	ssyncset.done $0x0  }
0x45: {  	s13 =	simm.s32 $0x14200;
	[sflag:s28] =	ssyncadd.s32 $0xFFFFE000  }
0x46: {  	[tilespmem:s24], [sflag:$0x2] =	stream.indirect.gather [spmem:s1], $0x40, s13, s23, $0xb8;
	[tilespmem:$0x1E800] =	vst v63  }
0x47: {  	_ =	swait.ge [sflag:s25], $0x2000  }
0x48: {  	[sflag:s25] =	ssyncset.done $0x0  }
0x49: {  	s14 =	simm.s32 $0x15500;
	[sflag:s25] =	ssyncadd.s32 $0xFFFFE000  }
0x4a: {  	[spmem:s3] =	stream.indirect.scatter.add.f32 [tilespmem:s29], [sflag:$0x8], $0x40, s14, s23, $0xb8;
	[tilespmem:$0x1E800] =	vst v63  }
0x4b: {  	_ =	swait.ge [sflag:s31], $0x2000  }
0x4c: {  	[sflag:s31] =	ssyncset.done $0x0  }
0x4d: {  	s15 =	simm.s32 $0x14280;
	[sflag:s31] =	ssyncadd.s32 $0xFFFFE000  }
0x4e: {  	[tilespmem:s26], [sflag:$0x3] =	stream.indirect.gather [spmem:s1], $0x40, s15, s23, $0xb8;
	[tilespmem:$0x1E800] =	vst v63  }
0x4f: {  	_ =	swait.ge [sflag:s4], $0x2000  }
0x50: {  	s11 =	simm.s32 $0x9;
	[sflag:s4] =	ssyncset.done $0x0  }
0x51: {  	s16 =	simm.s32 $0x15580;
	s12 =	simm.s32 $0x0;
	[sflag:s4] =	ssyncadd.s32 $0xFFFFE000  }
0x52: {  	[spmem:s3] =	stream.indirect.scatter.add.f32 [tilespmem:s0], [sflag:$0x9], $0x40, s16, s23, $0xb8;
	[tilespmem:$0x1E800] =	vst v63  }
.LBB2_2:
0x53: {  	s13 =	sadd.s32 $0xFFFFFFFD, s11  }
0x54: {  	p4 =	sge.u32 s13, s6  }
0x55: {  	s13 =	simm.s32 @!p4 $0x8  }
0x56: {  	_ =	swait.ge @!p4 [sflag:s13], $0x2000  }
0x57: {  	[sflag:s13] =	ssyncset.done @!p4 $0x0  }
0x58: {  	[sflag:s13] =	ssyncadd.s32 @!p4 $0xFFFFE000;
	s13 =	sshra.s32 @!p4 s12, $0x2  }
0x59: {  	s14 =	simm.s32 @!p4 $0x80;
	s15 =	simm.s32 @!p4 $0x1A800;
	s13 =	sadd.s32 @!p4 $0x14300, s13  }
0x5a: {  	[tilespmem:s15], [sflag:$0x4] =	stream.indirect.gather @!p4 [spmem:s1], $0x40, s13, s14, $0xb8;
	[tilespmem:$0x1E800] =	vst v63  }
0x5b: {  	s16 =	sadd.s32 $0xFFFFFFFE, s11;
	_ =	swait.ge [sflag:s30], $0x2000  }
0x5c: {  	s13 =	sshra.s32 s12, $0x2;
	p4 =	sge.u32 s16, s6;
	[sflag:s30] =	ssyncset.done $0x0  }
0x5d: {  	s15 =	sadd.s32 $0x15600, s13;
	s14 =	simm.s32 @!p4 $0x9;
	[sflag:s30] =	ssyncadd.s32 $0xFFFFE000  }
0x5e: {  	[spmem:s3] =	stream.indirect.scatter.add.f32 [tilespmem:s24], [sflag:$0x6], $0x40, s15, s23, $0xb8;
	[tilespmem:$0x1E800] =	vst v63  }
0x5f: {  	_ =	swait.ge @!p4 [sflag:s14], $0x2000  }
0x60: {  	[sflag:s14] =	ssyncset.done @!p4 $0x0  }
0x61: {  	[sflag:s14] =	ssyncadd.s32 @!p4 $0xFFFFE000;
	s14 =	sshra.s32 @!p4 s12, $0x2  }
0x62: {  	s16 =	simm.s32 @!p4 $0x1C800;
	s15 =	simm.s32 @!p4 $0x80;
	s14 =	sadd.s32 @!p4 $0x14380, s14  }
0x63: {  	[tilespmem:s16], [sflag:$0x5] =	stream.indirect.gather @!p4 [spmem:s1], $0x40, s14, s15, $0xb8;
	[tilespmem:$0x1E800] =	vst v63  }
0x64: {  	s16 =	sadd.s32 $0xFFFFFFFF, s11;
	_ =	swait.ge [sflag:s2], $0x2000  }
0x65: {  	p4 =	sge.u32 s16, s6;
	[sflag:s2] =	ssyncset.done $0x0  }
0x66: {  	s15 =	sadd.s32 $0x15680, s13;
	s14 =	simm.s32 @!p4 $0x6;
	[sflag:s2] =	ssyncadd.s32 $0xFFFFE000  }
0x67: {  	[spmem:s3] =	stream.indirect.scatter.add.f32 [tilespmem:s26], [sflag:$0x7], $0x40, s15, s23, $0xb8;
	[tilespmem:$0x1E800] =	vst v63  }
0x68: {  	_ =	swait.ge @!p4 [sflag:s14], $0x2000  }
0x69: {  	[sflag:s14] =	ssyncset.done @!p4 $0x0  }
0x6a: {  	[sflag:s14] =	ssyncadd.s32 @!p4 $0xFFFFE000;
	s14 =	sshra.s32 @!p4 s12, $0x2  }
0x6b: {  	s16 =	simm.s32 @!p4 $0x16800;
	s15 =	simm.s32 @!p4 $0x80;
	s14 =	sadd.s32 @!p4 $0x14400, s14  }
0x6c: {  	[tilespmem:s16], [sflag:$0x2] =	stream.indirect.gather @!p4 [spmem:s1], $0x40, s14, s15, $0xb8;
	[tilespmem:$0x1E800] =	vst v63  }
0x6d: {  	_ =	swait.ge [sflag:s25], $0x2000  }
0x6e: {  	p4 =	sge.u32 s11, s6;
	[sflag:s25] =	ssyncset.done $0x0  }
0x6f: {  	s15 =	sadd.s32 $0x15700, s13;
	s14 =	simm.s32 @!p4 $0x7;
	[sflag:s25] =	ssyncadd.s32 $0xFFFFE000  }
0x70: {  	[spmem:s3] =	stream.indirect.scatter.add.f32 [tilespmem:s29], [sflag:$0x8], $0x40, s15, s23, $0xb8;
	[tilespmem:$0x1E800] =	vst v63  }
0x71: {  	_ =	swait.ge @!p4 [sflag:s14], $0x2000  }
0x72: {  	[sflag:s14] =	ssyncset.done @!p4 $0x0  }
0x73: {  	[sflag:s14] =	ssyncadd.s32 @!p4 $0xFFFFE000;
	s14 =	sshra.s32 @!p4 s12, $0x2  }
0x74: {  	s16 =	simm.s32 @!p4 $0x18800;
	s15 =	simm.s32 @!p4 $0x80;
	s14 =	sadd.s32 @!p4 $0x14480, s14  }
0x75: {  	[tilespmem:s16], [sflag:$0x3] =	stream.indirect.gather @!p4 [spmem:s1], $0x40, s14, s15, $0xb8;
	[tilespmem:$0x1E800] =	vst v63  }
0x76: {  	_ =	swait.ge [sflag:s4], $0x2000  }
0x77: {  	s12 =	sadd.s32 $0x800, s12;
	s16 =	rddreg [dreg:$0x5]  }
0x78: {  	p4 =	sne.s32 s16, s12  }
.Ltmp0:
0x79: {  	_ = 	snop;
	(pc) =	sbr.rel @p4 .LBB2_2-.Ltmp0, $4  }
0x7a: {  	_ = 	snop  }
0x7b: {  	[sflag:s4] =	ssyncset.done $0x0  }
0x7c: {  	s13 =	sadd.s32 $0x15780, s13;
	s11 =	sadd.s32 $0x4, s11;
	[sflag:s4] =	ssyncadd.s32 $0xFFFFE000  }
0x7d: {  	[spmem:s3] =	stream.indirect.scatter.add.f32 [tilespmem:s0], [sflag:$0x9], $0x40, s13, s23, $0xb8;
	[tilespmem:$0x1E800] =	vst v63  }
0x7e: {  	s11 =	simm.s32 @!p3 $0x8  }
0x7f: {  	_ =	swait.ge @!p3 [sflag:s11], $0x2000  }
0x80: {  	s12 =	simm.s32 @!p3 $0x1A800;
	[sflag:s11] =	ssyncset.done @!p3 $0x0  }
0x81: {  	s13 =	rddreg [dreg:$0xb];
	[sflag:s11] =	ssyncadd.s32 @!p3 $0xFFFFE000;
	s11 =	simm.s32 @!p3 $0x80  }
0x82: {  	[tilespmem:s12], [sflag:$0x4] =	stream.indirect.gather @!p3 [spmem:s1], $0x40, s13, s11, $0xb8;
	[tilespmem:$0x1E800] =	vst v63  }
0x83: {  	s11 =	simm.s32 @!p0 $0x2  }
0x84: {  	_ =	swait.ge @!p0 [sflag:s11], $0x2000  }
0x85: {  	s12 =	simm.s32 @!p0 $0x16800;
	[sflag:s11] =	ssyncset.done @!p0 $0x0  }
0x86: {  	s13 =	rddreg [dreg:$0xc];
	[sflag:s11] =	ssyncadd.s32 @!p0 $0xFFFFE000;
	s11 =	simm.s32 @!p0 $0x80  }
0x87: {  	[spmem:s3] =	stream.indirect.scatter.add.f32 @!p0 [tilespmem:s12], [sflag:$0x6], $0x40, s13, s11, $0xb8;
	[tilespmem:$0x1E800] =	vst v63  }
0x88: {  	s11 =	simm.s32 @!p1 $0x3  }
0x89: {  	_ =	swait.ge @!p1 [sflag:s11], $0x2000  }
0x8a: {  	s12 =	simm.s32 @!p1 $0x18800;
	[sflag:s11] =	ssyncset.done @!p1 $0x0  }
0x8b: {  	s13 =	rddreg [dreg:$0xd];
	[sflag:s11] =	ssyncadd.s32 @!p1 $0xFFFFE000;
	s11 =	simm.s32 @!p1 $0x80  }
0x8c: {  	[spmem:s3] =	stream.indirect.scatter.add.f32 @!p1 [tilespmem:s12], [sflag:$0x7], $0x40, s13, s11, $0xb8;
	[tilespmem:$0x1E800] =	vst v63  }
0x8d: {  	s11 =	simm.s32 @!p2 $0x4  }
0x8e: {  	_ =	swait.ge @!p2 [sflag:s11], $0x2000  }
0x8f: {  	s12 =	simm.s32 @!p2 $0x1A800;
	[sflag:s11] =	ssyncset.done @!p2 $0x0  }
0x90: {  	s13 =	rddreg [dreg:$0xe];
	[sflag:s11] =	ssyncadd.s32 @!p2 $0xFFFFE000;
	s11 =	simm.s32 @!p2 $0x80  }
0x91: {  	[spmem:s3] =	stream.indirect.scatter.add.f32 @!p2 [tilespmem:s12], [sflag:$0x8], $0x40, s13, s11, $0xb8;
	[tilespmem:$0x1E800] =	vst v63  }
0x92: {  	_ =	swait.ge [sflag:s28], $0x2000  }
0x93: {  	[sflag:s28] =	ssyncset.done $0x0  }
0x94: {  	[sflag:s28] =	ssyncadd.s32 $0xFFFFE000  }
0x95: {  	_ =	swait.ge [sflag:s31], $0x2000  }
0x96: {  	[sflag:s31] =	ssyncset.done $0x0  }
0x97: {  	[sflag:s31] =	ssyncadd.s32 $0xFFFFE000  }
0x98: {  	_ =	swait.ge [sflag:s5], $0x2000  }
0x99: {  	[sflag:s5] =	ssyncset.done $0x0  }
0x9a: {  	[sflag:s5] =	ssyncadd.s32 $0xFFFFE000  }
0x9b: {  	_ =	swait.ge [sflag:s7], $0x2000  }
0x9c: {  	[sflag:s7] =	ssyncset.done $0x0  }
0x9d: {  	s8 =	sadd.s32 $0x1, s8;
	[sflag:s7] =	ssyncadd.s32 $0xFFFFE000  }
0x9e: {  	p4 =	sne.s32 s8, s17;
	[bflag:$0x0] =	sbarrier.arrive $0xFFFF  }
.Ltmp1:
0x9f: {  	s16 =	rddreg [dreg:$0xf];
	(pc) =	sbr.rel @p4 .LBB2_1-.Ltmp1, $4  }
0xa0: {  	[hbm:s16], [sflag:s10] =	dma.local [spmem:s9], $0x1400  }
0xa1: {  	_ =	swait.ge [sflag:s21], $0x1400  }
0xa2: {  	[sflag:s21] =	ssyncset.done $0x0  }
0xa3: {  	[sflag:s21] =	ssyncadd.s32 $0xFFFFEC00  }
0xa4: {  	_ =	sfence.sel $0x180000  }
0xa5: {  	[bflag:$0x0] =	sbarrier.arrive $0xFFFF  }
0xa6: {  	_ =	strace $0x9000004D  }
0xa7: {  	s0 =	stileid.u32;
	[bflag:$0x2] =	sbarrier.arrive $0xFFFF  }
0xa8: {  	p0 =	sne.s32 s0, $0x0;
	s0 =	rddreg [dreg:$0x4]  }
0xa9: {  	s0 =	sadd.s32 @!p0 $0x100000, s0  }
0xaa: {  	[sflag:s0] =	ssyncadd.tile.s32 @!p0 $0x1;
	_ =	shalt  }
.Lfunc_end2:
_tile_overlayer_lowered:
.L_overlay_start_2:
0xab: {  	(tag) =	ssettag $0x2  }
0xac: {  	s0 =	rddreg [dreg:$0x0];
	s2 =	stileid.u32  }
0xad: {  	s1 =	rddreg [dreg:$0x1];
	p0 =	sne.s32 s2, $0x0  }
0xae: {  	s3 =	rddreg [dreg:$0x2];
	[bflag:$0x3] =	sbarrier.arrive $0xFFFF;
	s2 =	simm.s32 @!p0 $0x1C0A  }
0xaf: {  	[timem:s3], [sflag:s2] =	dma.local @!p0 [hbm:s0], s1  }
0xb0: {  	s0 =	simm.s32 @!p0 $0xA  }
0xb1: {  	_ =	swait.ge @!p0 [sflag:s0], s1  }
0xb2: {  	s1 =	ssub.s32 @!p0 $0x0, s1;
	[sflag:s0] =	ssyncset.done @!p0 $0x0  }
0xb3: {  	[sflag:s0] =	ssyncadd.s32 @!p0 s1  }
0xb4: {  	[bflag:$0x3] =	sbarrier.arrive $0xFFFF  }
0xb5: {  	_ =	shalt  }

</sc_bundles>
